<compile_context>
chip_gen: v7x
topology: tpu7x:2x2x1
jax: 0.10.2.dev20260603
libtpu: 0.0.44.dev20260713+nightly
codegen_flags: <defaults>
</compile_context>

<pallas_src>
import jax
import jax.numpy as jnp
from jax import lax
from jax.experimental import pallas as pl
from jax.experimental.pallas import tpu as pltpu
from jax.experimental.pallas import tpu_sc as plsc

N_NODES = 100000
D = 64
NE = 1600000
L = 16
CH = 32
IDX_W = 512
HALF = 512
NSLOT = 2
NISLOT = 3
N_TILES = 16
EPT = 100352
E_PAD = N_TILES * EPT
NBATCH = EPT // IDX_W
NR = E_PAD // IDX_W
ROWS_PT = N_NODES // N_TILES
ZROWS = 250
NZCOPY = ROWS_PT // ZROWS
ACC_ROWS = N_NODES + 8


def _sc_body(item_tbl, user_tbl, allr, u_out, i_out,
             acc, idx_buf, dst_buf, rows, zero_buf, gsem, ssem, isem):
    cid = lax.axis_index("c")
    sid = lax.axis_index("s")

    def zf(i, carry):
        zero_buf[i] = jnp.zeros((CH,), jnp.bfloat16)
        return carry
    lax.fori_loop(0, ZROWS, zf, 0)

    def run_pass(src_tbl, gidx, dsti, out):
        def zcopy(k, carry):
            pltpu.sync_copy(zero_buf,
                            acc.at[pl.ds(sid * ROWS_PT + k * ZROWS, ZROWS)])
            return carry
        lax.fori_loop(0, NZCOPY, zcopy, 0)
        plsc.subcore_barrier()

        row0 = sid * NBATCH

        def fetch_idx(b):
            r = lax.rem(b, NISLOT)
            pltpu.async_copy(gidx.at[row0 + b], idx_buf.at[r], isem)
            pltpu.async_copy(dsti.at[row0 + b], dst_buf.at[r], isem)

        def drain_i():
            pltpu.make_async_copy(gidx.at[0], idx_buf.at[0], isem).wait()
            pltpu.make_async_copy(dsti.at[0], dst_buf.at[0], isem).wait()

        def drain_g(q):
            pltpu.make_async_copy(src_tbl.at[pl.ds(0, HALF)],
                                  rows.at[pl.ds(q * HALF, HALF)], gsem).wait()

        def drain_s():
            pltpu.make_async_copy(src_tbl.at[pl.ds(0, HALF)],
                                  acc.at[pl.ds(0, HALF)], ssem).wait()

        fetch_idx(0)

        def batch_body(b, carry):
            @pl.when(jnp.logical_and(b >= NSLOT, b < NBATCH + NSLOT))
            def _():
                drain_s()

            @pl.when(b < NBATCH)
            def _issue():
                drain_i()
                r = lax.rem(b, NISLOT)
                for k in range(IDX_W // L):
                    v = idx_buf[r, pl.ds(k * L, L)]
                    idx_buf[r, pl.ds(k * L, L)] = v * 2 + cid
                pltpu.async_copy(src_tbl.at[idx_buf.at[r]],
                                 rows.at[pl.ds(lax.rem(b, NSLOT) * HALF, HALF)],
                                 gsem)

            @pl.when(b + 1 < NBATCH)
            def _prefetch():
                fetch_idx(b + 1)

            @pl.when(jnp.logical_and(b >= NSLOT - 1, b < NBATCH + NSLOT - 1))
            def _complete():
                bb = b - (NSLOT - 1)
                drain_g(lax.rem(bb, NSLOT))
                pltpu.async_copy(
                    rows.at[pl.ds(lax.rem(bb, NSLOT) * HALF, HALF)],
                    acc.at[dst_buf.at[lax.rem(bb, NISLOT)]],
                    ssem, add=True)
            return carry
        lax.fori_loop(0, NBATCH + NSLOT, batch_body, 0)
        plsc.subcore_barrier()
        r0 = sid * ROWS_PT
        pltpu.sync_copy(acc.at[pl.ds(r0, ROWS_PT)],
                        out.at[pl.ds(r0, ROWS_PT), cid])
        plsc.subcore_barrier()

    for d in range(2):
        src_tbl, out = ((item_tbl, u_out) if d == 0 else (user_tbl, i_out))
        run_pass(src_tbl, allr.at[d], allr.at[2 + d], out)


_seg = pl.kernel(
    _sc_body,
    out_type=[jax.ShapeDtypeStruct((N_NODES, 2, CH), jnp.bfloat16)] * 2,
    mesh=plsc.VectorSubcoreMesh(core_axis_name="c", subcore_axis_name="s"),
    scratch_types=[
        pltpu.VMEM_SHARED((ACC_ROWS, CH), jnp.bfloat16),
        pltpu.VMEM((NISLOT, IDX_W), jnp.int32),
        pltpu.VMEM((NISLOT, IDX_W), jnp.int32),
        pltpu.VMEM((NSLOT * HALF, CH), jnp.bfloat16),
        pltpu.VMEM((ZROWS, CH), jnp.bfloat16),
        pltpu.SemaphoreType.DMA,
        pltpu.SemaphoreType.DMA,
        pltpu.SemaphoreType.DMA,
    ],
    compiler_params=pltpu.CompilerParams(use_tc_tiling_on_sc=False),
)

ROWB = 2000


def _l2n(x):
    n = jnp.sqrt(jnp.sum(x * x, axis=1, keepdims=True))
    return x / jnp.maximum(n, 1e-12)


def _hop1_body(u_ref, i_ref, uf_ref, ub_ref, if_ref, ib_ref):
    u = _l2n(u_ref[...].astype(jnp.float32))
    i = _l2n(i_ref[...].astype(jnp.float32))
    uf_ref[...] = u
    ub_ref[...] = u.astype(jnp.bfloat16)
    if_ref[...] = i
    ib_ref[...] = i.astype(jnp.bfloat16)


def _hop2_body(u_ref, i_ref, ua_ref, ia_ref, ue_ref, ie_ref, uo_ref, io_ref):
    uo_ref[...] = (_l2n(u_ref[...].astype(jnp.float32))
                   + ua_ref[...] + ue_ref[...])
    io_ref[...] = (_l2n(i_ref[...].astype(jnp.float32))
                   + ia_ref[...] + ie_ref[...])


_BS = pl.BlockSpec((ROWB, D), lambda i: (i, 0))

_hop1 = pl.pallas_call(
    _hop1_body,
    grid=(N_NODES // ROWB,),
    in_specs=[_BS] * 2,
    out_specs=[_BS] * 4,
    out_shape=[jax.ShapeDtypeStruct((N_NODES, D), jnp.float32),
               jax.ShapeDtypeStruct((N_NODES, D), jnp.bfloat16)] * 2)

_hop2 = pl.pallas_call(
    _hop2_body,
    grid=(N_NODES // ROWB,),
    in_specs=[_BS] * 6,
    out_specs=[_BS] * 2,
    out_shape=[jax.ShapeDtypeStruct((N_NODES, D), jnp.float32)] * 2)


def kernel(user_emb, item_emb, interact_indices):
    user_idx = interact_indices[0]
    item_idx = interact_indices[1]

    base = jnp.stack([item_idx, user_idx, user_idx, item_idx])
    padv = jnp.broadcast_to(
        jnp.array([0, 0, N_NODES, N_NODES], jnp.int32)[:, None],
        (4, E_PAD - NE))
    allr = jnp.concatenate([base, padv], axis=1).reshape(4, NR, IDX_W)

    def tbl(x):
        return x.astype(jnp.bfloat16).reshape(2 * N_NODES, CH)

    u_raw1, i_raw1 = _seg(tbl(item_emb), tbl(user_emb), allr)
    u_agg1, u_tbl1, i_agg1, i_tbl1 = _hop1(u_raw1.reshape(N_NODES, D),
                                           i_raw1.reshape(N_NODES, D))
    u_raw2, i_raw2 = _seg(i_tbl1.reshape(2 * N_NODES, CH),
                          u_tbl1.reshape(2 * N_NODES, CH), allr)
    u_ui, i_ui = _hop2(u_raw2.reshape(N_NODES, D), i_raw2.reshape(N_NODES, D),
                       u_agg1, i_agg1, user_emb, item_emb)
    return (i_ui, u_ui)

# --- scband reference (transcript-rebuilt; emitter-appended) ---
"""Pipeline reference for scband-user-item-gcn-24747601559683 (READ-ONLY COPY).

The authoritative reference and input builder live on the scoring server;
editing this copy changes nothing except your own understanding.
"""

import jax, jax.numpy as jnp
import numpy as np

N_USERS = 100000
N_ITEMS = 100000
D = 64
E = 1600000
N_HOPS = 2


def setup_inputs(seed: int = 0) -> dict:
    key = jax.random.key(seed)
    k1, k2, k3 = jax.random.split(key, 3)
    user_emb = jax.random.normal(k1, (N_USERS, D), dtype=jnp.float32)
    item_emb = jax.random.normal(k2, (N_ITEMS, D), dtype=jnp.float32)
    # COO indices of the sparse interaction matrix; row=user idx, col=item idx.
    # n_users == n_items == 100000, so a single upper bound is valid for both rows.
    interact_indices = jax.random.randint(k3, (2, E), 0, N_USERS, dtype=jnp.int32)
    return {"user_emb": user_emb, "item_emb": item_emb, "interact_indices": interact_indices}


def _l2_normalize(x, eps=1e-12):
    # torch.nn.functional.normalize(x, p=2, dim=1)
    n = jnp.sqrt(jnp.sum(x * x, axis=1, keepdims=True))
    return x / jnp.maximum(n, eps)


def reference(user_emb, item_emb, interact_indices):
    # Faithful translation of UserItemGcn.forward with mess_dropout disabled
    # (eval-mode determinism) and node_dropout=False (the default).
    user_indices = interact_indices[0]
    item_indices = interact_indices[1]
    user_agg = user_emb
    item_agg = item_emb
    user_ui_emb = jnp.zeros_like(user_emb)
    item_ui_emb = jnp.zeros_like(item_emb)
    for _ in range(N_HOPS):
        user_agg_temp = user_agg
        item_agg_temp = item_agg
        # gather: messages flow item->user and user->item
        user_agg = item_agg_temp[item_indices]
        item_agg = user_agg_temp[user_indices]
        # scatter-add back to node embeddings
        user_agg = jax.ops.segment_sum(user_agg, user_indices, num_segments=N_USERS)
        item_agg = jax.ops.segment_sum(item_agg, item_indices, num_segments=N_ITEMS)
        item_agg = _l2_normalize(item_agg)
        user_agg = _l2_normalize(user_agg)
        user_ui_emb = user_agg + user_ui_emb
        item_ui_emb = item_agg + item_ui_emb
    item_ui_emb = item_ui_emb + item_emb
    user_ui_emb = user_ui_emb + user_emb
    return (item_ui_emb, user_ui_emb)

if __name__ == "__main__":
    import jax
    _d = setup_inputs()
    print(jax.jit(kernel)(*tuple(_d.values())))

</pallas_src>

<mosaic_0001>
#map = affine_map<(d0, d1) -> (0, 0)>
#map1 = affine_map<(d0, d1) -> (0, 0, 0)>
module attributes {stable_mosaic.version = 14 : i64} {
  func.func @_sc_body(%arg0: i32, %arg1: i32, %arg2: memref<200000x32xbf16, #tpu.memory_space<hbm>>, %arg3: memref<200000x32xbf16, #tpu.memory_space<hbm>>, %arg4: memref<4x3136x512xi32, #tpu.memory_space<hbm>>, %arg5: memref<100000x2x32xbf16, #tpu.memory_space<hbm>>, %arg6: memref<100000x2x32xbf16, #tpu.memory_space<hbm>>, %arg7: memref<100008x32xbf16, #tpu.memory_space<vmem_shared>>, %arg8: memref<3x512xi32, #tpu.memory_space<vmem>>, %arg9: memref<3x512xi32, #tpu.memory_space<vmem>>, %arg10: memref<1024x32xbf16, #tpu.memory_space<vmem>>, %arg11: memref<250x32xbf16, #tpu.memory_space<vmem>>, %arg12: memref<!tpu.dma_semaphore, #tpu.memory_space<semaphore_mem>>, %arg13: memref<!tpu.dma_semaphore, #tpu.memory_space<semaphore_mem>>, %arg14: memref<!tpu.dma_semaphore, #tpu.memory_space<semaphore_mem>>) attributes {dimension_semantics = [#tpu.dimension_semantics<core_parallel>, #tpu.dimension_semantics<subcore_parallel>], iteration_bounds = array<i64: 2, 16>, scalar_prefetch = 0 : i64, scratch_operands = 8 : i64, tpu.core_type = #tpu.core_type<sc_vector_subcore>, window_params = [{transform_indices = #map}, {transform_indices = #map}, {transform_indices = #map1}, {transform_indices = #map1}, {transform_indices = #map1}]} {
    %scan3A = arith.constant 0 : i32
    %scan3A_0 = arith.constant 0 : i32
    %scan3A_1 = arith.constant 250 : i32
    %scan3A_2 = arith.addi %scan3A_0, %scan3A_1 : i32
    %scan3A_3 = arith.constant 1 : i32
    scf.for %scan3A_140 = %scan3A_0 to %scan3A_2 step %scan3A_3  : i32 {
      %broadcast_in_dim3A = arith.constant 0.000000e+00 : bf16
      %broadcast_in_dim3A_141 = vector.broadcast %broadcast_in_dim3A : bf16 to vector<32xbf16>
      %swap3A = arith.index_cast %scan3A_140 : i32 to index
      %swap3A_142 = arith.constant 0 : index
      %swap3A_143 = tpu.vector_load %arg11[%swap3A, %swap3A_142] {strides = array<i32>} : memref<250x32xbf16, #tpu.memory_space<vmem>>, vector<1x32xbf16>,
      %swap3A_144 = vector.shape_cast %swap3A_143 : vector<1x32xbf16> to vector<32xbf16>
      %swap3A_145 = vector.shape_cast %broadcast_in_dim3A_141 : vector<32xbf16> to vector<1x32xbf16>
      tpu.vector_store %arg11[%swap3A, %swap3A_142], %swap3A_145 {strides = array<i32>} : memref<250x32xbf16, #tpu.memory_space<vmem>>, vector<1x32xbf16>,
    }
    %scan3A_4 = arith.constant 250 : i32
    %scan3A_5 = arith.constant 0 : i32
    %scan3A_6 = arith.constant 0 : i32
    %scan3A_7 = arith.constant 25 : i32
    %scan3A_8 = arith.addi %scan3A_6, %scan3A_7 : i32
    %scan3A_9 = arith.constant 1 : i32
    scf.for %scan3A_140 = %scan3A_6 to %scan3A_8 step %scan3A_9  : i32 {
      %mul3A_141 = arith.constant 6250 : i32
      %mul3A_142 = arith.muli %arg1, %mul3A_141 : i32
      %mul3A_143 = arith.constant 250 : i32
      %mul3A_144 = arith.muli %scan3A_140, %mul3A_143 : i32
      %add3A_145 = arith.addi %mul3A_142, %mul3A_144 : i32
      "tpu.region"() ({
        %run_scoped3A = tpu.sem_alloc : memref<!tpu.dma_semaphore, #tpu.memory_space<semaphore_mem>>
        %dma_start3A_146 = arith.constant 0 : i32
        %dma_start3A_147 = tpu.memref_slice %arg7[%add3A_145, %dma_start3A_146] : memref<100008x32xbf16, #tpu.memory_space<vmem_shared>> -> memref<250x32xbf16, #tpu.memory_space<vmem_shared>>
        %dma_start3A_148 = arith.constant 0 : i32
        %dma_start3A_149 = tpu.memref_slice %arg7[%add3A_145, %dma_start3A_148] : memref<100008x32xbf16, #tpu.memory_space<vmem_shared>> -> memref<250x32xbf16, #tpu.memory_space<vmem_shared>>
        tpu.enqueue_dma source(%arg11 : memref<250x32xbf16, #tpu.memory_space<vmem>>) target(%dma_start3A_149 : memref<250x32xbf16, #tpu.memory_space<vmem_shared>>) target_semaphore(%run_scoped3A : memref<!tpu.dma_semaphore, #tpu.memory_space<semaphore_mem>>)
        %dma_wait3A = arith.constant 0 : i32
        %dma_wait3A_150 = tpu.memref_slice %arg7[%add3A_145, %dma_wait3A] : memref<100008x32xbf16, #tpu.memory_space<vmem_shared>> -> memref<250x32xbf16, #tpu.memory_space<vmem_shared>>
        %dma_wait3A_151 = arith.constant 0 : i32
        %dma_wait3A_152 = tpu.memref_slice %arg7[%add3A_145, %dma_wait3A_151] : memref<100008x32xbf16, #tpu.memory_space<vmem_shared>> -> memref<250x32xbf16, #tpu.memory_space<vmem_shared>>
        tpu.wait_dma2 semaphore(%run_scoped3A : memref<!tpu.dma_semaphore, #tpu.memory_space<semaphore_mem>>) src(%arg11 : memref<250x32xbf16, #tpu.memory_space<vmem>>) dst(%dma_wait3A_152 : memref<250x32xbf16, #tpu.memory_space<vmem_shared>>)
        tpu.yield
      }) : () -> ()
    }
    %scan3A_10 = arith.constant 25 : i32
    %barrier3A = arith.constant 0 : index
    tpu.barrier barrier_id(%barrier3A)
    %mul3A = arith.constant 196 : i32
    %mul3A_11 = arith.muli %arg1, %mul3A : i32
    %rem3A = arith.constant 0 : i32
    %rem3A_12 = arith.constant 3 : i32
    %rem3A_13 = arith.remsi %rem3A, %rem3A_12 : i32
    %add3A = arith.constant 0 : i32
    %add3A_14 = arith.addi %mul3A_11, %add3A : i32
    %dma_start3A = arith.constant 0 : i32
    %dma_start3A_15 = arith.constant 0 : i32
    %dma_start3A_16 = tpu.memref_slice %arg8[%rem3A_13, %dma_start3A_15] : memref<3x512xi32, #tpu.memory_space<vmem>> -> memref<1x512xi32, #tpu.memory_space<vmem>>
    %dma_start3A_17 = tpu.memref_squeeze %dma_start3A_16 : memref<1x512xi32, #tpu.memory_space<vmem>> -> memref<512xi32, #tpu.memory_space<vmem>>
    %dma_start3A_18 = arith.constant 0 : i32
    %dma_start3A_19 = arith.constant 0 : i32
    %dma_start3A_20 = tpu.memref_slice %arg4[%dma_start3A, %dma_start3A_18, %dma_start3A_19] : memref<4x3136x512xi32, #tpu.memory_space<hbm>> -> memref<1x3136x512xi32, #tpu.memory_space<hbm>>
    %dma_start3A_21 = tpu.memref_squeeze %dma_start3A_20 : memref<1x3136x512xi32, #tpu.memory_space<hbm>> -> memref<3136x512xi32, #tpu.memory_space<hbm>>
    %dma_start3A_22 = arith.constant 0 : i32
    %dma_start3A_23 = tpu.memref_slice %dma_start3A_21[%add3A_14, %dma_start3A_22] : memref<3136x512xi32, #tpu.memory_space<hbm>> -> memref<1x512xi32, #tpu.memory_space<hbm>>
    %dma_start3A_24 = tpu.memref_squeeze %dma_start3A_23 : memref<1x512xi32, #tpu.memory_space<hbm>> -> memref<512xi32, #tpu.memory_space<hbm>>
    %dma_start3A_25 = arith.constant 0 : i32
    %dma_start3A_26 = tpu.memref_slice %arg8[%rem3A_13, %dma_start3A_25] : memref<3x512xi32, #tpu.memory_space<vmem>> -> memref<1x512xi32, #tpu.memory_space<vmem>>
    %dma_start3A_27 = tpu.memref_squeeze %dma_start3A_26 : memref<1x512xi32, #tpu.memory_space<vmem>> -> memref<512xi32, #tpu.memory_space<vmem>>
    %dma_start3A_28 = arith.constant 0 : i32
    %dma_start3A_29 = arith.constant 0 : i32
    %dma_start3A_30 = tpu.memref_slice %arg4[%dma_start3A, %dma_start3A_28, %dma_start3A_29] : memref<4x3136x512xi32, #tpu.memory_space<hbm>> -> memref<1x3136x512xi32, #tpu.memory_space<hbm>>
    %dma_start3A_31 = tpu.memref_squeeze %dma_start3A_30 : memref<1x3136x512xi32, #tpu.memory_space<hbm>> -> memref<3136x512xi32, #tpu.memory_space<hbm>>
    %dma_start3A_32 = arith.constant 0 : i32
    %dma_start3A_33 = tpu.memref_slice %dma_start3A_31[%add3A_14, %dma_start3A_32] : memref<3136x512xi32, #tpu.memory_space<hbm>> -> memref<1x512xi32, #tpu.memory_space<hbm>>
    %dma_start3A_34 = tpu.memref_squeeze %dma_start3A_33 : memref<1x512xi32, #tpu.memory_space<hbm>> -> memref<512xi32, #tpu.memory_space<hbm>>
    tpu.enqueue_dma source(%dma_start3A_34 : memref<512xi32, #tpu.memory_space<hbm>>) target(%dma_start3A_27 : memref<512xi32, #tpu.memory_space<vmem>>) target_semaphore(%arg14 : memref<!tpu.dma_semaphore, #tpu.memory_space<semaphore_mem>>)
    %add3A_35 = arith.constant 0 : i32
    %add3A_36 = arith.addi %mul3A_11, %add3A_35 : i32
    %dma_start3A_37 = arith.constant 2 : i32
    %dma_start3A_38 = arith.constant 0 : i32
    %dma_start3A_39 = tpu.memref_slice %arg9[%rem3A_13, %dma_start3A_38] : memref<3x512xi32, #tpu.memory_space<vmem>> -> memref<1x512xi32, #tpu.memory_space<vmem>>
    %dma_start3A_40 = tpu.memref_squeeze %dma_start3A_39 : memref<1x512xi32, #tpu.memory_space<vmem>> -> memref<512xi32, #tpu.memory_space<vmem>>
    %dma_start3A_41 = arith.constant 0 : i32
    %dma_start3A_42 = arith.constant 0 : i32
    %dma_start3A_43 = tpu.memref_slice %arg4[%dma_start3A_37, %dma_start3A_41, %dma_start3A_42] : memref<4x3136x512xi32, #tpu.memory_space<hbm>> -> memref<1x3136x512xi32, #tpu.memory_space<hbm>>
    %dma_start3A_44 = tpu.memref_squeeze %dma_start3A_43 : memref<1x3136x512xi32, #tpu.memory_space<hbm>> -> memref<3136x512xi32, #tpu.memory_space<hbm>>
    %dma_start3A_45 = arith.constant 0 : i32
    %dma_start3A_46 = tpu.memref_slice %dma_start3A_44[%add3A_36, %dma_start3A_45] : memref<3136x512xi32, #tpu.memory_space<hbm>> -> memref<1x512xi32, #tpu.memory_space<hbm>>
    %dma_start3A_47 = tpu.memref_squeeze %dma_start3A_46 : memref<1x512xi32, #tpu.memory_space<hbm>> -> memref<512xi32, #tpu.memory_space<hbm>>
    %dma_start3A_48 = arith.constant 0 : i32
    %dma_start3A_49 = tpu.memref_slice %arg9[%rem3A_13, %dma_start3A_48] : memref<3x512xi32, #tpu.memory_space<vmem>> -> memref<1x512xi32, #tpu.memory_space<vmem>>
    %dma_start3A_50 = tpu.memref_squeeze %dma_start3A_49 : memref<1x512xi32, #tpu.memory_space<vmem>> -> memref<512xi32, #tpu.memory_space<vmem>>
    %dma_start3A_51 = arith.constant 0 : i32
    %dma_start3A_52 = arith.constant 0 : i32
    %dma_start3A_53 = tpu.memref_slice %arg4[%dma_start3A_37, %dma_start3A_51, %dma_start3A_52] : memref<4x3136x512xi32, #tpu.memory_space<hbm>> -> memref<1x3136x512xi32, #tpu.memory_space<hbm>>
    %dma_start3A_54 = tpu.memref_squeeze %dma_start3A_53 : memref<1x3136x512xi32, #tpu.memory_space<hbm>> -> memref<3136x512xi32, #tpu.memory_space<hbm>>
    %dma_start3A_55 = arith.constant 0 : i32
    %dma_start3A_56 = tpu.memref_slice %dma_start3A_54[%add3A_36, %dma_start3A_55] : memref<3136x512xi32, #tpu.memory_space<hbm>> -> memref<1x512xi32, #tpu.memory_space<hbm>>
    %dma_start3A_57 = tpu.memref_squeeze %dma_start3A_56 : memref<1x512xi32, #tpu.memory_space<hbm>> -> memref<512xi32, #tpu.memory_space<hbm>>
    tpu.enqueue_dma source(%dma_start3A_57 : memref<512xi32, #tpu.memory_space<hbm>>) target(%dma_start3A_50 : memref<512xi32, #tpu.memory_space<vmem>>) target_semaphore(%arg14 : memref<!tpu.dma_semaphore, #tpu.memory_space<semaphore_mem>>)
    %scan3A_58 = arith.constant 0 : i32
    %scan3A_59 = arith.constant 0 : i32
    %scan3A_60 = arith.constant 2 : i32
    %scan3A_61 = arith.constant 0 : i32
    %scan3A_62 = arith.constant 198 : i32
    %scan3A_63 = arith.addi %scan3A_61, %scan3A_62 : i32
    %scan3A_64 = arith.constant 1 : i32
    scf.for %scan3A_140 = %scan3A_61 to %scan3A_63 step %scan3A_64  : i32 {
      %ge3A = arith.constant 2 : i32
      %ge3A_141 = arith.cmpi sge, %scan3A_140, %ge3A : i32
      %lt3A = arith.constant 198 : i32
      %lt3A_142 = arith.cmpi slt, %scan3A_140, %lt3A : i32
      %and3A = arith.andi %ge3A_141, %lt3A_142 : i1
      %convert_element_type3A = arith.extui %and3A : i1 to i32
      %cond3A = arith.constant 0 : i32
      %cond3A_143 = arith.cmpi ne, %convert_element_type3A, %cond3A : i32
      scf.if %cond3A_143 {
        %dma_wait3A = arith.constant 0 : i32
        %dma_wait3A_164 = arith.constant 0 : i32
        %dma_wait3A_165 = tpu.memref_slice %arg7[%dma_wait3A, %dma_wait3A_164] : memref<100008x32xbf16, #tpu.memory_space<vmem_shared>> -> memref<512x32xbf16, #tpu.memory_space<vmem_shared>>
        %dma_wait3A_166 = arith.constant 0 : i32
        %dma_wait3A_167 = arith.constant 0 : i32
        %dma_wait3A_168 = tpu.memref_slice %arg2[%dma_wait3A_166, %dma_wait3A_167] : memref<200000x32xbf16, #tpu.memory_space<hbm>> -> memref<512x32xbf16, #tpu.memory_space<hbm>>
        tpu.wait_dma2 semaphore(%arg13 : memref<!tpu.dma_semaphore, #tpu.memory_space<semaphore_mem>>) src(%dma_wait3A_168 : memref<512x32xbf16, #tpu.memory_space<hbm>>) dst(%dma_wait3A_165 : memref<512x32xbf16, #tpu.memory_space<vmem_shared>>)
      } else {
      }
      %lt3A_144 = arith.constant 196 : i32
      %lt3A_145 = arith.cmpi slt, %scan3A_140, %lt3A_144 : i32
      %convert_element_type3A_146 = arith.extui %lt3A_145 : i1 to i32
      %cond3A_147 = arith.constant 0 : i32
      %cond3A_148 = arith.cmpi ne, %convert_element_type3A_146, %cond3A_147 : i32
      scf.if %cond3A_148 {
        %dma_wait3A = arith.constant 0 : i32
        %dma_wait3A_164 = arith.constant 0 : i32
        %dma_wait3A_165 = arith.constant 0 : i32
        %dma_wait3A_166 = tpu.memref_slice %arg8[%dma_wait3A_164, %dma_wait3A_165] : memref<3x512xi32, #tpu.memory_space<vmem>> -> memref<1x512xi32, #tpu.memory_space<vmem>>
        %dma_wait3A_167 = tpu.memref_squeeze %dma_wait3A_166 : memref<1x512xi32, #tpu.memory_space<vmem>> -> memref<512xi32, #tpu.memory_space<vmem>>
        %dma_wait3A_168 = arith.constant 0 : i32
        %dma_wait3A_169 = arith.constant 0 : i32
        %dma_wait3A_170 = tpu.memref_slice %arg4[%scan3A_59, %dma_wait3A_168, %dma_wait3A_169] : memref<4x3136x512xi32, #tpu.memory_space<hbm>> -> memref<1x3136x512xi32, #tpu.memory_space<hbm>>
        %dma_wait3A_171 = tpu.memref_squeeze %dma_wait3A_170 : memref<1x3136x512xi32, #tpu.memory_space<hbm>> -> memref<3136x512xi32, #tpu.memory_space<hbm>>
        %dma_wait3A_172 = arith.constant 0 : i32
        %dma_wait3A_173 = tpu.memref_slice %dma_wait3A_171[%dma_wait3A, %dma_wait3A_172] : memref<3136x512xi32, #tpu.memory_space<hbm>> -> memref<1x512xi32, #tpu.memory_space<hbm>>
        %dma_wait3A_174 = tpu.memref_squeeze %dma_wait3A_173 : memref<1x512xi32, #tpu.memory_space<hbm>> -> memref<512xi32, #tpu.memory_space<hbm>>
        %dma_wait3A_175 = arith.constant 0 : i32
        %dma_wait3A_176 = tpu.memref_slice %arg8[%dma_wait3A_164, %dma_wait3A_175] : memref<3x512xi32, #tpu.memory_space<vmem>> -> memref<1x512xi32, #tpu.memory_space<vmem>>
        %dma_wait3A_177 = tpu.memref_squeeze %dma_wait3A_176 : memref<1x512xi32, #tpu.memory_space<vmem>> -> memref<512xi32, #tpu.memory_space<vmem>>
        %dma_wait3A_178 = arith.constant 0 : i32
        %dma_wait3A_179 = arith.constant 0 : i32
        %dma_wait3A_180 = tpu.memref_slice %arg4[%scan3A_59, %dma_wait3A_178, %dma_wait3A_179] : memref<4x3136x512xi32, #tpu.memory_space<hbm>> -> memref<1x3136x512xi32, #tpu.memory_space<hbm>>
        %dma_wait3A_181 = tpu.memref_squeeze %dma_wait3A_180 : memref<1x3136x512xi32, #tpu.memory_space<hbm>> -> memref<3136x512xi32, #tpu.memory_space<hbm>>
        %dma_wait3A_182 = arith.constant 0 : i32
        %dma_wait3A_183 = tpu.memref_slice %dma_wait3A_181[%dma_wait3A, %dma_wait3A_182] : memref<3136x512xi32, #tpu.memory_space<hbm>> -> memref<1x512xi32, #tpu.memory_space<hbm>>
        %dma_wait3A_184 = tpu.memref_squeeze %dma_wait3A_183 : memref<1x512xi32, #tpu.memory_space<hbm>> -> memref<512xi32, #tpu.memory_space<hbm>>
        tpu.wait_dma2 semaphore(%arg14 : memref<!tpu.dma_semaphore, #tpu.memory_space<semaphore_mem>>) src(%dma_wait3A_184 : memref<512xi32, #tpu.memory_space<hbm>>) dst(%dma_wait3A_177 : memref<512xi32, #tpu.memory_space<vmem>>)
        %dma_wait3A_185 = arith.constant 0 : i32
        %dma_wait3A_186 = arith.constant 0 : i32
        %dma_wait3A_187 = arith.constant 0 : i32
        %dma_wait3A_188 = tpu.memref_slice %arg9[%dma_wait3A_186, %dma_wait3A_187] : memref<3x512xi32, #tpu.memory_space<vmem>> -> memref<1x512xi32, #tpu.memory_space<vmem>>
        %dma_wait3A_189 = tpu.memref_squeeze %dma_wait3A_188 : memref<1x512xi32, #tpu.memory_space<vmem>> -> memref<512xi32, #tpu.memory_space<vmem>>
        %dma_wait3A_190 = arith.constant 0 : i32
        %dma_wait3A_191 = arith.constant 0 : i32
        %dma_wait3A_192 = tpu.memref_slice %arg4[%scan3A_60, %dma_wait3A_190, %dma_wait3A_191] : memref<4x3136x512xi32, #tpu.memory_space<hbm>> -> memref<1x3136x512xi32, #tpu.memory_space<hbm>>
        %dma_wait3A_193 = tpu.memref_squeeze %dma_wait3A_192 : memref<1x3136x512xi32, #tpu.memory_space<hbm>> -> memref<3136x512xi32, #tpu.memory_space<hbm>>
        %dma_wait3A_194 = arith.constant 0 : i32
        %dma_wait3A_195 = tpu.memref_slice %dma_wait3A_193[%dma_wait3A_185, %dma_wait3A_194] : memref<3136x512xi32, #tpu.memory_space<hbm>> -> memref<1x512xi32, #tpu.memory_space<hbm>>
        %dma_wait3A_196 = tpu.memref_squeeze %dma_wait3A_195 : memref<1x512xi32, #tpu.memory_space<hbm>> -> memref<512xi32, #tpu.memory_space<hbm>>
        %dma_wait3A_197 = arith.constant 0 : i32
        %dma_wait3A_198 = tpu.memref_slice %arg9[%dma_wait3A_186, %dma_wait3A_197] : memref<3x512xi32, #tpu.memory_space<vmem>> -> memref<1x512xi32, #tpu.memory_space<vmem>>
        %dma_wait3A_199 = tpu.memref_squeeze %dma_wait3A_198 : memref<1x512xi32, #tpu.memory_space<vmem>> -> memref<512xi32, #tpu.memory_space<vmem>>
        %dma_wait3A_200 = arith.constant 0 : i32
        %dma_wait3A_201 = arith.constant 0 : i32
        %dma_wait3A_202 = tpu.memref_slice %arg4[%scan3A_60, %dma_wait3A_200, %dma_wait3A_201] : memref<4x3136x512xi32, #tpu.memory_space<hbm>> -> memref<1x3136x512xi32, #tpu.memory_space<hbm>>
        %dma_wait3A_203 = tpu.memref_squeeze %dma_wait3A_202 : memref<1x3136x512xi32, #tpu.memory_space<hbm>> -> memref<3136x512xi32, #tpu.memory_space<hbm>>
        %dma_wait3A_204 = arith.constant 0 : i32
        %dma_wait3A_205 = tpu.memref_slice %dma_wait3A_203[%dma_wait3A_185, %dma_wait3A_204] : memref<3136x512xi32, #tpu.memory_space<hbm>> -> memref<1x512xi32, #tpu.memory_space<hbm>>
        %dma_wait3A_206 = tpu.memref_squeeze %dma_wait3A_205 : memref<1x512xi32, #tpu.memory_space<hbm>> -> memref<512xi32, #tpu.memory_space<hbm>>
        tpu.wait_dma2 semaphore(%arg14 : memref<!tpu.dma_semaphore, #tpu.memory_space<semaphore_mem>>) src(%dma_wait3A_206 : memref<512xi32, #tpu.memory_space<hbm>>) dst(%dma_wait3A_199 : memref<512xi32, #tpu.memory_space<vmem>>)
        %rem3A_207 = arith.constant 3 : i32
        %rem3A_208 = arith.remsi %scan3A_140, %rem3A_207 : i32
        %get3A = arith.index_cast %rem3A_208 : i32 to index
        %get3A_209 = arith.constant 0 : index
        %get3A_210 = tpu.vector_load %arg8[%get3A, %get3A_209] {strides = array<i32>} : memref<3x512xi32, #tpu.memory_space<vmem>>, vector<1x16xi32>,
        %get3A_211 = vector.shape_cast %get3A_210 : vector<1x16xi32> to vector<16xi32>
        %mul3A_212 = arith.constant 2 : i32
        %mul3A_213 = vector.broadcast %mul3A_212 : i32 to vector<16xi32>
        %mul3A_214 = arith.muli %get3A_211, %mul3A_213 : vector<16xi32>
        %add3A_215 = vector.broadcast %arg0 : i32 to vector<16xi32>
        %add3A_216 = arith.addi %mul3A_214, %add3A_215 : vector<16xi32>
        %swap3A = arith.index_cast %rem3A_208 : i32 to index
        %swap3A_217 = arith.constant 0 : index
        %swap3A_218 = tpu.vector_load %arg8[%swap3A, %swap3A_217] {strides = array<i32>} : memref<3x512xi32, #tpu.memory_space<vmem>>, vector<1x16xi32>,
        %swap3A_219 = vector.shape_cast %swap3A_218 : vector<1x16xi32> to vector<16xi32>
        %swap3A_220 = vector.shape_cast %add3A_216 : vector<16xi32> to vector<1x16xi32>
        tpu.vector_store %arg8[%swap3A, %swap3A_217], %swap3A_220 {strides = array<i32>} : memref<3x512xi32, #tpu.memory_space<vmem>>, vector<1x16xi32>,
        %get3A_221 = arith.index_cast %rem3A_208 : i32 to index
        %get3A_222 = arith.constant 16 : index
        %get3A_223 = tpu.vector_load %arg8[%get3A_221, %get3A_222] {strides = array<i32>} : memref<3x512xi32, #tpu.memory_space<vmem>>, vector<1x16xi32>,
        %get3A_224 = vector.shape_cast %get3A_223 : vector<1x16xi32> to vector<16xi32>
        %mul3A_225 = arith.constant 2 : i32
        %mul3A_226 = vector.broadcast %mul3A_225 : i32 to vector<16xi32>
        %mul3A_227 = arith.muli %get3A_224, %mul3A_226 : vector<16xi32>
        %add3A_228 = vector.broadcast %arg0 : i32 to vector<16xi32>
        %add3A_229 = arith.addi %mul3A_227, %add3A_228 : vector<16xi32>
        %swap3A_230 = arith.index_cast %rem3A_208 : i32 to index
        %swap3A_231 = arith.constant 16 : index
        %swap3A_232 = tpu.vector_load %arg8[%swap3A_230, %swap3A_231] {strides = array<i32>} : memref<3x512xi32, #tpu.memory_space<vmem>>, vector<1x16xi32>,
        %swap3A_233 = vector.shape_cast %swap3A_232 : vector<1x16xi32> to vector<16xi32>
        %swap3A_234 = vector.shape_cast %add3A_229 : vector<16xi32> to vector<1x16xi32>
        tpu.vector_store %arg8[%swap3A_230, %swap3A_231], %swap3A_234 {strides = array<i32>} : memref<3x512xi32, #tpu.memory_space<vmem>>, vector<1x16xi32>,
        %get3A_235 = arith.index_cast %rem3A_208 : i32 to index
        %get3A_236 = arith.constant 32 : index
        %get3A_237 = tpu.vector_load %arg8[%get3A_235, %get3A_236] {strides = array<i32>} : memref<3x512xi32, #tpu.memory_space<vmem>>, vector<1x16xi32>,
        %get3A_238 = vector.shape_cast %get3A_237 : vector<1x16xi32> to vector<16xi32>
        %mul3A_239 = arith.constant 2 : i32
        %mul3A_240 = vector.broadcast %mul3A_239 : i32 to vector<16xi32>
        %mul3A_241 = arith.muli %get3A_238, %mul3A_240 : vector<16xi32>
        %add3A_242 = vector.broadcast %arg0 : i32 to vector<16xi32>
        %add3A_243 = arith.addi %mul3A_241, %add3A_242 : vector<16xi32>
        %swap3A_244 = arith.index_cast %rem3A_208 : i32 to index
        %swap3A_245 = arith.constant 32 : index
        %swap3A_246 = tpu.vector_load %arg8[%swap3A_244, %swap3A_245] {strides = array<i32>} : memref<3x512xi32, #tpu.memory_space<vmem>>, vector<1x16xi32>,
        %swap3A_247 = vector.shape_cast %swap3A_246 : vector<1x16xi32> to vector<16xi32>
        %swap3A_248 = vector.shape_cast %add3A_243 : vector<16xi32> to vector<1x16xi32>
        tpu.vector_store %arg8[%swap3A_244, %swap3A_245], %swap3A_248 {strides = array<i32>} : memref<3x512xi32, #tpu.memory_space<vmem>>, vector<1x16xi32>,
        %get3A_249 = arith.index_cast %rem3A_208 : i32 to index
        %get3A_250 = arith.constant 48 : index
        %get3A_251 = tpu.vector_load %arg8[%get3A_249, %get3A_250] {strides = array<i32>} : memref<3x512xi32, #tpu.memory_space<vmem>>, vector<1x16xi32>,
        %get3A_252 = vector.shape_cast %get3A_251 : vector<1x16xi32> to vector<16xi32>
        %mul3A_253 = arith.constant 2 : i32
        %mul3A_254 = vector.broadcast %mul3A_253 : i32 to vector<16xi32>
        %mul3A_255 = arith.muli %get3A_252, %mul3A_254 : vector<16xi32>
        %add3A_256 = vector.broadcast %arg0 : i32 to vector<16xi32>
        %add3A_257 = arith.addi %mul3A_255, %add3A_256 : vector<16xi32>
        %swap3A_258 = arith.index_cast %rem3A_208 : i32 to index
        %swap3A_259 = arith.constant 48 : index
        %swap3A_260 = tpu.vector_load %arg8[%swap3A_258, %swap3A_259] {strides = array<i32>} : memref<3x512xi32, #tpu.memory_space<vmem>>, vector<1x16xi32>,
        %swap3A_261 = vector.shape_cast %swap3A_260 : vector<1x16xi32> to vector<16xi32>
        %swap3A_262 = vector.shape_cast %add3A_257 : vector<16xi32> to vector<1x16xi32>
        tpu.vector_store %arg8[%swap3A_258, %swap3A_259], %swap3A_262 {strides = array<i32>} : memref<3x512xi32, #tpu.memory_space<vmem>>, vector<1x16xi32>,
        %get3A_263 = arith.index_cast %rem3A_208 : i32 to index
        %get3A_264 = arith.constant 64 : index
        %get3A_265 = tpu.vector_load %arg8[%get3A_263, %get3A_264] {strides = array<i32>} : memref<3x512xi32, #tpu.memory_space<vmem>>, vector<1x16xi32>,
        %get3A_266 = vector.shape_cast %get3A_265 : vector<1x16xi32> to vector<16xi32>
        %mul3A_267 = arith.constant 2 : i32
        %mul3A_268 = vector.broadcast %mul3A_267 : i32 to vector<16xi32>
        %mul3A_269 = arith.muli %get3A_266, %mul3A_268 : vector<16xi32>
        %add3A_270 = vector.broadcast %arg0 : i32 to vector<16xi32>
        %add3A_271 = arith.addi %mul3A_269, %add3A_270 : vector<16xi32>
        %swap3A_272 = arith.index_cast %rem3A_208 : i32 to index
        %swap3A_273 = arith.constant 64 : index
        %swap3A_274 = tpu.vector_load %arg8[%swap3A_272, %swap3A_273] {strides = array<i32>} : memref<3x512xi32, #tpu.memory_space<vmem>>, vector<1x16xi32>,
        %swap3A_275 = vector.shape_cast %swap3A_274 : vector<1x16xi32> to vector<16xi32>
        %swap3A_276 = vector.shape_cast %add3A_271 : vector<16xi32> to vector<1x16xi32>
        tpu.vector_store %arg8[%swap3A_272, %swap3A_273], %swap3A_276 {strides = array<i32>} : memref<3x512xi32, #tpu.memory_space<vmem>>, vector<1x16xi32>,
        %get3A_277 = arith.index_cast %rem3A_208 : i32 to index
        %get3A_278 = arith.constant 80 : index
        %get3A_279 = tpu.vector_load %arg8[%get3A_277, %get3A_278] {strides = array<i32>} : memref<3x512xi32, #tpu.memory_space<vmem>>, vector<1x16xi32>,
        %get3A_280 = vector.shape_cast %get3A_279 : vector<1x16xi32> to vector<16xi32>
        %mul3A_281 = arith.constant 2 : i32
        %mul3A_282 = vector.broadcast %mul3A_281 : i32 to vector<16xi32>
        %mul3A_283 = arith.muli %get3A_280, %mul3A_282 : vector<16xi32>
        %add3A_284 = vector.broadcast %arg0 : i32 to vector<16xi32>
        %add3A_285 = arith.addi %mul3A_283, %add3A_284 : vector<16xi32>
        %swap3A_286 = arith.index_cast %rem3A_208 : i32 to index
        %swap3A_287 = arith.constant 80 : index
        %swap3A_288 = tpu.vector_load %arg8[%swap3A_286, %swap3A_287] {strides = array<i32>} : memref<3x512xi32, #tpu.memory_space<vmem>>, vector<1x16xi32>,
        %swap3A_289 = vector.shape_cast %swap3A_288 : vector<1x16xi32> to vector<16xi32>
        %swap3A_290 = vector.shape_cast %add3A_285 : vector<16xi32> to vector<1x16xi32>
        tpu.vector_store %arg8[%swap3A_286, %swap3A_287], %swap3A_290 {strides = array<i32>} : memref<3x512xi32, #tpu.memory_space<vmem>>, vector<1x16xi32>,
        %get3A_291 = arith.index_cast %rem3A_208 : i32 to index
        %get3A_292 = arith.constant 96 : index
        %get3A_293 = tpu.vector_load %arg8[%get3A_291, %get3A_292] {strides = array<i32>} : memref<3x512xi32, #tpu.memory_space<vmem>>, vector<1x16xi32>,
        %get3A_294 = vector.shape_cast %get3A_293 : vector<1x16xi32> to vector<16xi32>
        %mul3A_295 = arith.constant 2 : i32
        %mul3A_296 = vector.broadcast %mul3A_295 : i32 to vector<16xi32>
        %mul3A_297 = arith.muli %get3A_294, %mul3A_296 : vector<16xi32>
        %add3A_298 = vector.broadcast %arg0 : i32 to vector<16xi32>
        %add3A_299 = arith.addi %mul3A_297, %add3A_298 : vector<16xi32>
        %swap3A_300 = arith.index_cast %rem3A_208 : i32 to index
        %swap3A_301 = arith.constant 96 : index
        %swap3A_302 = tpu.vector_load %arg8[%swap3A_300, %swap3A_301] {strides = array<i32>} : memref<3x512xi32, #tpu.memory_space<vmem>>, vector<1x16xi32>,
        %swap3A_303 = vector.shape_cast %swap3A_302 : vector<1x16xi32> to vector<16xi32>
        %swap3A_304 = vector.shape_cast %add3A_299 : vector<16xi32> to vector<1x16xi32>
        tpu.vector_store %arg8[%swap3A_300, %swap3A_301], %swap3A_304 {strides = array<i32>} : memref<3x512xi32, #tpu.memory_space<vmem>>, vector<1x16xi32>,
        %get3A_305 = arith.index_cast %rem3A_208 : i32 to index
        %get3A_306 = arith.constant 112 : index
        %get3A_307 = tpu.vector_load %arg8[%get3A_305, %get3A_306] {strides = array<i32>} : memref<3x512xi32, #tpu.memory_space<vmem>>, vector<1x16xi32>,
        %get3A_308 = vector.shape_cast %get3A_307 : vector<1x16xi32> to vector<16xi32>
        %mul3A_309 = arith.constant 2 : i32
        %mul3A_310 = vector.broadcast %mul3A_309 : i32 to vector<16xi32>
        %mul3A_311 = arith.muli %get3A_308, %mul3A_310 : vector<16xi32>
        %add3A_312 = vector.broadcast %arg0 : i32 to vector<16xi32>
        %add3A_313 = arith.addi %mul3A_311, %add3A_312 : vector<16xi32>
        %swap3A_314 = arith.index_cast %rem3A_208 : i32 to index
        %swap3A_315 = arith.constant 112 : index
        %swap3A_316 = tpu.vector_load %arg8[%swap3A_314, %swap3A_315] {strides = array<i32>} : memref<3x512xi32, #tpu.memory_space<vmem>>, vector<1x16xi32>,
        %swap3A_317 = vector.shape_cast %swap3A_316 : vector<1x16xi32> to vector<16xi32>
        %swap3A_318 = vector.shape_cast %add3A_313 : vector<16xi32> to vector<1x16xi32>
        tpu.vector_store %arg8[%swap3A_314, %swap3A_315], %swap3A_318 {strides = array<i32>} : memref<3x512xi32, #tpu.memory_space<vmem>>, vector<1x16xi32>,
        %get3A_319 = arith.index_cast %rem3A_208 : i32 to index
        %get3A_320 = arith.constant 128 : index
        %get3A_321 = tpu.vector_load %arg8[%get3A_319, %get3A_320] {strides = array<i32>} : memref<3x512xi32, #tpu.memory_space<vmem>>, vector<1x16xi32>,
        %get3A_322 = vector.shape_cast %get3A_321 : vector<1x16xi32> to vector<16xi32>
        %mul3A_323 = arith.constant 2 : i32
        %mul3A_324 = vector.broadcast %mul3A_323 : i32 to vector<16xi32>
        %mul3A_325 = arith.muli %get3A_322, %mul3A_324 : vector<16xi32>
        %add3A_326 = vector.broadcast %arg0 : i32 to vector<16xi32>
        %add3A_327 = arith.addi %mul3A_325, %add3A_326 : vector<16xi32>
        %swap3A_328 = arith.index_cast %rem3A_208 : i32 to index
        %swap3A_329 = arith.constant 128 : index
        %swap3A_330 = tpu.vector_load %arg8[%swap3A_328, %swap3A_329] {strides = array<i32>} : memref<3x512xi32, #tpu.memory_space<vmem>>, vector<1x16xi32>,
        %swap3A_331 = vector.shape_cast %swap3A_330 : vector<1x16xi32> to vector<16xi32>
        %swap3A_332 = vector.shape_cast %add3A_327 : vector<16xi32> to vector<1x16xi32>
        tpu.vector_store %arg8[%swap3A_328, %swap3A_329], %swap3A_332 {strides = array<i32>} : memref<3x512xi32, #tpu.memory_space<vmem>>, vector<1x16xi32>,
        %get3A_333 = arith.index_cast %rem3A_208 : i32 to index
        %get3A_334 = arith.constant 144 : index
        %get3A_335 = tpu.vector_load %arg8[%get3A_333, %get3A_334] {strides = array<i32>} : memref<3x512xi32, #tpu.memory_space<vmem>>, vector<1x16xi32>,
        %get3A_336 = vector.shape_cast %get3A_335 : vector<1x16xi32> to vector<16xi32>
        %mul3A_337 = arith.constant 2 : i32
        %mul3A_338 = vector.broadcast %mul3A_337 : i32 to vector<16xi32>
        %mul3A_339 = arith.muli %get3A_336, %mul3A_338 : vector<16xi32>
        %add3A_340 = vector.broadcast %arg0 : i32 to vector<16xi32>
        %add3A_341 = arith.addi %mul3A_339, %add3A_340 : vector<16xi32>
        %swap3A_342 = arith.index_cast %rem3A_208 : i32 to index
        %swap3A_343 = arith.constant 144 : index
        %swap3A_344 = tpu.vector_load %arg8[%swap3A_342, %swap3A_343] {strides = array<i32>} : memref<3x512xi32, #tpu.memory_space<vmem>>, vector<1x16xi32>,
        %swap3A_345 = vector.shape_cast %swap3A_344 : vector<1x16xi32> to vector<16xi32>
        %swap3A_346 = vector.shape_cast %add3A_341 : vector<16xi32> to vector<1x16xi32>
        tpu.vector_store %arg8[%swap3A_342, %swap3A_343], %swap3A_346 {strides = array<i32>} : memref<3x512xi32, #tpu.memory_space<vmem>>, vector<1x16xi32>,
        %get3A_347 = arith.index_cast %rem3A_208 : i32 to index
        %get3A_348 = arith.constant 160 : index
        %get3A_349 = tpu.vector_load %arg8[%get3A_347, %get3A_348] {strides = array<i32>} : memref<3x512xi32, #tpu.memory_space<vmem>>, vector<1x16xi32>,
        %get3A_350 = vector.shape_cast %get3A_349 : vector<1x16xi32> to vector<16xi32>
        %mul3A_351 = arith.constant 2 : i32
        %mul3A_352 = vector.broadcast %mul3A_351 : i32 to vector<16xi32>
        %mul3A_353 = arith.muli %get3A_350, %mul3A_352 : vector<16xi32>
        %add3A_354 = vector.broadcast %arg0 : i32 to vector<16xi32>
        %add3A_355 = arith.addi %mul3A_353, %add3A_354 : vector<16xi32>
        %swap3A_356 = arith.index_cast %rem3A_208 : i32 to index
        %swap3A_357 = arith.constant 160 : index
        %swap3A_358 = tpu.vector_load %arg8[%swap3A_356, %swap3A_357] {strides = array<i32>} : memref<3x512xi32, #tpu.memory_space<vmem>>, vector<1x16xi32>,
        %swap3A_359 = vector.shape_cast %swap3A_358 : vector<1x16xi32> to vector<16xi32>
        %swap3A_360 = vector.shape_cast %add3A_355 : vector<16xi32> to vector<1x16xi32>
        tpu.vector_store %arg8[%swap3A_356, %swap3A_357], %swap3A_360 {strides = array<i32>} : memref<3x512xi32, #tpu.memory_space<vmem>>, vector<1x16xi32>,
        %get3A_361 = arith.index_cast %rem3A_208 : i32 to index
        %get3A_362 = arith.constant 176 : index
        %get3A_363 = tpu.vector_load %arg8[%get3A_361, %get3A_362] {strides = array<i32>} : memref<3x512xi32, #tpu.memory_space<vmem>>, vector<1x16xi32>,
        %get3A_364 = vector.shape_cast %get3A_363 : vector<1x16xi32> to vector<16xi32>
        %mul3A_365 = arith.constant 2 : i32
        %mul3A_366 = vector.broadcast %mul3A_365 : i32 to vector<16xi32>
        %mul3A_367 = arith.muli %get3A_364, %mul3A_366 : vector<16xi32>
        %add3A_368 = vector.broadcast %arg0 : i32 to vector<16xi32>
        %add3A_369 = arith.addi %mul3A_367, %add3A_368 : vector<16xi32>
        %swap3A_370 = arith.index_cast %rem3A_208 : i32 to index
        %swap3A_371 = arith.constant 176 : index
        %swap3A_372 = tpu.vector_load %arg8[%swap3A_370, %swap3A_371] {strides = array<i32>} : memref<3x512xi32, #tpu.memory_space<vmem>>, vector<1x16xi32>,
        %swap3A_373 = vector.shape_cast %swap3A_372 : vector<1x16xi32> to vector<16xi32>
        %swap3A_374 = vector.shape_cast %add3A_369 : vector<16xi32> to vector<1x16xi32>
        tpu.vector_store %arg8[%swap3A_370, %swap3A_371], %swap3A_374 {strides = array<i32>} : memref<3x512xi32, #tpu.memory_space<vmem>>, vector<1x16xi32>,
        %get3A_375 = arith.index_cast %rem3A_208 : i32 to index
        %get3A_376 = arith.constant 192 : index
        %get3A_377 = tpu.vector_load %arg8[%get3A_375, %get3A_376] {strides = array<i32>} : memref<3x512xi32, #tpu.memory_space<vmem>>, vector<1x16xi32>,
        %get3A_378 = vector.shape_cast %get3A_377 : vector<1x16xi32> to vector<16xi32>
        %mul3A_379 = arith.constant 2 : i32
        %mul3A_380 = vector.broadcast %mul3A_379 : i32 to vector<16xi32>
        %mul3A_381 = arith.muli %get3A_378, %mul3A_380 : vector<16xi32>
        %add3A_382 = vector.broadcast %arg0 : i32 to vector<16xi32>
        %add3A_383 = arith.addi %mul3A_381, %add3A_382 : vector<16xi32>
        %swap3A_384 = arith.index_cast %rem3A_208 : i32 to index
        %swap3A_385 = arith.constant 192 : index
        %swap3A_386 = tpu.vector_load %arg8[%swap3A_384, %swap3A_385] {strides = array<i32>} : memref<3x512xi32, #tpu.memory_space<vmem>>, vector<1x16xi32>,
        %swap3A_387 = vector.shape_cast %swap3A_386 : vector<1x16xi32> to vector<16xi32>
        %swap3A_388 = vector.shape_cast %add3A_383 : vector<16xi32> to vector<1x16xi32>
        tpu.vector_store %arg8[%swap3A_384, %swap3A_385], %swap3A_388 {strides = array<i32>} : memref<3x512xi32, #tpu.memory_space<vmem>>, vector<1x16xi32>,
        %get3A_389 = arith.index_cast %rem3A_208 : i32 to index
        %get3A_390 = arith.constant 208 : index
        %get3A_391 = tpu.vector_load %arg8[%get3A_389, %get3A_390] {strides = array<i32>} : memref<3x512xi32, #tpu.memory_space<vmem>>, vector<1x16xi32>,
        %get3A_392 = vector.shape_cast %get3A_391 : vector<1x16xi32> to vector<16xi32>
        %mul3A_393 = arith.constant 2 : i32
        %mul3A_394 = vector.broadcast %mul3A_393 : i32 to vector<16xi32>
        %mul3A_395 = arith.muli %get3A_392, %mul3A_394 : vector<16xi32>
        %add3A_396 = vector.broadcast %arg0 : i32 to vector<16xi32>
        %add3A_397 = arith.addi %mul3A_395, %add3A_396 : vector<16xi32>
        %swap3A_398 = arith.index_cast %rem3A_208 : i32 to index
        %swap3A_399 = arith.constant 208 : index
        %swap3A_400 = tpu.vector_load %arg8[%swap3A_398, %swap3A_399] {strides = array<i32>} : memref<3x512xi32, #tpu.memory_space<vmem>>, vector<1x16xi32>,
        %swap3A_401 = vector.shape_cast %swap3A_400 : vector<1x16xi32> to vector<16xi32>
        %swap3A_402 = vector.shape_cast %add3A_397 : vector<16xi32> to vector<1x16xi32>
        tpu.vector_store %arg8[%swap3A_398, %swap3A_399], %swap3A_402 {strides = array<i32>} : memref<3x512xi32, #tpu.memory_space<vmem>>, vector<1x16xi32>,
        %get3A_403 = arith.index_cast %rem3A_208 : i32 to index
        %get3A_404 = arith.constant 224 : index
        %get3A_405 = tpu.vector_load %arg8[%get3A_403, %get3A_404] {strides = array<i32>} : memref<3x512xi32, #tpu.memory_space<vmem>>, vector<1x16xi32>,
        %get3A_406 = vector.shape_cast %get3A_405 : vector<1x16xi32> to vector<16xi32>
        %mul3A_407 = arith.constant 2 : i32
        %mul3A_408 = vector.broadcast %mul3A_407 : i32 to vector<16xi32>
        %mul3A_409 = arith.muli %get3A_406, %mul3A_408 : vector<16xi32>
        %add3A_410 = vector.broadcast %arg0 : i32 to vector<16xi32>
        %add3A_411 = arith.addi %mul3A_409, %add3A_410 : vector<16xi32>
        %swap3A_412 = arith.index_cast %rem3A_208 : i32 to index
        %swap3A_413 = arith.constant 224 : index
        %swap3A_414 = tpu.vector_load %arg8[%swap3A_412, %swap3A_413] {strides = array<i32>} : memref<3x512xi32, #tpu.memory_space<vmem>>, vector<1x16xi32>,
        %swap3A_415 = vector.shape_cast %swap3A_414 : vector<1x16xi32> to vector<16xi32>
        %swap3A_416 = vector.shape_cast %add3A_411 : vector<16xi32> to vector<1x16xi32>
        tpu.vector_store %arg8[%swap3A_412, %swap3A_413], %swap3A_416 {strides = array<i32>} : memref<3x512xi32, #tpu.memory_space<vmem>>, vector<1x16xi32>,
        %get3A_417 = arith.index_cast %rem3A_208 : i32 to index
        %get3A_418 = arith.constant 240 : index
        %get3A_419 = tpu.vector_load %arg8[%get3A_417, %get3A_418] {strides = array<i32>} : memref<3x512xi32, #tpu.memory_space<vmem>>, vector<1x16xi32>,
        %get3A_420 = vector.shape_cast %get3A_419 : vector<1x16xi32> to vector<16xi32>
        %mul3A_421 = arith.constant 2 : i32
        %mul3A_422 = vector.broadcast %mul3A_421 : i32 to vector<16xi32>
        %mul3A_423 = arith.muli %get3A_420, %mul3A_422 : vector<16xi32>
        %add3A_424 = vector.broadcast %arg0 : i32 to vector<16xi32>
        %add3A_425 = arith.addi %mul3A_423, %add3A_424 : vector<16xi32>
        %swap3A_426 = arith.index_cast %rem3A_208 : i32 to index
        %swap3A_427 = arith.constant 240 : index
        %swap3A_428 = tpu.vector_load %arg8[%swap3A_426, %swap3A_427] {strides = array<i32>} : memref<3x512xi32, #tpu.memory_space<vmem>>, vector<1x16xi32>,
        %swap3A_429 = vector.shape_cast %swap3A_428 : vector<1x16xi32> to vector<16xi32>
        %swap3A_430 = vector.shape_cast %add3A_425 : vector<16xi32> to vector<1x16xi32>
        tpu.vector_store %arg8[%swap3A_426, %swap3A_427], %swap3A_430 {strides = array<i32>} : memref<3x512xi32, #tpu.memory_space<vmem>>, vector<1x16xi32>,
        %get3A_431 = arith.index_cast %rem3A_208 : i32 to index
        %get3A_432 = arith.constant 256 : index
        %get3A_433 = tpu.vector_load %arg8[%get3A_431, %get3A_432] {strides = array<i32>} : memref<3x512xi32, #tpu.memory_space<vmem>>, vector<1x16xi32>,
        %get3A_434 = vector.shape_cast %get3A_433 : vector<1x16xi32> to vector<16xi32>
        %mul3A_435 = arith.constant 2 : i32
        %mul3A_436 = vector.broadcast %mul3A_435 : i32 to vector<16xi32>
        %mul3A_437 = arith.muli %get3A_434, %mul3A_436 : vector<16xi32>
        %add3A_438 = vector.broadcast %arg0 : i32 to vector<16xi32>
        %add3A_439 = arith.addi %mul3A_437, %add3A_438 : vector<16xi32>
        %swap3A_440 = arith.index_cast %rem3A_208 : i32 to index
        %swap3A_441 = arith.constant 256 : index
        %swap3A_442 = tpu.vector_load %arg8[%swap3A_440, %swap3A_441] {strides = array<i32>} : memref<3x512xi32, #tpu.memory_space<vmem>>, vector<1x16xi32>,
        %swap3A_443 = vector.shape_cast %swap3A_442 : vector<1x16xi32> to vector<16xi32>
        %swap3A_444 = vector.shape_cast %add3A_439 : vector<16xi32> to vector<1x16xi32>
        tpu.vector_store %arg8[%swap3A_440, %swap3A_441], %swap3A_444 {strides = array<i32>} : memref<3x512xi32, #tpu.memory_space<vmem>>, vector<1x16xi32>,
        %get3A_445 = arith.index_cast %rem3A_208 : i32 to index
        %get3A_446 = arith.constant 272 : index
        %get3A_447 = tpu.vector_load %arg8[%get3A_445, %get3A_446] {strides = array<i32>} : memref<3x512xi32, #tpu.memory_space<vmem>>, vector<1x16xi32>,
        %get3A_448 = vector.shape_cast %get3A_447 : vector<1x16xi32> to vector<16xi32>
        %mul3A_449 = arith.constant 2 : i32
        %mul3A_450 = vector.broadcast %mul3A_449 : i32 to vector<16xi32>
        %mul3A_451 = arith.muli %get3A_448, %mul3A_450 : vector<16xi32>
        %add3A_452 = vector.broadcast %arg0 : i32 to vector<16xi32>
        %add3A_453 = arith.addi %mul3A_451, %add3A_452 : vector<16xi32>
        %swap3A_454 = arith.index_cast %rem3A_208 : i32 to index
        %swap3A_455 = arith.constant 272 : index
        %swap3A_456 = tpu.vector_load %arg8[%swap3A_454, %swap3A_455] {strides = array<i32>} : memref<3x512xi32, #tpu.memory_space<vmem>>, vector<1x16xi32>,
        %swap3A_457 = vector.shape_cast %swap3A_456 : vector<1x16xi32> to vector<16xi32>
        %swap3A_458 = vector.shape_cast %add3A_453 : vector<16xi32> to vector<1x16xi32>
        tpu.vector_store %arg8[%swap3A_454, %swap3A_455], %swap3A_458 {strides = array<i32>} : memref<3x512xi32, #tpu.memory_space<vmem>>, vector<1x16xi32>,
        %get3A_459 = arith.index_cast %rem3A_208 : i32 to index
        %get3A_460 = arith.constant 288 : index
        %get3A_461 = tpu.vector_load %arg8[%get3A_459, %get3A_460] {strides = array<i32>} : memref<3x512xi32, #tpu.memory_space<vmem>>, vector<1x16xi32>,
        %get3A_462 = vector.shape_cast %get3A_461 : vector<1x16xi32> to vector<16xi32>
        %mul3A_463 = arith.constant 2 : i32
        %mul3A_464 = vector.broadcast %mul3A_463 : i32 to vector<16xi32>
        %mul3A_465 = arith.muli %get3A_462, %mul3A_464 : vector<16xi32>
        %add3A_466 = vector.broadcast %arg0 : i32 to vector<16xi32>
        %add3A_467 = arith.addi %mul3A_465, %add3A_466 : vector<16xi32>
        %swap3A_468 = arith.index_cast %rem3A_208 : i32 to index
        %swap3A_469 = arith.constant 288 : index
        %swap3A_470 = tpu.vector_load %arg8[%swap3A_468, %swap3A_469] {strides = array<i32>} : memref<3x512xi32, #tpu.memory_space<vmem>>, vector<1x16xi32>,
        %swap3A_471 = vector.shape_cast %swap3A_470 : vector<1x16xi32> to vector<16xi32>
        %swap3A_472 = vector.shape_cast %add3A_467 : vector<16xi32> to vector<1x16xi32>
        tpu.vector_store %arg8[%swap3A_468, %swap3A_469], %swap3A_472 {strides = array<i32>} : memref<3x512xi32, #tpu.memory_space<vmem>>, vector<1x16xi32>,
        %get3A_473 = arith.index_cast %rem3A_208 : i32 to index
        %get3A_474 = arith.constant 304 : index
        %get3A_475 = tpu.vector_load %arg8[%get3A_473, %get3A_474] {strides = array<i32>} : memref<3x512xi32, #tpu.memory_space<vmem>>, vector<1x16xi32>,
        %get3A_476 = vector.shape_cast %get3A_475 : vector<1x16xi32> to vector<16xi32>
        %mul3A_477 = arith.constant 2 : i32
        %mul3A_478 = vector.broadcast %mul3A_477 : i32 to vector<16xi32>
        %mul3A_479 = arith.muli %get3A_476, %mul3A_478 : vector<16xi32>
        %add3A_480 = vector.broadcast %arg0 : i32 to vector<16xi32>
        %add3A_481 = arith.addi %mul3A_479, %add3A_480 : vector<16xi32>
        %swap3A_482 = arith.index_cast %rem3A_208 : i32 to index
        %swap3A_483 = arith.constant 304 : index
        %swap3A_484 = tpu.vector_load %arg8[%swap3A_482, %swap3A_483] {strides = array<i32>} : memref<3x512xi32, #tpu.memory_space<vmem>>, vector<1x16xi32>,
        %swap3A_485 = vector.shape_cast %swap3A_484 : vector<1x16xi32> to vector<16xi32>
        %swap3A_486 = vector.shape_cast %add3A_481 : vector<16xi32> to vector<1x16xi32>
        tpu.vector_store %arg8[%swap3A_482, %swap3A_483], %swap3A_486 {strides = array<i32>} : memref<3x512xi32, #tpu.memory_space<vmem>>, vector<1x16xi32>,
        %get3A_487 = arith.index_cast %rem3A_208 : i32 to index
        %get3A_488 = arith.constant 320 : index
        %get3A_489 = tpu.vector_load %arg8[%get3A_487, %get3A_488] {strides = array<i32>} : memref<3x512xi32, #tpu.memory_space<vmem>>, vector<1x16xi32>,
        %get3A_490 = vector.shape_cast %get3A_489 : vector<1x16xi32> to vector<16xi32>
        %mul3A_491 = arith.constant 2 : i32
        %mul3A_492 = vector.broadcast %mul3A_491 : i32 to vector<16xi32>
        %mul3A_493 = arith.muli %get3A_490, %mul3A_492 : vector<16xi32>
        %add3A_494 = vector.broadcast %arg0 : i32 to vector<16xi32>
        %add3A_495 = arith.addi %mul3A_493, %add3A_494 : vector<16xi32>
        %swap3A_496 = arith.index_cast %rem3A_208 : i32 to index
        %swap3A_497 = arith.constant 320 : index
        %swap3A_498 = tpu.vector_load %arg8[%swap3A_496, %swap3A_497] {strides = array<i32>} : memref<3x512xi32, #tpu.memory_space<vmem>>, vector<1x16xi32>,
        %swap3A_499 = vector.shape_cast %swap3A_498 : vector<1x16xi32> to vector<16xi32>
        %swap3A_500 = vector.shape_cast %add3A_495 : vector<16xi32> to vector<1x16xi32>
        tpu.vector_store %arg8[%swap3A_496, %swap3A_497], %swap3A_500 {strides = array<i32>} : memref<3x512xi32, #tpu.memory_space<vmem>>, vector<1x16xi32>,
        %get3A_501 = arith.index_cast %rem3A_208 : i32 to index
        %get3A_502 = arith.constant 336 : index
        %get3A_503 = tpu.vector_load %arg8[%get3A_501, %get3A_502] {strides = array<i32>} : memref<3x512xi32, #tpu.memory_space<vmem>>, vector<1x16xi32>,
        %get3A_504 = vector.shape_cast %get3A_503 : vector<1x16xi32> to vector<16xi32>
        %mul3A_505 = arith.constant 2 : i32
        %mul3A_506 = vector.broadcast %mul3A_505 : i32 to vector<16xi32>
        %mul3A_507 = arith.muli %get3A_504, %mul3A_506 : vector<16xi32>
        %add3A_508 = vector.broadcast %arg0 : i32 to vector<16xi32>
        %add3A_509 = arith.addi %mul3A_507, %add3A_508 : vector<16xi32>
        %swap3A_510 = arith.index_cast %rem3A_208 : i32 to index
        %swap3A_511 = arith.constant 336 : index
        %swap3A_512 = tpu.vector_load %arg8[%swap3A_510, %swap3A_511] {strides = array<i32>} : memref<3x512xi32, #tpu.memory_space<vmem>>, vector<1x16xi32>,
        %swap3A_513 = vector.shape_cast %swap3A_512 : vector<1x16xi32> to vector<16xi32>
        %swap3A_514 = vector.shape_cast %add3A_509 : vector<16xi32> to vector<1x16xi32>
        tpu.vector_store %arg8[%swap3A_510, %swap3A_511], %swap3A_514 {strides = array<i32>} : memref<3x512xi32, #tpu.memory_space<vmem>>, vector<1x16xi32>,
        %get3A_515 = arith.index_cast %rem3A_208 : i32 to index
        %get3A_516 = arith.constant 352 : index
        %get3A_517 = tpu.vector_load %arg8[%get3A_515, %get3A_516] {strides = array<i32>} : memref<3x512xi32, #tpu.memory_space<vmem>>, vector<1x16xi32>,
        %get3A_518 = vector.shape_cast %get3A_517 : vector<1x16xi32> to vector<16xi32>
        %mul3A_519 = arith.constant 2 : i32
        %mul3A_520 = vector.broadcast %mul3A_519 : i32 to vector<16xi32>
        %mul3A_521 = arith.muli %get3A_518, %mul3A_520 : vector<16xi32>
        %add3A_522 = vector.broadcast %arg0 : i32 to vector<16xi32>
        %add3A_523 = arith.addi %mul3A_521, %add3A_522 : vector<16xi32>
        %swap3A_524 = arith.index_cast %rem3A_208 : i32 to index
        %swap3A_525 = arith.constant 352 : index
        %swap3A_526 = tpu.vector_load %arg8[%swap3A_524, %swap3A_525] {strides = array<i32>} : memref<3x512xi32, #tpu.memory_space<vmem>>, vector<1x16xi32>,
        %swap3A_527 = vector.shape_cast %swap3A_526 : vector<1x16xi32> to vector<16xi32>
        %swap3A_528 = vector.shape_cast %add3A_523 : vector<16xi32> to vector<1x16xi32>
        tpu.vector_store %arg8[%swap3A_524, %swap3A_525], %swap3A_528 {strides = array<i32>} : memref<3x512xi32, #tpu.memory_space<vmem>>, vector<1x16xi32>,
        %get3A_529 = arith.index_cast %rem3A_208 : i32 to index
        %get3A_530 = arith.constant 368 : index
        %get3A_531 = tpu.vector_load %arg8[%get3A_529, %get3A_530] {strides = array<i32>} : memref<3x512xi32, #tpu.memory_space<vmem>>, vector<1x16xi32>,
        %get3A_532 = vector.shape_cast %get3A_531 : vector<1x16xi32> to vector<16xi32>
        %mul3A_533 = arith.constant 2 : i32
        %mul3A_534 = vector.broadcast %mul3A_533 : i32 to vector<16xi32>
        %mul3A_535 = arith.muli %get3A_532, %mul3A_534 : vector<16xi32>
        %add3A_536 = vector.broadcast %arg0 : i32 to vector<16xi32>
        %add3A_537 = arith.addi %mul3A_535, %add3A_536 : vector<16xi32>
        %swap3A_538 = arith.index_cast %rem3A_208 : i32 to index
        %swap3A_539 = arith.constant 368 : index
        %swap3A_540 = tpu.vector_load %arg8[%swap3A_538, %swap3A_539] {strides = array<i32>} : memref<3x512xi32, #tpu.memory_space<vmem>>, vector<1x16xi32>,
        %swap3A_541 = vector.shape_cast %swap3A_540 : vector<1x16xi32> to vector<16xi32>
        %swap3A_542 = vector.shape_cast %add3A_537 : vector<16xi32> to vector<1x16xi32>
        tpu.vector_store %arg8[%swap3A_538, %swap3A_539], %swap3A_542 {strides = array<i32>} : memref<3x512xi32, #tpu.memory_space<vmem>>, vector<1x16xi32>,
        %get3A_543 = arith.index_cast %rem3A_208 : i32 to index
        %get3A_544 = arith.constant 384 : index
        %get3A_545 = tpu.vector_load %arg8[%get3A_543, %get3A_544] {strides = array<i32>} : memref<3x512xi32, #tpu.memory_space<vmem>>, vector<1x16xi32>,
        %get3A_546 = vector.shape_cast %get3A_545 : vector<1x16xi32> to vector<16xi32>
        %mul3A_547 = arith.constant 2 : i32
        %mul3A_548 = vector.broadcast %mul3A_547 : i32 to vector<16xi32>
        %mul3A_549 = arith.muli %get3A_546, %mul3A_548 : vector<16xi32>
        %add3A_550 = vector.broadcast %arg0 : i32 to vector<16xi32>
        %add3A_551 = arith.addi %mul3A_549, %add3A_550 : vector<16xi32>
        %swap3A_552 = arith.index_cast %rem3A_208 : i32 to index
        %swap3A_553 = arith.constant 384 : index
        %swap3A_554 = tpu.vector_load %arg8[%swap3A_552, %swap3A_553] {strides = array<i32>} : memref<3x512xi32, #tpu.memory_space<vmem>>, vector<1x16xi32>,
        %swap3A_555 = vector.shape_cast %swap3A_554 : vector<1x16xi32> to vector<16xi32>
        %swap3A_556 = vector.shape_cast %add3A_551 : vector<16xi32> to vector<1x16xi32>
        tpu.vector_store %arg8[%swap3A_552, %swap3A_553], %swap3A_556 {strides = array<i32>} : memref<3x512xi32, #tpu.memory_space<vmem>>, vector<1x16xi32>,
        %get3A_557 = arith.index_cast %rem3A_208 : i32 to index
        %get3A_558 = arith.constant 400 : index
        %get3A_559 = tpu.vector_load %arg8[%get3A_557, %get3A_558] {strides = array<i32>} : memref<3x512xi32, #tpu.memory_space<vmem>>, vector<1x16xi32>,
        %get3A_560 = vector.shape_cast %get3A_559 : vector<1x16xi32> to vector<16xi32>
        %mul3A_561 = arith.constant 2 : i32
        %mul3A_562 = vector.broadcast %mul3A_561 : i32 to vector<16xi32>
        %mul3A_563 = arith.muli %get3A_560, %mul3A_562 : vector<16xi32>
        %add3A_564 = vector.broadcast %arg0 : i32 to vector<16xi32>
        %add3A_565 = arith.addi %mul3A_563, %add3A_564 : vector<16xi32>
        %swap3A_566 = arith.index_cast %rem3A_208 : i32 to index
        %swap3A_567 = arith.constant 400 : index
        %swap3A_568 = tpu.vector_load %arg8[%swap3A_566, %swap3A_567] {strides = array<i32>} : memref<3x512xi32, #tpu.memory_space<vmem>>, vector<1x16xi32>,
        %swap3A_569 = vector.shape_cast %swap3A_568 : vector<1x16xi32> to vector<16xi32>
        %swap3A_570 = vector.shape_cast %add3A_565 : vector<16xi32> to vector<1x16xi32>
        tpu.vector_store %arg8[%swap3A_566, %swap3A_567], %swap3A_570 {strides = array<i32>} : memref<3x512xi32, #tpu.memory_space<vmem>>, vector<1x16xi32>,
        %get3A_571 = arith.index_cast %rem3A_208 : i32 to index
        %get3A_572 = arith.constant 416 : index
        %get3A_573 = tpu.vector_load %arg8[%get3A_571, %get3A_572] {strides = array<i32>} : memref<3x512xi32, #tpu.memory_space<vmem>>, vector<1x16xi32>,
        %get3A_574 = vector.shape_cast %get3A_573 : vector<1x16xi32> to vector<16xi32>
        %mul3A_575 = arith.constant 2 : i32
        %mul3A_576 = vector.broadcast %mul3A_575 : i32 to vector<16xi32>
        %mul3A_577 = arith.muli %get3A_574, %mul3A_576 : vector<16xi32>
        %add3A_578 = vector.broadcast %arg0 : i32 to vector<16xi32>
        %add3A_579 = arith.addi %mul3A_577, %add3A_578 : vector<16xi32>
        %swap3A_580 = arith.index_cast %rem3A_208 : i32 to index
        %swap3A_581 = arith.constant 416 : index
        %swap3A_582 = tpu.vector_load %arg8[%swap3A_580, %swap3A_581] {strides = array<i32>} : memref<3x512xi32, #tpu.memory_space<vmem>>, vector<1x16xi32>,
        %swap3A_583 = vector.shape_cast %swap3A_582 : vector<1x16xi32> to vector<16xi32>
        %swap3A_584 = vector.shape_cast %add3A_579 : vector<16xi32> to vector<1x16xi32>
        tpu.vector_store %arg8[%swap3A_580, %swap3A_581], %swap3A_584 {strides = array<i32>} : memref<3x512xi32, #tpu.memory_space<vmem>>, vector<1x16xi32>,
        %get3A_585 = arith.index_cast %rem3A_208 : i32 to index
        %get3A_586 = arith.constant 432 : index
        %get3A_587 = tpu.vector_load %arg8[%get3A_585, %get3A_586] {strides = array<i32>} : memref<3x512xi32, #tpu.memory_space<vmem>>, vector<1x16xi32>,
        %get3A_588 = vector.shape_cast %get3A_587 : vector<1x16xi32> to vector<16xi32>
        %mul3A_589 = arith.constant 2 : i32
        %mul3A_590 = vector.broadcast %mul3A_589 : i32 to vector<16xi32>
        %mul3A_591 = arith.muli %get3A_588, %mul3A_590 : vector<16xi32>
        %add3A_592 = vector.broadcast %arg0 : i32 to vector<16xi32>
        %add3A_593 = arith.addi %mul3A_591, %add3A_592 : vector<16xi32>
        %swap3A_594 = arith.index_cast %rem3A_208 : i32 to index
        %swap3A_595 = arith.constant 432 : index
        %swap3A_596 = tpu.vector_load %arg8[%swap3A_594, %swap3A_595] {strides = array<i32>} : memref<3x512xi32, #tpu.memory_space<vmem>>, vector<1x16xi32>,
        %swap3A_597 = vector.shape_cast %swap3A_596 : vector<1x16xi32> to vector<16xi32>
        %swap3A_598 = vector.shape_cast %add3A_593 : vector<16xi32> to vector<1x16xi32>
        tpu.vector_store %arg8[%swap3A_594, %swap3A_595], %swap3A_598 {strides = array<i32>} : memref<3x512xi32, #tpu.memory_space<vmem>>, vector<1x16xi32>,
        %get3A_599 = arith.index_cast %rem3A_208 : i32 to index
        %get3A_600 = arith.constant 448 : index
        %get3A_601 = tpu.vector_load %arg8[%get3A_599, %get3A_600] {strides = array<i32>} : memref<3x512xi32, #tpu.memory_space<vmem>>, vector<1x16xi32>,
        %get3A_602 = vector.shape_cast %get3A_601 : vector<1x16xi32> to vector<16xi32>
        %mul3A_603 = arith.constant 2 : i32
        %mul3A_604 = vector.broadcast %mul3A_603 : i32 to vector<16xi32>
        %mul3A_605 = arith.muli %get3A_602, %mul3A_604 : vector<16xi32>
        %add3A_606 = vector.broadcast %arg0 : i32 to vector<16xi32>
        %add3A_607 = arith.addi %mul3A_605, %add3A_606 : vector<16xi32>
        %swap3A_608 = arith.index_cast %rem3A_208 : i32 to index
        %swap3A_609 = arith.constant 448 : index
        %swap3A_610 = tpu.vector_load %arg8[%swap3A_608, %swap3A_609] {strides = array<i32>} : memref<3x512xi32, #tpu.memory_space<vmem>>, vector<1x16xi32>,
        %swap3A_611 = vector.shape_cast %swap3A_610 : vector<1x16xi32> to vector<16xi32>
        %swap3A_612 = vector.shape_cast %add3A_607 : vector<16xi32> to vector<1x16xi32>
        tpu.vector_store %arg8[%swap3A_608, %swap3A_609], %swap3A_612 {strides = array<i32>} : memref<3x512xi32, #tpu.memory_space<vmem>>, vector<1x16xi32>,
        %get3A_613 = arith.index_cast %rem3A_208 : i32 to index
        %get3A_614 = arith.constant 464 : index
        %get3A_615 = tpu.vector_load %arg8[%get3A_613, %get3A_614] {strides = array<i32>} : memref<3x512xi32, #tpu.memory_space<vmem>>, vector<1x16xi32>,
        %get3A_616 = vector.shape_cast %get3A_615 : vector<1x16xi32> to vector<16xi32>
        %mul3A_617 = arith.constant 2 : i32
        %mul3A_618 = vector.broadcast %mul3A_617 : i32 to vector<16xi32>
        %mul3A_619 = arith.muli %get3A_616, %mul3A_618 : vector<16xi32>
        %add3A_620 = vector.broadcast %arg0 : i32 to vector<16xi32>
        %add3A_621 = arith.addi %mul3A_619, %add3A_620 : vector<16xi32>
        %swap3A_622 = arith.index_cast %rem3A_208 : i32 to index
        %swap3A_623 = arith.constant 464 : index
        %swap3A_624 = tpu.vector_load %arg8[%swap3A_622, %swap3A_623] {strides = array<i32>} : memref<3x512xi32, #tpu.memory_space<vmem>>, vector<1x16xi32>,
        %swap3A_625 = vector.shape_cast %swap3A_624 : vector<1x16xi32> to vector<16xi32>
        %swap3A_626 = vector.shape_cast %add3A_621 : vector<16xi32> to vector<1x16xi32>
        tpu.vector_store %arg8[%swap3A_622, %swap3A_623], %swap3A_626 {strides = array<i32>} : memref<3x512xi32, #tpu.memory_space<vmem>>, vector<1x16xi32>,
        %get3A_627 = arith.index_cast %rem3A_208 : i32 to index
        %get3A_628 = arith.constant 480 : index
        %get3A_629 = tpu.vector_load %arg8[%get3A_627, %get3A_628] {strides = array<i32>} : memref<3x512xi32, #tpu.memory_space<vmem>>, vector<1x16xi32>,
        %get3A_630 = vector.shape_cast %get3A_629 : vector<1x16xi32> to vector<16xi32>
        %mul3A_631 = arith.constant 2 : i32
        %mul3A_632 = vector.broadcast %mul3A_631 : i32 to vector<16xi32>
        %mul3A_633 = arith.muli %get3A_630, %mul3A_632 : vector<16xi32>
        %add3A_634 = vector.broadcast %arg0 : i32 to vector<16xi32>
        %add3A_635 = arith.addi %mul3A_633, %add3A_634 : vector<16xi32>
        %swap3A_636 = arith.index_cast %rem3A_208 : i32 to index
        %swap3A_637 = arith.constant 480 : index
        %swap3A_638 = tpu.vector_load %arg8[%swap3A_636, %swap3A_637] {strides = array<i32>} : memref<3x512xi32, #tpu.memory_space<vmem>>, vector<1x16xi32>,
        %swap3A_639 = vector.shape_cast %swap3A_638 : vector<1x16xi32> to vector<16xi32>
        %swap3A_640 = vector.shape_cast %add3A_635 : vector<16xi32> to vector<1x16xi32>
        tpu.vector_store %arg8[%swap3A_636, %swap3A_637], %swap3A_640 {strides = array<i32>} : memref<3x512xi32, #tpu.memory_space<vmem>>, vector<1x16xi32>,
        %get3A_641 = arith.index_cast %rem3A_208 : i32 to index
        %get3A_642 = arith.constant 496 : index
        %get3A_643 = tpu.vector_load %arg8[%get3A_641, %get3A_642] {strides = array<i32>} : memref<3x512xi32, #tpu.memory_space<vmem>>, vector<1x16xi32>,
        %get3A_644 = vector.shape_cast %get3A_643 : vector<1x16xi32> to vector<16xi32>
        %mul3A_645 = arith.constant 2 : i32
        %mul3A_646 = vector.broadcast %mul3A_645 : i32 to vector<16xi32>
        %mul3A_647 = arith.muli %get3A_644, %mul3A_646 : vector<16xi32>
        %add3A_648 = vector.broadcast %arg0 : i32 to vector<16xi32>
        %add3A_649 = arith.addi %mul3A_647, %add3A_648 : vector<16xi32>
        %swap3A_650 = arith.index_cast %rem3A_208 : i32 to index
        %swap3A_651 = arith.constant 496 : index
        %swap3A_652 = tpu.vector_load %arg8[%swap3A_650, %swap3A_651] {strides = array<i32>} : memref<3x512xi32, #tpu.memory_space<vmem>>, vector<1x16xi32>,
        %swap3A_653 = vector.shape_cast %swap3A_652 : vector<1x16xi32> to vector<16xi32>
        %swap3A_654 = vector.shape_cast %add3A_649 : vector<16xi32> to vector<1x16xi32>
        tpu.vector_store %arg8[%swap3A_650, %swap3A_651], %swap3A_654 {strides = array<i32>} : memref<3x512xi32, #tpu.memory_space<vmem>>, vector<1x16xi32>,
        %rem3A_655 = arith.constant 2 : i32
        %rem3A_656 = arith.remsi %scan3A_140, %rem3A_655 : i32
        %mul3A_657 = arith.constant 512 : i32
        %mul3A_658 = arith.muli %rem3A_656, %mul3A_657 : i32
        %dma_start3A_659 = arith.constant 0 : i32
        %dma_start3A_660 = tpu.memref_slice %arg10[%mul3A_658, %dma_start3A_659] : memref<1024x32xbf16, #tpu.memory_space<vmem>> -> memref<512x32xbf16, #tpu.memory_space<vmem>>
        %dma_start3A_661 = arith.constant 0 : i32
        %dma_start3A_662 = tpu.memref_slice %arg8[%rem3A_208, %dma_start3A_661] : memref<3x512xi32, #tpu.memory_space<vmem>> -> memref<1x512xi32, #tpu.memory_space<vmem>>
        %dma_start3A_663 = tpu.memref_squeeze %dma_start3A_662 : memref<1x512xi32, #tpu.memory_space<vmem>> -> memref<512xi32, #tpu.memory_space<vmem>>
        %dma_start3A_664 = arith.constant 0 : i32
        %dma_start3A_665 = arith.constant 0 : i32
        %dma_start3A_666 = tpu.memref_slice %arg2[%dma_start3A_664, %dma_start3A_665] : memref<200000x32xbf16, #tpu.memory_space<hbm>> -> memref<200000x32xbf16, #tpu.memory_space<hbm>>
        tpu.enqueue_indirect_dma source(%dma_start3A_666 : memref<200000x32xbf16, #tpu.memory_space<hbm>>) target(%dma_start3A_660 : memref<512x32xbf16, #tpu.memory_space<vmem>>) offsets(%dma_start3A_663 : memref<512xi32, #tpu.memory_space<vmem>>) semaphore(%arg12 : memref<!tpu.dma_semaphore, #tpu.memory_space<semaphore_mem>>)
      } else {
      }
      %add3A_149 = arith.constant 1 : i32
      %add3A_150 = arith.addi %scan3A_140, %add3A_149 : i32
      %lt3A_151 = arith.constant 196 : i32
      %lt3A_152 = arith.cmpi slt, %add3A_150, %lt3A_151 : i32
      %convert_element_type3A_153 = arith.extui %lt3A_152 : i1 to i32
      %cond3A_154 = arith.constant 0 : i32
      %cond3A_155 = arith.cmpi ne, %convert_element_type3A_153, %cond3A_154 : i32
      scf.if %cond3A_155 {
        %add3A_164 = arith.constant 1 : i32
        %add3A_165 = arith.addi %scan3A_140, %add3A_164 : i32
        %rem3A_166 = arith.constant 3 : i32
        %rem3A_167 = arith.remsi %add3A_165, %rem3A_166 : i32
        %add3A_168 = arith.addi %mul3A_11, %add3A_165 : i32
        %dma_start3A_169 = arith.constant 0 : i32
        %dma_start3A_170 = tpu.memref_slice %arg8[%rem3A_167, %dma_start3A_169] : memref<3x512xi32, #tpu.memory_space<vmem>> -> memref<1x512xi32, #tpu.memory_space<vmem>>
        %dma_start3A_171 = tpu.memref_squeeze %dma_start3A_170 : memref<1x512xi32, #tpu.memory_space<vmem>> -> memref<512xi32, #tpu.memory_space<vmem>>
        %dma_start3A_172 = arith.constant 0 : i32
        %dma_start3A_173 = arith.constant 0 : i32
        %dma_start3A_174 = tpu.memref_slice %arg4[%scan3A_59, %dma_start3A_172, %dma_start3A_173] : memref<4x3136x512xi32, #tpu.memory_space<hbm>> -> memref<1x3136x512xi32, #tpu.memory_space<hbm>>
        %dma_start3A_175 = tpu.memref_squeeze %dma_start3A_174 : memref<1x3136x512xi32, #tpu.memory_space<hbm>> -> memref<3136x512xi32, #tpu.memory_space<hbm>>
        %dma_start3A_176 = arith.constant 0 : i32
        %dma_start3A_177 = tpu.memref_slice %dma_start3A_175[%add3A_168, %dma_start3A_176] : memref<3136x512xi32, #tpu.memory_space<hbm>> -> memref<1x512xi32, #tpu.memory_space<hbm>>
        %dma_start3A_178 = tpu.memref_squeeze %dma_start3A_177 : memref<1x512xi32, #tpu.memory_space<hbm>> -> memref<512xi32, #tpu.memory_space<hbm>>
        %dma_start3A_179 = arith.constant 0 : i32
        %dma_start3A_180 = tpu.memref_slice %arg8[%rem3A_167, %dma_start3A_179] : memref<3x512xi32, #tpu.memory_space<vmem>> -> memref<1x512xi32, #tpu.memory_space<vmem>>
        %dma_start3A_181 = tpu.memref_squeeze %dma_start3A_180 : memref<1x512xi32, #tpu.memory_space<vmem>> -> memref<512xi32, #tpu.memory_space<vmem>>
        %dma_start3A_182 = arith.constant 0 : i32
        %dma_start3A_183 = arith.constant 0 : i32
        %dma_start3A_184 = tpu.memref_slice %arg4[%scan3A_59, %dma_start3A_182, %dma_start3A_183] : memref<4x3136x512xi32, #tpu.memory_space<hbm>> -> memref<1x3136x512xi32, #tpu.memory_space<hbm>>
        %dma_start3A_185 = tpu.memref_squeeze %dma_start3A_184 : memref<1x3136x512xi32, #tpu.memory_space<hbm>> -> memref<3136x512xi32, #tpu.memory_space<hbm>>
        %dma_start3A_186 = arith.constant 0 : i32
        %dma_start3A_187 = tpu.memref_slice %dma_start3A_185[%add3A_168, %dma_start3A_186] : memref<3136x512xi32, #tpu.memory_space<hbm>> -> memref<1x512xi32, #tpu.memory_space<hbm>>
        %dma_start3A_188 = tpu.memref_squeeze %dma_start3A_187 : memref<1x512xi32, #tpu.memory_space<hbm>> -> memref<512xi32, #tpu.memory_space<hbm>>
        tpu.enqueue_dma source(%dma_start3A_188 : memref<512xi32, #tpu.memory_space<hbm>>) target(%dma_start3A_181 : memref<512xi32, #tpu.memory_space<vmem>>) target_semaphore(%arg14 : memref<!tpu.dma_semaphore, #tpu.memory_space<semaphore_mem>>)
        %add3A_189 = arith.addi %mul3A_11, %add3A_165 : i32
        %dma_start3A_190 = arith.constant 0 : i32
        %dma_start3A_191 = tpu.memref_slice %arg9[%rem3A_167, %dma_start3A_190] : memref<3x512xi32, #tpu.memory_space<vmem>> -> memref<1x512xi32, #tpu.memory_space<vmem>>
        %dma_start3A_192 = tpu.memref_squeeze %dma_start3A_191 : memref<1x512xi32, #tpu.memory_space<vmem>> -> memref<512xi32, #tpu.memory_space<vmem>>
        %dma_start3A_193 = arith.constant 0 : i32
        %dma_start3A_194 = arith.constant 0 : i32
        %dma_start3A_195 = tpu.memref_slice %arg4[%scan3A_60, %dma_start3A_193, %dma_start3A_194] : memref<4x3136x512xi32, #tpu.memory_space<hbm>> -> memref<1x3136x512xi32, #tpu.memory_space<hbm>>
        %dma_start3A_196 = tpu.memref_squeeze %dma_start3A_195 : memref<1x3136x512xi32, #tpu.memory_space<hbm>> -> memref<3136x512xi32, #tpu.memory_space<hbm>>
        %dma_start3A_197 = arith.constant 0 : i32
        %dma_start3A_198 = tpu.memref_slice %dma_start3A_196[%add3A_189, %dma_start3A_197] : memref<3136x512xi32, #tpu.memory_space<hbm>> -> memref<1x512xi32, #tpu.memory_space<hbm>>
        %dma_start3A_199 = tpu.memref_squeeze %dma_start3A_198 : memref<1x512xi32, #tpu.memory_space<hbm>> -> memref<512xi32, #tpu.memory_space<hbm>>
        %dma_start3A_200 = arith.constant 0 : i32
        %dma_start3A_201 = tpu.memref_slice %arg9[%rem3A_167, %dma_start3A_200] : memref<3x512xi32, #tpu.memory_space<vmem>> -> memref<1x512xi32, #tpu.memory_space<vmem>>
        %dma_start3A_202 = tpu.memref_squeeze %dma_start3A_201 : memref<1x512xi32, #tpu.memory_space<vmem>> -> memref<512xi32, #tpu.memory_space<vmem>>
        %dma_start3A_203 = arith.constant 0 : i32
        %dma_start3A_204 = arith.constant 0 : i32
        %dma_start3A_205 = tpu.memref_slice %arg4[%scan3A_60, %dma_start3A_203, %dma_start3A_204] : memref<4x3136x512xi32, #tpu.memory_space<hbm>> -> memref<1x3136x512xi32, #tpu.memory_space<hbm>>
        %dma_start3A_206 = tpu.memref_squeeze %dma_start3A_205 : memref<1x3136x512xi32, #tpu.memory_space<hbm>> -> memref<3136x512xi32, #tpu.memory_space<hbm>>
        %dma_start3A_207 = arith.constant 0 : i32
        %dma_start3A_208 = tpu.memref_slice %dma_start3A_206[%add3A_189, %dma_start3A_207] : memref<3136x512xi32, #tpu.memory_space<hbm>> -> memref<1x512xi32, #tpu.memory_space<hbm>>
        %dma_start3A_209 = tpu.memref_squeeze %dma_start3A_208 : memref<1x512xi32, #tpu.memory_space<hbm>> -> memref<512xi32, #tpu.memory_space<hbm>>
        tpu.enqueue_dma source(%dma_start3A_209 : memref<512xi32, #tpu.memory_space<hbm>>) target(%dma_start3A_202 : memref<512xi32, #tpu.memory_space<vmem>>) target_semaphore(%arg14 : memref<!tpu.dma_semaphore, #tpu.memory_space<semaphore_mem>>)
      } else {
      }
      %ge3A_156 = arith.constant 1 : i32
      %ge3A_157 = arith.cmpi sge, %scan3A_140, %ge3A_156 : i32
      %lt3A_158 = arith.constant 197 : i32
      %lt3A_159 = arith.cmpi slt, %scan3A_140, %lt3A_158 : i32
      %and3A_160 = arith.andi %ge3A_157, %lt3A_159 : i1
      %convert_element_type3A_161 = arith.extui %and3A_160 : i1 to i32
      %cond3A_162 = arith.constant 0 : i32
      %cond3A_163 = arith.cmpi ne, %convert_element_type3A_161, %cond3A_162 : i32
      scf.if %cond3A_163 {
        %sub3A = arith.constant 1 : i32
        %sub3A_164 = arith.subi %scan3A_140, %sub3A : i32
        %rem3A_165 = arith.constant 2 : i32
        %rem3A_166 = arith.remsi %sub3A_164, %rem3A_165 : i32
        %mul3A_167 = arith.constant 512 : i32
        %mul3A_168 = arith.muli %rem3A_166, %mul3A_167 : i32
        %dma_wait3A = arith.constant 0 : i32
        %dma_wait3A_169 = tpu.memref_slice %arg10[%mul3A_168, %dma_wait3A] : memref<1024x32xbf16, #tpu.memory_space<vmem>> -> memref<512x32xbf16, #tpu.memory_space<vmem>>
        %dma_wait3A_170 = arith.constant 0 : i32
        %dma_wait3A_171 = arith.constant 0 : i32
        %dma_wait3A_172 = tpu.memref_slice %arg2[%dma_wait3A_170, %dma_wait3A_171] : memref<200000x32xbf16, #tpu.memory_space<hbm>> -> memref<512x32xbf16, #tpu.memory_space<hbm>>
        %dma_wait3A_173 = arith.constant 0 : i32
        %dma_wait3A_174 = tpu.memref_slice %arg10[%mul3A_168, %dma_wait3A_173] : memref<1024x32xbf16, #tpu.memory_space<vmem>> -> memref<512x32xbf16, #tpu.memory_space<vmem>>
        %dma_wait3A_175 = arith.constant 0 : i32
        %dma_wait3A_176 = arith.constant 0 : i32
        %dma_wait3A_177 = tpu.memref_slice %arg2[%dma_wait3A_175, %dma_wait3A_176] : memref<200000x32xbf16, #tpu.memory_space<hbm>> -> memref<512x32xbf16, #tpu.memory_space<hbm>>
        tpu.wait_dma2 semaphore(%arg12 : memref<!tpu.dma_semaphore, #tpu.memory_space<semaphore_mem>>) src(%dma_wait3A_177 : memref<512x32xbf16, #tpu.memory_space<hbm>>) dst(%dma_wait3A_174 : memref<512x32xbf16, #tpu.memory_space<vmem>>)
        %rem3A_178 = arith.constant 2 : i32
        %rem3A_179 = arith.remsi %sub3A_164, %rem3A_178 : i32
        %mul3A_180 = arith.constant 512 : i32
        %mul3A_181 = arith.muli %rem3A_179, %mul3A_180 : i32
        %rem3A_182 = arith.constant 3 : i32
        %rem3A_183 = arith.remsi %sub3A_164, %rem3A_182 : i32
        %dma_start3A_184 = arith.constant 0 : i32
        %dma_start3A_185 = tpu.memref_slice %arg10[%mul3A_181, %dma_start3A_184] : memref<1024x32xbf16, #tpu.memory_space<vmem>> -> memref<512x32xbf16, #tpu.memory_space<vmem>>
        %dma_start3A_186 = arith.constant 0 : i32
        %dma_start3A_187 = tpu.memref_slice %arg9[%rem3A_183, %dma_start3A_186] : memref<3x512xi32, #tpu.memory_space<vmem>> -> memref<1x512xi32, #tpu.memory_space<vmem>>
        %dma_start3A_188 = tpu.memref_squeeze %dma_start3A_187 : memref<1x512xi32, #tpu.memory_space<vmem>> -> memref<512xi32, #tpu.memory_space<vmem>>
        %dma_start3A_189 = arith.constant 0 : i32
        %dma_start3A_190 = arith.constant 0 : i32
        %dma_start3A_191 = tpu.memref_slice %arg7[%dma_start3A_189, %dma_start3A_190] : memref<100008x32xbf16, #tpu.memory_space<vmem_shared>> -> memref<100008x32xbf16, #tpu.memory_space<vmem_shared>>
        tpu.enqueue_indirect_dma source(%dma_start3A_185 : memref<512x32xbf16, #tpu.memory_space<vmem>>) target(%dma_start3A_191 : memref<100008x32xbf16, #tpu.memory_space<vmem_shared>>) offsets(%dma_start3A_188 : memref<512xi32, #tpu.memory_space<vmem>>) semaphore(%arg13 : memref<!tpu.dma_semaphore, #tpu.memory_space<semaphore_mem>>) {add = true}
      } else {
      }
    }
    %scan3A_65 = arith.constant 198 : i32
    %barrier3A_66 = arith.constant 0 : index
    tpu.barrier barrier_id(%barrier3A_66)
    %mul3A_67 = arith.constant 6250 : i32
    %mul3A_68 = arith.muli %arg1, %mul3A_67 : i32
    "tpu.region"() ({
      %run_scoped3A = tpu.sem_alloc : memref<!tpu.dma_semaphore, #tpu.memory_space<semaphore_mem>>
      %dma_start3A_140 = arith.constant 0 : i32
      %dma_start3A_141 = tpu.memref_slice %arg5[%mul3A_68, %arg0, %dma_start3A_140] : memref<100000x2x32xbf16, #tpu.memory_space<hbm>> -> memref<6250x1x32xbf16, #tpu.memory_space<hbm>>
      %dma_start3A_142 = tpu.memref_squeeze %dma_start3A_141 : memref<6250x1x32xbf16, #tpu.memory_space<hbm>> -> memref<6250x32xbf16, #tpu.memory_space<hbm>>
      %dma_start3A_143 = arith.constant 0 : i32
      %dma_start3A_144 = tpu.memref_slice %arg7[%mul3A_68, %dma_start3A_143] : memref<100008x32xbf16, #tpu.memory_space<vmem_shared>> -> memref<6250x32xbf16, #tpu.memory_space<vmem_shared>>
      tpu.enqueue_dma source(%dma_start3A_144 : memref<6250x32xbf16, #tpu.memory_space<vmem_shared>>) target(%dma_start3A_142 : memref<6250x32xbf16, #tpu.memory_space<hbm>>) target_semaphore(%run_scoped3A : memref<!tpu.dma_semaphore, #tpu.memory_space<semaphore_mem>>)
      %dma_wait3A = arith.constant 0 : i32
      %dma_wait3A_145 = tpu.memref_slice %arg5[%mul3A_68, %arg0, %dma_wait3A] : memref<100000x2x32xbf16, #tpu.memory_space<hbm>> -> memref<6250x1x32xbf16, #tpu.memory_space<hbm>>
      %dma_wait3A_146 = tpu.memref_squeeze %dma_wait3A_145 : memref<6250x1x32xbf16, #tpu.memory_space<hbm>> -> memref<6250x32xbf16, #tpu.memory_space<hbm>>
      %dma_wait3A_147 = arith.constant 0 : i32
      %dma_wait3A_148 = tpu.memref_slice %arg7[%mul3A_68, %dma_wait3A_147] : memref<100008x32xbf16, #tpu.memory_space<vmem_shared>> -> memref<6250x32xbf16, #tpu.memory_space<vmem_shared>>
      tpu.wait_dma2 semaphore(%run_scoped3A : memref<!tpu.dma_semaphore, #tpu.memory_space<semaphore_mem>>) src(%dma_wait3A_148 : memref<6250x32xbf16, #tpu.memory_space<vmem_shared>>) dst(%dma_wait3A_146 : memref<6250x32xbf16, #tpu.memory_space<hbm>>)
      tpu.yield
    }) : () -> ()
    %barrier3A_69 = arith.constant 0 : index
    tpu.barrier barrier_id(%barrier3A_69)
    %scan3A_70 = arith.constant 0 : i32
    %scan3A_71 = arith.constant 0 : i32
    %scan3A_72 = arith.constant 25 : i32
    %scan3A_73 = arith.addi %scan3A_71, %scan3A_72 : i32
    %scan3A_74 = arith.constant 1 : i32
    scf.for %scan3A_140 = %scan3A_71 to %scan3A_73 step %scan3A_74  : i32 {
      %mul3A_141 = arith.constant 6250 : i32
      %mul3A_142 = arith.muli %arg1, %mul3A_141 : i32
      %mul3A_143 = arith.constant 250 : i32
      %mul3A_144 = arith.muli %scan3A_140, %mul3A_143 : i32
      %add3A_145 = arith.addi %mul3A_142, %mul3A_144 : i32
      "tpu.region"() ({
        %run_scoped3A = tpu.sem_alloc : memref<!tpu.dma_semaphore, #tpu.memory_space<semaphore_mem>>
        %dma_start3A_146 = arith.constant 0 : i32
        %dma_start3A_147 = tpu.memref_slice %arg7[%add3A_145, %dma_start3A_146] : memref<100008x32xbf16, #tpu.memory_space<vmem_shared>> -> memref<250x32xbf16, #tpu.memory_space<vmem_shared>>
        %dma_start3A_148 = arith.constant 0 : i32
        %dma_start3A_149 = tpu.memref_slice %arg7[%add3A_145, %dma_start3A_148] : memref<100008x32xbf16, #tpu.memory_space<vmem_shared>> -> memref<250x32xbf16, #tpu.memory_space<vmem_shared>>
        tpu.enqueue_dma source(%arg11 : memref<250x32xbf16, #tpu.memory_space<vmem>>) target(%dma_start3A_149 : memref<250x32xbf16, #tpu.memory_space<vmem_shared>>) target_semaphore(%run_scoped3A : memref<!tpu.dma_semaphore, #tpu.memory_space<semaphore_mem>>)
        %dma_wait3A = arith.constant 0 : i32
        %dma_wait3A_150 = tpu.memref_slice %arg7[%add3A_145, %dma_wait3A] : memref<100008x32xbf16, #tpu.memory_space<vmem_shared>> -> memref<250x32xbf16, #tpu.memory_space<vmem_shared>>
        %dma_wait3A_151 = arith.constant 0 : i32
        %dma_wait3A_152 = tpu.memref_slice %arg7[%add3A_145, %dma_wait3A_151] : memref<100008x32xbf16, #tpu.memory_space<vmem_shared>> -> memref<250x32xbf16, #tpu.memory_space<vmem_shared>>
        tpu.wait_dma2 semaphore(%run_scoped3A : memref<!tpu.dma_semaphore, #tpu.memory_space<semaphore_mem>>) src(%arg11 : memref<250x32xbf16, #tpu.memory_space<vmem>>) dst(%dma_wait3A_152 : memref<250x32xbf16, #tpu.memory_space<vmem_shared>>)
        tpu.yield
      }) : () -> ()
    }
    %scan3A_75 = arith.constant 25 : i32
    %barrier3A_76 = arith.constant 0 : index
    tpu.barrier barrier_id(%barrier3A_76)
    %mul3A_77 = arith.constant 196 : i32
    %mul3A_78 = arith.muli %arg1, %mul3A_77 : i32
    %rem3A_79 = arith.constant 0 : i32
    %rem3A_80 = arith.constant 3 : i32
    %rem3A_81 = arith.remsi %rem3A_79, %rem3A_80 : i32
    %add3A_82 = arith.constant 0 : i32
    %add3A_83 = arith.addi %mul3A_78, %add3A_82 : i32
    %dma_start3A_84 = arith.constant 1 : i32
    %dma_start3A_85 = arith.constant 0 : i32
    %dma_start3A_86 = tpu.memref_slice %arg8[%rem3A_81, %dma_start3A_85] : memref<3x512xi32, #tpu.memory_space<vmem>> -> memref<1x512xi32, #tpu.memory_space<vmem>>
    %dma_start3A_87 = tpu.memref_squeeze %dma_start3A_86 : memref<1x512xi32, #tpu.memory_space<vmem>> -> memref<512xi32, #tpu.memory_space<vmem>>
    %dma_start3A_88 = arith.constant 0 : i32
    %dma_start3A_89 = arith.constant 0 : i32
    %dma_start3A_90 = tpu.memref_slice %arg4[%dma_start3A_84, %dma_start3A_88, %dma_start3A_89] : memref<4x3136x512xi32, #tpu.memory_space<hbm>> -> memref<1x3136x512xi32, #tpu.memory_space<hbm>>
    %dma_start3A_91 = tpu.memref_squeeze %dma_start3A_90 : memref<1x3136x512xi32, #tpu.memory_space<hbm>> -> memref<3136x512xi32, #tpu.memory_space<hbm>>
    %dma_start3A_92 = arith.constant 0 : i32
    %dma_start3A_93 = tpu.memref_slice %dma_start3A_91[%add3A_83, %dma_start3A_92] : memref<3136x512xi32, #tpu.memory_space<hbm>> -> memref<1x512xi32, #tpu.memory_space<hbm>>
    %dma_start3A_94 = tpu.memref_squeeze %dma_start3A_93 : memref<1x512xi32, #tpu.memory_space<hbm>> -> memref<512xi32, #tpu.memory_space<hbm>>
    %dma_start3A_95 = arith.constant 0 : i32
    %dma_start3A_96 = tpu.memref_slice %arg8[%rem3A_81, %dma_start3A_95] : memref<3x512xi32, #tpu.memory_space<vmem>> -> memref<1x512xi32, #tpu.memory_space<vmem>>
    %dma_start3A_97 = tpu.memref_squeeze %dma_start3A_96 : memref<1x512xi32, #tpu.memory_space<vmem>> -> memref<512xi32, #tpu.memory_space<vmem>>
    %dma_start3A_98 = arith.constant 0 : i32
    %dma_start3A_99 = arith.constant 0 : i32
    %dma_start3A_100 = tpu.memref_slice %arg4[%dma_start3A_84, %dma_start3A_98, %dma_start3A_99] : memref<4x3136x512xi32, #tpu.memory_space<hbm>> -> memref<1x3136x512xi32, #tpu.memory_space<hbm>>
    %dma_start3A_101 = tpu.memref_squeeze %dma_start3A_100 : memref<1x3136x512xi32, #tpu.memory_space<hbm>> -> memref<3136x512xi32, #tpu.memory_space<hbm>>
    %dma_start3A_102 = arith.constant 0 : i32
    %dma_start3A_103 = tpu.memref_slice %dma_start3A_101[%add3A_83, %dma_start3A_102] : memref<3136x512xi32, #tpu.memory_space<hbm>> -> memref<1x512xi32, #tpu.memory_space<hbm>>
    %dma_start3A_104 = tpu.memref_squeeze %dma_start3A_103 : memref<1x512xi32, #tpu.memory_space<hbm>> -> memref<512xi32, #tpu.memory_space<hbm>>
    tpu.enqueue_dma source(%dma_start3A_104 : memref<512xi32, #tpu.memory_space<hbm>>) target(%dma_start3A_97 : memref<512xi32, #tpu.memory_space<vmem>>) target_semaphore(%arg14 : memref<!tpu.dma_semaphore, #tpu.memory_space<semaphore_mem>>)
    %add3A_105 = arith.constant 0 : i32
    %add3A_106 = arith.addi %mul3A_78, %add3A_105 : i32
    %dma_start3A_107 = arith.constant 3 : i32
    %dma_start3A_108 = arith.constant 0 : i32
    %dma_start3A_109 = tpu.memref_slice %arg9[%rem3A_81, %dma_start3A_108] : memref<3x512xi32, #tpu.memory_space<vmem>> -> memref<1x512xi32, #tpu.memory_space<vmem>>
    %dma_start3A_110 = tpu.memref_squeeze %dma_start3A_109 : memref<1x512xi32, #tpu.memory_space<vmem>> -> memref<512xi32, #tpu.memory_space<vmem>>
    %dma_start3A_111 = arith.constant 0 : i32
    %dma_start3A_112 = arith.constant 0 : i32
    %dma_start3A_113 = tpu.memref_slice %arg4[%dma_start3A_107, %dma_start3A_111, %dma_start3A_112] : memref<4x3136x512xi32, #tpu.memory_space<hbm>> -> memref<1x3136x512xi32, #tpu.memory_space<hbm>>
    %dma_start3A_114 = tpu.memref_squeeze %dma_start3A_113 : memref<1x3136x512xi32, #tpu.memory_space<hbm>> -> memref<3136x512xi32, #tpu.memory_space<hbm>>
    %dma_start3A_115 = arith.constant 0 : i32
    %dma_start3A_116 = tpu.memref_slice %dma_start3A_114[%add3A_106, %dma_start3A_115] : memref<3136x512xi32, #tpu.memory_space<hbm>> -> memref<1x512xi32, #tpu.memory_space<hbm>>
    %dma_start3A_117 = tpu.memref_squeeze %dma_start3A_116 : memref<1x512xi32, #tpu.memory_space<hbm>> -> memref<512xi32, #tpu.memory_space<hbm>>
    %dma_start3A_118 = arith.constant 0 : i32
    %dma_start3A_119 = tpu.memref_slice %arg9[%rem3A_81, %dma_start3A_118] : memref<3x512xi32, #tpu.memory_space<vmem>> -> memref<1x512xi32, #tpu.memory_space<vmem>>
    %dma_start3A_120 = tpu.memref_squeeze %dma_start3A_119 : memref<1x512xi32, #tpu.memory_space<vmem>> -> memref<512xi32, #tpu.memory_space<vmem>>
    %dma_start3A_121 = arith.constant 0 : i32
    %dma_start3A_122 = arith.constant 0 : i32
    %dma_start3A_123 = tpu.memref_slice %arg4[%dma_start3A_107, %dma_start3A_121, %dma_start3A_122] : memref<4x3136x512xi32, #tpu.memory_space<hbm>> -> memref<1x3136x512xi32, #tpu.memory_space<hbm>>
    %dma_start3A_124 = tpu.memref_squeeze %dma_start3A_123 : memref<1x3136x512xi32, #tpu.memory_space<hbm>> -> memref<3136x512xi32, #tpu.memory_space<hbm>>
    %dma_start3A_125 = arith.constant 0 : i32
    %dma_start3A_126 = tpu.memref_slice %dma_start3A_124[%add3A_106, %dma_start3A_125] : memref<3136x512xi32, #tpu.memory_space<hbm>> -> memref<1x512xi32, #tpu.memory_space<hbm>>
    %dma_start3A_127 = tpu.memref_squeeze %dma_start3A_126 : memref<1x512xi32, #tpu.memory_space<hbm>> -> memref<512xi32, #tpu.memory_space<hbm>>
    tpu.enqueue_dma source(%dma_start3A_127 : memref<512xi32, #tpu.memory_space<hbm>>) target(%dma_start3A_120 : memref<512xi32, #tpu.memory_space<vmem>>) target_semaphore(%arg14 : memref<!tpu.dma_semaphore, #tpu.memory_space<semaphore_mem>>)
    %scan3A_128 = arith.constant 0 : i32
    %scan3A_129 = arith.constant 1 : i32
    %scan3A_130 = arith.constant 3 : i32
    %scan3A_131 = arith.constant 0 : i32
    %scan3A_132 = arith.constant 198 : i32
    %scan3A_133 = arith.addi %scan3A_131, %scan3A_132 : i32
    %scan3A_134 = arith.constant 1 : i32
    scf.for %scan3A_140 = %scan3A_131 to %scan3A_133 step %scan3A_134  : i32 {
      %ge3A = arith.constant 2 : i32
      %ge3A_141 = arith.cmpi sge, %scan3A_140, %ge3A : i32
      %lt3A = arith.constant 198 : i32
      %lt3A_142 = arith.cmpi slt, %scan3A_140, %lt3A : i32
      %and3A = arith.andi %ge3A_141, %lt3A_142 : i1
      %convert_element_type3A = arith.extui %and3A : i1 to i32
      %cond3A = arith.constant 0 : i32
      %cond3A_143 = arith.cmpi ne, %convert_element_type3A, %cond3A : i32
      scf.if %cond3A_143 {
        %dma_wait3A = arith.constant 0 : i32
        %dma_wait3A_164 = arith.constant 0 : i32
        %dma_wait3A_165 = tpu.memref_slice %arg7[%dma_wait3A, %dma_wait3A_164] : memref<100008x32xbf16, #tpu.memory_space<vmem_shared>> -> memref<512x32xbf16, #tpu.memory_space<vmem_shared>>
        %dma_wait3A_166 = arith.constant 0 : i32
        %dma_wait3A_167 = arith.constant 0 : i32
        %dma_wait3A_168 = tpu.memref_slice %arg3[%dma_wait3A_166, %dma_wait3A_167] : memref<200000x32xbf16, #tpu.memory_space<hbm>> -> memref<512x32xbf16, #tpu.memory_space<hbm>>
        tpu.wait_dma2 semaphore(%arg13 : memref<!tpu.dma_semaphore, #tpu.memory_space<semaphore_mem>>) src(%dma_wait3A_168 : memref<512x32xbf16, #tpu.memory_space<hbm>>) dst(%dma_wait3A_165 : memref<512x32xbf16, #tpu.memory_space<vmem_shared>>)
      } else {
      }
      %lt3A_144 = arith.constant 196 : i32
      %lt3A_145 = arith.cmpi slt, %scan3A_140, %lt3A_144 : i32
      %convert_element_type3A_146 = arith.extui %lt3A_145 : i1 to i32
      %cond3A_147 = arith.constant 0 : i32
      %cond3A_148 = arith.cmpi ne, %convert_element_type3A_146, %cond3A_147 : i32
      scf.if %cond3A_148 {
        %dma_wait3A = arith.constant 0 : i32
        %dma_wait3A_164 = arith.constant 0 : i32
        %dma_wait3A_165 = arith.constant 0 : i32
        %dma_wait3A_166 = tpu.memref_slice %arg8[%dma_wait3A_164, %dma_wait3A_165] : memref<3x512xi32, #tpu.memory_space<vmem>> -> memref<1x512xi32, #tpu.memory_space<vmem>>
        %dma_wait3A_167 = tpu.memref_squeeze %dma_wait3A_166 : memref<1x512xi32, #tpu.memory_space<vmem>> -> memref<512xi32, #tpu.memory_space<vmem>>
        %dma_wait3A_168 = arith.constant 0 : i32
        %dma_wait3A_169 = arith.constant 0 : i32
        %dma_wait3A_170 = tpu.memref_slice %arg4[%scan3A_129, %dma_wait3A_168, %dma_wait3A_169] : memref<4x3136x512xi32, #tpu.memory_space<hbm>> -> memref<1x3136x512xi32, #tpu.memory_space<hbm>>
        %dma_wait3A_171 = tpu.memref_squeeze %dma_wait3A_170 : memref<1x3136x512xi32, #tpu.memory_space<hbm>> -> memref<3136x512xi32, #tpu.memory_space<hbm>>
        %dma_wait3A_172 = arith.constant 0 : i32
        %dma_wait3A_173 = tpu.memref_slice %dma_wait3A_171[%dma_wait3A, %dma_wait3A_172] : memref<3136x512xi32, #tpu.memory_space<hbm>> -> memref<1x512xi32, #tpu.memory_space<hbm>>
        %dma_wait3A_174 = tpu.memref_squeeze %dma_wait3A_173 : memref<1x512xi32, #tpu.memory_space<hbm>> -> memref<512xi32, #tpu.memory_space<hbm>>
        %dma_wait3A_175 = arith.constant 0 : i32
        %dma_wait3A_176 = tpu.memref_slice %arg8[%dma_wait3A_164, %dma_wait3A_175] : memref<3x512xi32, #tpu.memory_space<vmem>> -> memref<1x512xi32, #tpu.memory_space<vmem>>
        %dma_wait3A_177 = tpu.memref_squeeze %dma_wait3A_176 : memref<1x512xi32, #tpu.memory_space<vmem>> -> memref<512xi32, #tpu.memory_space<vmem>>
        %dma_wait3A_178 = arith.constant 0 : i32
        %dma_wait3A_179 = arith.constant 0 : i32
        %dma_wait3A_180 = tpu.memref_slice %arg4[%scan3A_129, %dma_wait3A_178, %dma_wait3A_179] : memref<4x3136x512xi32, #tpu.memory_space<hbm>> -> memref<1x3136x512xi32, #tpu.memory_space<hbm>>
        %dma_wait3A_181 = tpu.memref_squeeze %dma_wait3A_180 : memref<1x3136x512xi32, #tpu.memory_space<hbm>> -> memref<3136x512xi32, #tpu.memory_space<hbm>>
        %dma_wait3A_182 = arith.constant 0 : i32
        %dma_wait3A_183 = tpu.memref_slice %dma_wait3A_181[%dma_wait3A, %dma_wait3A_182] : memref<3136x512xi32, #tpu.memory_space<hbm>> -> memref<1x512xi32, #tpu.memory_space<hbm>>
        %dma_wait3A_184 = tpu.memref_squeeze %dma_wait3A_183 : memref<1x512xi32, #tpu.memory_space<hbm>> -> memref<512xi32, #tpu.memory_space<hbm>>
        tpu.wait_dma2 semaphore(%arg14 : memref<!tpu.dma_semaphore, #tpu.memory_space<semaphore_mem>>) src(%dma_wait3A_184 : memref<512xi32, #tpu.memory_space<hbm>>) dst(%dma_wait3A_177 : memref<512xi32, #tpu.memory_space<vmem>>)
        %dma_wait3A_185 = arith.constant 0 : i32
        %dma_wait3A_186 = arith.constant 0 : i32
        %dma_wait3A_187 = arith.constant 0 : i32
        %dma_wait3A_188 = tpu.memref_slice %arg9[%dma_wait3A_186, %dma_wait3A_187] : memref<3x512xi32, #tpu.memory_space<vmem>> -> memref<1x512xi32, #tpu.memory_space<vmem>>
        %dma_wait3A_189 = tpu.memref_squeeze %dma_wait3A_188 : memref<1x512xi32, #tpu.memory_space<vmem>> -> memref<512xi32, #tpu.memory_space<vmem>>
        %dma_wait3A_190 = arith.constant 0 : i32
        %dma_wait3A_191 = arith.constant 0 : i32
        %dma_wait3A_192 = tpu.memref_slice %arg4[%scan3A_130, %dma_wait3A_190, %dma_wait3A_191] : memref<4x3136x512xi32, #tpu.memory_space<hbm>> -> memref<1x3136x512xi32, #tpu.memory_space<hbm>>
        %dma_wait3A_193 = tpu.memref_squeeze %dma_wait3A_192 : memref<1x3136x512xi32, #tpu.memory_space<hbm>> -> memref<3136x512xi32, #tpu.memory_space<hbm>>
        %dma_wait3A_194 = arith.constant 0 : i32
        %dma_wait3A_195 = tpu.memref_slice %dma_wait3A_193[%dma_wait3A_185, %dma_wait3A_194] : memref<3136x512xi32, #tpu.memory_space<hbm>> -> memref<1x512xi32, #tpu.memory_space<hbm>>
        %dma_wait3A_196 = tpu.memref_squeeze %dma_wait3A_195 : memref<1x512xi32, #tpu.memory_space<hbm>> -> memref<512xi32, #tpu.memory_space<hbm>>
        %dma_wait3A_197 = arith.constant 0 : i32
        %dma_wait3A_198 = tpu.memref_slice %arg9[%dma_wait3A_186, %dma_wait3A_197] : memref<3x512xi32, #tpu.memory_space<vmem>> -> memref<1x512xi32, #tpu.memory_space<vmem>>
        %dma_wait3A_199 = tpu.memref_squeeze %dma_wait3A_198 : memref<1x512xi32, #tpu.memory_space<vmem>> -> memref<512xi32, #tpu.memory_space<vmem>>
        %dma_wait3A_200 = arith.constant 0 : i32
        %dma_wait3A_201 = arith.constant 0 : i32
        %dma_wait3A_202 = tpu.memref_slice %arg4[%scan3A_130, %dma_wait3A_200, %dma_wait3A_201] : memref<4x3136x512xi32, #tpu.memory_space<hbm>> -> memref<1x3136x512xi32, #tpu.memory_space<hbm>>
        %dma_wait3A_203 = tpu.memref_squeeze %dma_wait3A_202 : memref<1x3136x512xi32, #tpu.memory_space<hbm>> -> memref<3136x512xi32, #tpu.memory_space<hbm>>
        %dma_wait3A_204 = arith.constant 0 : i32
        %dma_wait3A_205 = tpu.memref_slice %dma_wait3A_203[%dma_wait3A_185, %dma_wait3A_204] : memref<3136x512xi32, #tpu.memory_space<hbm>> -> memref<1x512xi32, #tpu.memory_space<hbm>>
        %dma_wait3A_206 = tpu.memref_squeeze %dma_wait3A_205 : memref<1x512xi32, #tpu.memory_space<hbm>> -> memref<512xi32, #tpu.memory_space<hbm>>
        tpu.wait_dma2 semaphore(%arg14 : memref<!tpu.dma_semaphore, #tpu.memory_space<semaphore_mem>>) src(%dma_wait3A_206 : memref<512xi32, #tpu.memory_space<hbm>>) dst(%dma_wait3A_199 : memref<512xi32, #tpu.memory_space<vmem>>)
        %rem3A_207 = arith.constant 3 : i32
        %rem3A_208 = arith.remsi %scan3A_140, %rem3A_207 : i32
        %get3A = arith.index_cast %rem3A_208 : i32 to index
        %get3A_209 = arith.constant 0 : index
        %get3A_210 = tpu.vector_load %arg8[%get3A, %get3A_209] {strides = array<i32>} : memref<3x512xi32, #tpu.memory_space<vmem>>, vector<1x16xi32>,
        %get3A_211 = vector.shape_cast %get3A_210 : vector<1x16xi32> to vector<16xi32>
        %mul3A_212 = arith.constant 2 : i32
        %mul3A_213 = vector.broadcast %mul3A_212 : i32 to vector<16xi32>
        %mul3A_214 = arith.muli %get3A_211, %mul3A_213 : vector<16xi32>
        %add3A_215 = vector.broadcast %arg0 : i32 to vector<16xi32>
        %add3A_216 = arith.addi %mul3A_214, %add3A_215 : vector<16xi32>
        %swap3A = arith.index_cast %rem3A_208 : i32 to index
        %swap3A_217 = arith.constant 0 : index
        %swap3A_218 = tpu.vector_load %arg8[%swap3A, %swap3A_217] {strides = array<i32>} : memref<3x512xi32, #tpu.memory_space<vmem>>, vector<1x16xi32>,
        %swap3A_219 = vector.shape_cast %swap3A_218 : vector<1x16xi32> to vector<16xi32>
        %swap3A_220 = vector.shape_cast %add3A_216 : vector<16xi32> to vector<1x16xi32>
        tpu.vector_store %arg8[%swap3A, %swap3A_217], %swap3A_220 {strides = array<i32>} : memref<3x512xi32, #tpu.memory_space<vmem>>, vector<1x16xi32>,
        %get3A_221 = arith.index_cast %rem3A_208 : i32 to index
        %get3A_222 = arith.constant 16 : index
        %get3A_223 = tpu.vector_load %arg8[%get3A_221, %get3A_222] {strides = array<i32>} : memref<3x512xi32, #tpu.memory_space<vmem>>, vector<1x16xi32>,
        %get3A_224 = vector.shape_cast %get3A_223 : vector<1x16xi32> to vector<16xi32>
        %mul3A_225 = arith.constant 2 : i32
        %mul3A_226 = vector.broadcast %mul3A_225 : i32 to vector<16xi32>
        %mul3A_227 = arith.muli %get3A_224, %mul3A_226 : vector<16xi32>
        %add3A_228 = vector.broadcast %arg0 : i32 to vector<16xi32>
        %add3A_229 = arith.addi %mul3A_227, %add3A_228 : vector<16xi32>
        %swap3A_230 = arith.index_cast %rem3A_208 : i32 to index
        %swap3A_231 = arith.constant 16 : index
        %swap3A_232 = tpu.vector_load %arg8[%swap3A_230, %swap3A_231] {strides = array<i32>} : memref<3x512xi32, #tpu.memory_space<vmem>>, vector<1x16xi32>,
        %swap3A_233 = vector.shape_cast %swap3A_232 : vector<1x16xi32> to vector<16xi32>
        %swap3A_234 = vector.shape_cast %add3A_229 : vector<16xi32> to vector<1x16xi32>
        tpu.vector_store %arg8[%swap3A_230, %swap3A_231], %swap3A_234 {strides = array<i32>} : memref<3x512xi32, #tpu.memory_space<vmem>>, vector<1x16xi32>,
        %get3A_235 = arith.index_cast %rem3A_208 : i32 to index
        %get3A_236 = arith.constant 32 : index
        %get3A_237 = tpu.vector_load %arg8[%get3A_235, %get3A_236] {strides = array<i32>} : memref<3x512xi32, #tpu.memory_space<vmem>>, vector<1x16xi32>,
        %get3A_238 = vector.shape_cast %get3A_237 : vector<1x16xi32> to vector<16xi32>
        %mul3A_239 = arith.constant 2 : i32
        %mul3A_240 = vector.broadcast %mul3A_239 : i32 to vector<16xi32>
        %mul3A_241 = arith.muli %get3A_238, %mul3A_240 : vector<16xi32>
        %add3A_242 = vector.broadcast %arg0 : i32 to vector<16xi32>
        %add3A_243 = arith.addi %mul3A_241, %add3A_242 : vector<16xi32>
        %swap3A_244 = arith.index_cast %rem3A_208 : i32 to index
        %swap3A_245 = arith.constant 32 : index
        %swap3A_246 = tpu.vector_load %arg8[%swap3A_244, %swap3A_245] {strides = array<i32>} : memref<3x512xi32, #tpu.memory_space<vmem>>, vector<1x16xi32>,
        %swap3A_247 = vector.shape_cast %swap3A_246 : vector<1x16xi32> to vector<16xi32>
        %swap3A_248 = vector.shape_cast %add3A_243 : vector<16xi32> to vector<1x16xi32>
        tpu.vector_store %arg8[%swap3A_244, %swap3A_245], %swap3A_248 {strides = array<i32>} : memref<3x512xi32, #tpu.memory_space<vmem>>, vector<1x16xi32>,
        %get3A_249 = arith.index_cast %rem3A_208 : i32 to index
        %get3A_250 = arith.constant 48 : index
        %get3A_251 = tpu.vector_load %arg8[%get3A_249, %get3A_250] {strides = array<i32>} : memref<3x512xi32, #tpu.memory_space<vmem>>, vector<1x16xi32>,
        %get3A_252 = vector.shape_cast %get3A_251 : vector<1x16xi32> to vector<16xi32>
        %mul3A_253 = arith.constant 2 : i32
        %mul3A_254 = vector.broadcast %mul3A_253 : i32 to vector<16xi32>
        %mul3A_255 = arith.muli %get3A_252, %mul3A_254 : vector<16xi32>
        %add3A_256 = vector.broadcast %arg0 : i32 to vector<16xi32>
        %add3A_257 = arith.addi %mul3A_255, %add3A_256 : vector<16xi32>
        %swap3A_258 = arith.index_cast %rem3A_208 : i32 to index
        %swap3A_259 = arith.constant 48 : index
        %swap3A_260 = tpu.vector_load %arg8[%swap3A_258, %swap3A_259] {strides = array<i32>} : memref<3x512xi32, #tpu.memory_space<vmem>>, vector<1x16xi32>,
        %swap3A_261 = vector.shape_cast %swap3A_260 : vector<1x16xi32> to vector<16xi32>
        %swap3A_262 = vector.shape_cast %add3A_257 : vector<16xi32> to vector<1x16xi32>
        tpu.vector_store %arg8[%swap3A_258, %swap3A_259], %swap3A_262 {strides = array<i32>} : memref<3x512xi32, #tpu.memory_space<vmem>>, vector<1x16xi32>,
        %get3A_263 = arith.index_cast %rem3A_208 : i32 to index
        %get3A_264 = arith.constant 64 : index
        %get3A_265 = tpu.vector_load %arg8[%get3A_263, %get3A_264] {strides = array<i32>} : memref<3x512xi32, #tpu.memory_space<vmem>>, vector<1x16xi32>,
        %get3A_266 = vector.shape_cast %get3A_265 : vector<1x16xi32> to vector<16xi32>
        %mul3A_267 = arith.constant 2 : i32
        %mul3A_268 = vector.broadcast %mul3A_267 : i32 to vector<16xi32>
        %mul3A_269 = arith.muli %get3A_266, %mul3A_268 : vector<16xi32>
        %add3A_270 = vector.broadcast %arg0 : i32 to vector<16xi32>
        %add3A_271 = arith.addi %mul3A_269, %add3A_270 : vector<16xi32>
        %swap3A_272 = arith.index_cast %rem3A_208 : i32 to index
        %swap3A_273 = arith.constant 64 : index
        %swap3A_274 = tpu.vector_load %arg8[%swap3A_272, %swap3A_273] {strides = array<i32>} : memref<3x512xi32, #tpu.memory_space<vmem>>, vector<1x16xi32>,
        %swap3A_275 = vector.shape_cast %swap3A_274 : vector<1x16xi32> to vector<16xi32>
        %swap3A_276 = vector.shape_cast %add3A_271 : vector<16xi32> to vector<1x16xi32>
        tpu.vector_store %arg8[%swap3A_272, %swap3A_273], %swap3A_276 {strides = array<i32>} : memref<3x512xi32, #tpu.memory_space<vmem>>, vector<1x16xi32>,
        %get3A_277 = arith.index_cast %rem3A_208 : i32 to index
        %get3A_278 = arith.constant 80 : index
        %get3A_279 = tpu.vector_load %arg8[%get3A_277, %get3A_278] {strides = array<i32>} : memref<3x512xi32, #tpu.memory_space<vmem>>, vector<1x16xi32>,
        %get3A_280 = vector.shape_cast %get3A_279 : vector<1x16xi32> to vector<16xi32>
        %mul3A_281 = arith.constant 2 : i32
        %mul3A_282 = vector.broadcast %mul3A_281 : i32 to vector<16xi32>
        %mul3A_283 = arith.muli %get3A_280, %mul3A_282 : vector<16xi32>
        %add3A_284 = vector.broadcast %arg0 : i32 to vector<16xi32>
        %add3A_285 = arith.addi %mul3A_283, %add3A_284 : vector<16xi32>
        %swap3A_286 = arith.index_cast %rem3A_208 : i32 to index
        %swap3A_287 = arith.constant 80 : index
        %swap3A_288 = tpu.vector_load %arg8[%swap3A_286, %swap3A_287] {strides = array<i32>} : memref<3x512xi32, #tpu.memory_space<vmem>>, vector<1x16xi32>,
        %swap3A_289 = vector.shape_cast %swap3A_288 : vector<1x16xi32> to vector<16xi32>
        %swap3A_290 = vector.shape_cast %add3A_285 : vector<16xi32> to vector<1x16xi32>
        tpu.vector_store %arg8[%swap3A_286, %swap3A_287], %swap3A_290 {strides = array<i32>} : memref<3x512xi32, #tpu.memory_space<vmem>>, vector<1x16xi32>,
        %get3A_291 = arith.index_cast %rem3A_208 : i32 to index
        %get3A_292 = arith.constant 96 : index
        %get3A_293 = tpu.vector_load %arg8[%get3A_291, %get3A_292] {strides = array<i32>} : memref<3x512xi32, #tpu.memory_space<vmem>>, vector<1x16xi32>,
        %get3A_294 = vector.shape_cast %get3A_293 : vector<1x16xi32> to vector<16xi32>
        %mul3A_295 = arith.constant 2 : i32
        %mul3A_296 = vector.broadcast %mul3A_295 : i32 to vector<16xi32>
        %mul3A_297 = arith.muli %get3A_294, %mul3A_296 : vector<16xi32>
        %add3A_298 = vector.broadcast %arg0 : i32 to vector<16xi32>
        %add3A_299 = arith.addi %mul3A_297, %add3A_298 : vector<16xi32>
        %swap3A_300 = arith.index_cast %rem3A_208 : i32 to index
        %swap3A_301 = arith.constant 96 : index
        %swap3A_302 = tpu.vector_load %arg8[%swap3A_300, %swap3A_301] {strides = array<i32>} : memref<3x512xi32, #tpu.memory_space<vmem>>, vector<1x16xi32>,
        %swap3A_303 = vector.shape_cast %swap3A_302 : vector<1x16xi32> to vector<16xi32>
        %swap3A_304 = vector.shape_cast %add3A_299 : vector<16xi32> to vector<1x16xi32>
        tpu.vector_store %arg8[%swap3A_300, %swap3A_301], %swap3A_304 {strides = array<i32>} : memref<3x512xi32, #tpu.memory_space<vmem>>, vector<1x16xi32>,
        %get3A_305 = arith.index_cast %rem3A_208 : i32 to index
        %get3A_306 = arith.constant 112 : index
        %get3A_307 = tpu.vector_load %arg8[%get3A_305, %get3A_306] {strides = array<i32>} : memref<3x512xi32, #tpu.memory_space<vmem>>, vector<1x16xi32>,
        %get3A_308 = vector.shape_cast %get3A_307 : vector<1x16xi32> to vector<16xi32>
        %mul3A_309 = arith.constant 2 : i32
        %mul3A_310 = vector.broadcast %mul3A_309 : i32 to vector<16xi32>
        %mul3A_311 = arith.muli %get3A_308, %mul3A_310 : vector<16xi32>
        %add3A_312 = vector.broadcast %arg0 : i32 to vector<16xi32>
        %add3A_313 = arith.addi %mul3A_311, %add3A_312 : vector<16xi32>
        %swap3A_314 = arith.index_cast %rem3A_208 : i32 to index
        %swap3A_315 = arith.constant 112 : index
        %swap3A_316 = tpu.vector_load %arg8[%swap3A_314, %swap3A_315] {strides = array<i32>} : memref<3x512xi32, #tpu.memory_space<vmem>>, vector<1x16xi32>,
        %swap3A_317 = vector.shape_cast %swap3A_316 : vector<1x16xi32> to vector<16xi32>
        %swap3A_318 = vector.shape_cast %add3A_313 : vector<16xi32> to vector<1x16xi32>
        tpu.vector_store %arg8[%swap3A_314, %swap3A_315], %swap3A_318 {strides = array<i32>} : memref<3x512xi32, #tpu.memory_space<vmem>>, vector<1x16xi32>,
        %get3A_319 = arith.index_cast %rem3A_208 : i32 to index
        %get3A_320 = arith.constant 128 : index
        %get3A_321 = tpu.vector_load %arg8[%get3A_319, %get3A_320] {strides = array<i32>} : memref<3x512xi32, #tpu.memory_space<vmem>>, vector<1x16xi32>,
        %get3A_322 = vector.shape_cast %get3A_321 : vector<1x16xi32> to vector<16xi32>
        %mul3A_323 = arith.constant 2 : i32
        %mul3A_324 = vector.broadcast %mul3A_323 : i32 to vector<16xi32>
        %mul3A_325 = arith.muli %get3A_322, %mul3A_324 : vector<16xi32>
        %add3A_326 = vector.broadcast %arg0 : i32 to vector<16xi32>
        %add3A_327 = arith.addi %mul3A_325, %add3A_326 : vector<16xi32>
        %swap3A_328 = arith.index_cast %rem3A_208 : i32 to index
        %swap3A_329 = arith.constant 128 : index
        %swap3A_330 = tpu.vector_load %arg8[%swap3A_328, %swap3A_329] {strides = array<i32>} : memref<3x512xi32, #tpu.memory_space<vmem>>, vector<1x16xi32>,
        %swap3A_331 = vector.shape_cast %swap3A_330 : vector<1x16xi32> to vector<16xi32>
        %swap3A_332 = vector.shape_cast %add3A_327 : vector<16xi32> to vector<1x16xi32>
        tpu.vector_store %arg8[%swap3A_328, %swap3A_329], %swap3A_332 {strides = array<i32>} : memref<3x512xi32, #tpu.memory_space<vmem>>, vector<1x16xi32>,
        %get3A_333 = arith.index_cast %rem3A_208 : i32 to index
        %get3A_334 = arith.constant 144 : index
        %get3A_335 = tpu.vector_load %arg8[%get3A_333, %get3A_334] {strides = array<i32>} : memref<3x512xi32, #tpu.memory_space<vmem>>, vector<1x16xi32>,
        %get3A_336 = vector.shape_cast %get3A_335 : vector<1x16xi32> to vector<16xi32>
        %mul3A_337 = arith.constant 2 : i32
        %mul3A_338 = vector.broadcast %mul3A_337 : i32 to vector<16xi32>
        %mul3A_339 = arith.muli %get3A_336, %mul3A_338 : vector<16xi32>
        %add3A_340 = vector.broadcast %arg0 : i32 to vector<16xi32>
        %add3A_341 = arith.addi %mul3A_339, %add3A_340 : vector<16xi32>
        %swap3A_342 = arith.index_cast %rem3A_208 : i32 to index
        %swap3A_343 = arith.constant 144 : index
        %swap3A_344 = tpu.vector_load %arg8[%swap3A_342, %swap3A_343] {strides = array<i32>} : memref<3x512xi32, #tpu.memory_space<vmem>>, vector<1x16xi32>,
        %swap3A_345 = vector.shape_cast %swap3A_344 : vector<1x16xi32> to vector<16xi32>
        %swap3A_346 = vector.shape_cast %add3A_341 : vector<16xi32> to vector<1x16xi32>
        tpu.vector_store %arg8[%swap3A_342, %swap3A_343], %swap3A_346 {strides = array<i32>} : memref<3x512xi32, #tpu.memory_space<vmem>>, vector<1x16xi32>,
        %get3A_347 = arith.index_cast %rem3A_208 : i32 to index
        %get3A_348 = arith.constant 160 : index
        %get3A_349 = tpu.vector_load %arg8[%get3A_347, %get3A_348] {strides = array<i32>} : memref<3x512xi32, #tpu.memory_space<vmem>>, vector<1x16xi32>,
        %get3A_350 = vector.shape_cast %get3A_349 : vector<1x16xi32> to vector<16xi32>
        %mul3A_351 = arith.constant 2 : i32
        %mul3A_352 = vector.broadcast %mul3A_351 : i32 to vector<16xi32>
        %mul3A_353 = arith.muli %get3A_350, %mul3A_352 : vector<16xi32>
        %add3A_354 = vector.broadcast %arg0 : i32 to vector<16xi32>
        %add3A_355 = arith.addi %mul3A_353, %add3A_354 : vector<16xi32>
        %swap3A_356 = arith.index_cast %rem3A_208 : i32 to index
        %swap3A_357 = arith.constant 160 : index
        %swap3A_358 = tpu.vector_load %arg8[%swap3A_356, %swap3A_357] {strides = array<i32>} : memref<3x512xi32, #tpu.memory_space<vmem>>, vector<1x16xi32>,
        %swap3A_359 = vector.shape_cast %swap3A_358 : vector<1x16xi32> to vector<16xi32>
        %swap3A_360 = vector.shape_cast %add3A_355 : vector<16xi32> to vector<1x16xi32>
        tpu.vector_store %arg8[%swap3A_356, %swap3A_357], %swap3A_360 {strides = array<i32>} : memref<3x512xi32, #tpu.memory_space<vmem>>, vector<1x16xi32>,
        %get3A_361 = arith.index_cast %rem3A_208 : i32 to index
        %get3A_362 = arith.constant 176 : index
        %get3A_363 = tpu.vector_load %arg8[%get3A_361, %get3A_362] {strides = array<i32>} : memref<3x512xi32, #tpu.memory_space<vmem>>, vector<1x16xi32>,
        %get3A_364 = vector.shape_cast %get3A_363 : vector<1x16xi32> to vector<16xi32>
        %mul3A_365 = arith.constant 2 : i32
        %mul3A_366 = vector.broadcast %mul3A_365 : i32 to vector<16xi32>
        %mul3A_367 = arith.muli %get3A_364, %mul3A_366 : vector<16xi32>
        %add3A_368 = vector.broadcast %arg0 : i32 to vector<16xi32>
        %add3A_369 = arith.addi %mul3A_367, %add3A_368 : vector<16xi32>
        %swap3A_370 = arith.index_cast %rem3A_208 : i32 to index
        %swap3A_371 = arith.constant 176 : index
        %swap3A_372 = tpu.vector_load %arg8[%swap3A_370, %swap3A_371] {strides = array<i32>} : memref<3x512xi32, #tpu.memory_space<vmem>>, vector<1x16xi32>,
        %swap3A_373 = vector.shape_cast %swap3A_372 : vector<1x16xi32> to vector<16xi32>
        %swap3A_374 = vector.shape_cast %add3A_369 : vector<16xi32> to vector<1x16xi32>
        tpu.vector_store %arg8[%swap3A_370, %swap3A_371], %swap3A_374 {strides = array<i32>} : memref<3x512xi32, #tpu.memory_space<vmem>>, vector<1x16xi32>,
        %get3A_375 = arith.index_cast %rem3A_208 : i32 to index
        %get3A_376 = arith.constant 192 : index
        %get3A_377 = tpu.vector_load %arg8[%get3A_375, %get3A_376] {strides = array<i32>} : memref<3x512xi32, #tpu.memory_space<vmem>>, vector<1x16xi32>,
        %get3A_378 = vector.shape_cast %get3A_377 : vector<1x16xi32> to vector<16xi32>
        %mul3A_379 = arith.constant 2 : i32
        %mul3A_380 = vector.broadcast %mul3A_379 : i32 to vector<16xi32>
        %mul3A_381 = arith.muli %get3A_378, %mul3A_380 : vector<16xi32>
        %add3A_382 = vector.broadcast %arg0 : i32 to vector<16xi32>
        %add3A_383 = arith.addi %mul3A_381, %add3A_382 : vector<16xi32>
        %swap3A_384 = arith.index_cast %rem3A_208 : i32 to index
        %swap3A_385 = arith.constant 192 : index
        %swap3A_386 = tpu.vector_load %arg8[%swap3A_384, %swap3A_385] {strides = array<i32>} : memref<3x512xi32, #tpu.memory_space<vmem>>, vector<1x16xi32>,
        %swap3A_387 = vector.shape_cast %swap3A_386 : vector<1x16xi32> to vector<16xi32>
        %swap3A_388 = vector.shape_cast %add3A_383 : vector<16xi32> to vector<1x16xi32>
        tpu.vector_store %arg8[%swap3A_384, %swap3A_385], %swap3A_388 {strides = array<i32>} : memref<3x512xi32, #tpu.memory_space<vmem>>, vector<1x16xi32>,
        %get3A_389 = arith.index_cast %rem3A_208 : i32 to index
        %get3A_390 = arith.constant 208 : index
        %get3A_391 = tpu.vector_load %arg8[%get3A_389, %get3A_390] {strides = array<i32>} : memref<3x512xi32, #tpu.memory_space<vmem>>, vector<1x16xi32>,
        %get3A_392 = vector.shape_cast %get3A_391 : vector<1x16xi32> to vector<16xi32>
        %mul3A_393 = arith.constant 2 : i32
        %mul3A_394 = vector.broadcast %mul3A_393 : i32 to vector<16xi32>
        %mul3A_395 = arith.muli %get3A_392, %mul3A_394 : vector<16xi32>
        %add3A_396 = vector.broadcast %arg0 : i32 to vector<16xi32>
        %add3A_397 = arith.addi %mul3A_395, %add3A_396 : vector<16xi32>
        %swap3A_398 = arith.index_cast %rem3A_208 : i32 to index
        %swap3A_399 = arith.constant 208 : index
        %swap3A_400 = tpu.vector_load %arg8[%swap3A_398, %swap3A_399] {strides = array<i32>} : memref<3x512xi32, #tpu.memory_space<vmem>>, vector<1x16xi32>,
        %swap3A_401 = vector.shape_cast %swap3A_400 : vector<1x16xi32> to vector<16xi32>
        %swap3A_402 = vector.shape_cast %add3A_397 : vector<16xi32> to vector<1x16xi32>
        tpu.vector_store %arg8[%swap3A_398, %swap3A_399], %swap3A_402 {strides = array<i32>} : memref<3x512xi32, #tpu.memory_space<vmem>>, vector<1x16xi32>,
        %get3A_403 = arith.index_cast %rem3A_208 : i32 to index
        %get3A_404 = arith.constant 224 : index
        %get3A_405 = tpu.vector_load %arg8[%get3A_403, %get3A_404] {strides = array<i32>} : memref<3x512xi32, #tpu.memory_space<vmem>>, vector<1x16xi32>,
        %get3A_406 = vector.shape_cast %get3A_405 : vector<1x16xi32> to vector<16xi32>
        %mul3A_407 = arith.constant 2 : i32
        %mul3A_408 = vector.broadcast %mul3A_407 : i32 to vector<16xi32>
        %mul3A_409 = arith.muli %get3A_406, %mul3A_408 : vector<16xi32>
        %add3A_410 = vector.broadcast %arg0 : i32 to vector<16xi32>
        %add3A_411 = arith.addi %mul3A_409, %add3A_410 : vector<16xi32>
        %swap3A_412 = arith.index_cast %rem3A_208 : i32 to index
        %swap3A_413 = arith.constant 224 : index
        %swap3A_414 = tpu.vector_load %arg8[%swap3A_412, %swap3A_413] {strides = array<i32>} : memref<3x512xi32, #tpu.memory_space<vmem>>, vector<1x16xi32>,
        %swap3A_415 = vector.shape_cast %swap3A_414 : vector<1x16xi32> to vector<16xi32>
        %swap3A_416 = vector.shape_cast %add3A_411 : vector<16xi32> to vector<1x16xi32>
        tpu.vector_store %arg8[%swap3A_412, %swap3A_413], %swap3A_416 {strides = array<i32>} : memref<3x512xi32, #tpu.memory_space<vmem>>, vector<1x16xi32>,
        %get3A_417 = arith.index_cast %rem3A_208 : i32 to index
        %get3A_418 = arith.constant 240 : index
        %get3A_419 = tpu.vector_load %arg8[%get3A_417, %get3A_418] {strides = array<i32>} : memref<3x512xi32, #tpu.memory_space<vmem>>, vector<1x16xi32>,
        %get3A_420 = vector.shape_cast %get3A_419 : vector<1x16xi32> to vector<16xi32>
        %mul3A_421 = arith.constant 2 : i32
        %mul3A_422 = vector.broadcast %mul3A_421 : i32 to vector<16xi32>
        %mul3A_423 = arith.muli %get3A_420, %mul3A_422 : vector<16xi32>
        %add3A_424 = vector.broadcast %arg0 : i32 to vector<16xi32>
        %add3A_425 = arith.addi %mul3A_423, %add3A_424 : vector<16xi32>
        %swap3A_426 = arith.index_cast %rem3A_208 : i32 to index
        %swap3A_427 = arith.constant 240 : index
        %swap3A_428 = tpu.vector_load %arg8[%swap3A_426, %swap3A_427] {strides = array<i32>} : memref<3x512xi32, #tpu.memory_space<vmem>>, vector<1x16xi32>,
        %swap3A_429 = vector.shape_cast %swap3A_428 : vector<1x16xi32> to vector<16xi32>
        %swap3A_430 = vector.shape_cast %add3A_425 : vector<16xi32> to vector<1x16xi32>
        tpu.vector_store %arg8[%swap3A_426, %swap3A_427], %swap3A_430 {strides = array<i32>} : memref<3x512xi32, #tpu.memory_space<vmem>>, vector<1x16xi32>,
        %get3A_431 = arith.index_cast %rem3A_208 : i32 to index
        %get3A_432 = arith.constant 256 : index
        %get3A_433 = tpu.vector_load %arg8[%get3A_431, %get3A_432] {strides = array<i32>} : memref<3x512xi32, #tpu.memory_space<vmem>>, vector<1x16xi32>,
        %get3A_434 = vector.shape_cast %get3A_433 : vector<1x16xi32> to vector<16xi32>
        %mul3A_435 = arith.constant 2 : i32
        %mul3A_436 = vector.broadcast %mul3A_435 : i32 to vector<16xi32>
        %mul3A_437 = arith.muli %get3A_434, %mul3A_436 : vector<16xi32>
        %add3A_438 = vector.broadcast %arg0 : i32 to vector<16xi32>
        %add3A_439 = arith.addi %mul3A_437, %add3A_438 : vector<16xi32>
        %swap3A_440 = arith.index_cast %rem3A_208 : i32 to index
        %swap3A_441 = arith.constant 256 : index
        %swap3A_442 = tpu.vector_load %arg8[%swap3A_440, %swap3A_441] {strides = array<i32>} : memref<3x512xi32, #tpu.memory_space<vmem>>, vector<1x16xi32>,
        %swap3A_443 = vector.shape_cast %swap3A_442 : vector<1x16xi32> to vector<16xi32>
        %swap3A_444 = vector.shape_cast %add3A_439 : vector<16xi32> to vector<1x16xi32>
        tpu.vector_store %arg8[%swap3A_440, %swap3A_441], %swap3A_444 {strides = array<i32>} : memref<3x512xi32, #tpu.memory_space<vmem>>, vector<1x16xi32>,
        %get3A_445 = arith.index_cast %rem3A_208 : i32 to index
        %get3A_446 = arith.constant 272 : index
        %get3A_447 = tpu.vector_load %arg8[%get3A_445, %get3A_446] {strides = array<i32>} : memref<3x512xi32, #tpu.memory_space<vmem>>, vector<1x16xi32>,
        %get3A_448 = vector.shape_cast %get3A_447 : vector<1x16xi32> to vector<16xi32>
        %mul3A_449 = arith.constant 2 : i32
        %mul3A_450 = vector.broadcast %mul3A_449 : i32 to vector<16xi32>
        %mul3A_451 = arith.muli %get3A_448, %mul3A_450 : vector<16xi32>
        %add3A_452 = vector.broadcast %arg0 : i32 to vector<16xi32>
        %add3A_453 = arith.addi %mul3A_451, %add3A_452 : vector<16xi32>
        %swap3A_454 = arith.index_cast %rem3A_208 : i32 to index
        %swap3A_455 = arith.constant 272 : index
        %swap3A_456 = tpu.vector_load %arg8[%swap3A_454, %swap3A_455] {strides = array<i32>} : memref<3x512xi32, #tpu.memory_space<vmem>>, vector<1x16xi32>,
        %swap3A_457 = vector.shape_cast %swap3A_456 : vector<1x16xi32> to vector<16xi32>
        %swap3A_458 = vector.shape_cast %add3A_453 : vector<16xi32> to vector<1x16xi32>
        tpu.vector_store %arg8[%swap3A_454, %swap3A_455], %swap3A_458 {strides = array<i32>} : memref<3x512xi32, #tpu.memory_space<vmem>>, vector<1x16xi32>,
        %get3A_459 = arith.index_cast %rem3A_208 : i32 to index
        %get3A_460 = arith.constant 288 : index
        %get3A_461 = tpu.vector_load %arg8[%get3A_459, %get3A_460] {strides = array<i32>} : memref<3x512xi32, #tpu.memory_space<vmem>>, vector<1x16xi32>,
        %get3A_462 = vector.shape_cast %get3A_461 : vector<1x16xi32> to vector<16xi32>
        %mul3A_463 = arith.constant 2 : i32
        %mul3A_464 = vector.broadcast %mul3A_463 : i32 to vector<16xi32>
        %mul3A_465 = arith.muli %get3A_462, %mul3A_464 : vector<16xi32>
        %add3A_466 = vector.broadcast %arg0 : i32 to vector<16xi32>
        %add3A_467 = arith.addi %mul3A_465, %add3A_466 : vector<16xi32>
        %swap3A_468 = arith.index_cast %rem3A_208 : i32 to index
        %swap3A_469 = arith.constant 288 : index
        %swap3A_470 = tpu.vector_load %arg8[%swap3A_468, %swap3A_469] {strides = array<i32>} : memref<3x512xi32, #tpu.memory_space<vmem>>, vector<1x16xi32>,
        %swap3A_471 = vector.shape_cast %swap3A_470 : vector<1x16xi32> to vector<16xi32>
        %swap3A_472 = vector.shape_cast %add3A_467 : vector<16xi32> to vector<1x16xi32>
        tpu.vector_store %arg8[%swap3A_468, %swap3A_469], %swap3A_472 {strides = array<i32>} : memref<3x512xi32, #tpu.memory_space<vmem>>, vector<1x16xi32>,
        %get3A_473 = arith.index_cast %rem3A_208 : i32 to index
        %get3A_474 = arith.constant 304 : index
        %get3A_475 = tpu.vector_load %arg8[%get3A_473, %get3A_474] {strides = array<i32>} : memref<3x512xi32, #tpu.memory_space<vmem>>, vector<1x16xi32>,
        %get3A_476 = vector.shape_cast %get3A_475 : vector<1x16xi32> to vector<16xi32>
        %mul3A_477 = arith.constant 2 : i32
        %mul3A_478 = vector.broadcast %mul3A_477 : i32 to vector<16xi32>
        %mul3A_479 = arith.muli %get3A_476, %mul3A_478 : vector<16xi32>
        %add3A_480 = vector.broadcast %arg0 : i32 to vector<16xi32>
        %add3A_481 = arith.addi %mul3A_479, %add3A_480 : vector<16xi32>
        %swap3A_482 = arith.index_cast %rem3A_208 : i32 to index
        %swap3A_483 = arith.constant 304 : index
        %swap3A_484 = tpu.vector_load %arg8[%swap3A_482, %swap3A_483] {strides = array<i32>} : memref<3x512xi32, #tpu.memory_space<vmem>>, vector<1x16xi32>,
        %swap3A_485 = vector.shape_cast %swap3A_484 : vector<1x16xi32> to vector<16xi32>
        %swap3A_486 = vector.shape_cast %add3A_481 : vector<16xi32> to vector<1x16xi32>
        tpu.vector_store %arg8[%swap3A_482, %swap3A_483], %swap3A_486 {strides = array<i32>} : memref<3x512xi32, #tpu.memory_space<vmem>>, vector<1x16xi32>,
        %get3A_487 = arith.index_cast %rem3A_208 : i32 to index
        %get3A_488 = arith.constant 320 : index
        %get3A_489 = tpu.vector_load %arg8[%get3A_487, %get3A_488] {strides = array<i32>} : memref<3x512xi32, #tpu.memory_space<vmem>>, vector<1x16xi32>,
        %get3A_490 = vector.shape_cast %get3A_489 : vector<1x16xi32> to vector<16xi32>
        %mul3A_491 = arith.constant 2 : i32
        %mul3A_492 = vector.broadcast %mul3A_491 : i32 to vector<16xi32>
        %mul3A_493 = arith.muli %get3A_490, %mul3A_492 : vector<16xi32>
        %add3A_494 = vector.broadcast %arg0 : i32 to vector<16xi32>
        %add3A_495 = arith.addi %mul3A_493, %add3A_494 : vector<16xi32>
        %swap3A_496 = arith.index_cast %rem3A_208 : i32 to index
        %swap3A_497 = arith.constant 320 : index
        %swap3A_498 = tpu.vector_load %arg8[%swap3A_496, %swap3A_497] {strides = array<i32>} : memref<3x512xi32, #tpu.memory_space<vmem>>, vector<1x16xi32>,
        %swap3A_499 = vector.shape_cast %swap3A_498 : vector<1x16xi32> to vector<16xi32>
        %swap3A_500 = vector.shape_cast %add3A_495 : vector<16xi32> to vector<1x16xi32>
        tpu.vector_store %arg8[%swap3A_496, %swap3A_497], %swap3A_500 {strides = array<i32>} : memref<3x512xi32, #tpu.memory_space<vmem>>, vector<1x16xi32>,
        %get3A_501 = arith.index_cast %rem3A_208 : i32 to index
        %get3A_502 = arith.constant 336 : index
        %get3A_503 = tpu.vector_load %arg8[%get3A_501, %get3A_502] {strides = array<i32>} : memref<3x512xi32, #tpu.memory_space<vmem>>, vector<1x16xi32>,
        %get3A_504 = vector.shape_cast %get3A_503 : vector<1x16xi32> to vector<16xi32>
        %mul3A_505 = arith.constant 2 : i32
        %mul3A_506 = vector.broadcast %mul3A_505 : i32 to vector<16xi32>
        %mul3A_507 = arith.muli %get3A_504, %mul3A_506 : vector<16xi32>
        %add3A_508 = vector.broadcast %arg0 : i32 to vector<16xi32>
        %add3A_509 = arith.addi %mul3A_507, %add3A_508 : vector<16xi32>
        %swap3A_510 = arith.index_cast %rem3A_208 : i32 to index
        %swap3A_511 = arith.constant 336 : index
        %swap3A_512 = tpu.vector_load %arg8[%swap3A_510, %swap3A_511] {strides = array<i32>} : memref<3x512xi32, #tpu.memory_space<vmem>>, vector<1x16xi32>,
        %swap3A_513 = vector.shape_cast %swap3A_512 : vector<1x16xi32> to vector<16xi32>
        %swap3A_514 = vector.shape_cast %add3A_509 : vector<16xi32> to vector<1x16xi32>
        tpu.vector_store %arg8[%swap3A_510, %swap3A_511], %swap3A_514 {strides = array<i32>} : memref<3x512xi32, #tpu.memory_space<vmem>>, vector<1x16xi32>,
        %get3A_515 = arith.index_cast %rem3A_208 : i32 to index
        %get3A_516 = arith.constant 352 : index
        %get3A_517 = tpu.vector_load %arg8[%get3A_515, %get3A_516] {strides = array<i32>} : memref<3x512xi32, #tpu.memory_space<vmem>>, vector<1x16xi32>,
        %get3A_518 = vector.shape_cast %get3A_517 : vector<1x16xi32> to vector<16xi32>
        %mul3A_519 = arith.constant 2 : i32
        %mul3A_520 = vector.broadcast %mul3A_519 : i32 to vector<16xi32>
        %mul3A_521 = arith.muli %get3A_518, %mul3A_520 : vector<16xi32>
        %add3A_522 = vector.broadcast %arg0 : i32 to vector<16xi32>
        %add3A_523 = arith.addi %mul3A_521, %add3A_522 : vector<16xi32>
        %swap3A_524 = arith.index_cast %rem3A_208 : i32 to index
        %swap3A_525 = arith.constant 352 : index
        %swap3A_526 = tpu.vector_load %arg8[%swap3A_524, %swap3A_525] {strides = array<i32>} : memref<3x512xi32, #tpu.memory_space<vmem>>, vector<1x16xi32>,
        %swap3A_527 = vector.shape_cast %swap3A_526 : vector<1x16xi32> to vector<16xi32>
        %swap3A_528 = vector.shape_cast %add3A_523 : vector<16xi32> to vector<1x16xi32>
        tpu.vector_store %arg8[%swap3A_524, %swap3A_525], %swap3A_528 {strides = array<i32>} : memref<3x512xi32, #tpu.memory_space<vmem>>, vector<1x16xi32>,
        %get3A_529 = arith.index_cast %rem3A_208 : i32 to index
        %get3A_530 = arith.constant 368 : index
        %get3A_531 = tpu.vector_load %arg8[%get3A_529, %get3A_530] {strides = array<i32>} : memref<3x512xi32, #tpu.memory_space<vmem>>, vector<1x16xi32>,
        %get3A_532 = vector.shape_cast %get3A_531 : vector<1x16xi32> to vector<16xi32>
        %mul3A_533 = arith.constant 2 : i32
        %mul3A_534 = vector.broadcast %mul3A_533 : i32 to vector<16xi32>
        %mul3A_535 = arith.muli %get3A_532, %mul3A_534 : vector<16xi32>
        %add3A_536 = vector.broadcast %arg0 : i32 to vector<16xi32>
        %add3A_537 = arith.addi %mul3A_535, %add3A_536 : vector<16xi32>
        %swap3A_538 = arith.index_cast %rem3A_208 : i32 to index
        %swap3A_539 = arith.constant 368 : index
        %swap3A_540 = tpu.vector_load %arg8[%swap3A_538, %swap3A_539] {strides = array<i32>} : memref<3x512xi32, #tpu.memory_space<vmem>>, vector<1x16xi32>,
        %swap3A_541 = vector.shape_cast %swap3A_540 : vector<1x16xi32> to vector<16xi32>
        %swap3A_542 = vector.shape_cast %add3A_537 : vector<16xi32> to vector<1x16xi32>
        tpu.vector_store %arg8[%swap3A_538, %swap3A_539], %swap3A_542 {strides = array<i32>} : memref<3x512xi32, #tpu.memory_space<vmem>>, vector<1x16xi32>,
        %get3A_543 = arith.index_cast %rem3A_208 : i32 to index
        %get3A_544 = arith.constant 384 : index
        %get3A_545 = tpu.vector_load %arg8[%get3A_543, %get3A_544] {strides = array<i32>} : memref<3x512xi32, #tpu.memory_space<vmem>>, vector<1x16xi32>,
        %get3A_546 = vector.shape_cast %get3A_545 : vector<1x16xi32> to vector<16xi32>
        %mul3A_547 = arith.constant 2 : i32
        %mul3A_548 = vector.broadcast %mul3A_547 : i32 to vector<16xi32>
        %mul3A_549 = arith.muli %get3A_546, %mul3A_548 : vector<16xi32>
        %add3A_550 = vector.broadcast %arg0 : i32 to vector<16xi32>
        %add3A_551 = arith.addi %mul3A_549, %add3A_550 : vector<16xi32>
        %swap3A_552 = arith.index_cast %rem3A_208 : i32 to index
        %swap3A_553 = arith.constant 384 : index
        %swap3A_554 = tpu.vector_load %arg8[%swap3A_552, %swap3A_553] {strides = array<i32>} : memref<3x512xi32, #tpu.memory_space<vmem>>, vector<1x16xi32>,
        %swap3A_555 = vector.shape_cast %swap3A_554 : vector<1x16xi32> to vector<16xi32>
        %swap3A_556 = vector.shape_cast %add3A_551 : vector<16xi32> to vector<1x16xi32>
        tpu.vector_store %arg8[%swap3A_552, %swap3A_553], %swap3A_556 {strides = array<i32>} : memref<3x512xi32, #tpu.memory_space<vmem>>, vector<1x16xi32>,
        %get3A_557 = arith.index_cast %rem3A_208 : i32 to index
        %get3A_558 = arith.constant 400 : index
        %get3A_559 = tpu.vector_load %arg8[%get3A_557, %get3A_558] {strides = array<i32>} : memref<3x512xi32, #tpu.memory_space<vmem>>, vector<1x16xi32>,
        %get3A_560 = vector.shape_cast %get3A_559 : vector<1x16xi32> to vector<16xi32>
        %mul3A_561 = arith.constant 2 : i32
        %mul3A_562 = vector.broadcast %mul3A_561 : i32 to vector<16xi32>
        %mul3A_563 = arith.muli %get3A_560, %mul3A_562 : vector<16xi32>
        %add3A_564 = vector.broadcast %arg0 : i32 to vector<16xi32>
        %add3A_565 = arith.addi %mul3A_563, %add3A_564 : vector<16xi32>
        %swap3A_566 = arith.index_cast %rem3A_208 : i32 to index
        %swap3A_567 = arith.constant 400 : index
        %swap3A_568 = tpu.vector_load %arg8[%swap3A_566, %swap3A_567] {strides = array<i32>} : memref<3x512xi32, #tpu.memory_space<vmem>>, vector<1x16xi32>,
        %swap3A_569 = vector.shape_cast %swap3A_568 : vector<1x16xi32> to vector<16xi32>
        %swap3A_570 = vector.shape_cast %add3A_565 : vector<16xi32> to vector<1x16xi32>
        tpu.vector_store %arg8[%swap3A_566, %swap3A_567], %swap3A_570 {strides = array<i32>} : memref<3x512xi32, #tpu.memory_space<vmem>>, vector<1x16xi32>,
        %get3A_571 = arith.index_cast %rem3A_208 : i32 to index
        %get3A_572 = arith.constant 416 : index
        %get3A_573 = tpu.vector_load %arg8[%get3A_571, %get3A_572] {strides = array<i32>} : memref<3x512xi32, #tpu.memory_space<vmem>>, vector<1x16xi32>,
        %get3A_574 = vector.shape_cast %get3A_573 : vector<1x16xi32> to vector<16xi32>
        %mul3A_575 = arith.constant 2 : i32
        %mul3A_576 = vector.broadcast %mul3A_575 : i32 to vector<16xi32>
        %mul3A_577 = arith.muli %get3A_574, %mul3A_576 : vector<16xi32>
        %add3A_578 = vector.broadcast %arg0 : i32 to vector<16xi32>
        %add3A_579 = arith.addi %mul3A_577, %add3A_578 : vector<16xi32>
        %swap3A_580 = arith.index_cast %rem3A_208 : i32 to index
        %swap3A_581 = arith.constant 416 : index
        %swap3A_582 = tpu.vector_load %arg8[%swap3A_580, %swap3A_581] {strides = array<i32>} : memref<3x512xi32, #tpu.memory_space<vmem>>, vector<1x16xi32>,
        %swap3A_583 = vector.shape_cast %swap3A_582 : vector<1x16xi32> to vector<16xi32>
        %swap3A_584 = vector.shape_cast %add3A_579 : vector<16xi32> to vector<1x16xi32>
        tpu.vector_store %arg8[%swap3A_580, %swap3A_581], %swap3A_584 {strides = array<i32>} : memref<3x512xi32, #tpu.memory_space<vmem>>, vector<1x16xi32>,
        %get3A_585 = arith.index_cast %rem3A_208 : i32 to index
        %get3A_586 = arith.constant 432 : index
        %get3A_587 = tpu.vector_load %arg8[%get3A_585, %get3A_586] {strides = array<i32>} : memref<3x512xi32, #tpu.memory_space<vmem>>, vector<1x16xi32>,
        %get3A_588 = vector.shape_cast %get3A_587 : vector<1x16xi32> to vector<16xi32>
        %mul3A_589 = arith.constant 2 : i32
        %mul3A_590 = vector.broadcast %mul3A_589 : i32 to vector<16xi32>
        %mul3A_591 = arith.muli %get3A_588, %mul3A_590 : vector<16xi32>
        %add3A_592 = vector.broadcast %arg0 : i32 to vector<16xi32>
        %add3A_593 = arith.addi %mul3A_591, %add3A_592 : vector<16xi32>
        %swap3A_594 = arith.index_cast %rem3A_208 : i32 to index
        %swap3A_595 = arith.constant 432 : index
        %swap3A_596 = tpu.vector_load %arg8[%swap3A_594, %swap3A_595] {strides = array<i32>} : memref<3x512xi32, #tpu.memory_space<vmem>>, vector<1x16xi32>,
        %swap3A_597 = vector.shape_cast %swap3A_596 : vector<1x16xi32> to vector<16xi32>
        %swap3A_598 = vector.shape_cast %add3A_593 : vector<16xi32> to vector<1x16xi32>
        tpu.vector_store %arg8[%swap3A_594, %swap3A_595], %swap3A_598 {strides = array<i32>} : memref<3x512xi32, #tpu.memory_space<vmem>>, vector<1x16xi32>,
        %get3A_599 = arith.index_cast %rem3A_208 : i32 to index
        %get3A_600 = arith.constant 448 : index
        %get3A_601 = tpu.vector_load %arg8[%get3A_599, %get3A_600] {strides = array<i32>} : memref<3x512xi32, #tpu.memory_space<vmem>>, vector<1x16xi32>,
        %get3A_602 = vector.shape_cast %get3A_601 : vector<1x16xi32> to vector<16xi32>
        %mul3A_603 = arith.constant 2 : i32
        %mul3A_604 = vector.broadcast %mul3A_603 : i32 to vector<16xi32>
        %mul3A_605 = arith.muli %get3A_602, %mul3A_604 : vector<16xi32>
        %add3A_606 = vector.broadcast %arg0 : i32 to vector<16xi32>
        %add3A_607 = arith.addi %mul3A_605, %add3A_606 : vector<16xi32>
        %swap3A_608 = arith.index_cast %rem3A_208 : i32 to index
        %swap3A_609 = arith.constant 448 : index
        %swap3A_610 = tpu.vector_load %arg8[%swap3A_608, %swap3A_609] {strides = array<i32>} : memref<3x512xi32, #tpu.memory_space<vmem>>, vector<1x16xi32>,
        %swap3A_611 = vector.shape_cast %swap3A_610 : vector<1x16xi32> to vector<16xi32>
        %swap3A_612 = vector.shape_cast %add3A_607 : vector<16xi32> to vector<1x16xi32>
        tpu.vector_store %arg8[%swap3A_608, %swap3A_609], %swap3A_612 {strides = array<i32>} : memref<3x512xi32, #tpu.memory_space<vmem>>, vector<1x16xi32>,
        %get3A_613 = arith.index_cast %rem3A_208 : i32 to index
        %get3A_614 = arith.constant 464 : index
        %get3A_615 = tpu.vector_load %arg8[%get3A_613, %get3A_614] {strides = array<i32>} : memref<3x512xi32, #tpu.memory_space<vmem>>, vector<1x16xi32>,
        %get3A_616 = vector.shape_cast %get3A_615 : vector<1x16xi32> to vector<16xi32>
        %mul3A_617 = arith.constant 2 : i32
        %mul3A_618 = vector.broadcast %mul3A_617 : i32 to vector<16xi32>
        %mul3A_619 = arith.muli %get3A_616, %mul3A_618 : vector<16xi32>
        %add3A_620 = vector.broadcast %arg0 : i32 to vector<16xi32>
        %add3A_621 = arith.addi %mul3A_619, %add3A_620 : vector<16xi32>
        %swap3A_622 = arith.index_cast %rem3A_208 : i32 to index
        %swap3A_623 = arith.constant 464 : index
        %swap3A_624 = tpu.vector_load %arg8[%swap3A_622, %swap3A_623] {strides = array<i32>} : memref<3x512xi32, #tpu.memory_space<vmem>>, vector<1x16xi32>,
        %swap3A_625 = vector.shape_cast %swap3A_624 : vector<1x16xi32> to vector<16xi32>
        %swap3A_626 = vector.shape_cast %add3A_621 : vector<16xi32> to vector<1x16xi32>
        tpu.vector_store %arg8[%swap3A_622, %swap3A_623], %swap3A_626 {strides = array<i32>} : memref<3x512xi32, #tpu.memory_space<vmem>>, vector<1x16xi32>,
        %get3A_627 = arith.index_cast %rem3A_208 : i32 to index
        %get3A_628 = arith.constant 480 : index
        %get3A_629 = tpu.vector_load %arg8[%get3A_627, %get3A_628] {strides = array<i32>} : memref<3x512xi32, #tpu.memory_space<vmem>>, vector<1x16xi32>,
        %get3A_630 = vector.shape_cast %get3A_629 : vector<1x16xi32> to vector<16xi32>
        %mul3A_631 = arith.constant 2 : i32
        %mul3A_632 = vector.broadcast %mul3A_631 : i32 to vector<16xi32>
        %mul3A_633 = arith.muli %get3A_630, %mul3A_632 : vector<16xi32>
        %add3A_634 = vector.broadcast %arg0 : i32 to vector<16xi32>
        %add3A_635 = arith.addi %mul3A_633, %add3A_634 : vector<16xi32>
        %swap3A_636 = arith.index_cast %rem3A_208 : i32 to index
        %swap3A_637 = arith.constant 480 : index
        %swap3A_638 = tpu.vector_load %arg8[%swap3A_636, %swap3A_637] {strides = array<i32>} : memref<3x512xi32, #tpu.memory_space<vmem>>, vector<1x16xi32>,
        %swap3A_639 = vector.shape_cast %swap3A_638 : vector<1x16xi32> to vector<16xi32>
        %swap3A_640 = vector.shape_cast %add3A_635 : vector<16xi32> to vector<1x16xi32>
        tpu.vector_store %arg8[%swap3A_636, %swap3A_637], %swap3A_640 {strides = array<i32>} : memref<3x512xi32, #tpu.memory_space<vmem>>, vector<1x16xi32>,
        %get3A_641 = arith.index_cast %rem3A_208 : i32 to index
        %get3A_642 = arith.constant 496 : index
        %get3A_643 = tpu.vector_load %arg8[%get3A_641, %get3A_642] {strides = array<i32>} : memref<3x512xi32, #tpu.memory_space<vmem>>, vector<1x16xi32>,
        %get3A_644 = vector.shape_cast %get3A_643 : vector<1x16xi32> to vector<16xi32>
        %mul3A_645 = arith.constant 2 : i32
        %mul3A_646 = vector.broadcast %mul3A_645 : i32 to vector<16xi32>
        %mul3A_647 = arith.muli %get3A_644, %mul3A_646 : vector<16xi32>
        %add3A_648 = vector.broadcast %arg0 : i32 to vector<16xi32>
        %add3A_649 = arith.addi %mul3A_647, %add3A_648 : vector<16xi32>
        %swap3A_650 = arith.index_cast %rem3A_208 : i32 to index
        %swap3A_651 = arith.constant 496 : index
        %swap3A_652 = tpu.vector_load %arg8[%swap3A_650, %swap3A_651] {strides = array<i32>} : memref<3x512xi32, #tpu.memory_space<vmem>>, vector<1x16xi32>,
        %swap3A_653 = vector.shape_cast %swap3A_652 : vector<1x16xi32> to vector<16xi32>
        %swap3A_654 = vector.shape_cast %add3A_649 : vector<16xi32> to vector<1x16xi32>
        tpu.vector_store %arg8[%swap3A_650, %swap3A_651], %swap3A_654 {strides = array<i32>} : memref<3x512xi32, #tpu.memory_space<vmem>>, vector<1x16xi32>,
        %rem3A_655 = arith.constant 2 : i32
        %rem3A_656 = arith.remsi %scan3A_140, %rem3A_655 : i32
        %mul3A_657 = arith.constant 512 : i32
        %mul3A_658 = arith.muli %rem3A_656, %mul3A_657 : i32
        %dma_start3A_659 = arith.constant 0 : i32
        %dma_start3A_660 = tpu.memref_slice %arg10[%mul3A_658, %dma_start3A_659] : memref<1024x32xbf16, #tpu.memory_space<vmem>> -> memref<512x32xbf16, #tpu.memory_space<vmem>>
        %dma_start3A_661 = arith.constant 0 : i32
        %dma_start3A_662 = tpu.memref_slice %arg8[%rem3A_208, %dma_start3A_661] : memref<3x512xi32, #tpu.memory_space<vmem>> -> memref<1x512xi32, #tpu.memory_space<vmem>>
        %dma_start3A_663 = tpu.memref_squeeze %dma_start3A_662 : memref<1x512xi32, #tpu.memory_space<vmem>> -> memref<512xi32, #tpu.memory_space<vmem>>
        %dma_start3A_664 = arith.constant 0 : i32
        %dma_start3A_665 = arith.constant 0 : i32
        %dma_start3A_666 = tpu.memref_slice %arg3[%dma_start3A_664, %dma_start3A_665] : memref<200000x32xbf16, #tpu.memory_space<hbm>> -> memref<200000x32xbf16, #tpu.memory_space<hbm>>
        tpu.enqueue_indirect_dma source(%dma_start3A_666 : memref<200000x32xbf16, #tpu.memory_space<hbm>>) target(%dma_start3A_660 : memref<512x32xbf16, #tpu.memory_space<vmem>>) offsets(%dma_start3A_663 : memref<512xi32, #tpu.memory_space<vmem>>) semaphore(%arg12 : memref<!tpu.dma_semaphore, #tpu.memory_space<semaphore_mem>>)
      } else {
      }
      %add3A_149 = arith.constant 1 : i32
      %add3A_150 = arith.addi %scan3A_140, %add3A_149 : i32
      %lt3A_151 = arith.constant 196 : i32
      %lt3A_152 = arith.cmpi slt, %add3A_150, %lt3A_151 : i32
      %convert_element_type3A_153 = arith.extui %lt3A_152 : i1 to i32
      %cond3A_154 = arith.constant 0 : i32
      %cond3A_155 = arith.cmpi ne, %convert_element_type3A_153, %cond3A_154 : i32
      scf.if %cond3A_155 {
        %add3A_164 = arith.constant 1 : i32
        %add3A_165 = arith.addi %scan3A_140, %add3A_164 : i32
        %rem3A_166 = arith.constant 3 : i32
        %rem3A_167 = arith.remsi %add3A_165, %rem3A_166 : i32
        %add3A_168 = arith.addi %mul3A_78, %add3A_165 : i32
        %dma_start3A_169 = arith.constant 0 : i32
        %dma_start3A_170 = tpu.memref_slice %arg8[%rem3A_167, %dma_start3A_169] : memref<3x512xi32, #tpu.memory_space<vmem>> -> memref<1x512xi32, #tpu.memory_space<vmem>>
        %dma_start3A_171 = tpu.memref_squeeze %dma_start3A_170 : memref<1x512xi32, #tpu.memory_space<vmem>> -> memref<512xi32, #tpu.memory_space<vmem>>
        %dma_start3A_172 = arith.constant 0 : i32
        %dma_start3A_173 = arith.constant 0 : i32
        %dma_start3A_174 = tpu.memref_slice %arg4[%scan3A_129, %dma_start3A_172, %dma_start3A_173] : memref<4x3136x512xi32, #tpu.memory_space<hbm>> -> memref<1x3136x512xi32, #tpu.memory_space<hbm>>
        %dma_start3A_175 = tpu.memref_squeeze %dma_start3A_174 : memref<1x3136x512xi32, #tpu.memory_space<hbm>> -> memref<3136x512xi32, #tpu.memory_space<hbm>>
        %dma_start3A_176 = arith.constant 0 : i32
        %dma_start3A_177 = tpu.memref_slice %dma_start3A_175[%add3A_168, %dma_start3A_176] : memref<3136x512xi32, #tpu.memory_space<hbm>> -> memref<1x512xi32, #tpu.memory_space<hbm>>
        %dma_start3A_178 = tpu.memref_squeeze %dma_start3A_177 : memref<1x512xi32, #tpu.memory_space<hbm>> -> memref<512xi32, #tpu.memory_space<hbm>>
        %dma_start3A_179 = arith.constant 0 : i32
        %dma_start3A_180 = tpu.memref_slice %arg8[%rem3A_167, %dma_start3A_179] : memref<3x512xi32, #tpu.memory_space<vmem>> -> memref<1x512xi32, #tpu.memory_space<vmem>>
        %dma_start3A_181 = tpu.memref_squeeze %dma_start3A_180 : memref<1x512xi32, #tpu.memory_space<vmem>> -> memref<512xi32, #tpu.memory_space<vmem>>
        %dma_start3A_182 = arith.constant 0 : i32
        %dma_start3A_183 = arith.constant 0 : i32
        %dma_start3A_184 = tpu.memref_slice %arg4[%scan3A_129, %dma_start3A_182, %dma_start3A_183] : memref<4x3136x512xi32, #tpu.memory_space<hbm>> -> memref<1x3136x512xi32, #tpu.memory_space<hbm>>
        %dma_start3A_185 = tpu.memref_squeeze %dma_start3A_184 : memref<1x3136x512xi32, #tpu.memory_space<hbm>> -> memref<3136x512xi32, #tpu.memory_space<hbm>>
        %dma_start3A_186 = arith.constant 0 : i32
        %dma_start3A_187 = tpu.memref_slice %dma_start3A_185[%add3A_168, %dma_start3A_186] : memref<3136x512xi32, #tpu.memory_space<hbm>> -> memref<1x512xi32, #tpu.memory_space<hbm>>
        %dma_start3A_188 = tpu.memref_squeeze %dma_start3A_187 : memref<1x512xi32, #tpu.memory_space<hbm>> -> memref<512xi32, #tpu.memory_space<hbm>>
        tpu.enqueue_dma source(%dma_start3A_188 : memref<512xi32, #tpu.memory_space<hbm>>) target(%dma_start3A_181 : memref<512xi32, #tpu.memory_space<vmem>>) target_semaphore(%arg14 : memref<!tpu.dma_semaphore, #tpu.memory_space<semaphore_mem>>)
        %add3A_189 = arith.addi %mul3A_78, %add3A_165 : i32
        %dma_start3A_190 = arith.constant 0 : i32
        %dma_start3A_191 = tpu.memref_slice %arg9[%rem3A_167, %dma_start3A_190] : memref<3x512xi32, #tpu.memory_space<vmem>> -> memref<1x512xi32, #tpu.memory_space<vmem>>
        %dma_start3A_192 = tpu.memref_squeeze %dma_start3A_191 : memref<1x512xi32, #tpu.memory_space<vmem>> -> memref<512xi32, #tpu.memory_space<vmem>>
        %dma_start3A_193 = arith.constant 0 : i32
        %dma_start3A_194 = arith.constant 0 : i32
        %dma_start3A_195 = tpu.memref_slice %arg4[%scan3A_130, %dma_start3A_193, %dma_start3A_194] : memref<4x3136x512xi32, #tpu.memory_space<hbm>> -> memref<1x3136x512xi32, #tpu.memory_space<hbm>>
        %dma_start3A_196 = tpu.memref_squeeze %dma_start3A_195 : memref<1x3136x512xi32, #tpu.memory_space<hbm>> -> memref<3136x512xi32, #tpu.memory_space<hbm>>
        %dma_start3A_197 = arith.constant 0 : i32
        %dma_start3A_198 = tpu.memref_slice %dma_start3A_196[%add3A_189, %dma_start3A_197] : memref<3136x512xi32, #tpu.memory_space<hbm>> -> memref<1x512xi32, #tpu.memory_space<hbm>>
        %dma_start3A_199 = tpu.memref_squeeze %dma_start3A_198 : memref<1x512xi32, #tpu.memory_space<hbm>> -> memref<512xi32, #tpu.memory_space<hbm>>
        %dma_start3A_200 = arith.constant 0 : i32
        %dma_start3A_201 = tpu.memref_slice %arg9[%rem3A_167, %dma_start3A_200] : memref<3x512xi32, #tpu.memory_space<vmem>> -> memref<1x512xi32, #tpu.memory_space<vmem>>
        %dma_start3A_202 = tpu.memref_squeeze %dma_start3A_201 : memref<1x512xi32, #tpu.memory_space<vmem>> -> memref<512xi32, #tpu.memory_space<vmem>>
        %dma_start3A_203 = arith.constant 0 : i32
        %dma_start3A_204 = arith.constant 0 : i32
        %dma_start3A_205 = tpu.memref_slice %arg4[%scan3A_130, %dma_start3A_203, %dma_start3A_204] : memref<4x3136x512xi32, #tpu.memory_space<hbm>> -> memref<1x3136x512xi32, #tpu.memory_space<hbm>>
        %dma_start3A_206 = tpu.memref_squeeze %dma_start3A_205 : memref<1x3136x512xi32, #tpu.memory_space<hbm>> -> memref<3136x512xi32, #tpu.memory_space<hbm>>
        %dma_start3A_207 = arith.constant 0 : i32
        %dma_start3A_208 = tpu.memref_slice %dma_start3A_206[%add3A_189, %dma_start3A_207] : memref<3136x512xi32, #tpu.memory_space<hbm>> -> memref<1x512xi32, #tpu.memory_space<hbm>>
        %dma_start3A_209 = tpu.memref_squeeze %dma_start3A_208 : memref<1x512xi32, #tpu.memory_space<hbm>> -> memref<512xi32, #tpu.memory_space<hbm>>
        tpu.enqueue_dma source(%dma_start3A_209 : memref<512xi32, #tpu.memory_space<hbm>>) target(%dma_start3A_202 : memref<512xi32, #tpu.memory_space<vmem>>) target_semaphore(%arg14 : memref<!tpu.dma_semaphore, #tpu.memory_space<semaphore_mem>>)
      } else {
      }
      %ge3A_156 = arith.constant 1 : i32
      %ge3A_157 = arith.cmpi sge, %scan3A_140, %ge3A_156 : i32
      %lt3A_158 = arith.constant 197 : i32
      %lt3A_159 = arith.cmpi slt, %scan3A_140, %lt3A_158 : i32
      %and3A_160 = arith.andi %ge3A_157, %lt3A_159 : i1
      %convert_element_type3A_161 = arith.extui %and3A_160 : i1 to i32
      %cond3A_162 = arith.constant 0 : i32
      %cond3A_163 = arith.cmpi ne, %convert_element_type3A_161, %cond3A_162 : i32
      scf.if %cond3A_163 {
        %sub3A = arith.constant 1 : i32
        %sub3A_164 = arith.subi %scan3A_140, %sub3A : i32
        %rem3A_165 = arith.constant 2 : i32
        %rem3A_166 = arith.remsi %sub3A_164, %rem3A_165 : i32
        %mul3A_167 = arith.constant 512 : i32
        %mul3A_168 = arith.muli %rem3A_166, %mul3A_167 : i32
        %dma_wait3A = arith.constant 0 : i32
        %dma_wait3A_169 = tpu.memref_slice %arg10[%mul3A_168, %dma_wait3A] : memref<1024x32xbf16, #tpu.memory_space<vmem>> -> memref<512x32xbf16, #tpu.memory_space<vmem>>
        %dma_wait3A_170 = arith.constant 0 : i32
        %dma_wait3A_171 = arith.constant 0 : i32
        %dma_wait3A_172 = tpu.memref_slice %arg3[%dma_wait3A_170, %dma_wait3A_171] : memref<200000x32xbf16, #tpu.memory_space<hbm>> -> memref<512x32xbf16, #tpu.memory_space<hbm>>
        %dma_wait3A_173 = arith.constant 0 : i32
        %dma_wait3A_174 = tpu.memref_slice %arg10[%mul3A_168, %dma_wait3A_173] : memref<1024x32xbf16, #tpu.memory_space<vmem>> -> memref<512x32xbf16, #tpu.memory_space<vmem>>
        %dma_wait3A_175 = arith.constant 0 : i32
        %dma_wait3A_176 = arith.constant 0 : i32
        %dma_wait3A_177 = tpu.memref_slice %arg3[%dma_wait3A_175, %dma_wait3A_176] : memref<200000x32xbf16, #tpu.memory_space<hbm>> -> memref<512x32xbf16, #tpu.memory_space<hbm>>
        tpu.wait_dma2 semaphore(%arg12 : memref<!tpu.dma_semaphore, #tpu.memory_space<semaphore_mem>>) src(%dma_wait3A_177 : memref<512x32xbf16, #tpu.memory_space<hbm>>) dst(%dma_wait3A_174 : memref<512x32xbf16, #tpu.memory_space<vmem>>)
        %rem3A_178 = arith.constant 2 : i32
        %rem3A_179 = arith.remsi %sub3A_164, %rem3A_178 : i32
        %mul3A_180 = arith.constant 512 : i32
        %mul3A_181 = arith.muli %rem3A_179, %mul3A_180 : i32
        %rem3A_182 = arith.constant 3 : i32
        %rem3A_183 = arith.remsi %sub3A_164, %rem3A_182 : i32
        %dma_start3A_184 = arith.constant 0 : i32
        %dma_start3A_185 = tpu.memref_slice %arg10[%mul3A_181, %dma_start3A_184] : memref<1024x32xbf16, #tpu.memory_space<vmem>> -> memref<512x32xbf16, #tpu.memory_space<vmem>>
        %dma_start3A_186 = arith.constant 0 : i32
        %dma_start3A_187 = tpu.memref_slice %arg9[%rem3A_183, %dma_start3A_186] : memref<3x512xi32, #tpu.memory_space<vmem>> -> memref<1x512xi32, #tpu.memory_space<vmem>>
        %dma_start3A_188 = tpu.memref_squeeze %dma_start3A_187 : memref<1x512xi32, #tpu.memory_space<vmem>> -> memref<512xi32, #tpu.memory_space<vmem>>
        %dma_start3A_189 = arith.constant 0 : i32
        %dma_start3A_190 = arith.constant 0 : i32
        %dma_start3A_191 = tpu.memref_slice %arg7[%dma_start3A_189, %dma_start3A_190] : memref<100008x32xbf16, #tpu.memory_space<vmem_shared>> -> memref<100008x32xbf16, #tpu.memory_space<vmem_shared>>
        tpu.enqueue_indirect_dma source(%dma_start3A_185 : memref<512x32xbf16, #tpu.memory_space<vmem>>) target(%dma_start3A_191 : memref<100008x32xbf16, #tpu.memory_space<vmem_shared>>) offsets(%dma_start3A_188 : memref<512xi32, #tpu.memory_space<vmem>>) semaphore(%arg13 : memref<!tpu.dma_semaphore, #tpu.memory_space<semaphore_mem>>) {add = true}
      } else {
      }
    }
    %scan3A_135 = arith.constant 198 : i32
    %barrier3A_136 = arith.constant 0 : index
    tpu.barrier barrier_id(%barrier3A_136)
    %mul3A_137 = arith.constant 6250 : i32
    %mul3A_138 = arith.muli %arg1, %mul3A_137 : i32
    "tpu.region"() ({
      %run_scoped3A = tpu.sem_alloc : memref<!tpu.dma_semaphore, #tpu.memory_space<semaphore_mem>>
      %dma_start3A_140 = arith.constant 0 : i32
      %dma_start3A_141 = tpu.memref_slice %arg6[%mul3A_138, %arg0, %dma_start3A_140] : memref<100000x2x32xbf16, #tpu.memory_space<hbm>> -> memref<6250x1x32xbf16, #tpu.memory_space<hbm>>
      %dma_start3A_142 = tpu.memref_squeeze %dma_start3A_141 : memref<6250x1x32xbf16, #tpu.memory_space<hbm>> -> memref<6250x32xbf16, #tpu.memory_space<hbm>>
      %dma_start3A_143 = arith.constant 0 : i32
      %dma_start3A_144 = tpu.memref_slice %arg7[%mul3A_138, %dma_start3A_143] : memref<100008x32xbf16, #tpu.memory_space<vmem_shared>> -> memref<6250x32xbf16, #tpu.memory_space<vmem_shared>>
      tpu.enqueue_dma source(%dma_start3A_144 : memref<6250x32xbf16, #tpu.memory_space<vmem_shared>>) target(%dma_start3A_142 : memref<6250x32xbf16, #tpu.memory_space<hbm>>) target_semaphore(%run_scoped3A : memref<!tpu.dma_semaphore, #tpu.memory_space<semaphore_mem>>)
      %dma_wait3A = arith.constant 0 : i32
      %dma_wait3A_145 = tpu.memref_slice %arg6[%mul3A_138, %arg0, %dma_wait3A] : memref<100000x2x32xbf16, #tpu.memory_space<hbm>> -> memref<6250x1x32xbf16, #tpu.memory_space<hbm>>
      %dma_wait3A_146 = tpu.memref_squeeze %dma_wait3A_145 : memref<6250x1x32xbf16, #tpu.memory_space<hbm>> -> memref<6250x32xbf16, #tpu.memory_space<hbm>>
      %dma_wait3A_147 = arith.constant 0 : i32
      %dma_wait3A_148 = tpu.memref_slice %arg7[%mul3A_138, %dma_wait3A_147] : memref<100008x32xbf16, #tpu.memory_space<vmem_shared>> -> memref<6250x32xbf16, #tpu.memory_space<vmem_shared>>
      tpu.wait_dma2 semaphore(%run_scoped3A : memref<!tpu.dma_semaphore, #tpu.memory_space<semaphore_mem>>) src(%dma_wait3A_148 : memref<6250x32xbf16, #tpu.memory_space<vmem_shared>>) dst(%dma_wait3A_146 : memref<6250x32xbf16, #tpu.memory_space<hbm>>)
      tpu.yield
    }) : () -> ()
    %barrier3A_139 = arith.constant 0 : index
    tpu.barrier barrier_id(%barrier3A_139)
    return
  }
}

#map = affine_map<(d0, d1) -> (0, 0)>
#map1 = affine_map<(d0, d1) -> (0, 0, 0)>
module attributes {stable_mosaic.version = 14 : i64} {
  func.func @_sc_body(%arg0: i32, %arg1: i32, %arg2: memref<200000x32xbf16, #tpu.memory_space<hbm>>, %arg3: memref<200000x32xbf16, #tpu.memory_space<hbm>>, %arg4: memref<4x3136x512xi32, #tpu.memory_space<hbm>>, %arg5: memref<100000x2x32xbf16, #tpu.memory_space<hbm>>, %arg6: memref<100000x2x32xbf16, #tpu.memory_space<hbm>>, %arg7: memref<100008x32xbf16, #tpu.memory_space<vmem_shared>>, %arg8: memref<3x512xi32, #tpu.memory_space<vmem>>, %arg9: memref<3x512xi32, #tpu.memory_space<vmem>>, %arg10: memref<1024x32xbf16, #tpu.memory_space<vmem>>, %arg11: memref<250x32xbf16, #tpu.memory_space<vmem>>, %arg12: memref<!tpu.dma_semaphore, #tpu.memory_space<semaphore_mem>>, %arg13: memref<!tpu.dma_semaphore, #tpu.memory_space<semaphore_mem>>, %arg14: memref<!tpu.dma_semaphore, #tpu.memory_space<semaphore_mem>>) attributes {dimension_semantics = [#tpu.dimension_semantics<core_parallel>, #tpu.dimension_semantics<subcore_parallel>], iteration_bounds = array<i64: 2, 16>, scalar_prefetch = 0 : i64, scratch_operands = 8 : i64, tpu.core_type = #tpu.core_type<sc_vector_subcore>, window_params = [{transform_indices = #map}, {transform_indices = #map}, {transform_indices = #map1}, {transform_indices = #map1}, {transform_indices = #map1}]} {
    %scan3A = arith.constant 0 : i32
    %scan3A_0 = arith.constant 0 : i32
    %scan3A_1 = arith.constant 250 : i32
    %scan3A_2 = arith.addi %scan3A_0, %scan3A_1 : i32
    %scan3A_3 = arith.constant 1 : i32
    scf.for %scan3A_140 = %scan3A_0 to %scan3A_2 step %scan3A_3  : i32 {
      %broadcast_in_dim3A = arith.constant 0.000000e+00 : bf16
      %broadcast_in_dim3A_141 = vector.broadcast %broadcast_in_dim3A : bf16 to vector<32xbf16>
      %swap3A = arith.index_cast %scan3A_140 : i32 to index
      %swap3A_142 = arith.constant 0 : index
      %swap3A_143 = tpu.vector_load %arg11[%swap3A, %swap3A_142] {strides = array<i32>} : memref<250x32xbf16, #tpu.memory_space<vmem>>, vector<1x32xbf16>,
      %swap3A_144 = vector.shape_cast %swap3A_143 : vector<1x32xbf16> to vector<32xbf16>
      %swap3A_145 = vector.shape_cast %broadcast_in_dim3A_141 : vector<32xbf16> to vector<1x32xbf16>
      tpu.vector_store %arg11[%swap3A, %swap3A_142], %swap3A_145 {strides = array<i32>} : memref<250x32xbf16, #tpu.memory_space<vmem>>, vector<1x32xbf16>,
    }
    %scan3A_4 = arith.constant 250 : i32
    %scan3A_5 = arith.constant 0 : i32
    %scan3A_6 = arith.constant 0 : i32
    %scan3A_7 = arith.constant 25 : i32
    %scan3A_8 = arith.addi %scan3A_6, %scan3A_7 : i32
    %scan3A_9 = arith.constant 1 : i32
    scf.for %scan3A_140 = %scan3A_6 to %scan3A_8 step %scan3A_9  : i32 {
      %mul3A_141 = arith.constant 6250 : i32
      %mul3A_142 = arith.muli %arg1, %mul3A_141 : i32
      %mul3A_143 = arith.constant 250 : i32
      %mul3A_144 = arith.muli %scan3A_140, %mul3A_143 : i32
      %add3A_145 = arith.addi %mul3A_142, %mul3A_144 : i32
      "tpu.region"() ({
        %run_scoped3A = tpu.sem_alloc : memref<!tpu.dma_semaphore, #tpu.memory_space<semaphore_mem>>
        %dma_start3A_146 = arith.constant 0 : i32
        %dma_start3A_147 = tpu.memref_slice %arg7[%add3A_145, %dma_start3A_146] : memref<100008x32xbf16, #tpu.memory_space<vmem_shared>> -> memref<250x32xbf16, #tpu.memory_space<vmem_shared>>
        %dma_start3A_148 = arith.constant 0 : i32
        %dma_start3A_149 = tpu.memref_slice %arg7[%add3A_145, %dma_start3A_148] : memref<100008x32xbf16, #tpu.memory_space<vmem_shared>> -> memref<250x32xbf16, #tpu.memory_space<vmem_shared>>
        tpu.enqueue_dma source(%arg11 : memref<250x32xbf16, #tpu.memory_space<vmem>>) target(%dma_start3A_149 : memref<250x32xbf16, #tpu.memory_space<vmem_shared>>) target_semaphore(%run_scoped3A : memref<!tpu.dma_semaphore, #tpu.memory_space<semaphore_mem>>)
        %dma_wait3A = arith.constant 0 : i32
        %dma_wait3A_150 = tpu.memref_slice %arg7[%add3A_145, %dma_wait3A] : memref<100008x32xbf16, #tpu.memory_space<vmem_shared>> -> memref<250x32xbf16, #tpu.memory_space<vmem_shared>>
        %dma_wait3A_151 = arith.constant 0 : i32
        %dma_wait3A_152 = tpu.memref_slice %arg7[%add3A_145, %dma_wait3A_151] : memref<100008x32xbf16, #tpu.memory_space<vmem_shared>> -> memref<250x32xbf16, #tpu.memory_space<vmem_shared>>
        tpu.wait_dma2 semaphore(%run_scoped3A : memref<!tpu.dma_semaphore, #tpu.memory_space<semaphore_mem>>) src(%arg11 : memref<250x32xbf16, #tpu.memory_space<vmem>>) dst(%dma_wait3A_152 : memref<250x32xbf16, #tpu.memory_space<vmem_shared>>)
        tpu.yield
      }) : () -> ()
    }
    %scan3A_10 = arith.constant 25 : i32
    %barrier3A = arith.constant 0 : index
    tpu.barrier barrier_id(%barrier3A)
    %mul3A = arith.constant 196 : i32
    %mul3A_11 = arith.muli %arg1, %mul3A : i32
    %rem3A = arith.constant 0 : i32
    %rem3A_12 = arith.constant 3 : i32
    %rem3A_13 = arith.remsi %rem3A, %rem3A_12 : i32
    %add3A = arith.constant 0 : i32
    %add3A_14 = arith.addi %mul3A_11, %add3A : i32
    %dma_start3A = arith.constant 0 : i32
    %dma_start3A_15 = arith.constant 0 : i32
    %dma_start3A_16 = tpu.memref_slice %arg8[%rem3A_13, %dma_start3A_15] : memref<3x512xi32, #tpu.memory_space<vmem>> -> memref<1x512xi32, #tpu.memory_space<vmem>>
    %dma_start3A_17 = tpu.memref_squeeze %dma_start3A_16 : memref<1x512xi32, #tpu.memory_space<vmem>> -> memref<512xi32, #tpu.memory_space<vmem>>
    %dma_start3A_18 = arith.constant 0 : i32
    %dma_start3A_19 = arith.constant 0 : i32
    %dma_start3A_20 = tpu.memref_slice %arg4[%dma_start3A, %dma_start3A_18, %dma_start3A_19] : memref<4x3136x512xi32, #tpu.memory_space<hbm>> -> memref<1x3136x512xi32, #tpu.memory_space<hbm>>
    %dma_start3A_21 = tpu.memref_squeeze %dma_start3A_20 : memref<1x3136x512xi32, #tpu.memory_space<hbm>> -> memref<3136x512xi32, #tpu.memory_space<hbm>>
    %dma_start3A_22 = arith.constant 0 : i32
    %dma_start3A_23 = tpu.memref_slice %dma_start3A_21[%add3A_14, %dma_start3A_22] : memref<3136x512xi32, #tpu.memory_space<hbm>> -> memref<1x512xi32, #tpu.memory_space<hbm>>
    %dma_start3A_24 = tpu.memref_squeeze %dma_start3A_23 : memref<1x512xi32, #tpu.memory_space<hbm>> -> memref<512xi32, #tpu.memory_space<hbm>>
    %dma_start3A_25 = arith.constant 0 : i32
    %dma_start3A_26 = tpu.memref_slice %arg8[%rem3A_13, %dma_start3A_25] : memref<3x512xi32, #tpu.memory_space<vmem>> -> memref<1x512xi32, #tpu.memory_space<vmem>>
    %dma_start3A_27 = tpu.memref_squeeze %dma_start3A_26 : memref<1x512xi32, #tpu.memory_space<vmem>> -> memref<512xi32, #tpu.memory_space<vmem>>
    %dma_start3A_28 = arith.constant 0 : i32
    %dma_start3A_29 = arith.constant 0 : i32
    %dma_start3A_30 = tpu.memref_slice %arg4[%dma_start3A, %dma_start3A_28, %dma_start3A_29] : memref<4x3136x512xi32, #tpu.memory_space<hbm>> -> memref<1x3136x512xi32, #tpu.memory_space<hbm>>
    %dma_start3A_31 = tpu.memref_squeeze %dma_start3A_30 : memref<1x3136x512xi32, #tpu.memory_space<hbm>> -> memref<3136x512xi32, #tpu.memory_space<hbm>>
    %dma_start3A_32 = arith.constant 0 : i32
    %dma_start3A_33 = tpu.memref_slice %dma_start3A_31[%add3A_14, %dma_start3A_32] : memref<3136x512xi32, #tpu.memory_space<hbm>> -> memref<1x512xi32, #tpu.memory_space<hbm>>
    %dma_start3A_34 = tpu.memref_squeeze %dma_start3A_33 : memref<1x512xi32, #tpu.memory_space<hbm>> -> memref<512xi32, #tpu.memory_space<hbm>>
    tpu.enqueue_dma source(%dma_start3A_34 : memref<512xi32, #tpu.memory_space<hbm>>) target(%dma_start3A_27 : memref<512xi32, #tpu.memory_space<vmem>>) target_semaphore(%arg14 : memref<!tpu.dma_semaphore, #tpu.memory_space<semaphore_mem>>)
    %add3A_35 = arith.constant 0 : i32
    %add3A_36 = arith.addi %mul3A_11, %add3A_35 : i32
    %dma_start3A_37 = arith.constant 2 : i32
    %dma_start3A_38 = arith.constant 0 : i32
    %dma_start3A_39 = tpu.memref_slice %arg9[%rem3A_13, %dma_start3A_38] : memref<3x512xi32, #tpu.memory_space<vmem>> -> memref<1x512xi32, #tpu.memory_space<vmem>>
    %dma_start3A_40 = tpu.memref_squeeze %dma_start3A_39 : memref<1x512xi32, #tpu.memory_space<vmem>> -> memref<512xi32, #tpu.memory_space<vmem>>
    %dma_start3A_41 = arith.constant 0 : i32
    %dma_start3A_42 = arith.constant 0 : i32
    %dma_start3A_43 = tpu.memref_slice %arg4[%dma_start3A_37, %dma_start3A_41, %dma_start3A_42] : memref<4x3136x512xi32, #tpu.memory_space<hbm>> -> memref<1x3136x512xi32, #tpu.memory_space<hbm>>
    %dma_start3A_44 = tpu.memref_squeeze %dma_start3A_43 : memref<1x3136x512xi32, #tpu.memory_space<hbm>> -> memref<3136x512xi32, #tpu.memory_space<hbm>>
    %dma_start3A_45 = arith.constant 0 : i32
    %dma_start3A_46 = tpu.memref_slice %dma_start3A_44[%add3A_36, %dma_start3A_45] : memref<3136x512xi32, #tpu.memory_space<hbm>> -> memref<1x512xi32, #tpu.memory_space<hbm>>
    %dma_start3A_47 = tpu.memref_squeeze %dma_start3A_46 : memref<1x512xi32, #tpu.memory_space<hbm>> -> memref<512xi32, #tpu.memory_space<hbm>>
    %dma_start3A_48 = arith.constant 0 : i32
    %dma_start3A_49 = tpu.memref_slice %arg9[%rem3A_13, %dma_start3A_48] : memref<3x512xi32, #tpu.memory_space<vmem>> -> memref<1x512xi32, #tpu.memory_space<vmem>>
    %dma_start3A_50 = tpu.memref_squeeze %dma_start3A_49 : memref<1x512xi32, #tpu.memory_space<vmem>> -> memref<512xi32, #tpu.memory_space<vmem>>
    %dma_start3A_51 = arith.constant 0 : i32
    %dma_start3A_52 = arith.constant 0 : i32
    %dma_start3A_53 = tpu.memref_slice %arg4[%dma_start3A_37, %dma_start3A_51, %dma_start3A_52] : memref<4x3136x512xi32, #tpu.memory_space<hbm>> -> memref<1x3136x512xi32, #tpu.memory_space<hbm>>
    %dma_start3A_54 = tpu.memref_squeeze %dma_start3A_53 : memref<1x3136x512xi32, #tpu.memory_space<hbm>> -> memref<3136x512xi32, #tpu.memory_space<hbm>>
    %dma_start3A_55 = arith.constant 0 : i32
    %dma_start3A_56 = tpu.memref_slice %dma_start3A_54[%add3A_36, %dma_start3A_55] : memref<3136x512xi32, #tpu.memory_space<hbm>> -> memref<1x512xi32, #tpu.memory_space<hbm>>
    %dma_start3A_57 = tpu.memref_squeeze %dma_start3A_56 : memref<1x512xi32, #tpu.memory_space<hbm>> -> memref<512xi32, #tpu.memory_space<hbm>>
    tpu.enqueue_dma source(%dma_start3A_57 : memref<512xi32, #tpu.memory_space<hbm>>) target(%dma_start3A_50 : memref<512xi32, #tpu.memory_space<vmem>>) target_semaphore(%arg14 : memref<!tpu.dma_semaphore, #tpu.memory_space<semaphore_mem>>)
    %scan3A_58 = arith.constant 0 : i32
    %scan3A_59 = arith.constant 0 : i32
    %scan3A_60 = arith.constant 2 : i32
    %scan3A_61 = arith.constant 0 : i32
    %scan3A_62 = arith.constant 198 : i32
    %scan3A_63 = arith.addi %scan3A_61, %scan3A_62 : i32
    %scan3A_64 = arith.constant 1 : i32
    scf.for %scan3A_140 = %scan3A_61 to %scan3A_63 step %scan3A_64  : i32 {
      %ge3A = arith.constant 2 : i32
      %ge3A_141 = arith.cmpi sge, %scan3A_140, %ge3A : i32
      %lt3A = arith.constant 198 : i32
      %lt3A_142 = arith.cmpi slt, %scan3A_140, %lt3A : i32
      %and3A = arith.andi %ge3A_141, %lt3A_142 : i1
      %convert_element_type3A = arith.extui %and3A : i1 to i32
      %cond3A = arith.constant 0 : i32
      %cond3A_143 = arith.cmpi ne, %convert_element_type3A, %cond3A : i32
      scf.if %cond3A_143 {
        %dma_wait3A = arith.constant 0 : i32
        %dma_wait3A_164 = arith.constant 0 : i32
        %dma_wait3A_165 = tpu.memref_slice %arg7[%dma_wait3A, %dma_wait3A_164] : memref<100008x32xbf16, #tpu.memory_space<vmem_shared>> -> memref<512x32xbf16, #tpu.memory_space<vmem_shared>>
        %dma_wait3A_166 = arith.constant 0 : i32
        %dma_wait3A_167 = arith.constant 0 : i32
        %dma_wait3A_168 = tpu.memref_slice %arg2[%dma_wait3A_166, %dma_wait3A_167] : memref<200000x32xbf16, #tpu.memory_space<hbm>> -> memref<512x32xbf16, #tpu.memory_space<hbm>>
        tpu.wait_dma2 semaphore(%arg13 : memref<!tpu.dma_semaphore, #tpu.memory_space<semaphore_mem>>) src(%dma_wait3A_168 : memref<512x32xbf16, #tpu.memory_space<hbm>>) dst(%dma_wait3A_165 : memref<512x32xbf16, #tpu.memory_space<vmem_shared>>)
      } else {
      }
      %lt3A_144 = arith.constant 196 : i32
      %lt3A_145 = arith.cmpi slt, %scan3A_140, %lt3A_144 : i32
      %convert_element_type3A_146 = arith.extui %lt3A_145 : i1 to i32
      %cond3A_147 = arith.constant 0 : i32
      %cond3A_148 = arith.cmpi ne, %convert_element_type3A_146, %cond3A_147 : i32
      scf.if %cond3A_148 {
        %dma_wait3A = arith.constant 0 : i32
        %dma_wait3A_164 = arith.constant 0 : i32
        %dma_wait3A_165 = arith.constant 0 : i32
        %dma_wait3A_166 = tpu.memref_slice %arg8[%dma_wait3A_164, %dma_wait3A_165] : memref<3x512xi32, #tpu.memory_space<vmem>> -> memref<1x512xi32, #tpu.memory_space<vmem>>
        %dma_wait3A_167 = tpu.memref_squeeze %dma_wait3A_166 : memref<1x512xi32, #tpu.memory_space<vmem>> -> memref<512xi32, #tpu.memory_space<vmem>>
        %dma_wait3A_168 = arith.constant 0 : i32
        %dma_wait3A_169 = arith.constant 0 : i32
        %dma_wait3A_170 = tpu.memref_slice %arg4[%scan3A_59, %dma_wait3A_168, %dma_wait3A_169] : memref<4x3136x512xi32, #tpu.memory_space<hbm>> -> memref<1x3136x512xi32, #tpu.memory_space<hbm>>
        %dma_wait3A_171 = tpu.memref_squeeze %dma_wait3A_170 : memref<1x3136x512xi32, #tpu.memory_space<hbm>> -> memref<3136x512xi32, #tpu.memory_space<hbm>>
        %dma_wait3A_172 = arith.constant 0 : i32
        %dma_wait3A_173 = tpu.memref_slice %dma_wait3A_171[%dma_wait3A, %dma_wait3A_172] : memref<3136x512xi32, #tpu.memory_space<hbm>> -> memref<1x512xi32, #tpu.memory_space<hbm>>
        %dma_wait3A_174 = tpu.memref_squeeze %dma_wait3A_173 : memref<1x512xi32, #tpu.memory_space<hbm>> -> memref<512xi32, #tpu.memory_space<hbm>>
        %dma_wait3A_175 = arith.constant 0 : i32
        %dma_wait3A_176 = tpu.memref_slice %arg8[%dma_wait3A_164, %dma_wait3A_175] : memref<3x512xi32, #tpu.memory_space<vmem>> -> memref<1x512xi32, #tpu.memory_space<vmem>>
        %dma_wait3A_177 = tpu.memref_squeeze %dma_wait3A_176 : memref<1x512xi32, #tpu.memory_space<vmem>> -> memref<512xi32, #tpu.memory_space<vmem>>
        %dma_wait3A_178 = arith.constant 0 : i32
        %dma_wait3A_179 = arith.constant 0 : i32
        %dma_wait3A_180 = tpu.memref_slice %arg4[%scan3A_59, %dma_wait3A_178, %dma_wait3A_179] : memref<4x3136x512xi32, #tpu.memory_space<hbm>> -> memref<1x3136x512xi32, #tpu.memory_space<hbm>>
        %dma_wait3A_181 = tpu.memref_squeeze %dma_wait3A_180 : memref<1x3136x512xi32, #tpu.memory_space<hbm>> -> memref<3136x512xi32, #tpu.memory_space<hbm>>
        %dma_wait3A_182 = arith.constant 0 : i32
        %dma_wait3A_183 = tpu.memref_slice %dma_wait3A_181[%dma_wait3A, %dma_wait3A_182] : memref<3136x512xi32, #tpu.memory_space<hbm>> -> memref<1x512xi32, #tpu.memory_space<hbm>>
        %dma_wait3A_184 = tpu.memref_squeeze %dma_wait3A_183 : memref<1x512xi32, #tpu.memory_space<hbm>> -> memref<512xi32, #tpu.memory_space<hbm>>
        tpu.wait_dma2 semaphore(%arg14 : memref<!tpu.dma_semaphore, #tpu.memory_space<semaphore_mem>>) src(%dma_wait3A_184 : memref<512xi32, #tpu.memory_space<hbm>>) dst(%dma_wait3A_177 : memref<512xi32, #tpu.memory_space<vmem>>)
        %dma_wait3A_185 = arith.constant 0 : i32
        %dma_wait3A_186 = arith.constant 0 : i32
        %dma_wait3A_187 = arith.constant 0 : i32
        %dma_wait3A_188 = tpu.memref_slice %arg9[%dma_wait3A_186, %dma_wait3A_187] : memref<3x512xi32, #tpu.memory_space<vmem>> -> memref<1x512xi32, #tpu.memory_space<vmem>>
        %dma_wait3A_189 = tpu.memref_squeeze %dma_wait3A_188 : memref<1x512xi32, #tpu.memory_space<vmem>> -> memref<512xi32, #tpu.memory_space<vmem>>
        %dma_wait3A_190 = arith.constant 0 : i32
        %dma_wait3A_191 = arith.constant 0 : i32
        %dma_wait3A_192 = tpu.memref_slice %arg4[%scan3A_60, %dma_wait3A_190, %dma_wait3A_191] : memref<4x3136x512xi32, #tpu.memory_space<hbm>> -> memref<1x3136x512xi32, #tpu.memory_space<hbm>>
        %dma_wait3A_193 = tpu.memref_squeeze %dma_wait3A_192 : memref<1x3136x512xi32, #tpu.memory_space<hbm>> -> memref<3136x512xi32, #tpu.memory_space<hbm>>
        %dma_wait3A_194 = arith.constant 0 : i32
        %dma_wait3A_195 = tpu.memref_slice %dma_wait3A_193[%dma_wait3A_185, %dma_wait3A_194] : memref<3136x512xi32, #tpu.memory_space<hbm>> -> memref<1x512xi32, #tpu.memory_space<hbm>>
        %dma_wait3A_196 = tpu.memref_squeeze %dma_wait3A_195 : memref<1x512xi32, #tpu.memory_space<hbm>> -> memref<512xi32, #tpu.memory_space<hbm>>
        %dma_wait3A_197 = arith.constant 0 : i32
        %dma_wait3A_198 = tpu.memref_slice %arg9[%dma_wait3A_186, %dma_wait3A_197] : memref<3x512xi32, #tpu.memory_space<vmem>> -> memref<1x512xi32, #tpu.memory_space<vmem>>
        %dma_wait3A_199 = tpu.memref_squeeze %dma_wait3A_198 : memref<1x512xi32, #tpu.memory_space<vmem>> -> memref<512xi32, #tpu.memory_space<vmem>>
        %dma_wait3A_200 = arith.constant 0 : i32
        %dma_wait3A_201 = arith.constant 0 : i32
        %dma_wait3A_202 = tpu.memref_slice %arg4[%scan3A_60, %dma_wait3A_200, %dma_wait3A_201] : memref<4x3136x512xi32, #tpu.memory_space<hbm>> -> memref<1x3136x512xi32, #tpu.memory_space<hbm>>
        %dma_wait3A_203 = tpu.memref_squeeze %dma_wait3A_202 : memref<1x3136x512xi32, #tpu.memory_space<hbm>> -> memref<3136x512xi32, #tpu.memory_space<hbm>>
        %dma_wait3A_204 = arith.constant 0 : i32
        %dma_wait3A_205 = tpu.memref_slice %dma_wait3A_203[%dma_wait3A_185, %dma_wait3A_204] : memref<3136x512xi32, #tpu.memory_space<hbm>> -> memref<1x512xi32, #tpu.memory_space<hbm>>
        %dma_wait3A_206 = tpu.memref_squeeze %dma_wait3A_205 : memref<1x512xi32, #tpu.memory_space<hbm>> -> memref<512xi32, #tpu.memory_space<hbm>>
        tpu.wait_dma2 semaphore(%arg14 : memref<!tpu.dma_semaphore, #tpu.memory_space<semaphore_mem>>) src(%dma_wait3A_206 : memref<512xi32, #tpu.memory_space<hbm>>) dst(%dma_wait3A_199 : memref<512xi32, #tpu.memory_space<vmem>>)
        %rem3A_207 = arith.constant 3 : i32
        %rem3A_208 = arith.remsi %scan3A_140, %rem3A_207 : i32
        %get3A = arith.index_cast %rem3A_208 : i32 to index
        %get3A_209 = arith.constant 0 : index
        %get3A_210 = tpu.vector_load %arg8[%get3A, %get3A_209] {strides = array<i32>} : memref<3x512xi32, #tpu.memory_space<vmem>>, vector<1x16xi32>,
        %get3A_211 = vector.shape_cast %get3A_210 : vector<1x16xi32> to vector<16xi32>
        %mul3A_212 = arith.constant 2 : i32
        %mul3A_213 = vector.broadcast %mul3A_212 : i32 to vector<16xi32>
        %mul3A_214 = arith.muli %get3A_211, %mul3A_213 : vector<16xi32>
        %add3A_215 = vector.broadcast %arg0 : i32 to vector<16xi32>
        %add3A_216 = arith.addi %mul3A_214, %add3A_215 : vector<16xi32>
        %swap3A = arith.index_cast %rem3A_208 : i32 to index
        %swap3A_217 = arith.constant 0 : index
        %swap3A_218 = tpu.vector_load %arg8[%swap3A, %swap3A_217] {strides = array<i32>} : memref<3x512xi32, #tpu.memory_space<vmem>>, vector<1x16xi32>,
        %swap3A_219 = vector.shape_cast %swap3A_218 : vector<1x16xi32> to vector<16xi32>
        %swap3A_220 = vector.shape_cast %add3A_216 : vector<16xi32> to vector<1x16xi32>
        tpu.vector_store %arg8[%swap3A, %swap3A_217], %swap3A_220 {strides = array<i32>} : memref<3x512xi32, #tpu.memory_space<vmem>>, vector<1x16xi32>,
        %get3A_221 = arith.index_cast %rem3A_208 : i32 to index
        %get3A_222 = arith.constant 16 : index
        %get3A_223 = tpu.vector_load %arg8[%get3A_221, %get3A_222] {strides = array<i32>} : memref<3x512xi32, #tpu.memory_space<vmem>>, vector<1x16xi32>,
        %get3A_224 = vector.shape_cast %get3A_223 : vector<1x16xi32> to vector<16xi32>
        %mul3A_225 = arith.constant 2 : i32
        %mul3A_226 = vector.broadcast %mul3A_225 : i32 to vector<16xi32>
        %mul3A_227 = arith.muli %get3A_224, %mul3A_226 : vector<16xi32>
        %add3A_228 = vector.broadcast %arg0 : i32 to vector<16xi32>
        %add3A_229 = arith.addi %mul3A_227, %add3A_228 : vector<16xi32>
        %swap3A_230 = arith.index_cast %rem3A_208 : i32 to index
        %swap3A_231 = arith.constant 16 : index
        %swap3A_232 = tpu.vector_load %arg8[%swap3A_230, %swap3A_231] {strides = array<i32>} : memref<3x512xi32, #tpu.memory_space<vmem>>, vector<1x16xi32>,
        %swap3A_233 = vector.shape_cast %swap3A_232 : vector<1x16xi32> to vector<16xi32>
        %swap3A_234 = vector.shape_cast %add3A_229 : vector<16xi32> to vector<1x16xi32>
        tpu.vector_store %arg8[%swap3A_230, %swap3A_231], %swap3A_234 {strides = array<i32>} : memref<3x512xi32, #tpu.memory_space<vmem>>, vector<1x16xi32>,
        %get3A_235 = arith.index_cast %rem3A_208 : i32 to index
        %get3A_236 = arith.constant 32 : index
        %get3A_237 = tpu.vector_load %arg8[%get3A_235, %get3A_236] {strides = array<i32>} : memref<3x512xi32, #tpu.memory_space<vmem>>, vector<1x16xi32>,
        %get3A_238 = vector.shape_cast %get3A_237 : vector<1x16xi32> to vector<16xi32>
        %mul3A_239 = arith.constant 2 : i32
        %mul3A_240 = vector.broadcast %mul3A_239 : i32 to vector<16xi32>
        %mul3A_241 = arith.muli %get3A_238, %mul3A_240 : vector<16xi32>
        %add3A_242 = vector.broadcast %arg0 : i32 to vector<16xi32>
        %add3A_243 = arith.addi %mul3A_241, %add3A_242 : vector<16xi32>
        %swap3A_244 = arith.index_cast %rem3A_208 : i32 to index
        %swap3A_245 = arith.constant 32 : index
        %swap3A_246 = tpu.vector_load %arg8[%swap3A_244, %swap3A_245] {strides = array<i32>} : memref<3x512xi32, #tpu.memory_space<vmem>>, vector<1x16xi32>,
        %swap3A_247 = vector.shape_cast %swap3A_246 : vector<1x16xi32> to vector<16xi32>
        %swap3A_248 = vector.shape_cast %add3A_243 : vector<16xi32> to vector<1x16xi32>
        tpu.vector_store %arg8[%swap3A_244, %swap3A_245], %swap3A_248 {strides = array<i32>} : memref<3x512xi32, #tpu.memory_space<vmem>>, vector<1x16xi32>,
        %get3A_249 = arith.index_cast %rem3A_208 : i32 to index
        %get3A_250 = arith.constant 48 : index
        %get3A_251 = tpu.vector_load %arg8[%get3A_249, %get3A_250] {strides = array<i32>} : memref<3x512xi32, #tpu.memory_space<vmem>>, vector<1x16xi32>,
        %get3A_252 = vector.shape_cast %get3A_251 : vector<1x16xi32> to vector<16xi32>
        %mul3A_253 = arith.constant 2 : i32
        %mul3A_254 = vector.broadcast %mul3A_253 : i32 to vector<16xi32>
        %mul3A_255 = arith.muli %get3A_252, %mul3A_254 : vector<16xi32>
        %add3A_256 = vector.broadcast %arg0 : i32 to vector<16xi32>
        %add3A_257 = arith.addi %mul3A_255, %add3A_256 : vector<16xi32>
        %swap3A_258 = arith.index_cast %rem3A_208 : i32 to index
        %swap3A_259 = arith.constant 48 : index
        %swap3A_260 = tpu.vector_load %arg8[%swap3A_258, %swap3A_259] {strides = array<i32>} : memref<3x512xi32, #tpu.memory_space<vmem>>, vector<1x16xi32>,
        %swap3A_261 = vector.shape_cast %swap3A_260 : vector<1x16xi32> to vector<16xi32>
        %swap3A_262 = vector.shape_cast %add3A_257 : vector<16xi32> to vector<1x16xi32>
        tpu.vector_store %arg8[%swap3A_258, %swap3A_259], %swap3A_262 {strides = array<i32>} : memref<3x512xi32, #tpu.memory_space<vmem>>, vector<1x16xi32>,
        %get3A_263 = arith.index_cast %rem3A_208 : i32 to index
        %get3A_264 = arith.constant 64 : index
        %get3A_265 = tpu.vector_load %arg8[%get3A_263, %get3A_264] {strides = array<i32>} : memref<3x512xi32, #tpu.memory_space<vmem>>, vector<1x16xi32>,
        %get3A_266 = vector.shape_cast %get3A_265 : vector<1x16xi32> to vector<16xi32>
        %mul3A_267 = arith.constant 2 : i32
        %mul3A_268 = vector.broadcast %mul3A_267 : i32 to vector<16xi32>
        %mul3A_269 = arith.muli %get3A_266, %mul3A_268 : vector<16xi32>
        %add3A_270 = vector.broadcast %arg0 : i32 to vector<16xi32>
        %add3A_271 = arith.addi %mul3A_269, %add3A_270 : vector<16xi32>
        %swap3A_272 = arith.index_cast %rem3A_208 : i32 to index
        %swap3A_273 = arith.constant 64 : index
        %swap3A_274 = tpu.vector_load %arg8[%swap3A_272, %swap3A_273] {strides = array<i32>} : memref<3x512xi32, #tpu.memory_space<vmem>>, vector<1x16xi32>,
        %swap3A_275 = vector.shape_cast %swap3A_274 : vector<1x16xi32> to vector<16xi32>
        %swap3A_276 = vector.shape_cast %add3A_271 : vector<16xi32> to vector<1x16xi32>
        tpu.vector_store %arg8[%swap3A_272, %swap3A_273], %swap3A_276 {strides = array<i32>} : memref<3x512xi32, #tpu.memory_space<vmem>>, vector<1x16xi32>,
        %get3A_277 = arith.index_cast %rem3A_208 : i32 to index
        %get3A_278 = arith.constant 80 : index
        %get3A_279 = tpu.vector_load %arg8[%get3A_277, %get3A_278] {strides = array<i32>} : memref<3x512xi32, #tpu.memory_space<vmem>>, vector<1x16xi32>,
        %get3A_280 = vector.shape_cast %get3A_279 : vector<1x16xi32> to vector<16xi32>
        %mul3A_281 = arith.constant 2 : i32
        %mul3A_282 = vector.broadcast %mul3A_281 : i32 to vector<16xi32>
        %mul3A_283 = arith.muli %get3A_280, %mul3A_282 : vector<16xi32>
        %add3A_284 = vector.broadcast %arg0 : i32 to vector<16xi32>
        %add3A_285 = arith.addi %mul3A_283, %add3A_284 : vector<16xi32>
        %swap3A_286 = arith.index_cast %rem3A_208 : i32 to index
        %swap3A_287 = arith.constant 80 : index
        %swap3A_288 = tpu.vector_load %arg8[%swap3A_286, %swap3A_287] {strides = array<i32>} : memref<3x512xi32, #tpu.memory_space<vmem>>, vector<1x16xi32>,
        %swap3A_289 = vector.shape_cast %swap3A_288 : vector<1x16xi32> to vector<16xi32>
        %swap3A_290 = vector.shape_cast %add3A_285 : vector<16xi32> to vector<1x16xi32>
        tpu.vector_store %arg8[%swap3A_286, %swap3A_287], %swap3A_290 {strides = array<i32>} : memref<3x512xi32, #tpu.memory_space<vmem>>, vector<1x16xi32>,
        %get3A_291 = arith.index_cast %rem3A_208 : i32 to index
        %get3A_292 = arith.constant 96 : index
        %get3A_293 = tpu.vector_load %arg8[%get3A_291, %get3A_292] {strides = array<i32>} : memref<3x512xi32, #tpu.memory_space<vmem>>, vector<1x16xi32>,
        %get3A_294 = vector.shape_cast %get3A_293 : vector<1x16xi32> to vector<16xi32>
        %mul3A_295 = arith.constant 2 : i32
        %mul3A_296 = vector.broadcast %mul3A_295 : i32 to vector<16xi32>
        %mul3A_297 = arith.muli %get3A_294, %mul3A_296 : vector<16xi32>
        %add3A_298 = vector.broadcast %arg0 : i32 to vector<16xi32>
        %add3A_299 = arith.addi %mul3A_297, %add3A_298 : vector<16xi32>
        %swap3A_300 = arith.index_cast %rem3A_208 : i32 to index
        %swap3A_301 = arith.constant 96 : index
        %swap3A_302 = tpu.vector_load %arg8[%swap3A_300, %swap3A_301] {strides = array<i32>} : memref<3x512xi32, #tpu.memory_space<vmem>>, vector<1x16xi32>,
        %swap3A_303 = vector.shape_cast %swap3A_302 : vector<1x16xi32> to vector<16xi32>
        %swap3A_304 = vector.shape_cast %add3A_299 : vector<16xi32> to vector<1x16xi32>
        tpu.vector_store %arg8[%swap3A_300, %swap3A_301], %swap3A_304 {strides = array<i32>} : memref<3x512xi32, #tpu.memory_space<vmem>>, vector<1x16xi32>,
        %get3A_305 = arith.index_cast %rem3A_208 : i32 to index
        %get3A_306 = arith.constant 112 : index
        %get3A_307 = tpu.vector_load %arg8[%get3A_305, %get3A_306] {strides = array<i32>} : memref<3x512xi32, #tpu.memory_space<vmem>>, vector<1x16xi32>,
        %get3A_308 = vector.shape_cast %get3A_307 : vector<1x16xi32> to vector<16xi32>
        %mul3A_309 = arith.constant 2 : i32
        %mul3A_310 = vector.broadcast %mul3A_309 : i32 to vector<16xi32>
        %mul3A_311 = arith.muli %get3A_308, %mul3A_310 : vector<16xi32>
        %add3A_312 = vector.broadcast %arg0 : i32 to vector<16xi32>
        %add3A_313 = arith.addi %mul3A_311, %add3A_312 : vector<16xi32>
        %swap3A_314 = arith.index_cast %rem3A_208 : i32 to index
        %swap3A_315 = arith.constant 112 : index
        %swap3A_316 = tpu.vector_load %arg8[%swap3A_314, %swap3A_315] {strides = array<i32>} : memref<3x512xi32, #tpu.memory_space<vmem>>, vector<1x16xi32>,
        %swap3A_317 = vector.shape_cast %swap3A_316 : vector<1x16xi32> to vector<16xi32>
        %swap3A_318 = vector.shape_cast %add3A_313 : vector<16xi32> to vector<1x16xi32>
        tpu.vector_store %arg8[%swap3A_314, %swap3A_315], %swap3A_318 {strides = array<i32>} : memref<3x512xi32, #tpu.memory_space<vmem>>, vector<1x16xi32>,
        %get3A_319 = arith.index_cast %rem3A_208 : i32 to index
        %get3A_320 = arith.constant 128 : index
        %get3A_321 = tpu.vector_load %arg8[%get3A_319, %get3A_320] {strides = array<i32>} : memref<3x512xi32, #tpu.memory_space<vmem>>, vector<1x16xi32>,
        %get3A_322 = vector.shape_cast %get3A_321 : vector<1x16xi32> to vector<16xi32>
        %mul3A_323 = arith.constant 2 : i32
        %mul3A_324 = vector.broadcast %mul3A_323 : i32 to vector<16xi32>
        %mul3A_325 = arith.muli %get3A_322, %mul3A_324 : vector<16xi32>
        %add3A_326 = vector.broadcast %arg0 : i32 to vector<16xi32>
        %add3A_327 = arith.addi %mul3A_325, %add3A_326 : vector<16xi32>
        %swap3A_328 = arith.index_cast %rem3A_208 : i32 to index
        %swap3A_329 = arith.constant 128 : index
        %swap3A_330 = tpu.vector_load %arg8[%swap3A_328, %swap3A_329] {strides = array<i32>} : memref<3x512xi32, #tpu.memory_space<vmem>>, vector<1x16xi32>,
        %swap3A_331 = vector.shape_cast %swap3A_330 : vector<1x16xi32> to vector<16xi32>
        %swap3A_332 = vector.shape_cast %add3A_327 : vector<16xi32> to vector<1x16xi32>
        tpu.vector_store %arg8[%swap3A_328, %swap3A_329], %swap3A_332 {strides = array<i32>} : memref<3x512xi32, #tpu.memory_space<vmem>>, vector<1x16xi32>,
        %get3A_333 = arith.index_cast %rem3A_208 : i32 to index
        %get3A_334 = arith.constant 144 : index
        %get3A_335 = tpu.vector_load %arg8[%get3A_333, %get3A_334] {strides = array<i32>} : memref<3x512xi32, #tpu.memory_space<vmem>>, vector<1x16xi32>,
        %get3A_336 = vector.shape_cast %get3A_335 : vector<1x16xi32> to vector<16xi32>
        %mul3A_337 = arith.constant 2 : i32
        %mul3A_338 = vector.broadcast %mul3A_337 : i32 to vector<16xi32>
        %mul3A_339 = arith.muli %get3A_336, %mul3A_338 : vector<16xi32>
        %add3A_340 = vector.broadcast %arg0 : i32 to vector<16xi32>
        %add3A_341 = arith.addi %mul3A_339, %add3A_340 : vector<16xi32>
        %swap3A_342 = arith.index_cast %rem3A_208 : i32 to index
        %swap3A_343 = arith.constant 144 : index
        %swap3A_344 = tpu.vector_load %arg8[%swap3A_342, %swap3A_343] {strides = array<i32>} : memref<3x512xi32, #tpu.memory_space<vmem>>, vector<1x16xi32>,
        %swap3A_345 = vector.shape_cast %swap3A_344 : vector<1x16xi32> to vector<16xi32>
        %swap3A_346 = vector.shape_cast %add3A_341 : vector<16xi32> to vector<1x16xi32>
        tpu.vector_store %arg8[%swap3A_342, %swap3A_343], %swap3A_346 {strides = array<i32>} : memref<3x512xi32, #tpu.memory_space<vmem>>, vector<1x16xi32>,
        %get3A_347 = arith.index_cast %rem3A_208 : i32 to index
        %get3A_348 = arith.constant 160 : index
        %get3A_349 = tpu.vector_load %arg8[%get3A_347, %get3A_348] {strides = array<i32>} : memref<3x512xi32, #tpu.memory_space<vmem>>, vector<1x16xi32>,
        %get3A_350 = vector.shape_cast %get3A_349 : vector<1x16xi32> to vector<16xi32>
        %mul3A_351 = arith.constant 2 : i32
        %mul3A_352 = vector.broadcast %mul3A_351 : i32 to vector<16xi32>
        %mul3A_353 = arith.muli %get3A_350, %mul3A_352 : vector<16xi32>
        %add3A_354 = vector.broadcast %arg0 : i32 to vector<16xi32>
        %add3A_355 = arith.addi %mul3A_353, %add3A_354 : vector<16xi32>
        %swap3A_356 = arith.index_cast %rem3A_208 : i32 to index
        %swap3A_357 = arith.constant 160 : index
        %swap3A_358 = tpu.vector_load %arg8[%swap3A_356, %swap3A_357] {strides = array<i32>} : memref<3x512xi32, #tpu.memory_space<vmem>>, vector<1x16xi32>,
        %swap3A_359 = vector.shape_cast %swap3A_358 : vector<1x16xi32> to vector<16xi32>
        %swap3A_360 = vector.shape_cast %add3A_355 : vector<16xi32> to vector<1x16xi32>
        tpu.vector_store %arg8[%swap3A_356, %swap3A_357], %swap3A_360 {strides = array<i32>} : memref<3x512xi32, #tpu.memory_space<vmem>>, vector<1x16xi32>,
        %get3A_361 = arith.index_cast %rem3A_208 : i32 to index
        %get3A_362 = arith.constant 176 : index
        %get3A_363 = tpu.vector_load %arg8[%get3A_361, %get3A_362] {strides = array<i32>} : memref<3x512xi32, #tpu.memory_space<vmem>>, vector<1x16xi32>,
        %get3A_364 = vector.shape_cast %get3A_363 : vector<1x16xi32> to vector<16xi32>
        %mul3A_365 = arith.constant 2 : i32
        %mul3A_366 = vector.broadcast %mul3A_365 : i32 to vector<16xi32>
        %mul3A_367 = arith.muli %get3A_364, %mul3A_366 : vector<16xi32>
        %add3A_368 = vector.broadcast %arg0 : i32 to vector<16xi32>
        %add3A_369 = arith.addi %mul3A_367, %add3A_368 : vector<16xi32>
        %swap3A_370 = arith.index_cast %rem3A_208 : i32 to index
        %swap3A_371 = arith.constant 176 : index
        %swap3A_372 = tpu.vector_load %arg8[%swap3A_370, %swap3A_371] {strides = array<i32>} : memref<3x512xi32, #tpu.memory_space<vmem>>, vector<1x16xi32>,
        %swap3A_373 = vector.shape_cast %swap3A_372 : vector<1x16xi32> to vector<16xi32>
        %swap3A_374 = vector.shape_cast %add3A_369 : vector<16xi32> to vector<1x16xi32>
        tpu.vector_store %arg8[%swap3A_370, %swap3A_371], %swap3A_374 {strides = array<i32>} : memref<3x512xi32, #tpu.memory_space<vmem>>, vector<1x16xi32>,
        %get3A_375 = arith.index_cast %rem3A_208 : i32 to index
        %get3A_376 = arith.constant 192 : index
        %get3A_377 = tpu.vector_load %arg8[%get3A_375, %get3A_376] {strides = array<i32>} : memref<3x512xi32, #tpu.memory_space<vmem>>, vector<1x16xi32>,
        %get3A_378 = vector.shape_cast %get3A_377 : vector<1x16xi32> to vector<16xi32>
        %mul3A_379 = arith.constant 2 : i32
        %mul3A_380 = vector.broadcast %mul3A_379 : i32 to vector<16xi32>
        %mul3A_381 = arith.muli %get3A_378, %mul3A_380 : vector<16xi32>
        %add3A_382 = vector.broadcast %arg0 : i32 to vector<16xi32>
        %add3A_383 = arith.addi %mul3A_381, %add3A_382 : vector<16xi32>
        %swap3A_384 = arith.index_cast %rem3A_208 : i32 to index
        %swap3A_385 = arith.constant 192 : index
        %swap3A_386 = tpu.vector_load %arg8[%swap3A_384, %swap3A_385] {strides = array<i32>} : memref<3x512xi32, #tpu.memory_space<vmem>>, vector<1x16xi32>,
        %swap3A_387 = vector.shape_cast %swap3A_386 : vector<1x16xi32> to vector<16xi32>
        %swap3A_388 = vector.shape_cast %add3A_383 : vector<16xi32> to vector<1x16xi32>
        tpu.vector_store %arg8[%swap3A_384, %swap3A_385], %swap3A_388 {strides = array<i32>} : memref<3x512xi32, #tpu.memory_space<vmem>>, vector<1x16xi32>,
        %get3A_389 = arith.index_cast %rem3A_208 : i32 to index
        %get3A_390 = arith.constant 208 : index
        %get3A_391 = tpu.vector_load %arg8[%get3A_389, %get3A_390] {strides = array<i32>} : memref<3x512xi32, #tpu.memory_space<vmem>>, vector<1x16xi32>,
        %get3A_392 = vector.shape_cast %get3A_391 : vector<1x16xi32> to vector<16xi32>
        %mul3A_393 = arith.constant 2 : i32
        %mul3A_394 = vector.broadcast %mul3A_393 : i32 to vector<16xi32>
        %mul3A_395 = arith.muli %get3A_392, %mul3A_394 : vector<16xi32>
        %add3A_396 = vector.broadcast %arg0 : i32 to vector<16xi32>
        %add3A_397 = arith.addi %mul3A_395, %add3A_396 : vector<16xi32>
        %swap3A_398 = arith.index_cast %rem3A_208 : i32 to index
        %swap3A_399 = arith.constant 208 : index
        %swap3A_400 = tpu.vector_load %arg8[%swap3A_398, %swap3A_399] {strides = array<i32>} : memref<3x512xi32, #tpu.memory_space<vmem>>, vector<1x16xi32>,
        %swap3A_401 = vector.shape_cast %swap3A_400 : vector<1x16xi32> to vector<16xi32>
        %swap3A_402 = vector.shape_cast %add3A_397 : vector<16xi32> to vector<1x16xi32>
        tpu.vector_store %arg8[%swap3A_398, %swap3A_399], %swap3A_402 {strides = array<i32>} : memref<3x512xi32, #tpu.memory_space<vmem>>, vector<1x16xi32>,
        %get3A_403 = arith.index_cast %rem3A_208 : i32 to index
        %get3A_404 = arith.constant 224 : index
        %get3A_405 = tpu.vector_load %arg8[%get3A_403, %get3A_404] {strides = array<i32>} : memref<3x512xi32, #tpu.memory_space<vmem>>, vector<1x16xi32>,
        %get3A_406 = vector.shape_cast %get3A_405 : vector<1x16xi32> to vector<16xi32>
        %mul3A_407 = arith.constant 2 : i32
        %mul3A_408 = vector.broadcast %mul3A_407 : i32 to vector<16xi32>
        %mul3A_409 = arith.muli %get3A_406, %mul3A_408 : vector<16xi32>
        %add3A_410 = vector.broadcast %arg0 : i32 to vector<16xi32>
        %add3A_411 = arith.addi %mul3A_409, %add3A_410 : vector<16xi32>
        %swap3A_412 = arith.index_cast %rem3A_208 : i32 to index
        %swap3A_413 = arith.constant 224 : index
        %swap3A_414 = tpu.vector_load %arg8[%swap3A_412, %swap3A_413] {strides = array<i32>} : memref<3x512xi32, #tpu.memory_space<vmem>>, vector<1x16xi32>,
        %swap3A_415 = vector.shape_cast %swap3A_414 : vector<1x16xi32> to vector<16xi32>
        %swap3A_416 = vector.shape_cast %add3A_411 : vector<16xi32> to vector<1x16xi32>
        tpu.vector_store %arg8[%swap3A_412, %swap3A_413], %swap3A_416 {strides = array<i32>} : memref<3x512xi32, #tpu.memory_space<vmem>>, vector<1x16xi32>,
        %get3A_417 = arith.index_cast %rem3A_208 : i32 to index
        %get3A_418 = arith.constant 240 : index
        %get3A_419 = tpu.vector_load %arg8[%get3A_417, %get3A_418] {strides = array<i32>} : memref<3x512xi32, #tpu.memory_space<vmem>>, vector<1x16xi32>,
        %get3A_420 = vector.shape_cast %get3A_419 : vector<1x16xi32> to vector<16xi32>
        %mul3A_421 = arith.constant 2 : i32
        %mul3A_422 = vector.broadcast %mul3A_421 : i32 to vector<16xi32>
        %mul3A_423 = arith.muli %get3A_420, %mul3A_422 : vector<16xi32>
        %add3A_424 = vector.broadcast %arg0 : i32 to vector<16xi32>
        %add3A_425 = arith.addi %mul3A_423, %add3A_424 : vector<16xi32>
        %swap3A_426 = arith.index_cast %rem3A_208 : i32 to index
        %swap3A_427 = arith.constant 240 : index
        %swap3A_428 = tpu.vector_load %arg8[%swap3A_426, %swap3A_427] {strides = array<i32>} : memref<3x512xi32, #tpu.memory_space<vmem>>, vector<1x16xi32>,
        %swap3A_429 = vector.shape_cast %swap3A_428 : vector<1x16xi32> to vector<16xi32>
        %swap3A_430 = vector.shape_cast %add3A_425 : vector<16xi32> to vector<1x16xi32>
        tpu.vector_store %arg8[%swap3A_426, %swap3A_427], %swap3A_430 {strides = array<i32>} : memref<3x512xi32, #tpu.memory_space<vmem>>, vector<1x16xi32>,
        %get3A_431 = arith.index_cast %rem3A_208 : i32 to index
        %get3A_432 = arith.constant 256 : index
        %get3A_433 = tpu.vector_load %arg8[%get3A_431, %get3A_432] {strides = array<i32>} : memref<3x512xi32, #tpu.memory_space<vmem>>, vector<1x16xi32>,
        %get3A_434 = vector.shape_cast %get3A_433 : vector<1x16xi32> to vector<16xi32>
        %mul3A_435 = arith.constant 2 : i32
        %mul3A_436 = vector.broadcast %mul3A_435 : i32 to vector<16xi32>
        %mul3A_437 = arith.muli %get3A_434, %mul3A_436 : vector<16xi32>
        %add3A_438 = vector.broadcast %arg0 : i32 to vector<16xi32>
        %add3A_439 = arith.addi %mul3A_437, %add3A_438 : vector<16xi32>
        %swap3A_440 = arith.index_cast %rem3A_208 : i32 to index
        %swap3A_441 = arith.constant 256 : index
        %swap3A_442 = tpu.vector_load %arg8[%swap3A_440, %swap3A_441] {strides = array<i32>} : memref<3x512xi32, #tpu.memory_space<vmem>>, vector<1x16xi32>,
        %swap3A_443 = vector.shape_cast %swap3A_442 : vector<1x16xi32> to vector<16xi32>
        %swap3A_444 = vector.shape_cast %add3A_439 : vector<16xi32> to vector<1x16xi32>
        tpu.vector_store %arg8[%swap3A_440, %swap3A_441], %swap3A_444 {strides = array<i32>} : memref<3x512xi32, #tpu.memory_space<vmem>>, vector<1x16xi32>,
        %get3A_445 = arith.index_cast %rem3A_208 : i32 to index
        %get3A_446 = arith.constant 272 : index
        %get3A_447 = tpu.vector_load %arg8[%get3A_445, %get3A_446] {strides = array<i32>} : memref<3x512xi32, #tpu.memory_space<vmem>>, vector<1x16xi32>,
        %get3A_448 = vector.shape_cast %get3A_447 : vector<1x16xi32> to vector<16xi32>
        %mul3A_449 = arith.constant 2 : i32
        %mul3A_450 = vector.broadcast %mul3A_449 : i32 to vector<16xi32>
        %mul3A_451 = arith.muli %get3A_448, %mul3A_450 : vector<16xi32>
        %add3A_452 = vector.broadcast %arg0 : i32 to vector<16xi32>
        %add3A_453 = arith.addi %mul3A_451, %add3A_452 : vector<16xi32>
        %swap3A_454 = arith.index_cast %rem3A_208 : i32 to index
        %swap3A_455 = arith.constant 272 : index
        %swap3A_456 = tpu.vector_load %arg8[%swap3A_454, %swap3A_455] {strides = array<i32>} : memref<3x512xi32, #tpu.memory_space<vmem>>, vector<1x16xi32>,
        %swap3A_457 = vector.shape_cast %swap3A_456 : vector<1x16xi32> to vector<16xi32>
        %swap3A_458 = vector.shape_cast %add3A_453 : vector<16xi32> to vector<1x16xi32>
        tpu.vector_store %arg8[%swap3A_454, %swap3A_455], %swap3A_458 {strides = array<i32>} : memref<3x512xi32, #tpu.memory_space<vmem>>, vector<1x16xi32>,
        %get3A_459 = arith.index_cast %rem3A_208 : i32 to index
        %get3A_460 = arith.constant 288 : index
        %get3A_461 = tpu.vector_load %arg8[%get3A_459, %get3A_460] {strides = array<i32>} : memref<3x512xi32, #tpu.memory_space<vmem>>, vector<1x16xi32>,
        %get3A_462 = vector.shape_cast %get3A_461 : vector<1x16xi32> to vector<16xi32>
        %mul3A_463 = arith.constant 2 : i32
        %mul3A_464 = vector.broadcast %mul3A_463 : i32 to vector<16xi32>
        %mul3A_465 = arith.muli %get3A_462, %mul3A_464 : vector<16xi32>
        %add3A_466 = vector.broadcast %arg0 : i32 to vector<16xi32>
        %add3A_467 = arith.addi %mul3A_465, %add3A_466 : vector<16xi32>
        %swap3A_468 = arith.index_cast %rem3A_208 : i32 to index
        %swap3A_469 = arith.constant 288 : index
        %swap3A_470 = tpu.vector_load %arg8[%swap3A_468, %swap3A_469] {strides = array<i32>} : memref<3x512xi32, #tpu.memory_space<vmem>>, vector<1x16xi32>,
        %swap3A_471 = vector.shape_cast %swap3A_470 : vector<1x16xi32> to vector<16xi32>
        %swap3A_472 = vector.shape_cast %add3A_467 : vector<16xi32> to vector<1x16xi32>
        tpu.vector_store %arg8[%swap3A_468, %swap3A_469], %swap3A_472 {strides = array<i32>} : memref<3x512xi32, #tpu.memory_space<vmem>>, vector<1x16xi32>,
        %get3A_473 = arith.index_cast %rem3A_208 : i32 to index
        %get3A_474 = arith.constant 304 : index
        %get3A_475 = tpu.vector_load %arg8[%get3A_473, %get3A_474] {strides = array<i32>} : memref<3x512xi32, #tpu.memory_space<vmem>>, vector<1x16xi32>,
        %get3A_476 = vector.shape_cast %get3A_475 : vector<1x16xi32> to vector<16xi32>
        %mul3A_477 = arith.constant 2 : i32
        %mul3A_478 = vector.broadcast %mul3A_477 : i32 to vector<16xi32>
        %mul3A_479 = arith.muli %get3A_476, %mul3A_478 : vector<16xi32>
        %add3A_480 = vector.broadcast %arg0 : i32 to vector<16xi32>
        %add3A_481 = arith.addi %mul3A_479, %add3A_480 : vector<16xi32>
        %swap3A_482 = arith.index_cast %rem3A_208 : i32 to index
        %swap3A_483 = arith.constant 304 : index
        %swap3A_484 = tpu.vector_load %arg8[%swap3A_482, %swap3A_483] {strides = array<i32>} : memref<3x512xi32, #tpu.memory_space<vmem>>, vector<1x16xi32>,
        %swap3A_485 = vector.shape_cast %swap3A_484 : vector<1x16xi32> to vector<16xi32>
        %swap3A_486 = vector.shape_cast %add3A_481 : vector<16xi32> to vector<1x16xi32>
        tpu.vector_store %arg8[%swap3A_482, %swap3A_483], %swap3A_486 {strides = array<i32>} : memref<3x512xi32, #tpu.memory_space<vmem>>, vector<1x16xi32>,
        %get3A_487 = arith.index_cast %rem3A_208 : i32 to index
        %get3A_488 = arith.constant 320 : index
        %get3A_489 = tpu.vector_load %arg8[%get3A_487, %get3A_488] {strides = array<i32>} : memref<3x512xi32, #tpu.memory_space<vmem>>, vector<1x16xi32>,
        %get3A_490 = vector.shape_cast %get3A_489 : vector<1x16xi32> to vector<16xi32>
        %mul3A_491 = arith.constant 2 : i32
        %mul3A_492 = vector.broadcast %mul3A_491 : i32 to vector<16xi32>
        %mul3A_493 = arith.muli %get3A_490, %mul3A_492 : vector<16xi32>
        %add3A_494 = vector.broadcast %arg0 : i32 to vector<16xi32>
        %add3A_495 = arith.addi %mul3A_493, %add3A_494 : vector<16xi32>
        %swap3A_496 = arith.index_cast %rem3A_208 : i32 to index
        %swap3A_497 = arith.constant 320 : index
        %swap3A_498 = tpu.vector_load %arg8[%swap3A_496, %swap3A_497] {strides = array<i32>} : memref<3x512xi32, #tpu.memory_space<vmem>>, vector<1x16xi32>,
        %swap3A_499 = vector.shape_cast %swap3A_498 : vector<1x16xi32> to vector<16xi32>
        %swap3A_500 = vector.shape_cast %add3A_495 : vector<16xi32> to vector<1x16xi32>
        tpu.vector_store %arg8[%swap3A_496, %swap3A_497], %swap3A_500 {strides = array<i32>} : memref<3x512xi32, #tpu.memory_space<vmem>>, vector<1x16xi32>,
        %get3A_501 = arith.index_cast %rem3A_208 : i32 to index
        %get3A_502 = arith.constant 336 : index
        %get3A_503 = tpu.vector_load %arg8[%get3A_501, %get3A_502] {strides = array<i32>} : memref<3x512xi32, #tpu.memory_space<vmem>>, vector<1x16xi32>,
        %get3A_504 = vector.shape_cast %get3A_503 : vector<1x16xi32> to vector<16xi32>
        %mul3A_505 = arith.constant 2 : i32
        %mul3A_506 = vector.broadcast %mul3A_505 : i32 to vector<16xi32>
        %mul3A_507 = arith.muli %get3A_504, %mul3A_506 : vector<16xi32>
        %add3A_508 = vector.broadcast %arg0 : i32 to vector<16xi32>
        %add3A_509 = arith.addi %mul3A_507, %add3A_508 : vector<16xi32>
        %swap3A_510 = arith.index_cast %rem3A_208 : i32 to index
        %swap3A_511 = arith.constant 336 : index
        %swap3A_512 = tpu.vector_load %arg8[%swap3A_510, %swap3A_511] {strides = array<i32>} : memref<3x512xi32, #tpu.memory_space<vmem>>, vector<1x16xi32>,
        %swap3A_513 = vector.shape_cast %swap3A_512 : vector<1x16xi32> to vector<16xi32>
        %swap3A_514 = vector.shape_cast %add3A_509 : vector<16xi32> to vector<1x16xi32>
        tpu.vector_store %arg8[%swap3A_510, %swap3A_511], %swap3A_514 {strides = array<i32>} : memref<3x512xi32, #tpu.memory_space<vmem>>, vector<1x16xi32>,
        %get3A_515 = arith.index_cast %rem3A_208 : i32 to index
        %get3A_516 = arith.constant 352 : index
        %get3A_517 = tpu.vector_load %arg8[%get3A_515, %get3A_516] {strides = array<i32>} : memref<3x512xi32, #tpu.memory_space<vmem>>, vector<1x16xi32>,
        %get3A_518 = vector.shape_cast %get3A_517 : vector<1x16xi32> to vector<16xi32>
        %mul3A_519 = arith.constant 2 : i32
        %mul3A_520 = vector.broadcast %mul3A_519 : i32 to vector<16xi32>
        %mul3A_521 = arith.muli %get3A_518, %mul3A_520 : vector<16xi32>
        %add3A_522 = vector.broadcast %arg0 : i32 to vector<16xi32>
        %add3A_523 = arith.addi %mul3A_521, %add3A_522 : vector<16xi32>
        %swap3A_524 = arith.index_cast %rem3A_208 : i32 to index
        %swap3A_525 = arith.constant 352 : index
        %swap3A_526 = tpu.vector_load %arg8[%swap3A_524, %swap3A_525] {strides = array<i32>} : memref<3x512xi32, #tpu.memory_space<vmem>>, vector<1x16xi32>,
        %swap3A_527 = vector.shape_cast %swap3A_526 : vector<1x16xi32> to vector<16xi32>
        %swap3A_528 = vector.shape_cast %add3A_523 : vector<16xi32> to vector<1x16xi32>
        tpu.vector_store %arg8[%swap3A_524, %swap3A_525], %swap3A_528 {strides = array<i32>} : memref<3x512xi32, #tpu.memory_space<vmem>>, vector<1x16xi32>,
        %get3A_529 = arith.index_cast %rem3A_208 : i32 to index
        %get3A_530 = arith.constant 368 : index
        %get3A_531 = tpu.vector_load %arg8[%get3A_529, %get3A_530] {strides = array<i32>} : memref<3x512xi32, #tpu.memory_space<vmem>>, vector<1x16xi32>,
        %get3A_532 = vector.shape_cast %get3A_531 : vector<1x16xi32> to vector<16xi32>
        %mul3A_533 = arith.constant 2 : i32
        %mul3A_534 = vector.broadcast %mul3A_533 : i32 to vector<16xi32>
        %mul3A_535 = arith.muli %get3A_532, %mul3A_534 : vector<16xi32>
        %add3A_536 = vector.broadcast %arg0 : i32 to vector<16xi32>
        %add3A_537 = arith.addi %mul3A_535, %add3A_536 : vector<16xi32>
        %swap3A_538 = arith.index_cast %rem3A_208 : i32 to index
        %swap3A_539 = arith.constant 368 : index
        %swap3A_540 = tpu.vector_load %arg8[%swap3A_538, %swap3A_539] {strides = array<i32>} : memref<3x512xi32, #tpu.memory_space<vmem>>, vector<1x16xi32>,
        %swap3A_541 = vector.shape_cast %swap3A_540 : vector<1x16xi32> to vector<16xi32>
        %swap3A_542 = vector.shape_cast %add3A_537 : vector<16xi32> to vector<1x16xi32>
        tpu.vector_store %arg8[%swap3A_538, %swap3A_539], %swap3A_542 {strides = array<i32>} : memref<3x512xi32, #tpu.memory_space<vmem>>, vector<1x16xi32>,
        %get3A_543 = arith.index_cast %rem3A_208 : i32 to index
        %get3A_544 = arith.constant 384 : index
        %get3A_545 = tpu.vector_load %arg8[%get3A_543, %get3A_544] {strides = array<i32>} : memref<3x512xi32, #tpu.memory_space<vmem>>, vector<1x16xi32>,
        %get3A_546 = vector.shape_cast %get3A_545 : vector<1x16xi32> to vector<16xi32>
        %mul3A_547 = arith.constant 2 : i32
        %mul3A_548 = vector.broadcast %mul3A_547 : i32 to vector<16xi32>
        %mul3A_549 = arith.muli %get3A_546, %mul3A_548 : vector<16xi32>
        %add3A_550 = vector.broadcast %arg0 : i32 to vector<16xi32>
        %add3A_551 = arith.addi %mul3A_549, %add3A_550 : vector<16xi32>
        %swap3A_552 = arith.index_cast %rem3A_208 : i32 to index
        %swap3A_553 = arith.constant 384 : index
        %swap3A_554 = tpu.vector_load %arg8[%swap3A_552, %swap3A_553] {strides = array<i32>} : memref<3x512xi32, #tpu.memory_space<vmem>>, vector<1x16xi32>,
        %swap3A_555 = vector.shape_cast %swap3A_554 : vector<1x16xi32> to vector<16xi32>
        %swap3A_556 = vector.shape_cast %add3A_551 : vector<16xi32> to vector<1x16xi32>
        tpu.vector_store %arg8[%swap3A_552, %swap3A_553], %swap3A_556 {strides = array<i32>} : memref<3x512xi32, #tpu.memory_space<vmem>>, vector<1x16xi32>,
        %get3A_557 = arith.index_cast %rem3A_208 : i32 to index
        %get3A_558 = arith.constant 400 : index
        %get3A_559 = tpu.vector_load %arg8[%get3A_557, %get3A_558] {strides = array<i32>} : memref<3x512xi32, #tpu.memory_space<vmem>>, vector<1x16xi32>,
        %get3A_560 = vector.shape_cast %get3A_559 : vector<1x16xi32> to vector<16xi32>
        %mul3A_561 = arith.constant 2 : i32
        %mul3A_562 = vector.broadcast %mul3A_561 : i32 to vector<16xi32>
        %mul3A_563 = arith.muli %get3A_560, %mul3A_562 : vector<16xi32>
        %add3A_564 = vector.broadcast %arg0 : i32 to vector<16xi32>
        %add3A_565 = arith.addi %mul3A_563, %add3A_564 : vector<16xi32>
        %swap3A_566 = arith.index_cast %rem3A_208 : i32 to index
        %swap3A_567 = arith.constant 400 : index
        %swap3A_568 = tpu.vector_load %arg8[%swap3A_566, %swap3A_567] {strides = array<i32>} : memref<3x512xi32, #tpu.memory_space<vmem>>, vector<1x16xi32>,
        %swap3A_569 = vector.shape_cast %swap3A_568 : vector<1x16xi32> to vector<16xi32>
        %swap3A_570 = vector.shape_cast %add3A_565 : vector<16xi32> to vector<1x16xi32>
        tpu.vector_store %arg8[%swap3A_566, %swap3A_567], %swap3A_570 {strides = array<i32>} : memref<3x512xi32, #tpu.memory_space<vmem>>, vector<1x16xi32>,
        %get3A_571 = arith.index_cast %rem3A_208 : i32 to index
        %get3A_572 = arith.constant 416 : index
        %get3A_573 = tpu.vector_load %arg8[%get3A_571, %get3A_572] {strides = array<i32>} : memref<3x512xi32, #tpu.memory_space<vmem>>, vector<1x16xi32>,
        %get3A_574 = vector.shape_cast %get3A_573 : vector<1x16xi32> to vector<16xi32>
        %mul3A_575 = arith.constant 2 : i32
        %mul3A_576 = vector.broadcast %mul3A_575 : i32 to vector<16xi32>
        %mul3A_577 = arith.muli %get3A_574, %mul3A_576 : vector<16xi32>
        %add3A_578 = vector.broadcast %arg0 : i32 to vector<16xi32>
        %add3A_579 = arith.addi %mul3A_577, %add3A_578 : vector<16xi32>
        %swap3A_580 = arith.index_cast %rem3A_208 : i32 to index
        %swap3A_581 = arith.constant 416 : index
        %swap3A_582 = tpu.vector_load %arg8[%swap3A_580, %swap3A_581] {strides = array<i32>} : memref<3x512xi32, #tpu.memory_space<vmem>>, vector<1x16xi32>,
        %swap3A_583 = vector.shape_cast %swap3A_582 : vector<1x16xi32> to vector<16xi32>
        %swap3A_584 = vector.shape_cast %add3A_579 : vector<16xi32> to vector<1x16xi32>
        tpu.vector_store %arg8[%swap3A_580, %swap3A_581], %swap3A_584 {strides = array<i32>} : memref<3x512xi32, #tpu.memory_space<vmem>>, vector<1x16xi32>,
        %get3A_585 = arith.index_cast %rem3A_208 : i32 to index
        %get3A_586 = arith.constant 432 : index
        %get3A_587 = tpu.vector_load %arg8[%get3A_585, %get3A_586] {strides = array<i32>} : memref<3x512xi32, #tpu.memory_space<vmem>>, vector<1x16xi32>,
        %get3A_588 = vector.shape_cast %get3A_587 : vector<1x16xi32> to vector<16xi32>
        %mul3A_589 = arith.constant 2 : i32
        %mul3A_590 = vector.broadcast %mul3A_589 : i32 to vector<16xi32>
        %mul3A_591 = arith.muli %get3A_588, %mul3A_590 : vector<16xi32>
        %add3A_592 = vector.broadcast %arg0 : i32 to vector<16xi32>
        %add3A_593 = arith.addi %mul3A_591, %add3A_592 : vector<16xi32>
        %swap3A_594 = arith.index_cast %rem3A_208 : i32 to index
        %swap3A_595 = arith.constant 432 : index
        %swap3A_596 = tpu.vector_load %arg8[%swap3A_594, %swap3A_595] {strides = array<i32>} : memref<3x512xi32, #tpu.memory_space<vmem>>, vector<1x16xi32>,
        %swap3A_597 = vector.shape_cast %swap3A_596 : vector<1x16xi32> to vector<16xi32>
        %swap3A_598 = vector.shape_cast %add3A_593 : vector<16xi32> to vector<1x16xi32>
        tpu.vector_store %arg8[%swap3A_594, %swap3A_595], %swap3A_598 {strides = array<i32>} : memref<3x512xi32, #tpu.memory_space<vmem>>, vector<1x16xi32>,
        %get3A_599 = arith.index_cast %rem3A_208 : i32 to index
        %get3A_600 = arith.constant 448 : index
        %get3A_601 = tpu.vector_load %arg8[%get3A_599, %get3A_600] {strides = array<i32>} : memref<3x512xi32, #tpu.memory_space<vmem>>, vector<1x16xi32>,
        %get3A_602 = vector.shape_cast %get3A_601 : vector<1x16xi32> to vector<16xi32>
        %mul3A_603 = arith.constant 2 : i32
        %mul3A_604 = vector.broadcast %mul3A_603 : i32 to vector<16xi32>
        %mul3A_605 = arith.muli %get3A_602, %mul3A_604 : vector<16xi32>
        %add3A_606 = vector.broadcast %arg0 : i32 to vector<16xi32>
        %add3A_607 = arith.addi %mul3A_605, %add3A_606 : vector<16xi32>
        %swap3A_608 = arith.index_cast %rem3A_208 : i32 to index
        %swap3A_609 = arith.constant 448 : index
        %swap3A_610 = tpu.vector_load %arg8[%swap3A_608, %swap3A_609] {strides = array<i32>} : memref<3x512xi32, #tpu.memory_space<vmem>>, vector<1x16xi32>,
        %swap3A_611 = vector.shape_cast %swap3A_610 : vector<1x16xi32> to vector<16xi32>
        %swap3A_612 = vector.shape_cast %add3A_607 : vector<16xi32> to vector<1x16xi32>
        tpu.vector_store %arg8[%swap3A_608, %swap3A_609], %swap3A_612 {strides = array<i32>} : memref<3x512xi32, #tpu.memory_space<vmem>>, vector<1x16xi32>,
        %get3A_613 = arith.index_cast %rem3A_208 : i32 to index
        %get3A_614 = arith.constant 464 : index
        %get3A_615 = tpu.vector_load %arg8[%get3A_613, %get3A_614] {strides = array<i32>} : memref<3x512xi32, #tpu.memory_space<vmem>>, vector<1x16xi32>,
        %get3A_616 = vector.shape_cast %get3A_615 : vector<1x16xi32> to vector<16xi32>
        %mul3A_617 = arith.constant 2 : i32
        %mul3A_618 = vector.broadcast %mul3A_617 : i32 to vector<16xi32>
        %mul3A_619 = arith.muli %get3A_616, %mul3A_618 : vector<16xi32>
        %add3A_620 = vector.broadcast %arg0 : i32 to vector<16xi32>
        %add3A_621 = arith.addi %mul3A_619, %add3A_620 : vector<16xi32>
        %swap3A_622 = arith.index_cast %rem3A_208 : i32 to index
        %swap3A_623 = arith.constant 464 : index
        %swap3A_624 = tpu.vector_load %arg8[%swap3A_622, %swap3A_623] {strides = array<i32>} : memref<3x512xi32, #tpu.memory_space<vmem>>, vector<1x16xi32>,
        %swap3A_625 = vector.shape_cast %swap3A_624 : vector<1x16xi32> to vector<16xi32>
        %swap3A_626 = vector.shape_cast %add3A_621 : vector<16xi32> to vector<1x16xi32>
        tpu.vector_store %arg8[%swap3A_622, %swap3A_623], %swap3A_626 {strides = array<i32>} : memref<3x512xi32, #tpu.memory_space<vmem>>, vector<1x16xi32>,
        %get3A_627 = arith.index_cast %rem3A_208 : i32 to index
        %get3A_628 = arith.constant 480 : index
        %get3A_629 = tpu.vector_load %arg8[%get3A_627, %get3A_628] {strides = array<i32>} : memref<3x512xi32, #tpu.memory_space<vmem>>, vector<1x16xi32>,
        %get3A_630 = vector.shape_cast %get3A_629 : vector<1x16xi32> to vector<16xi32>
        %mul3A_631 = arith.constant 2 : i32
        %mul3A_632 = vector.broadcast %mul3A_631 : i32 to vector<16xi32>
        %mul3A_633 = arith.muli %get3A_630, %mul3A_632 : vector<16xi32>
        %add3A_634 = vector.broadcast %arg0 : i32 to vector<16xi32>
        %add3A_635 = arith.addi %mul3A_633, %add3A_634 : vector<16xi32>
        %swap3A_636 = arith.index_cast %rem3A_208 : i32 to index
        %swap3A_637 = arith.constant 480 : index
        %swap3A_638 = tpu.vector_load %arg8[%swap3A_636, %swap3A_637] {strides = array<i32>} : memref<3x512xi32, #tpu.memory_space<vmem>>, vector<1x16xi32>,
        %swap3A_639 = vector.shape_cast %swap3A_638 : vector<1x16xi32> to vector<16xi32>
        %swap3A_640 = vector.shape_cast %add3A_635 : vector<16xi32> to vector<1x16xi32>
        tpu.vector_store %arg8[%swap3A_636, %swap3A_637], %swap3A_640 {strides = array<i32>} : memref<3x512xi32, #tpu.memory_space<vmem>>, vector<1x16xi32>,
        %get3A_641 = arith.index_cast %rem3A_208 : i32 to index
        %get3A_642 = arith.constant 496 : index
        %get3A_643 = tpu.vector_load %arg8[%get3A_641, %get3A_642] {strides = array<i32>} : memref<3x512xi32, #tpu.memory_space<vmem>>, vector<1x16xi32>,
        %get3A_644 = vector.shape_cast %get3A_643 : vector<1x16xi32> to vector<16xi32>
        %mul3A_645 = arith.constant 2 : i32
        %mul3A_646 = vector.broadcast %mul3A_645 : i32 to vector<16xi32>
        %mul3A_647 = arith.muli %get3A_644, %mul3A_646 : vector<16xi32>
        %add3A_648 = vector.broadcast %arg0 : i32 to vector<16xi32>
        %add3A_649 = arith.addi %mul3A_647, %add3A_648 : vector<16xi32>
        %swap3A_650 = arith.index_cast %rem3A_208 : i32 to index
        %swap3A_651 = arith.constant 496 : index
        %swap3A_652 = tpu.vector_load %arg8[%swap3A_650, %swap3A_651] {strides = array<i32>} : memref<3x512xi32, #tpu.memory_space<vmem>>, vector<1x16xi32>,
        %swap3A_653 = vector.shape_cast %swap3A_652 : vector<1x16xi32> to vector<16xi32>
        %swap3A_654 = vector.shape_cast %add3A_649 : vector<16xi32> to vector<1x16xi32>
        tpu.vector_store %arg8[%swap3A_650, %swap3A_651], %swap3A_654 {strides = array<i32>} : memref<3x512xi32, #tpu.memory_space<vmem>>, vector<1x16xi32>,
        %rem3A_655 = arith.constant 2 : i32
        %rem3A_656 = arith.remsi %scan3A_140, %rem3A_655 : i32
        %mul3A_657 = arith.constant 512 : i32
        %mul3A_658 = arith.muli %rem3A_656, %mul3A_657 : i32
        %dma_start3A_659 = arith.constant 0 : i32
        %dma_start3A_660 = tpu.memref_slice %arg10[%mul3A_658, %dma_start3A_659] : memref<1024x32xbf16, #tpu.memory_space<vmem>> -> memref<512x32xbf16, #tpu.memory_space<vmem>>
        %dma_start3A_661 = arith.constant 0 : i32
        %dma_start3A_662 = tpu.memref_slice %arg8[%rem3A_208, %dma_start3A_661] : memref<3x512xi32, #tpu.memory_space<vmem>> -> memref<1x512xi32, #tpu.memory_space<vmem>>
        %dma_start3A_663 = tpu.memref_squeeze %dma_start3A_662 : memref<1x512xi32, #tpu.memory_space<vmem>> -> memref<512xi32, #tpu.memory_space<vmem>>
        %dma_start3A_664 = arith.constant 0 : i32
        %dma_start3A_665 = arith.constant 0 : i32
        %dma_start3A_666 = tpu.memref_slice %arg2[%dma_start3A_664, %dma_start3A_665] : memref<200000x32xbf16, #tpu.memory_space<hbm>> -> memref<200000x32xbf16, #tpu.memory_space<hbm>>
        tpu.enqueue_indirect_dma source(%dma_start3A_666 : memref<200000x32xbf16, #tpu.memory_space<hbm>>) target(%dma_start3A_660 : memref<512x32xbf16, #tpu.memory_space<vmem>>) offsets(%dma_start3A_663 : memref<512xi32, #tpu.memory_space<vmem>>) semaphore(%arg12 : memref<!tpu.dma_semaphore, #tpu.memory_space<semaphore_mem>>)
      } else {
      }
      %add3A_149 = arith.constant 1 : i32
      %add3A_150 = arith.addi %scan3A_140, %add3A_149 : i32
      %lt3A_151 = arith.constant 196 : i32
      %lt3A_152 = arith.cmpi slt, %add3A_150, %lt3A_151 : i32
      %convert_element_type3A_153 = arith.extui %lt3A_152 : i1 to i32
      %cond3A_154 = arith.constant 0 : i32
      %cond3A_155 = arith.cmpi ne, %convert_element_type3A_153, %cond3A_154 : i32
      scf.if %cond3A_155 {
        %add3A_164 = arith.constant 1 : i32
        %add3A_165 = arith.addi %scan3A_140, %add3A_164 : i32
        %rem3A_166 = arith.constant 3 : i32
        %rem3A_167 = arith.remsi %add3A_165, %rem3A_166 : i32
        %add3A_168 = arith.addi %mul3A_11, %add3A_165 : i32
        %dma_start3A_169 = arith.constant 0 : i32
        %dma_start3A_170 = tpu.memref_slice %arg8[%rem3A_167, %dma_start3A_169] : memref<3x512xi32, #tpu.memory_space<vmem>> -> memref<1x512xi32, #tpu.memory_space<vmem>>
        %dma_start3A_171 = tpu.memref_squeeze %dma_start3A_170 : memref<1x512xi32, #tpu.memory_space<vmem>> -> memref<512xi32, #tpu.memory_space<vmem>>
        %dma_start3A_172 = arith.constant 0 : i32
        %dma_start3A_173 = arith.constant 0 : i32
        %dma_start3A_174 = tpu.memref_slice %arg4[%scan3A_59, %dma_start3A_172, %dma_start3A_173] : memref<4x3136x512xi32, #tpu.memory_space<hbm>> -> memref<1x3136x512xi32, #tpu.memory_space<hbm>>
        %dma_start3A_175 = tpu.memref_squeeze %dma_start3A_174 : memref<1x3136x512xi32, #tpu.memory_space<hbm>> -> memref<3136x512xi32, #tpu.memory_space<hbm>>
        %dma_start3A_176 = arith.constant 0 : i32
        %dma_start3A_177 = tpu.memref_slice %dma_start3A_175[%add3A_168, %dma_start3A_176] : memref<3136x512xi32, #tpu.memory_space<hbm>> -> memref<1x512xi32, #tpu.memory_space<hbm>>
        %dma_start3A_178 = tpu.memref_squeeze %dma_start3A_177 : memref<1x512xi32, #tpu.memory_space<hbm>> -> memref<512xi32, #tpu.memory_space<hbm>>
        %dma_start3A_179 = arith.constant 0 : i32
        %dma_start3A_180 = tpu.memref_slice %arg8[%rem3A_167, %dma_start3A_179] : memref<3x512xi32, #tpu.memory_space<vmem>> -> memref<1x512xi32, #tpu.memory_space<vmem>>
        %dma_start3A_181 = tpu.memref_squeeze %dma_start3A_180 : memref<1x512xi32, #tpu.memory_space<vmem>> -> memref<512xi32, #tpu.memory_space<vmem>>
        %dma_start3A_182 = arith.constant 0 : i32
        %dma_start3A_183 = arith.constant 0 : i32
        %dma_start3A_184 = tpu.memref_slice %arg4[%scan3A_59, %dma_start3A_182, %dma_start3A_183] : memref<4x3136x512xi32, #tpu.memory_space<hbm>> -> memref<1x3136x512xi32, #tpu.memory_space<hbm>>
        %dma_start3A_185 = tpu.memref_squeeze %dma_start3A_184 : memref<1x3136x512xi32, #tpu.memory_space<hbm>> -> memref<3136x512xi32, #tpu.memory_space<hbm>>
        %dma_start3A_186 = arith.constant 0 : i32
        %dma_start3A_187 = tpu.memref_slice %dma_start3A_185[%add3A_168, %dma_start3A_186] : memref<3136x512xi32, #tpu.memory_space<hbm>> -> memref<1x512xi32, #tpu.memory_space<hbm>>
        %dma_start3A_188 = tpu.memref_squeeze %dma_start3A_187 : memref<1x512xi32, #tpu.memory_space<hbm>> -> memref<512xi32, #tpu.memory_space<hbm>>
        tpu.enqueue_dma source(%dma_start3A_188 : memref<512xi32, #tpu.memory_space<hbm>>) target(%dma_start3A_181 : memref<512xi32, #tpu.memory_space<vmem>>) target_semaphore(%arg14 : memref<!tpu.dma_semaphore, #tpu.memory_space<semaphore_mem>>)
        %add3A_189 = arith.addi %mul3A_11, %add3A_165 : i32
        %dma_start3A_190 = arith.constant 0 : i32
        %dma_start3A_191 = tpu.memref_slice %arg9[%rem3A_167, %dma_start3A_190] : memref<3x512xi32, #tpu.memory_space<vmem>> -> memref<1x512xi32, #tpu.memory_space<vmem>>
        %dma_start3A_192 = tpu.memref_squeeze %dma_start3A_191 : memref<1x512xi32, #tpu.memory_space<vmem>> -> memref<512xi32, #tpu.memory_space<vmem>>
        %dma_start3A_193 = arith.constant 0 : i32
        %dma_start3A_194 = arith.constant 0 : i32
        %dma_start3A_195 = tpu.memref_slice %arg4[%scan3A_60, %dma_start3A_193, %dma_start3A_194] : memref<4x3136x512xi32, #tpu.memory_space<hbm>> -> memref<1x3136x512xi32, #tpu.memory_space<hbm>>
        %dma_start3A_196 = tpu.memref_squeeze %dma_start3A_195 : memref<1x3136x512xi32, #tpu.memory_space<hbm>> -> memref<3136x512xi32, #tpu.memory_space<hbm>>
        %dma_start3A_197 = arith.constant 0 : i32
        %dma_start3A_198 = tpu.memref_slice %dma_start3A_196[%add3A_189, %dma_start3A_197] : memref<3136x512xi32, #tpu.memory_space<hbm>> -> memref<1x512xi32, #tpu.memory_space<hbm>>
        %dma_start3A_199 = tpu.memref_squeeze %dma_start3A_198 : memref<1x512xi32, #tpu.memory_space<hbm>> -> memref<512xi32, #tpu.memory_space<hbm>>
        %dma_start3A_200 = arith.constant 0 : i32
        %dma_start3A_201 = tpu.memref_slice %arg9[%rem3A_167, %dma_start3A_200] : memref<3x512xi32, #tpu.memory_space<vmem>> -> memref<1x512xi32, #tpu.memory_space<vmem>>
        %dma_start3A_202 = tpu.memref_squeeze %dma_start3A_201 : memref<1x512xi32, #tpu.memory_space<vmem>> -> memref<512xi32, #tpu.memory_space<vmem>>
        %dma_start3A_203 = arith.constant 0 : i32
        %dma_start3A_204 = arith.constant 0 : i32
        %dma_start3A_205 = tpu.memref_slice %arg4[%scan3A_60, %dma_start3A_203, %dma_start3A_204] : memref<4x3136x512xi32, #tpu.memory_space<hbm>> -> memref<1x3136x512xi32, #tpu.memory_space<hbm>>
        %dma_start3A_206 = tpu.memref_squeeze %dma_start3A_205 : memref<1x3136x512xi32, #tpu.memory_space<hbm>> -> memref<3136x512xi32, #tpu.memory_space<hbm>>
        %dma_start3A_207 = arith.constant 0 : i32
        %dma_start3A_208 = tpu.memref_slice %dma_start3A_206[%add3A_189, %dma_start3A_207] : memref<3136x512xi32, #tpu.memory_space<hbm>> -> memref<1x512xi32, #tpu.memory_space<hbm>>
        %dma_start3A_209 = tpu.memref_squeeze %dma_start3A_208 : memref<1x512xi32, #tpu.memory_space<hbm>> -> memref<512xi32, #tpu.memory_space<hbm>>
        tpu.enqueue_dma source(%dma_start3A_209 : memref<512xi32, #tpu.memory_space<hbm>>) target(%dma_start3A_202 : memref<512xi32, #tpu.memory_space<vmem>>) target_semaphore(%arg14 : memref<!tpu.dma_semaphore, #tpu.memory_space<semaphore_mem>>)
      } else {
      }
      %ge3A_156 = arith.constant 1 : i32
      %ge3A_157 = arith.cmpi sge, %scan3A_140, %ge3A_156 : i32
      %lt3A_158 = arith.constant 197 : i32
      %lt3A_159 = arith.cmpi slt, %scan3A_140, %lt3A_158 : i32
      %and3A_160 = arith.andi %ge3A_157, %lt3A_159 : i1
      %convert_element_type3A_161 = arith.extui %and3A_160 : i1 to i32
      %cond3A_162 = arith.constant 0 : i32
      %cond3A_163 = arith.cmpi ne, %convert_element_type3A_161, %cond3A_162 : i32
      scf.if %cond3A_163 {
        %sub3A = arith.constant 1 : i32
        %sub3A_164 = arith.subi %scan3A_140, %sub3A : i32
        %rem3A_165 = arith.constant 2 : i32
        %rem3A_166 = arith.remsi %sub3A_164, %rem3A_165 : i32
        %mul3A_167 = arith.constant 512 : i32
        %mul3A_168 = arith.muli %rem3A_166, %mul3A_167 : i32
        %dma_wait3A = arith.constant 0 : i32
        %dma_wait3A_169 = tpu.memref_slice %arg10[%mul3A_168, %dma_wait3A] : memref<1024x32xbf16, #tpu.memory_space<vmem>> -> memref<512x32xbf16, #tpu.memory_space<vmem>>
        %dma_wait3A_170 = arith.constant 0 : i32
        %dma_wait3A_171 = arith.constant 0 : i32
        %dma_wait3A_172 = tpu.memref_slice %arg2[%dma_wait3A_170, %dma_wait3A_171] : memref<200000x32xbf16, #tpu.memory_space<hbm>> -> memref<512x32xbf16, #tpu.memory_space<hbm>>
        %dma_wait3A_173 = arith.constant 0 : i32
        %dma_wait3A_174 = tpu.memref_slice %arg10[%mul3A_168, %dma_wait3A_173] : memref<1024x32xbf16, #tpu.memory_space<vmem>> -> memref<512x32xbf16, #tpu.memory_space<vmem>>
        %dma_wait3A_175 = arith.constant 0 : i32
        %dma_wait3A_176 = arith.constant 0 : i32
        %dma_wait3A_177 = tpu.memref_slice %arg2[%dma_wait3A_175, %dma_wait3A_176] : memref<200000x32xbf16, #tpu.memory_space<hbm>> -> memref<512x32xbf16, #tpu.memory_space<hbm>>
        tpu.wait_dma2 semaphore(%arg12 : memref<!tpu.dma_semaphore, #tpu.memory_space<semaphore_mem>>) src(%dma_wait3A_177 : memref<512x32xbf16, #tpu.memory_space<hbm>>) dst(%dma_wait3A_174 : memref<512x32xbf16, #tpu.memory_space<vmem>>)
        %rem3A_178 = arith.constant 2 : i32
        %rem3A_179 = arith.remsi %sub3A_164, %rem3A_178 : i32
        %mul3A_180 = arith.constant 512 : i32
        %mul3A_181 = arith.muli %rem3A_179, %mul3A_180 : i32
        %rem3A_182 = arith.constant 3 : i32
        %rem3A_183 = arith.remsi %sub3A_164, %rem3A_182 : i32
        %dma_start3A_184 = arith.constant 0 : i32
        %dma_start3A_185 = tpu.memref_slice %arg10[%mul3A_181, %dma_start3A_184] : memref<1024x32xbf16, #tpu.memory_space<vmem>> -> memref<512x32xbf16, #tpu.memory_space<vmem>>
        %dma_start3A_186 = arith.constant 0 : i32
        %dma_start3A_187 = tpu.memref_slice %arg9[%rem3A_183, %dma_start3A_186] : memref<3x512xi32, #tpu.memory_space<vmem>> -> memref<1x512xi32, #tpu.memory_space<vmem>>
        %dma_start3A_188 = tpu.memref_squeeze %dma_start3A_187 : memref<1x512xi32, #tpu.memory_space<vmem>> -> memref<512xi32, #tpu.memory_space<vmem>>
        %dma_start3A_189 = arith.constant 0 : i32
        %dma_start3A_190 = arith.constant 0 : i32
        %dma_start3A_191 = tpu.memref_slice %arg7[%dma_start3A_189, %dma_start3A_190] : memref<100008x32xbf16, #tpu.memory_space<vmem_shared>> -> memref<100008x32xbf16, #tpu.memory_space<vmem_shared>>
        tpu.enqueue_indirect_dma source(%dma_start3A_185 : memref<512x32xbf16, #tpu.memory_space<vmem>>) target(%dma_start3A_191 : memref<100008x32xbf16, #tpu.memory_space<vmem_shared>>) offsets(%dma_start3A_188 : memref<512xi32, #tpu.memory_space<vmem>>) semaphore(%arg13 : memref<!tpu.dma_semaphore, #tpu.memory_space<semaphore_mem>>) {add = true}
      } else {
      }
    }
    %scan3A_65 = arith.constant 198 : i32
    %barrier3A_66 = arith.constant 0 : index
    tpu.barrier barrier_id(%barrier3A_66)
    %mul3A_67 = arith.constant 6250 : i32
    %mul3A_68 = arith.muli %arg1, %mul3A_67 : i32
    "tpu.region"() ({
      %run_scoped3A = tpu.sem_alloc : memref<!tpu.dma_semaphore, #tpu.memory_space<semaphore_mem>>
      %dma_start3A_140 = arith.constant 0 : i32
      %dma_start3A_141 = tpu.memref_slice %arg5[%mul3A_68, %arg0, %dma_start3A_140] : memref<100000x2x32xbf16, #tpu.memory_space<hbm>> -> memref<6250x1x32xbf16, #tpu.memory_space<hbm>>
      %dma_start3A_142 = tpu.memref_squeeze %dma_start3A_141 : memref<6250x1x32xbf16, #tpu.memory_space<hbm>> -> memref<6250x32xbf16, #tpu.memory_space<hbm>>
      %dma_start3A_143 = arith.constant 0 : i32
      %dma_start3A_144 = tpu.memref_slice %arg7[%mul3A_68, %dma_start3A_143] : memref<100008x32xbf16, #tpu.memory_space<vmem_shared>> -> memref<6250x32xbf16, #tpu.memory_space<vmem_shared>>
      tpu.enqueue_dma source(%dma_start3A_144 : memref<6250x32xbf16, #tpu.memory_space<vmem_shared>>) target(%dma_start3A_142 : memref<6250x32xbf16, #tpu.memory_space<hbm>>) target_semaphore(%run_scoped3A : memref<!tpu.dma_semaphore, #tpu.memory_space<semaphore_mem>>)
      %dma_wait3A = arith.constant 0 : i32
      %dma_wait3A_145 = tpu.memref_slice %arg5[%mul3A_68, %arg0, %dma_wait3A] : memref<100000x2x32xbf16, #tpu.memory_space<hbm>> -> memref<6250x1x32xbf16, #tpu.memory_space<hbm>>
      %dma_wait3A_146 = tpu.memref_squeeze %dma_wait3A_145 : memref<6250x1x32xbf16, #tpu.memory_space<hbm>> -> memref<6250x32xbf16, #tpu.memory_space<hbm>>
      %dma_wait3A_147 = arith.constant 0 : i32
      %dma_wait3A_148 = tpu.memref_slice %arg7[%mul3A_68, %dma_wait3A_147] : memref<100008x32xbf16, #tpu.memory_space<vmem_shared>> -> memref<6250x32xbf16, #tpu.memory_space<vmem_shared>>
      tpu.wait_dma2 semaphore(%run_scoped3A : memref<!tpu.dma_semaphore, #tpu.memory_space<semaphore_mem>>) src(%dma_wait3A_148 : memref<6250x32xbf16, #tpu.memory_space<vmem_shared>>) dst(%dma_wait3A_146 : memref<6250x32xbf16, #tpu.memory_space<hbm>>)
      tpu.yield
    }) : () -> ()
    %barrier3A_69 = arith.constant 0 : index
    tpu.barrier barrier_id(%barrier3A_69)
    %scan3A_70 = arith.constant 0 : i32
    %scan3A_71 = arith.constant 0 : i32
    %scan3A_72 = arith.constant 25 : i32
    %scan3A_73 = arith.addi %scan3A_71, %scan3A_72 : i32
    %scan3A_74 = arith.constant 1 : i32
    scf.for %scan3A_140 = %scan3A_71 to %scan3A_73 step %scan3A_74  : i32 {
      %mul3A_141 = arith.constant 6250 : i32
      %mul3A_142 = arith.muli %arg1, %mul3A_141 : i32
      %mul3A_143 = arith.constant 250 : i32
      %mul3A_144 = arith.muli %scan3A_140, %mul3A_143 : i32
      %add3A_145 = arith.addi %mul3A_142, %mul3A_144 : i32
      "tpu.region"() ({
        %run_scoped3A = tpu.sem_alloc : memref<!tpu.dma_semaphore, #tpu.memory_space<semaphore_mem>>
        %dma_start3A_146 = arith.constant 0 : i32
        %dma_start3A_147 = tpu.memref_slice %arg7[%add3A_145, %dma_start3A_146] : memref<100008x32xbf16, #tpu.memory_space<vmem_shared>> -> memref<250x32xbf16, #tpu.memory_space<vmem_shared>>
        %dma_start3A_148 = arith.constant 0 : i32
        %dma_start3A_149 = tpu.memref_slice %arg7[%add3A_145, %dma_start3A_148] : memref<100008x32xbf16, #tpu.memory_space<vmem_shared>> -> memref<250x32xbf16, #tpu.memory_space<vmem_shared>>
        tpu.enqueue_dma source(%arg11 : memref<250x32xbf16, #tpu.memory_space<vmem>>) target(%dma_start3A_149 : memref<250x32xbf16, #tpu.memory_space<vmem_shared>>) target_semaphore(%run_scoped3A : memref<!tpu.dma_semaphore, #tpu.memory_space<semaphore_mem>>)
        %dma_wait3A = arith.constant 0 : i32
        %dma_wait3A_150 = tpu.memref_slice %arg7[%add3A_145, %dma_wait3A] : memref<100008x32xbf16, #tpu.memory_space<vmem_shared>> -> memref<250x32xbf16, #tpu.memory_space<vmem_shared>>
        %dma_wait3A_151 = arith.constant 0 : i32
        %dma_wait3A_152 = tpu.memref_slice %arg7[%add3A_145, %dma_wait3A_151] : memref<100008x32xbf16, #tpu.memory_space<vmem_shared>> -> memref<250x32xbf16, #tpu.memory_space<vmem_shared>>
        tpu.wait_dma2 semaphore(%run_scoped3A : memref<!tpu.dma_semaphore, #tpu.memory_space<semaphore_mem>>) src(%arg11 : memref<250x32xbf16, #tpu.memory_space<vmem>>) dst(%dma_wait3A_152 : memref<250x32xbf16, #tpu.memory_space<vmem_shared>>)
        tpu.yield
      }) : () -> ()
    }
    %scan3A_75 = arith.constant 25 : i32
    %barrier3A_76 = arith.constant 0 : index
    tpu.barrier barrier_id(%barrier3A_76)
    %mul3A_77 = arith.constant 196 : i32
    %mul3A_78 = arith.muli %arg1, %mul3A_77 : i32
    %rem3A_79 = arith.constant 0 : i32
    %rem3A_80 = arith.constant 3 : i32
    %rem3A_81 = arith.remsi %rem3A_79, %rem3A_80 : i32
    %add3A_82 = arith.constant 0 : i32
    %add3A_83 = arith.addi %mul3A_78, %add3A_82 : i32
    %dma_start3A_84 = arith.constant 1 : i32
    %dma_start3A_85 = arith.constant 0 : i32
    %dma_start3A_86 = tpu.memref_slice %arg8[%rem3A_81, %dma_start3A_85] : memref<3x512xi32, #tpu.memory_space<vmem>> -> memref<1x512xi32, #tpu.memory_space<vmem>>
    %dma_start3A_87 = tpu.memref_squeeze %dma_start3A_86 : memref<1x512xi32, #tpu.memory_space<vmem>> -> memref<512xi32, #tpu.memory_space<vmem>>
    %dma_start3A_88 = arith.constant 0 : i32
    %dma_start3A_89 = arith.constant 0 : i32
    %dma_start3A_90 = tpu.memref_slice %arg4[%dma_start3A_84, %dma_start3A_88, %dma_start3A_89] : memref<4x3136x512xi32, #tpu.memory_space<hbm>> -> memref<1x3136x512xi32, #tpu.memory_space<hbm>>
    %dma_start3A_91 = tpu.memref_squeeze %dma_start3A_90 : memref<1x3136x512xi32, #tpu.memory_space<hbm>> -> memref<3136x512xi32, #tpu.memory_space<hbm>>
    %dma_start3A_92 = arith.constant 0 : i32
    %dma_start3A_93 = tpu.memref_slice %dma_start3A_91[%add3A_83, %dma_start3A_92] : memref<3136x512xi32, #tpu.memory_space<hbm>> -> memref<1x512xi32, #tpu.memory_space<hbm>>
    %dma_start3A_94 = tpu.memref_squeeze %dma_start3A_93 : memref<1x512xi32, #tpu.memory_space<hbm>> -> memref<512xi32, #tpu.memory_space<hbm>>
    %dma_start3A_95 = arith.constant 0 : i32
    %dma_start3A_96 = tpu.memref_slice %arg8[%rem3A_81, %dma_start3A_95] : memref<3x512xi32, #tpu.memory_space<vmem>> -> memref<1x512xi32, #tpu.memory_space<vmem>>
    %dma_start3A_97 = tpu.memref_squeeze %dma_start3A_96 : memref<1x512xi32, #tpu.memory_space<vmem>> -> memref<512xi32, #tpu.memory_space<vmem>>
    %dma_start3A_98 = arith.constant 0 : i32
    %dma_start3A_99 = arith.constant 0 : i32
    %dma_start3A_100 = tpu.memref_slice %arg4[%dma_start3A_84, %dma_start3A_98, %dma_start3A_99] : memref<4x3136x512xi32, #tpu.memory_space<hbm>> -> memref<1x3136x512xi32, #tpu.memory_space<hbm>>
    %dma_start3A_101 = tpu.memref_squeeze %dma_start3A_100 : memref<1x3136x512xi32, #tpu.memory_space<hbm>> -> memref<3136x512xi32, #tpu.memory_space<hbm>>
    %dma_start3A_102 = arith.constant 0 : i32
    %dma_start3A_103 = tpu.memref_slice %dma_start3A_101[%add3A_83, %dma_start3A_102] : memref<3136x512xi32, #tpu.memory_space<hbm>> -> memref<1x512xi32, #tpu.memory_space<hbm>>
    %dma_start3A_104 = tpu.memref_squeeze %dma_start3A_103 : memref<1x512xi32, #tpu.memory_space<hbm>> -> memref<512xi32, #tpu.memory_space<hbm>>
    tpu.enqueue_dma source(%dma_start3A_104 : memref<512xi32, #tpu.memory_space<hbm>>) target(%dma_start3A_97 : memref<512xi32, #tpu.memory_space<vmem>>) target_semaphore(%arg14 : memref<!tpu.dma_semaphore, #tpu.memory_space<semaphore_mem>>)
    %add3A_105 = arith.constant 0 : i32
    %add3A_106 = arith.addi %mul3A_78, %add3A_105 : i32
    %dma_start3A_107 = arith.constant 3 : i32
    %dma_start3A_108 = arith.constant 0 : i32
    %dma_start3A_109 = tpu.memref_slice %arg9[%rem3A_81, %dma_start3A_108] : memref<3x512xi32, #tpu.memory_space<vmem>> -> memref<1x512xi32, #tpu.memory_space<vmem>>
    %dma_start3A_110 = tpu.memref_squeeze %dma_start3A_109 : memref<1x512xi32, #tpu.memory_space<vmem>> -> memref<512xi32, #tpu.memory_space<vmem>>
    %dma_start3A_111 = arith.constant 0 : i32
    %dma_start3A_112 = arith.constant 0 : i32
    %dma_start3A_113 = tpu.memref_slice %arg4[%dma_start3A_107, %dma_start3A_111, %dma_start3A_112] : memref<4x3136x512xi32, #tpu.memory_space<hbm>> -> memref<1x3136x512xi32, #tpu.memory_space<hbm>>
    %dma_start3A_114 = tpu.memref_squeeze %dma_start3A_113 : memref<1x3136x512xi32, #tpu.memory_space<hbm>> -> memref<3136x512xi32, #tpu.memory_space<hbm>>
    %dma_start3A_115 = arith.constant 0 : i32
    %dma_start3A_116 = tpu.memref_slice %dma_start3A_114[%add3A_106, %dma_start3A_115] : memref<3136x512xi32, #tpu.memory_space<hbm>> -> memref<1x512xi32, #tpu.memory_space<hbm>>
    %dma_start3A_117 = tpu.memref_squeeze %dma_start3A_116 : memref<1x512xi32, #tpu.memory_space<hbm>> -> memref<512xi32, #tpu.memory_space<hbm>>
    %dma_start3A_118 = arith.constant 0 : i32
    %dma_start3A_119 = tpu.memref_slice %arg9[%rem3A_81, %dma_start3A_118] : memref<3x512xi32, #tpu.memory_space<vmem>> -> memref<1x512xi32, #tpu.memory_space<vmem>>
    %dma_start3A_120 = tpu.memref_squeeze %dma_start3A_119 : memref<1x512xi32, #tpu.memory_space<vmem>> -> memref<512xi32, #tpu.memory_space<vmem>>
    %dma_start3A_121 = arith.constant 0 : i32
    %dma_start3A_122 = arith.constant 0 : i32
    %dma_start3A_123 = tpu.memref_slice %arg4[%dma_start3A_107, %dma_start3A_121, %dma_start3A_122] : memref<4x3136x512xi32, #tpu.memory_space<hbm>> -> memref<1x3136x512xi32, #tpu.memory_space<hbm>>
    %dma_start3A_124 = tpu.memref_squeeze %dma_start3A_123 : memref<1x3136x512xi32, #tpu.memory_space<hbm>> -> memref<3136x512xi32, #tpu.memory_space<hbm>>
    %dma_start3A_125 = arith.constant 0 : i32
    %dma_start3A_126 = tpu.memref_slice %dma_start3A_124[%add3A_106, %dma_start3A_125] : memref<3136x512xi32, #tpu.memory_space<hbm>> -> memref<1x512xi32, #tpu.memory_space<hbm>>
    %dma_start3A_127 = tpu.memref_squeeze %dma_start3A_126 : memref<1x512xi32, #tpu.memory_space<hbm>> -> memref<512xi32, #tpu.memory_space<hbm>>
    tpu.enqueue_dma source(%dma_start3A_127 : memref<512xi32, #tpu.memory_space<hbm>>) target(%dma_start3A_120 : memref<512xi32, #tpu.memory_space<vmem>>) target_semaphore(%arg14 : memref<!tpu.dma_semaphore, #tpu.memory_space<semaphore_mem>>)
    %scan3A_128 = arith.constant 0 : i32
    %scan3A_129 = arith.constant 1 : i32
    %scan3A_130 = arith.constant 3 : i32
    %scan3A_131 = arith.constant 0 : i32
    %scan3A_132 = arith.constant 198 : i32
    %scan3A_133 = arith.addi %scan3A_131, %scan3A_132 : i32
    %scan3A_134 = arith.constant 1 : i32
    scf.for %scan3A_140 = %scan3A_131 to %scan3A_133 step %scan3A_134  : i32 {
      %ge3A = arith.constant 2 : i32
      %ge3A_141 = arith.cmpi sge, %scan3A_140, %ge3A : i32
      %lt3A = arith.constant 198 : i32
      %lt3A_142 = arith.cmpi slt, %scan3A_140, %lt3A : i32
      %and3A = arith.andi %ge3A_141, %lt3A_142 : i1
      %convert_element_type3A = arith.extui %and3A : i1 to i32
      %cond3A = arith.constant 0 : i32
      %cond3A_143 = arith.cmpi ne, %convert_element_type3A, %cond3A : i32
      scf.if %cond3A_143 {
        %dma_wait3A = arith.constant 0 : i32
        %dma_wait3A_164 = arith.constant 0 : i32
        %dma_wait3A_165 = tpu.memref_slice %arg7[%dma_wait3A, %dma_wait3A_164] : memref<100008x32xbf16, #tpu.memory_space<vmem_shared>> -> memref<512x32xbf16, #tpu.memory_space<vmem_shared>>
        %dma_wait3A_166 = arith.constant 0 : i32
        %dma_wait3A_167 = arith.constant 0 : i32
        %dma_wait3A_168 = tpu.memref_slice %arg3[%dma_wait3A_166, %dma_wait3A_167] : memref<200000x32xbf16, #tpu.memory_space<hbm>> -> memref<512x32xbf16, #tpu.memory_space<hbm>>
        tpu.wait_dma2 semaphore(%arg13 : memref<!tpu.dma_semaphore, #tpu.memory_space<semaphore_mem>>) src(%dma_wait3A_168 : memref<512x32xbf16, #tpu.memory_space<hbm>>) dst(%dma_wait3A_165 : memref<512x32xbf16, #tpu.memory_space<vmem_shared>>)
      } else {
      }
      %lt3A_144 = arith.constant 196 : i32
      %lt3A_145 = arith.cmpi slt, %scan3A_140, %lt3A_144 : i32
      %convert_element_type3A_146 = arith.extui %lt3A_145 : i1 to i32
      %cond3A_147 = arith.constant 0 : i32
      %cond3A_148 = arith.cmpi ne, %convert_element_type3A_146, %cond3A_147 : i32
      scf.if %cond3A_148 {
        %dma_wait3A = arith.constant 0 : i32
        %dma_wait3A_164 = arith.constant 0 : i32
        %dma_wait3A_165 = arith.constant 0 : i32
        %dma_wait3A_166 = tpu.memref_slice %arg8[%dma_wait3A_164, %dma_wait3A_165] : memref<3x512xi32, #tpu.memory_space<vmem>> -> memref<1x512xi32, #tpu.memory_space<vmem>>
        %dma_wait3A_167 = tpu.memref_squeeze %dma_wait3A_166 : memref<1x512xi32, #tpu.memory_space<vmem>> -> memref<512xi32, #tpu.memory_space<vmem>>
        %dma_wait3A_168 = arith.constant 0 : i32
        %dma_wait3A_169 = arith.constant 0 : i32
        %dma_wait3A_170 = tpu.memref_slice %arg4[%scan3A_129, %dma_wait3A_168, %dma_wait3A_169] : memref<4x3136x512xi32, #tpu.memory_space<hbm>> -> memref<1x3136x512xi32, #tpu.memory_space<hbm>>
        %dma_wait3A_171 = tpu.memref_squeeze %dma_wait3A_170 : memref<1x3136x512xi32, #tpu.memory_space<hbm>> -> memref<3136x512xi32, #tpu.memory_space<hbm>>
        %dma_wait3A_172 = arith.constant 0 : i32
        %dma_wait3A_173 = tpu.memref_slice %dma_wait3A_171[%dma_wait3A, %dma_wait3A_172] : memref<3136x512xi32, #tpu.memory_space<hbm>> -> memref<1x512xi32, #tpu.memory_space<hbm>>
        %dma_wait3A_174 = tpu.memref_squeeze %dma_wait3A_173 : memref<1x512xi32, #tpu.memory_space<hbm>> -> memref<512xi32, #tpu.memory_space<hbm>>
        %dma_wait3A_175 = arith.constant 0 : i32
        %dma_wait3A_176 = tpu.memref_slice %arg8[%dma_wait3A_164, %dma_wait3A_175] : memref<3x512xi32, #tpu.memory_space<vmem>> -> memref<1x512xi32, #tpu.memory_space<vmem>>
        %dma_wait3A_177 = tpu.memref_squeeze %dma_wait3A_176 : memref<1x512xi32, #tpu.memory_space<vmem>> -> memref<512xi32, #tpu.memory_space<vmem>>
        %dma_wait3A_178 = arith.constant 0 : i32
        %dma_wait3A_179 = arith.constant 0 : i32
        %dma_wait3A_180 = tpu.memref_slice %arg4[%scan3A_129, %dma_wait3A_178, %dma_wait3A_179] : memref<4x3136x512xi32, #tpu.memory_space<hbm>> -> memref<1x3136x512xi32, #tpu.memory_space<hbm>>
        %dma_wait3A_181 = tpu.memref_squeeze %dma_wait3A_180 : memref<1x3136x512xi32, #tpu.memory_space<hbm>> -> memref<3136x512xi32, #tpu.memory_space<hbm>>
        %dma_wait3A_182 = arith.constant 0 : i32
        %dma_wait3A_183 = tpu.memref_slice %dma_wait3A_181[%dma_wait3A, %dma_wait3A_182] : memref<3136x512xi32, #tpu.memory_space<hbm>> -> memref<1x512xi32, #tpu.memory_space<hbm>>
        %dma_wait3A_184 = tpu.memref_squeeze %dma_wait3A_183 : memref<1x512xi32, #tpu.memory_space<hbm>> -> memref<512xi32, #tpu.memory_space<hbm>>
        tpu.wait_dma2 semaphore(%arg14 : memref<!tpu.dma_semaphore, #tpu.memory_space<semaphore_mem>>) src(%dma_wait3A_184 : memref<512xi32, #tpu.memory_space<hbm>>) dst(%dma_wait3A_177 : memref<512xi32, #tpu.memory_space<vmem>>)
        %dma_wait3A_185 = arith.constant 0 : i32
        %dma_wait3A_186 = arith.constant 0 : i32
        %dma_wait3A_187 = arith.constant 0 : i32
        %dma_wait3A_188 = tpu.memref_slice %arg9[%dma_wait3A_186, %dma_wait3A_187] : memref<3x512xi32, #tpu.memory_space<vmem>> -> memref<1x512xi32, #tpu.memory_space<vmem>>
        %dma_wait3A_189 = tpu.memref_squeeze %dma_wait3A_188 : memref<1x512xi32, #tpu.memory_space<vmem>> -> memref<512xi32, #tpu.memory_space<vmem>>
        %dma_wait3A_190 = arith.constant 0 : i32
        %dma_wait3A_191 = arith.constant 0 : i32
        %dma_wait3A_192 = tpu.memref_slice %arg4[%scan3A_130, %dma_wait3A_190, %dma_wait3A_191] : memref<4x3136x512xi32, #tpu.memory_space<hbm>> -> memref<1x3136x512xi32, #tpu.memory_space<hbm>>
        %dma_wait3A_193 = tpu.memref_squeeze %dma_wait3A_192 : memref<1x3136x512xi32, #tpu.memory_space<hbm>> -> memref<3136x512xi32, #tpu.memory_space<hbm>>
        %dma_wait3A_194 = arith.constant 0 : i32
        %dma_wait3A_195 = tpu.memref_slice %dma_wait3A_193[%dma_wait3A_185, %dma_wait3A_194] : memref<3136x512xi32, #tpu.memory_space<hbm>> -> memref<1x512xi32, #tpu.memory_space<hbm>>
        %dma_wait3A_196 = tpu.memref_squeeze %dma_wait3A_195 : memref<1x512xi32, #tpu.memory_space<hbm>> -> memref<512xi32, #tpu.memory_space<hbm>>
        %dma_wait3A_197 = arith.constant 0 : i32
        %dma_wait3A_198 = tpu.memref_slice %arg9[%dma_wait3A_186, %dma_wait3A_197] : memref<3x512xi32, #tpu.memory_space<vmem>> -> memref<1x512xi32, #tpu.memory_space<vmem>>
        %dma_wait3A_199 = tpu.memref_squeeze %dma_wait3A_198 : memref<1x512xi32, #tpu.memory_space<vmem>> -> memref<512xi32, #tpu.memory_space<vmem>>
        %dma_wait3A_200 = arith.constant 0 : i32
        %dma_wait3A_201 = arith.constant 0 : i32
        %dma_wait3A_202 = tpu.memref_slice %arg4[%scan3A_130, %dma_wait3A_200, %dma_wait3A_201] : memref<4x3136x512xi32, #tpu.memory_space<hbm>> -> memref<1x3136x512xi32, #tpu.memory_space<hbm>>
        %dma_wait3A_203 = tpu.memref_squeeze %dma_wait3A_202 : memref<1x3136x512xi32, #tpu.memory_space<hbm>> -> memref<3136x512xi32, #tpu.memory_space<hbm>>
        %dma_wait3A_204 = arith.constant 0 : i32
        %dma_wait3A_205 = tpu.memref_slice %dma_wait3A_203[%dma_wait3A_185, %dma_wait3A_204] : memref<3136x512xi32, #tpu.memory_space<hbm>> -> memref<1x512xi32, #tpu.memory_space<hbm>>
        %dma_wait3A_206 = tpu.memref_squeeze %dma_wait3A_205 : memref<1x512xi32, #tpu.memory_space<hbm>> -> memref<512xi32, #tpu.memory_space<hbm>>
        tpu.wait_dma2 semaphore(%arg14 : memref<!tpu.dma_semaphore, #tpu.memory_space<semaphore_mem>>) src(%dma_wait3A_206 : memref<512xi32, #tpu.memory_space<hbm>>) dst(%dma_wait3A_199 : memref<512xi32, #tpu.memory_space<vmem>>)
        %rem3A_207 = arith.constant 3 : i32
        %rem3A_208 = arith.remsi %scan3A_140, %rem3A_207 : i32
        %get3A = arith.index_cast %rem3A_208 : i32 to index
        %get3A_209 = arith.constant 0 : index
        %get3A_210 = tpu.vector_load %arg8[%get3A, %get3A_209] {strides = array<i32>} : memref<3x512xi32, #tpu.memory_space<vmem>>, vector<1x16xi32>,
        %get3A_211 = vector.shape_cast %get3A_210 : vector<1x16xi32> to vector<16xi32>
        %mul3A_212 = arith.constant 2 : i32
        %mul3A_213 = vector.broadcast %mul3A_212 : i32 to vector<16xi32>
        %mul3A_214 = arith.muli %get3A_211, %mul3A_213 : vector<16xi32>
        %add3A_215 = vector.broadcast %arg0 : i32 to vector<16xi32>
        %add3A_216 = arith.addi %mul3A_214, %add3A_215 : vector<16xi32>
        %swap3A = arith.index_cast %rem3A_208 : i32 to index
        %swap3A_217 = arith.constant 0 : index
        %swap3A_218 = tpu.vector_load %arg8[%swap3A, %swap3A_217] {strides = array<i32>} : memref<3x512xi32, #tpu.memory_space<vmem>>, vector<1x16xi32>,
        %swap3A_219 = vector.shape_cast %swap3A_218 : vector<1x16xi32> to vector<16xi32>
        %swap3A_220 = vector.shape_cast %add3A_216 : vector<16xi32> to vector<1x16xi32>
        tpu.vector_store %arg8[%swap3A, %swap3A_217], %swap3A_220 {strides = array<i32>} : memref<3x512xi32, #tpu.memory_space<vmem>>, vector<1x16xi32>,
        %get3A_221 = arith.index_cast %rem3A_208 : i32 to index
        %get3A_222 = arith.constant 16 : index
        %get3A_223 = tpu.vector_load %arg8[%get3A_221, %get3A_222] {strides = array<i32>} : memref<3x512xi32, #tpu.memory_space<vmem>>, vector<1x16xi32>,
        %get3A_224 = vector.shape_cast %get3A_223 : vector<1x16xi32> to vector<16xi32>
        %mul3A_225 = arith.constant 2 : i32
        %mul3A_226 = vector.broadcast %mul3A_225 : i32 to vector<16xi32>
        %mul3A_227 = arith.muli %get3A_224, %mul3A_226 : vector<16xi32>
        %add3A_228 = vector.broadcast %arg0 : i32 to vector<16xi32>
        %add3A_229 = arith.addi %mul3A_227, %add3A_228 : vector<16xi32>
        %swap3A_230 = arith.index_cast %rem3A_208 : i32 to index
        %swap3A_231 = arith.constant 16 : index
        %swap3A_232 = tpu.vector_load %arg8[%swap3A_230, %swap3A_231] {strides = array<i32>} : memref<3x512xi32, #tpu.memory_space<vmem>>, vector<1x16xi32>,
        %swap3A_233 = vector.shape_cast %swap3A_232 : vector<1x16xi32> to vector<16xi32>
        %swap3A_234 = vector.shape_cast %add3A_229 : vector<16xi32> to vector<1x16xi32>
        tpu.vector_store %arg8[%swap3A_230, %swap3A_231], %swap3A_234 {strides = array<i32>} : memref<3x512xi32, #tpu.memory_space<vmem>>, vector<1x16xi32>,
        %get3A_235 = arith.index_cast %rem3A_208 : i32 to index
        %get3A_236 = arith.constant 32 : index
        %get3A_237 = tpu.vector_load %arg8[%get3A_235, %get3A_236] {strides = array<i32>} : memref<3x512xi32, #tpu.memory_space<vmem>>, vector<1x16xi32>,
        %get3A_238 = vector.shape_cast %get3A_237 : vector<1x16xi32> to vector<16xi32>
        %mul3A_239 = arith.constant 2 : i32
        %mul3A_240 = vector.broadcast %mul3A_239 : i32 to vector<16xi32>
        %mul3A_241 = arith.muli %get3A_238, %mul3A_240 : vector<16xi32>
        %add3A_242 = vector.broadcast %arg0 : i32 to vector<16xi32>
        %add3A_243 = arith.addi %mul3A_241, %add3A_242 : vector<16xi32>
        %swap3A_244 = arith.index_cast %rem3A_208 : i32 to index
        %swap3A_245 = arith.constant 32 : index
        %swap3A_246 = tpu.vector_load %arg8[%swap3A_244, %swap3A_245] {strides = array<i32>} : memref<3x512xi32, #tpu.memory_space<vmem>>, vector<1x16xi32>,
        %swap3A_247 = vector.shape_cast %swap3A_246 : vector<1x16xi32> to vector<16xi32>
        %swap3A_248 = vector.shape_cast %add3A_243 : vector<16xi32> to vector<1x16xi32>
        tpu.vector_store %arg8[%swap3A_244, %swap3A_245], %swap3A_248 {strides = array<i32>} : memref<3x512xi32, #tpu.memory_space<vmem>>, vector<1x16xi32>,
        %get3A_249 = arith.index_cast %rem3A_208 : i32 to index
        %get3A_250 = arith.constant 48 : index
        %get3A_251 = tpu.vector_load %arg8[%get3A_249, %get3A_250] {strides = array<i32>} : memref<3x512xi32, #tpu.memory_space<vmem>>, vector<1x16xi32>,
        %get3A_252 = vector.shape_cast %get3A_251 : vector<1x16xi32> to vector<16xi32>
        %mul3A_253 = arith.constant 2 : i32
        %mul3A_254 = vector.broadcast %mul3A_253 : i32 to vector<16xi32>
        %mul3A_255 = arith.muli %get3A_252, %mul3A_254 : vector<16xi32>
        %add3A_256 = vector.broadcast %arg0 : i32 to vector<16xi32>
        %add3A_257 = arith.addi %mul3A_255, %add3A_256 : vector<16xi32>
        %swap3A_258 = arith.index_cast %rem3A_208 : i32 to index
        %swap3A_259 = arith.constant 48 : index
        %swap3A_260 = tpu.vector_load %arg8[%swap3A_258, %swap3A_259] {strides = array<i32>} : memref<3x512xi32, #tpu.memory_space<vmem>>, vector<1x16xi32>,
        %swap3A_261 = vector.shape_cast %swap3A_260 : vector<1x16xi32> to vector<16xi32>
        %swap3A_262 = vector.shape_cast %add3A_257 : vector<16xi32> to vector<1x16xi32>
        tpu.vector_store %arg8[%swap3A_258, %swap3A_259], %swap3A_262 {strides = array<i32>} : memref<3x512xi32, #tpu.memory_space<vmem>>, vector<1x16xi32>,
        %get3A_263 = arith.index_cast %rem3A_208 : i32 to index
        %get3A_264 = arith.constant 64 : index
        %get3A_265 = tpu.vector_load %arg8[%get3A_263, %get3A_264] {strides = array<i32>} : memref<3x512xi32, #tpu.memory_space<vmem>>, vector<1x16xi32>,
        %get3A_266 = vector.shape_cast %get3A_265 : vector<1x16xi32> to vector<16xi32>
        %mul3A_267 = arith.constant 2 : i32
        %mul3A_268 = vector.broadcast %mul3A_267 : i32 to vector<16xi32>
        %mul3A_269 = arith.muli %get3A_266, %mul3A_268 : vector<16xi32>
        %add3A_270 = vector.broadcast %arg0 : i32 to vector<16xi32>
        %add3A_271 = arith.addi %mul3A_269, %add3A_270 : vector<16xi32>
        %swap3A_272 = arith.index_cast %rem3A_208 : i32 to index
        %swap3A_273 = arith.constant 64 : index
        %swap3A_274 = tpu.vector_load %arg8[%swap3A_272, %swap3A_273] {strides = array<i32>} : memref<3x512xi32, #tpu.memory_space<vmem>>, vector<1x16xi32>,
        %swap3A_275 = vector.shape_cast %swap3A_274 : vector<1x16xi32> to vector<16xi32>
        %swap3A_276 = vector.shape_cast %add3A_271 : vector<16xi32> to vector<1x16xi32>
        tpu.vector_store %arg8[%swap3A_272, %swap3A_273], %swap3A_276 {strides = array<i32>} : memref<3x512xi32, #tpu.memory_space<vmem>>, vector<1x16xi32>,
        %get3A_277 = arith.index_cast %rem3A_208 : i32 to index
        %get3A_278 = arith.constant 80 : index
        %get3A_279 = tpu.vector_load %arg8[%get3A_277, %get3A_278] {strides = array<i32>} : memref<3x512xi32, #tpu.memory_space<vmem>>, vector<1x16xi32>,
        %get3A_280 = vector.shape_cast %get3A_279 : vector<1x16xi32> to vector<16xi32>
        %mul3A_281 = arith.constant 2 : i32
        %mul3A_282 = vector.broadcast %mul3A_281 : i32 to vector<16xi32>
        %mul3A_283 = arith.muli %get3A_280, %mul3A_282 : vector<16xi32>
        %add3A_284 = vector.broadcast %arg0 : i32 to vector<16xi32>
        %add3A_285 = arith.addi %mul3A_283, %add3A_284 : vector<16xi32>
        %swap3A_286 = arith.index_cast %rem3A_208 : i32 to index
        %swap3A_287 = arith.constant 80 : index
        %swap3A_288 = tpu.vector_load %arg8[%swap3A_286, %swap3A_287] {strides = array<i32>} : memref<3x512xi32, #tpu.memory_space<vmem>>, vector<1x16xi32>,
        %swap3A_289 = vector.shape_cast %swap3A_288 : vector<1x16xi32> to vector<16xi32>
        %swap3A_290 = vector.shape_cast %add3A_285 : vector<16xi32> to vector<1x16xi32>
        tpu.vector_store %arg8[%swap3A_286, %swap3A_287], %swap3A_290 {strides = array<i32>} : memref<3x512xi32, #tpu.memory_space<vmem>>, vector<1x16xi32>,
        %get3A_291 = arith.index_cast %rem3A_208 : i32 to index
        %get3A_292 = arith.constant 96 : index
        %get3A_293 = tpu.vector_load %arg8[%get3A_291, %get3A_292] {strides = array<i32>} : memref<3x512xi32, #tpu.memory_space<vmem>>, vector<1x16xi32>,
        %get3A_294 = vector.shape_cast %get3A_293 : vector<1x16xi32> to vector<16xi32>
        %mul3A_295 = arith.constant 2 : i32
        %mul3A_296 = vector.broadcast %mul3A_295 : i32 to vector<16xi32>
        %mul3A_297 = arith.muli %get3A_294, %mul3A_296 : vector<16xi32>
        %add3A_298 = vector.broadcast %arg0 : i32 to vector<16xi32>
        %add3A_299 = arith.addi %mul3A_297, %add3A_298 : vector<16xi32>
        %swap3A_300 = arith.index_cast %rem3A_208 : i32 to index
        %swap3A_301 = arith.constant 96 : index
        %swap3A_302 = tpu.vector_load %arg8[%swap3A_300, %swap3A_301] {strides = array<i32>} : memref<3x512xi32, #tpu.memory_space<vmem>>, vector<1x16xi32>,
        %swap3A_303 = vector.shape_cast %swap3A_302 : vector<1x16xi32> to vector<16xi32>
        %swap3A_304 = vector.shape_cast %add3A_299 : vector<16xi32> to vector<1x16xi32>
        tpu.vector_store %arg8[%swap3A_300, %swap3A_301], %swap3A_304 {strides = array<i32>} : memref<3x512xi32, #tpu.memory_space<vmem>>, vector<1x16xi32>,
        %get3A_305 = arith.index_cast %rem3A_208 : i32 to index
        %get3A_306 = arith.constant 112 : index
        %get3A_307 = tpu.vector_load %arg8[%get3A_305, %get3A_306] {strides = array<i32>} : memref<3x512xi32, #tpu.memory_space<vmem>>, vector<1x16xi32>,
        %get3A_308 = vector.shape_cast %get3A_307 : vector<1x16xi32> to vector<16xi32>
        %mul3A_309 = arith.constant 2 : i32
        %mul3A_310 = vector.broadcast %mul3A_309 : i32 to vector<16xi32>
        %mul3A_311 = arith.muli %get3A_308, %mul3A_310 : vector<16xi32>
        %add3A_312 = vector.broadcast %arg0 : i32 to vector<16xi32>
        %add3A_313 = arith.addi %mul3A_311, %add3A_312 : vector<16xi32>
        %swap3A_314 = arith.index_cast %rem3A_208 : i32 to index
        %swap3A_315 = arith.constant 112 : index
        %swap3A_316 = tpu.vector_load %arg8[%swap3A_314, %swap3A_315] {strides = array<i32>} : memref<3x512xi32, #tpu.memory_space<vmem>>, vector<1x16xi32>,
        %swap3A_317 = vector.shape_cast %swap3A_316 : vector<1x16xi32> to vector<16xi32>
        %swap3A_318 = vector.shape_cast %add3A_313 : vector<16xi32> to vector<1x16xi32>
        tpu.vector_store %arg8[%swap3A_314, %swap3A_315], %swap3A_318 {strides = array<i32>} : memref<3x512xi32, #tpu.memory_space<vmem>>, vector<1x16xi32>,
        %get3A_319 = arith.index_cast %rem3A_208 : i32 to index
        %get3A_320 = arith.constant 128 : index
        %get3A_321 = tpu.vector_load %arg8[%get3A_319, %get3A_320] {strides = array<i32>} : memref<3x512xi32, #tpu.memory_space<vmem>>, vector<1x16xi32>,
        %get3A_322 = vector.shape_cast %get3A_321 : vector<1x16xi32> to vector<16xi32>
        %mul3A_323 = arith.constant 2 : i32
        %mul3A_324 = vector.broadcast %mul3A_323 : i32 to vector<16xi32>
        %mul3A_325 = arith.muli %get3A_322, %mul3A_324 : vector<16xi32>
        %add3A_326 = vector.broadcast %arg0 : i32 to vector<16xi32>
        %add3A_327 = arith.addi %mul3A_325, %add3A_326 : vector<16xi32>
        %swap3A_328 = arith.index_cast %rem3A_208 : i32 to index
        %swap3A_329 = arith.constant 128 : index
        %swap3A_330 = tpu.vector_load %arg8[%swap3A_328, %swap3A_329] {strides = array<i32>} : memref<3x512xi32, #tpu.memory_space<vmem>>, vector<1x16xi32>,
        %swap3A_331 = vector.shape_cast %swap3A_330 : vector<1x16xi32> to vector<16xi32>
        %swap3A_332 = vector.shape_cast %add3A_327 : vector<16xi32> to vector<1x16xi32>
        tpu.vector_store %arg8[%swap3A_328, %swap3A_329], %swap3A_332 {strides = array<i32>} : memref<3x512xi32, #tpu.memory_space<vmem>>, vector<1x16xi32>,
        %get3A_333 = arith.index_cast %rem3A_208 : i32 to index
        %get3A_334 = arith.constant 144 : index
        %get3A_335 = tpu.vector_load %arg8[%get3A_333, %get3A_334] {strides = array<i32>} : memref<3x512xi32, #tpu.memory_space<vmem>>, vector<1x16xi32>,
        %get3A_336 = vector.shape_cast %get3A_335 : vector<1x16xi32> to vector<16xi32>
        %mul3A_337 = arith.constant 2 : i32
        %mul3A_338 = vector.broadcast %mul3A_337 : i32 to vector<16xi32>
        %mul3A_339 = arith.muli %get3A_336, %mul3A_338 : vector<16xi32>
        %add3A_340 = vector.broadcast %arg0 : i32 to vector<16xi32>
        %add3A_341 = arith.addi %mul3A_339, %add3A_340 : vector<16xi32>
        %swap3A_342 = arith.index_cast %rem3A_208 : i32 to index
        %swap3A_343 = arith.constant 144 : index
        %swap3A_344 = tpu.vector_load %arg8[%swap3A_342, %swap3A_343] {strides = array<i32>} : memref<3x512xi32, #tpu.memory_space<vmem>>, vector<1x16xi32>,
        %swap3A_345 = vector.shape_cast %swap3A_344 : vector<1x16xi32> to vector<16xi32>
        %swap3A_346 = vector.shape_cast %add3A_341 : vector<16xi32> to vector<1x16xi32>
        tpu.vector_store %arg8[%swap3A_342, %swap3A_343], %swap3A_346 {strides = array<i32>} : memref<3x512xi32, #tpu.memory_space<vmem>>, vector<1x16xi32>,
        %get3A_347 = arith.index_cast %rem3A_208 : i32 to index
        %get3A_348 = arith.constant 160 : index
        %get3A_349 = tpu.vector_load %arg8[%get3A_347, %get3A_348] {strides = array<i32>} : memref<3x512xi32, #tpu.memory_space<vmem>>, vector<1x16xi32>,
        %get3A_350 = vector.shape_cast %get3A_349 : vector<1x16xi32> to vector<16xi32>
        %mul3A_351 = arith.constant 2 : i32
        %mul3A_352 = vector.broadcast %mul3A_351 : i32 to vector<16xi32>
        %mul3A_353 = arith.muli %get3A_350, %mul3A_352 : vector<16xi32>
        %add3A_354 = vector.broadcast %arg0 : i32 to vector<16xi32>
        %add3A_355 = arith.addi %mul3A_353, %add3A_354 : vector<16xi32>
        %swap3A_356 = arith.index_cast %rem3A_208 : i32 to index
        %swap3A_357 = arith.constant 160 : index
        %swap3A_358 = tpu.vector_load %arg8[%swap3A_356, %swap3A_357] {strides = array<i32>} : memref<3x512xi32, #tpu.memory_space<vmem>>, vector<1x16xi32>,
        %swap3A_359 = vector.shape_cast %swap3A_358 : vector<1x16xi32> to vector<16xi32>
        %swap3A_360 = vector.shape_cast %add3A_355 : vector<16xi32> to vector<1x16xi32>
        tpu.vector_store %arg8[%swap3A_356, %swap3A_357], %swap3A_360 {strides = array<i32>} : memref<3x512xi32, #tpu.memory_space<vmem>>, vector<1x16xi32>,
        %get3A_361 = arith.index_cast %rem3A_208 : i32 to index
        %get3A_362 = arith.constant 176 : index
        %get3A_363 = tpu.vector_load %arg8[%get3A_361, %get3A_362] {strides = array<i32>} : memref<3x512xi32, #tpu.memory_space<vmem>>, vector<1x16xi32>,
        %get3A_364 = vector.shape_cast %get3A_363 : vector<1x16xi32> to vector<16xi32>
        %mul3A_365 = arith.constant 2 : i32
        %mul3A_366 = vector.broadcast %mul3A_365 : i32 to vector<16xi32>
        %mul3A_367 = arith.muli %get3A_364, %mul3A_366 : vector<16xi32>
        %add3A_368 = vector.broadcast %arg0 : i32 to vector<16xi32>
        %add3A_369 = arith.addi %mul3A_367, %add3A_368 : vector<16xi32>
        %swap3A_370 = arith.index_cast %rem3A_208 : i32 to index
        %swap3A_371 = arith.constant 176 : index
        %swap3A_372 = tpu.vector_load %arg8[%swap3A_370, %swap3A_371] {strides = array<i32>} : memref<3x512xi32, #tpu.memory_space<vmem>>, vector<1x16xi32>,
        %swap3A_373 = vector.shape_cast %swap3A_372 : vector<1x16xi32> to vector<16xi32>
        %swap3A_374 = vector.shape_cast %add3A_369 : vector<16xi32> to vector<1x16xi32>
        tpu.vector_store %arg8[%swap3A_370, %swap3A_371], %swap3A_374 {strides = array<i32>} : memref<3x512xi32, #tpu.memory_space<vmem>>, vector<1x16xi32>,
        %get3A_375 = arith.index_cast %rem3A_208 : i32 to index
        %get3A_376 = arith.constant 192 : index
        %get3A_377 = tpu.vector_load %arg8[%get3A_375, %get3A_376] {strides = array<i32>} : memref<3x512xi32, #tpu.memory_space<vmem>>, vector<1x16xi32>,
        %get3A_378 = vector.shape_cast %get3A_377 : vector<1x16xi32> to vector<16xi32>
        %mul3A_379 = arith.constant 2 : i32
        %mul3A_380 = vector.broadcast %mul3A_379 : i32 to vector<16xi32>
        %mul3A_381 = arith.muli %get3A_378, %mul3A_380 : vector<16xi32>
        %add3A_382 = vector.broadcast %arg0 : i32 to vector<16xi32>
        %add3A_383 = arith.addi %mul3A_381, %add3A_382 : vector<16xi32>
        %swap3A_384 = arith.index_cast %rem3A_208 : i32 to index
        %swap3A_385 = arith.constant 192 : index
        %swap3A_386 = tpu.vector_load %arg8[%swap3A_384, %swap3A_385] {strides = array<i32>} : memref<3x512xi32, #tpu.memory_space<vmem>>, vector<1x16xi32>,
        %swap3A_387 = vector.shape_cast %swap3A_386 : vector<1x16xi32> to vector<16xi32>
        %swap3A_388 = vector.shape_cast %add3A_383 : vector<16xi32> to vector<1x16xi32>
        tpu.vector_store %arg8[%swap3A_384, %swap3A_385], %swap3A_388 {strides = array<i32>} : memref<3x512xi32, #tpu.memory_space<vmem>>, vector<1x16xi32>,
        %get3A_389 = arith.index_cast %rem3A_208 : i32 to index
        %get3A_390 = arith.constant 208 : index
        %get3A_391 = tpu.vector_load %arg8[%get3A_389, %get3A_390] {strides = array<i32>} : memref<3x512xi32, #tpu.memory_space<vmem>>, vector<1x16xi32>,
        %get3A_392 = vector.shape_cast %get3A_391 : vector<1x16xi32> to vector<16xi32>
        %mul3A_393 = arith.constant 2 : i32
        %mul3A_394 = vector.broadcast %mul3A_393 : i32 to vector<16xi32>
        %mul3A_395 = arith.muli %get3A_392, %mul3A_394 : vector<16xi32>
        %add3A_396 = vector.broadcast %arg0 : i32 to vector<16xi32>
        %add3A_397 = arith.addi %mul3A_395, %add3A_396 : vector<16xi32>
        %swap3A_398 = arith.index_cast %rem3A_208 : i32 to index
        %swap3A_399 = arith.constant 208 : index
        %swap3A_400 = tpu.vector_load %arg8[%swap3A_398, %swap3A_399] {strides = array<i32>} : memref<3x512xi32, #tpu.memory_space<vmem>>, vector<1x16xi32>,
        %swap3A_401 = vector.shape_cast %swap3A_400 : vector<1x16xi32> to vector<16xi32>
        %swap3A_402 = vector.shape_cast %add3A_397 : vector<16xi32> to vector<1x16xi32>
        tpu.vector_store %arg8[%swap3A_398, %swap3A_399], %swap3A_402 {strides = array<i32>} : memref<3x512xi32, #tpu.memory_space<vmem>>, vector<1x16xi32>,
        %get3A_403 = arith.index_cast %rem3A_208 : i32 to index
        %get3A_404 = arith.constant 224 : index
        %get3A_405 = tpu.vector_load %arg8[%get3A_403, %get3A_404] {strides = array<i32>} : memref<3x512xi32, #tpu.memory_space<vmem>>, vector<1x16xi32>,
        %get3A_406 = vector.shape_cast %get3A_405 : vector<1x16xi32> to vector<16xi32>
        %mul3A_407 = arith.constant 2 : i32
        %mul3A_408 = vector.broadcast %mul3A_407 : i32 to vector<16xi32>
        %mul3A_409 = arith.muli %get3A_406, %mul3A_408 : vector<16xi32>
        %add3A_410 = vector.broadcast %arg0 : i32 to vector<16xi32>
        %add3A_411 = arith.addi %mul3A_409, %add3A_410 : vector<16xi32>
        %swap3A_412 = arith.index_cast %rem3A_208 : i32 to index
        %swap3A_413 = arith.constant 224 : index
        %swap3A_414 = tpu.vector_load %arg8[%swap3A_412, %swap3A_413] {strides = array<i32>} : memref<3x512xi32, #tpu.memory_space<vmem>>, vector<1x16xi32>,
        %swap3A_415 = vector.shape_cast %swap3A_414 : vector<1x16xi32> to vector<16xi32>
        %swap3A_416 = vector.shape_cast %add3A_411 : vector<16xi32> to vector<1x16xi32>
        tpu.vector_store %arg8[%swap3A_412, %swap3A_413], %swap3A_416 {strides = array<i32>} : memref<3x512xi32, #tpu.memory_space<vmem>>, vector<1x16xi32>,
        %get3A_417 = arith.index_cast %rem3A_208 : i32 to index
        %get3A_418 = arith.constant 240 : index
        %get3A_419 = tpu.vector_load %arg8[%get3A_417, %get3A_418] {strides = array<i32>} : memref<3x512xi32, #tpu.memory_space<vmem>>, vector<1x16xi32>,
        %get3A_420 = vector.shape_cast %get3A_419 : vector<1x16xi32> to vector<16xi32>
        %mul3A_421 = arith.constant 2 : i32
        %mul3A_422 = vector.broadcast %mul3A_421 : i32 to vector<16xi32>
        %mul3A_423 = arith.muli %get3A_420, %mul3A_422 : vector<16xi32>
        %add3A_424 = vector.broadcast %arg0 : i32 to vector<16xi32>
        %add3A_425 = arith.addi %mul3A_423, %add3A_424 : vector<16xi32>
        %swap3A_426 = arith.index_cast %rem3A_208 : i32 to index
        %swap3A_427 = arith.constant 240 : index
        %swap3A_428 = tpu.vector_load %arg8[%swap3A_426, %swap3A_427] {strides = array<i32>} : memref<3x512xi32, #tpu.memory_space<vmem>>, vector<1x16xi32>,
        %swap3A_429 = vector.shape_cast %swap3A_428 : vector<1x16xi32> to vector<16xi32>
        %swap3A_430 = vector.shape_cast %add3A_425 : vector<16xi32> to vector<1x16xi32>
        tpu.vector_store %arg8[%swap3A_426, %swap3A_427], %swap3A_430 {strides = array<i32>} : memref<3x512xi32, #tpu.memory_space<vmem>>, vector<1x16xi32>,
        %get3A_431 = arith.index_cast %rem3A_208 : i32 to index
        %get3A_432 = arith.constant 256 : index
        %get3A_433 = tpu.vector_load %arg8[%get3A_431, %get3A_432] {strides = array<i32>} : memref<3x512xi32, #tpu.memory_space<vmem>>, vector<1x16xi32>,
        %get3A_434 = vector.shape_cast %get3A_433 : vector<1x16xi32> to vector<16xi32>
        %mul3A_435 = arith.constant 2 : i32
        %mul3A_436 = vector.broadcast %mul3A_435 : i32 to vector<16xi32>
        %mul3A_437 = arith.muli %get3A_434, %mul3A_436 : vector<16xi32>
        %add3A_438 = vector.broadcast %arg0 : i32 to vector<16xi32>
        %add3A_439 = arith.addi %mul3A_437, %add3A_438 : vector<16xi32>
        %swap3A_440 = arith.index_cast %rem3A_208 : i32 to index
        %swap3A_441 = arith.constant 256 : index
        %swap3A_442 = tpu.vector_load %arg8[%swap3A_440, %swap3A_441] {strides = array<i32>} : memref<3x512xi32, #tpu.memory_space<vmem>>, vector<1x16xi32>,
        %swap3A_443 = vector.shape_cast %swap3A_442 : vector<1x16xi32> to vector<16xi32>
        %swap3A_444 = vector.shape_cast %add3A_439 : vector<16xi32> to vector<1x16xi32>
        tpu.vector_store %arg8[%swap3A_440, %swap3A_441], %swap3A_444 {strides = array<i32>} : memref<3x512xi32, #tpu.memory_space<vmem>>, vector<1x16xi32>,
        %get3A_445 = arith.index_cast %rem3A_208 : i32 to index
        %get3A_446 = arith.constant 272 : index
        %get3A_447 = tpu.vector_load %arg8[%get3A_445, %get3A_446] {strides = array<i32>} : memref<3x512xi32, #tpu.memory_space<vmem>>, vector<1x16xi32>,
        %get3A_448 = vector.shape_cast %get3A_447 : vector<1x16xi32> to vector<16xi32>
        %mul3A_449 = arith.constant 2 : i32
        %mul3A_450 = vector.broadcast %mul3A_449 : i32 to vector<16xi32>
        %mul3A_451 = arith.muli %get3A_448, %mul3A_450 : vector<16xi32>
        %add3A_452 = vector.broadcast %arg0 : i32 to vector<16xi32>
        %add3A_453 = arith.addi %mul3A_451, %add3A_452 : vector<16xi32>
        %swap3A_454 = arith.index_cast %rem3A_208 : i32 to index
        %swap3A_455 = arith.constant 272 : index
        %swap3A_456 = tpu.vector_load %arg8[%swap3A_454, %swap3A_455] {strides = array<i32>} : memref<3x512xi32, #tpu.memory_space<vmem>>, vector<1x16xi32>,
        %swap3A_457 = vector.shape_cast %swap3A_456 : vector<1x16xi32> to vector<16xi32>
        %swap3A_458 = vector.shape_cast %add3A_453 : vector<16xi32> to vector<1x16xi32>
        tpu.vector_store %arg8[%swap3A_454, %swap3A_455], %swap3A_458 {strides = array<i32>} : memref<3x512xi32, #tpu.memory_space<vmem>>, vector<1x16xi32>,
        %get3A_459 = arith.index_cast %rem3A_208 : i32 to index
        %get3A_460 = arith.constant 288 : index
        %get3A_461 = tpu.vector_load %arg8[%get3A_459, %get3A_460] {strides = array<i32>} : memref<3x512xi32, #tpu.memory_space<vmem>>, vector<1x16xi32>,
        %get3A_462 = vector.shape_cast %get3A_461 : vector<1x16xi32> to vector<16xi32>
        %mul3A_463 = arith.constant 2 : i32
        %mul3A_464 = vector.broadcast %mul3A_463 : i32 to vector<16xi32>
        %mul3A_465 = arith.muli %get3A_462, %mul3A_464 : vector<16xi32>
        %add3A_466 = vector.broadcast %arg0 : i32 to vector<16xi32>
        %add3A_467 = arith.addi %mul3A_465, %add3A_466 : vector<16xi32>
        %swap3A_468 = arith.index_cast %rem3A_208 : i32 to index
        %swap3A_469 = arith.constant 288 : index
        %swap3A_470 = tpu.vector_load %arg8[%swap3A_468, %swap3A_469] {strides = array<i32>} : memref<3x512xi32, #tpu.memory_space<vmem>>, vector<1x16xi32>,
        %swap3A_471 = vector.shape_cast %swap3A_470 : vector<1x16xi32> to vector<16xi32>
        %swap3A_472 = vector.shape_cast %add3A_467 : vector<16xi32> to vector<1x16xi32>
        tpu.vector_store %arg8[%swap3A_468, %swap3A_469], %swap3A_472 {strides = array<i32>} : memref<3x512xi32, #tpu.memory_space<vmem>>, vector<1x16xi32>,
        %get3A_473 = arith.index_cast %rem3A_208 : i32 to index
        %get3A_474 = arith.constant 304 : index
        %get3A_475 = tpu.vector_load %arg8[%get3A_473, %get3A_474] {strides = array<i32>} : memref<3x512xi32, #tpu.memory_space<vmem>>, vector<1x16xi32>,
        %get3A_476 = vector.shape_cast %get3A_475 : vector<1x16xi32> to vector<16xi32>
        %mul3A_477 = arith.constant 2 : i32
        %mul3A_478 = vector.broadcast %mul3A_477 : i32 to vector<16xi32>
        %mul3A_479 = arith.muli %get3A_476, %mul3A_478 : vector<16xi32>
        %add3A_480 = vector.broadcast %arg0 : i32 to vector<16xi32>
        %add3A_481 = arith.addi %mul3A_479, %add3A_480 : vector<16xi32>
        %swap3A_482 = arith.index_cast %rem3A_208 : i32 to index
        %swap3A_483 = arith.constant 304 : index
        %swap3A_484 = tpu.vector_load %arg8[%swap3A_482, %swap3A_483] {strides = array<i32>} : memref<3x512xi32, #tpu.memory_space<vmem>>, vector<1x16xi32>,
        %swap3A_485 = vector.shape_cast %swap3A_484 : vector<1x16xi32> to vector<16xi32>
        %swap3A_486 = vector.shape_cast %add3A_481 : vector<16xi32> to vector<1x16xi32>
        tpu.vector_store %arg8[%swap3A_482, %swap3A_483], %swap3A_486 {strides = array<i32>} : memref<3x512xi32, #tpu.memory_space<vmem>>, vector<1x16xi32>,
        %get3A_487 = arith.index_cast %rem3A_208 : i32 to index
        %get3A_488 = arith.constant 320 : index
        %get3A_489 = tpu.vector_load %arg8[%get3A_487, %get3A_488] {strides = array<i32>} : memref<3x512xi32, #tpu.memory_space<vmem>>, vector<1x16xi32>,
        %get3A_490 = vector.shape_cast %get3A_489 : vector<1x16xi32> to vector<16xi32>
        %mul3A_491 = arith.constant 2 : i32
        %mul3A_492 = vector.broadcast %mul3A_491 : i32 to vector<16xi32>
        %mul3A_493 = arith.muli %get3A_490, %mul3A_492 : vector<16xi32>
        %add3A_494 = vector.broadcast %arg0 : i32 to vector<16xi32>
        %add3A_495 = arith.addi %mul3A_493, %add3A_494 : vector<16xi32>
        %swap3A_496 = arith.index_cast %rem3A_208 : i32 to index
        %swap3A_497 = arith.constant 320 : index
        %swap3A_498 = tpu.vector_load %arg8[%swap3A_496, %swap3A_497] {strides = array<i32>} : memref<3x512xi32, #tpu.memory_space<vmem>>, vector<1x16xi32>,
        %swap3A_499 = vector.shape_cast %swap3A_498 : vector<1x16xi32> to vector<16xi32>
        %swap3A_500 = vector.shape_cast %add3A_495 : vector<16xi32> to vector<1x16xi32>
        tpu.vector_store %arg8[%swap3A_496, %swap3A_497], %swap3A_500 {strides = array<i32>} : memref<3x512xi32, #tpu.memory_space<vmem>>, vector<1x16xi32>,
        %get3A_501 = arith.index_cast %rem3A_208 : i32 to index
        %get3A_502 = arith.constant 336 : index
        %get3A_503 = tpu.vector_load %arg8[%get3A_501, %get3A_502] {strides = array<i32>} : memref<3x512xi32, #tpu.memory_space<vmem>>, vector<1x16xi32>,
        %get3A_504 = vector.shape_cast %get3A_503 : vector<1x16xi32> to vector<16xi32>
        %mul3A_505 = arith.constant 2 : i32
        %mul3A_506 = vector.broadcast %mul3A_505 : i32 to vector<16xi32>
        %mul3A_507 = arith.muli %get3A_504, %mul3A_506 : vector<16xi32>
        %add3A_508 = vector.broadcast %arg0 : i32 to vector<16xi32>
        %add3A_509 = arith.addi %mul3A_507, %add3A_508 : vector<16xi32>
        %swap3A_510 = arith.index_cast %rem3A_208 : i32 to index
        %swap3A_511 = arith.constant 336 : index
        %swap3A_512 = tpu.vector_load %arg8[%swap3A_510, %swap3A_511] {strides = array<i32>} : memref<3x512xi32, #tpu.memory_space<vmem>>, vector<1x16xi32>,
        %swap3A_513 = vector.shape_cast %swap3A_512 : vector<1x16xi32> to vector<16xi32>
        %swap3A_514 = vector.shape_cast %add3A_509 : vector<16xi32> to vector<1x16xi32>
        tpu.vector_store %arg8[%swap3A_510, %swap3A_511], %swap3A_514 {strides = array<i32>} : memref<3x512xi32, #tpu.memory_space<vmem>>, vector<1x16xi32>,
        %get3A_515 = arith.index_cast %rem3A_208 : i32 to index
        %get3A_516 = arith.constant 352 : index
        %get3A_517 = tpu.vector_load %arg8[%get3A_515, %get3A_516] {strides = array<i32>} : memref<3x512xi32, #tpu.memory_space<vmem>>, vector<1x16xi32>,
        %get3A_518 = vector.shape_cast %get3A_517 : vector<1x16xi32> to vector<16xi32>
        %mul3A_519 = arith.constant 2 : i32
        %mul3A_520 = vector.broadcast %mul3A_519 : i32 to vector<16xi32>
        %mul3A_521 = arith.muli %get3A_518, %mul3A_520 : vector<16xi32>
        %add3A_522 = vector.broadcast %arg0 : i32 to vector<16xi32>
        %add3A_523 = arith.addi %mul3A_521, %add3A_522 : vector<16xi32>
        %swap3A_524 = arith.index_cast %rem3A_208 : i32 to index
        %swap3A_525 = arith.constant 352 : index
        %swap3A_526 = tpu.vector_load %arg8[%swap3A_524, %swap3A_525] {strides = array<i32>} : memref<3x512xi32, #tpu.memory_space<vmem>>, vector<1x16xi32>,
        %swap3A_527 = vector.shape_cast %swap3A_526 : vector<1x16xi32> to vector<16xi32>
        %swap3A_528 = vector.shape_cast %add3A_523 : vector<16xi32> to vector<1x16xi32>
        tpu.vector_store %arg8[%swap3A_524, %swap3A_525], %swap3A_528 {strides = array<i32>} : memref<3x512xi32, #tpu.memory_space<vmem>>, vector<1x16xi32>,
        %get3A_529 = arith.index_cast %rem3A_208 : i32 to index
        %get3A_530 = arith.constant 368 : index
        %get3A_531 = tpu.vector_load %arg8[%get3A_529, %get3A_530] {strides = array<i32>} : memref<3x512xi32, #tpu.memory_space<vmem>>, vector<1x16xi32>,
        %get3A_532 = vector.shape_cast %get3A_531 : vector<1x16xi32> to vector<16xi32>
        %mul3A_533 = arith.constant 2 : i32
        %mul3A_534 = vector.broadcast %mul3A_533 : i32 to vector<16xi32>
        %mul3A_535 = arith.muli %get3A_532, %mul3A_534 : vector<16xi32>
        %add3A_536 = vector.broadcast %arg0 : i32 to vector<16xi32>
        %add3A_537 = arith.addi %mul3A_535, %add3A_536 : vector<16xi32>
        %swap3A_538 = arith.index_cast %rem3A_208 : i32 to index
        %swap3A_539 = arith.constant 368 : index
        %swap3A_540 = tpu.vector_load %arg8[%swap3A_538, %swap3A_539] {strides = array<i32>} : memref<3x512xi32, #tpu.memory_space<vmem>>, vector<1x16xi32>,
        %swap3A_541 = vector.shape_cast %swap3A_540 : vector<1x16xi32> to vector<16xi32>
        %swap3A_542 = vector.shape_cast %add3A_537 : vector<16xi32> to vector<1x16xi32>
        tpu.vector_store %arg8[%swap3A_538, %swap3A_539], %swap3A_542 {strides = array<i32>} : memref<3x512xi32, #tpu.memory_space<vmem>>, vector<1x16xi32>,
        %get3A_543 = arith.index_cast %rem3A_208 : i32 to index
        %get3A_544 = arith.constant 384 : index
        %get3A_545 = tpu.vector_load %arg8[%get3A_543, %get3A_544] {strides = array<i32>} : memref<3x512xi32, #tpu.memory_space<vmem>>, vector<1x16xi32>,
        %get3A_546 = vector.shape_cast %get3A_545 : vector<1x16xi32> to vector<16xi32>
        %mul3A_547 = arith.constant 2 : i32
        %mul3A_548 = vector.broadcast %mul3A_547 : i32 to vector<16xi32>
        %mul3A_549 = arith.muli %get3A_546, %mul3A_548 : vector<16xi32>
        %add3A_550 = vector.broadcast %arg0 : i32 to vector<16xi32>
        %add3A_551 = arith.addi %mul3A_549, %add3A_550 : vector<16xi32>
        %swap3A_552 = arith.index_cast %rem3A_208 : i32 to index
        %swap3A_553 = arith.constant 384 : index
        %swap3A_554 = tpu.vector_load %arg8[%swap3A_552, %swap3A_553] {strides = array<i32>} : memref<3x512xi32, #tpu.memory_space<vmem>>, vector<1x16xi32>,
        %swap3A_555 = vector.shape_cast %swap3A_554 : vector<1x16xi32> to vector<16xi32>
        %swap3A_556 = vector.shape_cast %add3A_551 : vector<16xi32> to vector<1x16xi32>
        tpu.vector_store %arg8[%swap3A_552, %swap3A_553], %swap3A_556 {strides = array<i32>} : memref<3x512xi32, #tpu.memory_space<vmem>>, vector<1x16xi32>,
        %get3A_557 = arith.index_cast %rem3A_208 : i32 to index
        %get3A_558 = arith.constant 400 : index
        %get3A_559 = tpu.vector_load %arg8[%get3A_557, %get3A_558] {strides = array<i32>} : memref<3x512xi32, #tpu.memory_space<vmem>>, vector<1x16xi32>,
        %get3A_560 = vector.shape_cast %get3A_559 : vector<1x16xi32> to vector<16xi32>
        %mul3A_561 = arith.constant 2 : i32
        %mul3A_562 = vector.broadcast %mul3A_561 : i32 to vector<16xi32>
        %mul3A_563 = arith.muli %get3A_560, %mul3A_562 : vector<16xi32>
        %add3A_564 = vector.broadcast %arg0 : i32 to vector<16xi32>
        %add3A_565 = arith.addi %mul3A_563, %add3A_564 : vector<16xi32>
        %swap3A_566 = arith.index_cast %rem3A_208 : i32 to index
        %swap3A_567 = arith.constant 400 : index
        %swap3A_568 = tpu.vector_load %arg8[%swap3A_566, %swap3A_567] {strides = array<i32>} : memref<3x512xi32, #tpu.memory_space<vmem>>, vector<1x16xi32>,
        %swap3A_569 = vector.shape_cast %swap3A_568 : vector<1x16xi32> to vector<16xi32>
        %swap3A_570 = vector.shape_cast %add3A_565 : vector<16xi32> to vector<1x16xi32>
        tpu.vector_store %arg8[%swap3A_566, %swap3A_567], %swap3A_570 {strides = array<i32>} : memref<3x512xi32, #tpu.memory_space<vmem>>, vector<1x16xi32>,
        %get3A_571 = arith.index_cast %rem3A_208 : i32 to index
        %get3A_572 = arith.constant 416 : index
        %get3A_573 = tpu.vector_load %arg8[%get3A_571, %get3A_572] {strides = array<i32>} : memref<3x512xi32, #tpu.memory_space<vmem>>, vector<1x16xi32>,
        %get3A_574 = vector.shape_cast %get3A_573 : vector<1x16xi32> to vector<16xi32>
        %mul3A_575 = arith.constant 2 : i32
        %mul3A_576 = vector.broadcast %mul3A_575 : i32 to vector<16xi32>
        %mul3A_577 = arith.muli %get3A_574, %mul3A_576 : vector<16xi32>
        %add3A_578 = vector.broadcast %arg0 : i32 to vector<16xi32>
        %add3A_579 = arith.addi %mul3A_577, %add3A_578 : vector<16xi32>
        %swap3A_580 = arith.index_cast %rem3A_208 : i32 to index
        %swap3A_581 = arith.constant 416 : index
        %swap3A_582 = tpu.vector_load %arg8[%swap3A_580, %swap3A_581] {strides = array<i32>} : memref<3x512xi32, #tpu.memory_space<vmem>>, vector<1x16xi32>,
        %swap3A_583 = vector.shape_cast %swap3A_582 : vector<1x16xi32> to vector<16xi32>
        %swap3A_584 = vector.shape_cast %add3A_579 : vector<16xi32> to vector<1x16xi32>
        tpu.vector_store %arg8[%swap3A_580, %swap3A_581], %swap3A_584 {strides = array<i32>} : memref<3x512xi32, #tpu.memory_space<vmem>>, vector<1x16xi32>,
        %get3A_585 = arith.index_cast %rem3A_208 : i32 to index
        %get3A_586 = arith.constant 432 : index
        %get3A_587 = tpu.vector_load %arg8[%get3A_585, %get3A_586] {strides = array<i32>} : memref<3x512xi32, #tpu.memory_space<vmem>>, vector<1x16xi32>,
        %get3A_588 = vector.shape_cast %get3A_587 : vector<1x16xi32> to vector<16xi32>
        %mul3A_589 = arith.constant 2 : i32
        %mul3A_590 = vector.broadcast %mul3A_589 : i32 to vector<16xi32>
        %mul3A_591 = arith.muli %get3A_588, %mul3A_590 : vector<16xi32>
        %add3A_592 = vector.broadcast %arg0 : i32 to vector<16xi32>
        %add3A_593 = arith.addi %mul3A_591, %add3A_592 : vector<16xi32>
        %swap3A_594 = arith.index_cast %rem3A_208 : i32 to index
        %swap3A_595 = arith.constant 432 : index
        %swap3A_596 = tpu.vector_load %arg8[%swap3A_594, %swap3A_595] {strides = array<i32>} : memref<3x512xi32, #tpu.memory_space<vmem>>, vector<1x16xi32>,
        %swap3A_597 = vector.shape_cast %swap3A_596 : vector<1x16xi32> to vector<16xi32>
        %swap3A_598 = vector.shape_cast %add3A_593 : vector<16xi32> to vector<1x16xi32>
        tpu.vector_store %arg8[%swap3A_594, %swap3A_595], %swap3A_598 {strides = array<i32>} : memref<3x512xi32, #tpu.memory_space<vmem>>, vector<1x16xi32>,
        %get3A_599 = arith.index_cast %rem3A_208 : i32 to index
        %get3A_600 = arith.constant 448 : index
        %get3A_601 = tpu.vector_load %arg8[%get3A_599, %get3A_600] {strides = array<i32>} : memref<3x512xi32, #tpu.memory_space<vmem>>, vector<1x16xi32>,
        %get3A_602 = vector.shape_cast %get3A_601 : vector<1x16xi32> to vector<16xi32>
        %mul3A_603 = arith.constant 2 : i32
        %mul3A_604 = vector.broadcast %mul3A_603 : i32 to vector<16xi32>
        %mul3A_605 = arith.muli %get3A_602, %mul3A_604 : vector<16xi32>
        %add3A_606 = vector.broadcast %arg0 : i32 to vector<16xi32>
        %add3A_607 = arith.addi %mul3A_605, %add3A_606 : vector<16xi32>
        %swap3A_608 = arith.index_cast %rem3A_208 : i32 to index
        %swap3A_609 = arith.constant 448 : index
        %swap3A_610 = tpu.vector_load %arg8[%swap3A_608, %swap3A_609] {strides = array<i32>} : memref<3x512xi32, #tpu.memory_space<vmem>>, vector<1x16xi32>,
        %swap3A_611 = vector.shape_cast %swap3A_610 : vector<1x16xi32> to vector<16xi32>
        %swap3A_612 = vector.shape_cast %add3A_607 : vector<16xi32> to vector<1x16xi32>
        tpu.vector_store %arg8[%swap3A_608, %swap3A_609], %swap3A_612 {strides = array<i32>} : memref<3x512xi32, #tpu.memory_space<vmem>>, vector<1x16xi32>,
        %get3A_613 = arith.index_cast %rem3A_208 : i32 to index
        %get3A_614 = arith.constant 464 : index
        %get3A_615 = tpu.vector_load %arg8[%get3A_613, %get3A_614] {strides = array<i32>} : memref<3x512xi32, #tpu.memory_space<vmem>>, vector<1x16xi32>,
        %get3A_616 = vector.shape_cast %get3A_615 : vector<1x16xi32> to vector<16xi32>
        %mul3A_617 = arith.constant 2 : i32
        %mul3A_618 = vector.broadcast %mul3A_617 : i32 to vector<16xi32>
        %mul3A_619 = arith.muli %get3A_616, %mul3A_618 : vector<16xi32>
        %add3A_620 = vector.broadcast %arg0 : i32 to vector<16xi32>
        %add3A_621 = arith.addi %mul3A_619, %add3A_620 : vector<16xi32>
        %swap3A_622 = arith.index_cast %rem3A_208 : i32 to index
        %swap3A_623 = arith.constant 464 : index
        %swap3A_624 = tpu.vector_load %arg8[%swap3A_622, %swap3A_623] {strides = array<i32>} : memref<3x512xi32, #tpu.memory_space<vmem>>, vector<1x16xi32>,
        %swap3A_625 = vector.shape_cast %swap3A_624 : vector<1x16xi32> to vector<16xi32>
        %swap3A_626 = vector.shape_cast %add3A_621 : vector<16xi32> to vector<1x16xi32>
        tpu.vector_store %arg8[%swap3A_622, %swap3A_623], %swap3A_626 {strides = array<i32>} : memref<3x512xi32, #tpu.memory_space<vmem>>, vector<1x16xi32>,
        %get3A_627 = arith.index_cast %rem3A_208 : i32 to index
        %get3A_628 = arith.constant 480 : index
        %get3A_629 = tpu.vector_load %arg8[%get3A_627, %get3A_628] {strides = array<i32>} : memref<3x512xi32, #tpu.memory_space<vmem>>, vector<1x16xi32>,
        %get3A_630 = vector.shape_cast %get3A_629 : vector<1x16xi32> to vector<16xi32>
        %mul3A_631 = arith.constant 2 : i32
        %mul3A_632 = vector.broadcast %mul3A_631 : i32 to vector<16xi32>
        %mul3A_633 = arith.muli %get3A_630, %mul3A_632 : vector<16xi32>
        %add3A_634 = vector.broadcast %arg0 : i32 to vector<16xi32>
        %add3A_635 = arith.addi %mul3A_633, %add3A_634 : vector<16xi32>
        %swap3A_636 = arith.index_cast %rem3A_208 : i32 to index
        %swap3A_637 = arith.constant 480 : index
        %swap3A_638 = tpu.vector_load %arg8[%swap3A_636, %swap3A_637] {strides = array<i32>} : memref<3x512xi32, #tpu.memory_space<vmem>>, vector<1x16xi32>,
        %swap3A_639 = vector.shape_cast %swap3A_638 : vector<1x16xi32> to vector<16xi32>
        %swap3A_640 = vector.shape_cast %add3A_635 : vector<16xi32> to vector<1x16xi32>
        tpu.vector_store %arg8[%swap3A_636, %swap3A_637], %swap3A_640 {strides = array<i32>} : memref<3x512xi32, #tpu.memory_space<vmem>>, vector<1x16xi32>,
        %get3A_641 = arith.index_cast %rem3A_208 : i32 to index
        %get3A_642 = arith.constant 496 : index
        %get3A_643 = tpu.vector_load %arg8[%get3A_641, %get3A_642] {strides = array<i32>} : memref<3x512xi32, #tpu.memory_space<vmem>>, vector<1x16xi32>,
        %get3A_644 = vector.shape_cast %get3A_643 : vector<1x16xi32> to vector<16xi32>
        %mul3A_645 = arith.constant 2 : i32
        %mul3A_646 = vector.broadcast %mul3A_645 : i32 to vector<16xi32>
        %mul3A_647 = arith.muli %get3A_644, %mul3A_646 : vector<16xi32>
        %add3A_648 = vector.broadcast %arg0 : i32 to vector<16xi32>
        %add3A_649 = arith.addi %mul3A_647, %add3A_648 : vector<16xi32>
        %swap3A_650 = arith.index_cast %rem3A_208 : i32 to index
        %swap3A_651 = arith.constant 496 : index
        %swap3A_652 = tpu.vector_load %arg8[%swap3A_650, %swap3A_651] {strides = array<i32>} : memref<3x512xi32, #tpu.memory_space<vmem>>, vector<1x16xi32>,
        %swap3A_653 = vector.shape_cast %swap3A_652 : vector<1x16xi32> to vector<16xi32>
        %swap3A_654 = vector.shape_cast %add3A_649 : vector<16xi32> to vector<1x16xi32>
        tpu.vector_store %arg8[%swap3A_650, %swap3A_651], %swap3A_654 {strides = array<i32>} : memref<3x512xi32, #tpu.memory_space<vmem>>, vector<1x16xi32>,
        %rem3A_655 = arith.constant 2 : i32
        %rem3A_656 = arith.remsi %scan3A_140, %rem3A_655 : i32
        %mul3A_657 = arith.constant 512 : i32
        %mul3A_658 = arith.muli %rem3A_656, %mul3A_657 : i32
        %dma_start3A_659 = arith.constant 0 : i32
        %dma_start3A_660 = tpu.memref_slice %arg10[%mul3A_658, %dma_start3A_659] : memref<1024x32xbf16, #tpu.memory_space<vmem>> -> memref<512x32xbf16, #tpu.memory_space<vmem>>
        %dma_start3A_661 = arith.constant 0 : i32
        %dma_start3A_662 = tpu.memref_slice %arg8[%rem3A_208, %dma_start3A_661] : memref<3x512xi32, #tpu.memory_space<vmem>> -> memref<1x512xi32, #tpu.memory_space<vmem>>
        %dma_start3A_663 = tpu.memref_squeeze %dma_start3A_662 : memref<1x512xi32, #tpu.memory_space<vmem>> -> memref<512xi32, #tpu.memory_space<vmem>>
        %dma_start3A_664 = arith.constant 0 : i32
        %dma_start3A_665 = arith.constant 0 : i32
        %dma_start3A_666 = tpu.memref_slice %arg3[%dma_start3A_664, %dma_start3A_665] : memref<200000x32xbf16, #tpu.memory_space<hbm>> -> memref<200000x32xbf16, #tpu.memory_space<hbm>>
        tpu.enqueue_indirect_dma source(%dma_start3A_666 : memref<200000x32xbf16, #tpu.memory_space<hbm>>) target(%dma_start3A_660 : memref<512x32xbf16, #tpu.memory_space<vmem>>) offsets(%dma_start3A_663 : memref<512xi32, #tpu.memory_space<vmem>>) semaphore(%arg12 : memref<!tpu.dma_semaphore, #tpu.memory_space<semaphore_mem>>)
      } else {
      }
      %add3A_149 = arith.constant 1 : i32
      %add3A_150 = arith.addi %scan3A_140, %add3A_149 : i32
      %lt3A_151 = arith.constant 196 : i32
      %lt3A_152 = arith.cmpi slt, %add3A_150, %lt3A_151 : i32
      %convert_element_type3A_153 = arith.extui %lt3A_152 : i1 to i32
      %cond3A_154 = arith.constant 0 : i32
      %cond3A_155 = arith.cmpi ne, %convert_element_type3A_153, %cond3A_154 : i32
      scf.if %cond3A_155 {
        %add3A_164 = arith.constant 1 : i32
        %add3A_165 = arith.addi %scan3A_140, %add3A_164 : i32
        %rem3A_166 = arith.constant 3 : i32
        %rem3A_167 = arith.remsi %add3A_165, %rem3A_166 : i32
        %add3A_168 = arith.addi %mul3A_78, %add3A_165 : i32
        %dma_start3A_169 = arith.constant 0 : i32
        %dma_start3A_170 = tpu.memref_slice %arg8[%rem3A_167, %dma_start3A_169] : memref<3x512xi32, #tpu.memory_space<vmem>> -> memref<1x512xi32, #tpu.memory_space<vmem>>
        %dma_start3A_171 = tpu.memref_squeeze %dma_start3A_170 : memref<1x512xi32, #tpu.memory_space<vmem>> -> memref<512xi32, #tpu.memory_space<vmem>>
        %dma_start3A_172 = arith.constant 0 : i32
        %dma_start3A_173 = arith.constant 0 : i32
        %dma_start3A_174 = tpu.memref_slice %arg4[%scan3A_129, %dma_start3A_172, %dma_start3A_173] : memref<4x3136x512xi32, #tpu.memory_space<hbm>> -> memref<1x3136x512xi32, #tpu.memory_space<hbm>>
        %dma_start3A_175 = tpu.memref_squeeze %dma_start3A_174 : memref<1x3136x512xi32, #tpu.memory_space<hbm>> -> memref<3136x512xi32, #tpu.memory_space<hbm>>
        %dma_start3A_176 = arith.constant 0 : i32
        %dma_start3A_177 = tpu.memref_slice %dma_start3A_175[%add3A_168, %dma_start3A_176] : memref<3136x512xi32, #tpu.memory_space<hbm>> -> memref<1x512xi32, #tpu.memory_space<hbm>>
        %dma_start3A_178 = tpu.memref_squeeze %dma_start3A_177 : memref<1x512xi32, #tpu.memory_space<hbm>> -> memref<512xi32, #tpu.memory_space<hbm>>
        %dma_start3A_179 = arith.constant 0 : i32
        %dma_start3A_180 = tpu.memref_slice %arg8[%rem3A_167, %dma_start3A_179] : memref<3x512xi32, #tpu.memory_space<vmem>> -> memref<1x512xi32, #tpu.memory_space<vmem>>
        %dma_start3A_181 = tpu.memref_squeeze %dma_start3A_180 : memref<1x512xi32, #tpu.memory_space<vmem>> -> memref<512xi32, #tpu.memory_space<vmem>>
        %dma_start3A_182 = arith.constant 0 : i32
        %dma_start3A_183 = arith.constant 0 : i32
        %dma_start3A_184 = tpu.memref_slice %arg4[%scan3A_129, %dma_start3A_182, %dma_start3A_183] : memref<4x3136x512xi32, #tpu.memory_space<hbm>> -> memref<1x3136x512xi32, #tpu.memory_space<hbm>>
        %dma_start3A_185 = tpu.memref_squeeze %dma_start3A_184 : memref<1x3136x512xi32, #tpu.memory_space<hbm>> -> memref<3136x512xi32, #tpu.memory_space<hbm>>
        %dma_start3A_186 = arith.constant 0 : i32
        %dma_start3A_187 = tpu.memref_slice %dma_start3A_185[%add3A_168, %dma_start3A_186] : memref<3136x512xi32, #tpu.memory_space<hbm>> -> memref<1x512xi32, #tpu.memory_space<hbm>>
        %dma_start3A_188 = tpu.memref_squeeze %dma_start3A_187 : memref<1x512xi32, #tpu.memory_space<hbm>> -> memref<512xi32, #tpu.memory_space<hbm>>
        tpu.enqueue_dma source(%dma_start3A_188 : memref<512xi32, #tpu.memory_space<hbm>>) target(%dma_start3A_181 : memref<512xi32, #tpu.memory_space<vmem>>) target_semaphore(%arg14 : memref<!tpu.dma_semaphore, #tpu.memory_space<semaphore_mem>>)
        %add3A_189 = arith.addi %mul3A_78, %add3A_165 : i32
        %dma_start3A_190 = arith.constant 0 : i32
        %dma_start3A_191 = tpu.memref_slice %arg9[%rem3A_167, %dma_start3A_190] : memref<3x512xi32, #tpu.memory_space<vmem>> -> memref<1x512xi32, #tpu.memory_space<vmem>>
        %dma_start3A_192 = tpu.memref_squeeze %dma_start3A_191 : memref<1x512xi32, #tpu.memory_space<vmem>> -> memref<512xi32, #tpu.memory_space<vmem>>
        %dma_start3A_193 = arith.constant 0 : i32
        %dma_start3A_194 = arith.constant 0 : i32
        %dma_start3A_195 = tpu.memref_slice %arg4[%scan3A_130, %dma_start3A_193, %dma_start3A_194] : memref<4x3136x512xi32, #tpu.memory_space<hbm>> -> memref<1x3136x512xi32, #tpu.memory_space<hbm>>
        %dma_start3A_196 = tpu.memref_squeeze %dma_start3A_195 : memref<1x3136x512xi32, #tpu.memory_space<hbm>> -> memref<3136x512xi32, #tpu.memory_space<hbm>>
        %dma_start3A_197 = arith.constant 0 : i32
        %dma_start3A_198 = tpu.memref_slice %dma_start3A_196[%add3A_189, %dma_start3A_197] : memref<3136x512xi32, #tpu.memory_space<hbm>> -> memref<1x512xi32, #tpu.memory_space<hbm>>
        %dma_start3A_199 = tpu.memref_squeeze %dma_start3A_198 : memref<1x512xi32, #tpu.memory_space<hbm>> -> memref<512xi32, #tpu.memory_space<hbm>>
        %dma_start3A_200 = arith.constant 0 : i32
        %dma_start3A_201 = tpu.memref_slice %arg9[%rem3A_167, %dma_start3A_200] : memref<3x512xi32, #tpu.memory_space<vmem>> -> memref<1x512xi32, #tpu.memory_space<vmem>>
        %dma_start3A_202 = tpu.memref_squeeze %dma_start3A_201 : memref<1x512xi32, #tpu.memory_space<vmem>> -> memref<512xi32, #tpu.memory_space<vmem>>
        %dma_start3A_203 = arith.constant 0 : i32
        %dma_start3A_204 = arith.constant 0 : i32
        %dma_start3A_205 = tpu.memref_slice %arg4[%scan3A_130, %dma_start3A_203, %dma_start3A_204] : memref<4x3136x512xi32, #tpu.memory_space<hbm>> -> memref<1x3136x512xi32, #tpu.memory_space<hbm>>
        %dma_start3A_206 = tpu.memref_squeeze %dma_start3A_205 : memref<1x3136x512xi32, #tpu.memory_space<hbm>> -> memref<3136x512xi32, #tpu.memory_space<hbm>>
        %dma_start3A_207 = arith.constant 0 : i32
        %dma_start3A_208 = tpu.memref_slice %dma_start3A_206[%add3A_189, %dma_start3A_207] : memref<3136x512xi32, #tpu.memory_space<hbm>> -> memref<1x512xi32, #tpu.memory_space<hbm>>
        %dma_start3A_209 = tpu.memref_squeeze %dma_start3A_208 : memref<1x512xi32, #tpu.memory_space<hbm>> -> memref<512xi32, #tpu.memory_space<hbm>>
        tpu.enqueue_dma source(%dma_start3A_209 : memref<512xi32, #tpu.memory_space<hbm>>) target(%dma_start3A_202 : memref<512xi32, #tpu.memory_space<vmem>>) target_semaphore(%arg14 : memref<!tpu.dma_semaphore, #tpu.memory_space<semaphore_mem>>)
      } else {
      }
      %ge3A_156 = arith.constant 1 : i32
      %ge3A_157 = arith.cmpi sge, %scan3A_140, %ge3A_156 : i32
      %lt3A_158 = arith.constant 197 : i32
      %lt3A_159 = arith.cmpi slt, %scan3A_140, %lt3A_158 : i32
      %and3A_160 = arith.andi %ge3A_157, %lt3A_159 : i1
      %convert_element_type3A_161 = arith.extui %and3A_160 : i1 to i32
      %cond3A_162 = arith.constant 0 : i32
      %cond3A_163 = arith.cmpi ne, %convert_element_type3A_161, %cond3A_162 : i32
      scf.if %cond3A_163 {
        %sub3A = arith.constant 1 : i32
        %sub3A_164 = arith.subi %scan3A_140, %sub3A : i32
        %rem3A_165 = arith.constant 2 : i32
        %rem3A_166 = arith.remsi %sub3A_164, %rem3A_165 : i32
        %mul3A_167 = arith.constant 512 : i32
        %mul3A_168 = arith.muli %rem3A_166, %mul3A_167 : i32
        %dma_wait3A = arith.constant 0 : i32
        %dma_wait3A_169 = tpu.memref_slice %arg10[%mul3A_168, %dma_wait3A] : memref<1024x32xbf16, #tpu.memory_space<vmem>> -> memref<512x32xbf16, #tpu.memory_space<vmem>>
        %dma_wait3A_170 = arith.constant 0 : i32
        %dma_wait3A_171 = arith.constant 0 : i32
        %dma_wait3A_172 = tpu.memref_slice %arg3[%dma_wait3A_170, %dma_wait3A_171] : memref<200000x32xbf16, #tpu.memory_space<hbm>> -> memref<512x32xbf16, #tpu.memory_space<hbm>>
        %dma_wait3A_173 = arith.constant 0 : i32
        %dma_wait3A_174 = tpu.memref_slice %arg10[%mul3A_168, %dma_wait3A_173] : memref<1024x32xbf16, #tpu.memory_space<vmem>> -> memref<512x32xbf16, #tpu.memory_space<vmem>>
        %dma_wait3A_175 = arith.constant 0 : i32
        %dma_wait3A_176 = arith.constant 0 : i32
        %dma_wait3A_177 = tpu.memref_slice %arg3[%dma_wait3A_175, %dma_wait3A_176] : memref<200000x32xbf16, #tpu.memory_space<hbm>> -> memref<512x32xbf16, #tpu.memory_space<hbm>>
        tpu.wait_dma2 semaphore(%arg12 : memref<!tpu.dma_semaphore, #tpu.memory_space<semaphore_mem>>) src(%dma_wait3A_177 : memref<512x32xbf16, #tpu.memory_space<hbm>>) dst(%dma_wait3A_174 : memref<512x32xbf16, #tpu.memory_space<vmem>>)
        %rem3A_178 = arith.constant 2 : i32
        %rem3A_179 = arith.remsi %sub3A_164, %rem3A_178 : i32
        %mul3A_180 = arith.constant 512 : i32
        %mul3A_181 = arith.muli %rem3A_179, %mul3A_180 : i32
        %rem3A_182 = arith.constant 3 : i32
        %rem3A_183 = arith.remsi %sub3A_164, %rem3A_182 : i32
        %dma_start3A_184 = arith.constant 0 : i32
        %dma_start3A_185 = tpu.memref_slice %arg10[%mul3A_181, %dma_start3A_184] : memref<1024x32xbf16, #tpu.memory_space<vmem>> -> memref<512x32xbf16, #tpu.memory_space<vmem>>
        %dma_start3A_186 = arith.constant 0 : i32
        %dma_start3A_187 = tpu.memref_slice %arg9[%rem3A_183, %dma_start3A_186] : memref<3x512xi32, #tpu.memory_space<vmem>> -> memref<1x512xi32, #tpu.memory_space<vmem>>
        %dma_start3A_188 = tpu.memref_squeeze %dma_start3A_187 : memref<1x512xi32, #tpu.memory_space<vmem>> -> memref<512xi32, #tpu.memory_space<vmem>>
        %dma_start3A_189 = arith.constant 0 : i32
        %dma_start3A_190 = arith.constant 0 : i32
        %dma_start3A_191 = tpu.memref_slice %arg7[%dma_start3A_189, %dma_start3A_190] : memref<100008x32xbf16, #tpu.memory_space<vmem_shared>> -> memref<100008x32xbf16, #tpu.memory_space<vmem_shared>>
        tpu.enqueue_indirect_dma source(%dma_start3A_185 : memref<512x32xbf16, #tpu.memory_space<vmem>>) target(%dma_start3A_191 : memref<100008x32xbf16, #tpu.memory_space<vmem_shared>>) offsets(%dma_start3A_188 : memref<512xi32, #tpu.memory_space<vmem>>) semaphore(%arg13 : memref<!tpu.dma_semaphore, #tpu.memory_space<semaphore_mem>>) {add = true}
      } else {
      }
    }
    %scan3A_135 = arith.constant 198 : i32
    %barrier3A_136 = arith.constant 0 : index
    tpu.barrier barrier_id(%barrier3A_136)
    %mul3A_137 = arith.constant 6250 : i32
    %mul3A_138 = arith.muli %arg1, %mul3A_137 : i32
    "tpu.region"() ({
      %run_scoped3A = tpu.sem_alloc : memref<!tpu.dma_semaphore, #tpu.memory_space<semaphore_mem>>
      %dma_start3A_140 = arith.constant 0 : i32
      %dma_start3A_141 = tpu.memref_slice %arg6[%mul3A_138, %arg0, %dma_start3A_140] : memref<100000x2x32xbf16, #tpu.memory_space<hbm>> -> memref<6250x1x32xbf16, #tpu.memory_space<hbm>>
      %dma_start3A_142 = tpu.memref_squeeze %dma_start3A_141 : memref<6250x1x32xbf16, #tpu.memory_space<hbm>> -> memref<6250x32xbf16, #tpu.memory_space<hbm>>
      %dma_start3A_143 = arith.constant 0 : i32
      %dma_start3A_144 = tpu.memref_slice %arg7[%mul3A_138, %dma_start3A_143] : memref<100008x32xbf16, #tpu.memory_space<vmem_shared>> -> memref<6250x32xbf16, #tpu.memory_space<vmem_shared>>
      tpu.enqueue_dma source(%dma_start3A_144 : memref<6250x32xbf16, #tpu.memory_space<vmem_shared>>) target(%dma_start3A_142 : memref<6250x32xbf16, #tpu.memory_space<hbm>>) target_semaphore(%run_scoped3A : memref<!tpu.dma_semaphore, #tpu.memory_space<semaphore_mem>>)
      %dma_wait3A = arith.constant 0 : i32
      %dma_wait3A_145 = tpu.memref_slice %arg6[%mul3A_138, %arg0, %dma_wait3A] : memref<100000x2x32xbf16, #tpu.memory_space<hbm>> -> memref<6250x1x32xbf16, #tpu.memory_space<hbm>>
      %dma_wait3A_146 = tpu.memref_squeeze %dma_wait3A_145 : memref<6250x1x32xbf16, #tpu.memory_space<hbm>> -> memref<6250x32xbf16, #tpu.memory_space<hbm>>
      %dma_wait3A_147 = arith.constant 0 : i32
      %dma_wait3A_148 = tpu.memref_slice %arg7[%mul3A_138, %dma_wait3A_147] : memref<100008x32xbf16, #tpu.memory_space<vmem_shared>> -> memref<6250x32xbf16, #tpu.memory_space<vmem_shared>>
      tpu.wait_dma2 semaphore(%run_scoped3A : memref<!tpu.dma_semaphore, #tpu.memory_space<semaphore_mem>>) src(%dma_wait3A_148 : memref<6250x32xbf16, #tpu.memory_space<vmem_shared>>) dst(%dma_wait3A_146 : memref<6250x32xbf16, #tpu.memory_space<hbm>>)
      tpu.yield
    }) : () -> ()
    %barrier3A_139 = arith.constant 0 : index
    tpu.barrier barrier_id(%barrier3A_139)
    return
  }
}

module attributes {stable_mosaic.version = 14 : i64} {
  func.func @_hop1_body(%arg0: i32, %arg1: memref<2000x64xbf16, #tpu.memory_space<vmem>>, %arg2: memref<2000x64xbf16, #tpu.memory_space<vmem>>, %arg3: memref<2000x64xf32, #tpu.memory_space<vmem>>, %arg4: memref<2000x64xbf16, #tpu.memory_space<vmem>>, %arg5: memref<2000x64xf32, #tpu.memory_space<vmem>>, %arg6: memref<2000x64xbf16, #tpu.memory_space<vmem>>) attributes {dimension_semantics = [#tpu.dimension_semantics<arbitrary>], iteration_bounds = array<i64: 50>, scalar_prefetch = 0 : i64, scratch_operands = 0 : i64, tpu.core_type = #tpu.core_type<tc>, window_params = [{transform_indices = @transform_0, window_bounds = array<i64: 2000, 64>}, {transform_indices = @transform_1, window_bounds = array<i64: 2000, 64>}, {transform_indices = @transform_2, window_bounds = array<i64: 2000, 64>}, {transform_indices = @transform_3, window_bounds = array<i64: 2000, 64>}, {transform_indices = @transform_4, window_bounds = array<i64: 2000, 64>}, {transform_indices = @transform_5, window_bounds = array<i64: 2000, 64>}]} {
    %get3A = arith.constant 0 : index
    %get3A_0 = arith.constant 0 : index
    %get3A_1 = vector.load %arg1[%get3A, %get3A_0] : memref<2000x64xbf16, #tpu.memory_space<vmem>>, vector<2000x64xbf16>
    %convert_element_type3A = arith.extf %get3A_1 : vector<2000x64xbf16> to vector<2000x64xf32>
    %mul3A = arith.mulf %convert_element_type3A, %convert_element_type3A : vector<2000x64xf32>
    %reduce_sum3A = arith.constant dense<0.000000e+00> : vector<2000xf32>
    %reduce_sum3A_2 = vector.multi_reduction <add>, %mul3A, %reduce_sum3A [1] : vector<2000x64xf32> to vector<2000xf32>
    %broadcast_in_dim3A = vector.shape_cast %reduce_sum3A_2 : vector<2000xf32> to vector<2000x1xf32>
    %sqrt3A = math.sqrt %broadcast_in_dim3A : vector<2000x1xf32>
    %max3A = arith.constant 9.99999996E-13 : f32
    %max3A_3 = vector.broadcast %max3A : f32 to vector<2000x1xf32>
    %max3A_4 = arith.maximumf %sqrt3A, %max3A_3 : vector<2000x1xf32>
    %div3A = vector.broadcast %max3A_4 : vector<2000x1xf32> to vector<2000x64xf32>
    %div3A_5 = arith.divf %convert_element_type3A, %div3A : vector<2000x64xf32>
    %get3A_6 = arith.constant 0 : index
    %get3A_7 = arith.constant 0 : index
    %get3A_8 = vector.load %arg2[%get3A_6, %get3A_7] : memref<2000x64xbf16, #tpu.memory_space<vmem>>, vector<2000x64xbf16>
    %convert_element_type3A_9 = arith.extf %get3A_8 : vector<2000x64xbf16> to vector<2000x64xf32>
    %mul3A_10 = arith.mulf %convert_element_type3A_9, %convert_element_type3A_9 : vector<2000x64xf32>
    %reduce_sum3A_11 = arith.constant dense<0.000000e+00> : vector<2000xf32>
    %reduce_sum3A_12 = vector.multi_reduction <add>, %mul3A_10, %reduce_sum3A_11 [1] : vector<2000x64xf32> to vector<2000xf32>
    %broadcast_in_dim3A_13 = vector.shape_cast %reduce_sum3A_12 : vector<2000xf32> to vector<2000x1xf32>
    %sqrt3A_14 = math.sqrt %broadcast_in_dim3A_13 : vector<2000x1xf32>
    %max3A_15 = arith.constant 9.99999996E-13 : f32
    %max3A_16 = vector.broadcast %max3A_15 : f32 to vector<2000x1xf32>
    %max3A_17 = arith.maximumf %sqrt3A_14, %max3A_16 : vector<2000x1xf32>
    %div3A_18 = vector.broadcast %max3A_17 : vector<2000x1xf32> to vector<2000x64xf32>
    %div3A_19 = arith.divf %convert_element_type3A_9, %div3A_18 : vector<2000x64xf32>
    %swap3A = arith.constant 0 : index
    %swap3A_20 = arith.constant 0 : index
    %swap3A_21 = vector.load %arg3[%swap3A, %swap3A_20] : memref<2000x64xf32, #tpu.memory_space<vmem>>, vector<2000x64xf32>
    tpu.vector_store %arg3[%swap3A, %swap3A_20], %div3A_5 {strides = array<i32>} : memref<2000x64xf32, #tpu.memory_space<vmem>>, vector<2000x64xf32>,
    %convert_element_type3A_22 = arith.truncf %div3A_5 : vector<2000x64xf32> to vector<2000x64xbf16>
    %swap3A_23 = arith.constant 0 : index
    %swap3A_24 = arith.constant 0 : index
    %swap3A_25 = vector.load %arg4[%swap3A_23, %swap3A_24] : memref<2000x64xbf16, #tpu.memory_space<vmem>>, vector<2000x64xbf16>
    tpu.vector_store %arg4[%swap3A_23, %swap3A_24], %convert_element_type3A_22 {strides = array<i32>} : memref<2000x64xbf16, #tpu.memory_space<vmem>>, vector<2000x64xbf16>,
    %swap3A_26 = arith.constant 0 : index
    %swap3A_27 = arith.constant 0 : index
    %swap3A_28 = vector.load %arg5[%swap3A_26, %swap3A_27] : memref<2000x64xf32, #tpu.memory_space<vmem>>, vector<2000x64xf32>
    tpu.vector_store %arg5[%swap3A_26, %swap3A_27], %div3A_19 {strides = array<i32>} : memref<2000x64xf32, #tpu.memory_space<vmem>>, vector<2000x64xf32>,
    %convert_element_type3A_29 = arith.truncf %div3A_19 : vector<2000x64xf32> to vector<2000x64xbf16>
    %swap3A_30 = arith.constant 0 : index
    %swap3A_31 = arith.constant 0 : index
    %swap3A_32 = vector.load %arg6[%swap3A_30, %swap3A_31] : memref<2000x64xbf16, #tpu.memory_space<vmem>>, vector<2000x64xbf16>
    tpu.vector_store %arg6[%swap3A_30, %swap3A_31], %convert_element_type3A_29 {strides = array<i32>} : memref<2000x64xbf16, #tpu.memory_space<vmem>>, vector<2000x64xbf16>,
    return
  }
  func.func @transform_0(%arg0: i32) -> (i32, i32) {
    %c0_i32 = arith.constant 0 : i32
    %c0_i32_0 = arith.constant 0 : i32
    return %arg0, %c0_i32 : i32, i32
  }
  func.func @transform_1(%arg0: i32) -> (i32, i32) {
    %c0_i32 = arith.constant 0 : i32
    %c0_i32_0 = arith.constant 0 : i32
    return %arg0, %c0_i32 : i32, i32
  }
  func.func @transform_2(%arg0: i32) -> (i32, i32) {
    %c0_i32 = arith.constant 0 : i32
    %c0_i32_0 = arith.constant 0 : i32
    return %arg0, %c0_i32 : i32, i32
  }
  func.func @transform_3(%arg0: i32) -> (i32, i32) {
    %c0_i32 = arith.constant 0 : i32
    %c0_i32_0 = arith.constant 0 : i32
    return %arg0, %c0_i32 : i32, i32
  }
  func.func @transform_4(%arg0: i32) -> (i32, i32) {
    %c0_i32 = arith.constant 0 : i32
    %c0_i32_0 = arith.constant 0 : i32
    return %arg0, %c0_i32 : i32, i32
  }
  func.func @transform_5(%arg0: i32) -> (i32, i32) {
    %c0_i32 = arith.constant 0 : i32
    %c0_i32_0 = arith.constant 0 : i32
    return %arg0, %c0_i32 : i32, i32
  }
}

module attributes {stable_mosaic.version = 14 : i64} {
  func.func @_hop2_body(%arg0: i32, %arg1: memref<2000x64xbf16, #tpu.memory_space<vmem>>, %arg2: memref<2000x64xbf16, #tpu.memory_space<vmem>>, %arg3: memref<2000x64xf32, #tpu.memory_space<vmem>>, %arg4: memref<2000x64xf32, #tpu.memory_space<vmem>>, %arg5: memref<2000x64xf32, #tpu.memory_space<vmem>>, %arg6: memref<2000x64xf32, #tpu.memory_space<vmem>>, %arg7: memref<2000x64xf32, #tpu.memory_space<vmem>>, %arg8: memref<2000x64xf32, #tpu.memory_space<vmem>>) attributes {dimension_semantics = [#tpu.dimension_semantics<arbitrary>], iteration_bounds = array<i64: 50>, scalar_prefetch = 0 : i64, scratch_operands = 0 : i64, tpu.core_type = #tpu.core_type<tc>, window_params = [{transform_indices = @transform_0, window_bounds = array<i64: 2000, 64>}, {transform_indices = @transform_1, window_bounds = array<i64: 2000, 64>}, {transform_indices = @transform_2, window_bounds = array<i64: 2000, 64>}, {transform_indices = @transform_3, window_bounds = array<i64: 2000, 64>}, {transform_indices = @transform_4, window_bounds = array<i64: 2000, 64>}, {transform_indices = @transform_5, window_bounds = array<i64: 2000, 64>}, {transform_indices = @transform_6, window_bounds = array<i64: 2000, 64>}, {transform_indices = @transform_7, window_bounds = array<i64: 2000, 64>}]} {
    %get3A = arith.constant 0 : index
    %get3A_0 = arith.constant 0 : index
    %get3A_1 = vector.load %arg1[%get3A, %get3A_0] : memref<2000x64xbf16, #tpu.memory_space<vmem>>, vector<2000x64xbf16>
    %convert_element_type3A = arith.extf %get3A_1 : vector<2000x64xbf16> to vector<2000x64xf32>
    %mul3A = arith.mulf %convert_element_type3A, %convert_element_type3A : vector<2000x64xf32>
    %reduce_sum3A = arith.constant dense<0.000000e+00> : vector<2000xf32>
    %reduce_sum3A_2 = vector.multi_reduction <add>, %mul3A, %reduce_sum3A [1] : vector<2000x64xf32> to vector<2000xf32>
    %broadcast_in_dim3A = vector.shape_cast %reduce_sum3A_2 : vector<2000xf32> to vector<2000x1xf32>
    %sqrt3A = math.sqrt %broadcast_in_dim3A : vector<2000x1xf32>
    %max3A = arith.constant 9.99999996E-13 : f32
    %max3A_3 = vector.broadcast %max3A : f32 to vector<2000x1xf32>
    %max3A_4 = arith.maximumf %sqrt3A, %max3A_3 : vector<2000x1xf32>
    %div3A = vector.broadcast %max3A_4 : vector<2000x1xf32> to vector<2000x64xf32>
    %div3A_5 = arith.divf %convert_element_type3A, %div3A : vector<2000x64xf32>
    %get3A_6 = arith.constant 0 : index
    %get3A_7 = arith.constant 0 : index
    %get3A_8 = vector.load %arg3[%get3A_6, %get3A_7] : memref<2000x64xf32, #tpu.memory_space<vmem>>, vector<2000x64xf32>
    %add3A = arith.addf %div3A_5, %get3A_8 : vector<2000x64xf32>
    %get3A_9 = arith.constant 0 : index
    %get3A_10 = arith.constant 0 : index
    %get3A_11 = vector.load %arg5[%get3A_9, %get3A_10] : memref<2000x64xf32, #tpu.memory_space<vmem>>, vector<2000x64xf32>
    %add3A_12 = arith.addf %add3A, %get3A_11 : vector<2000x64xf32>
    %swap3A = arith.constant 0 : index
    %swap3A_13 = arith.constant 0 : index
    %swap3A_14 = vector.load %arg7[%swap3A, %swap3A_13] : memref<2000x64xf32, #tpu.memory_space<vmem>>, vector<2000x64xf32>
    tpu.vector_store %arg7[%swap3A, %swap3A_13], %add3A_12 {strides = array<i32>} : memref<2000x64xf32, #tpu.memory_space<vmem>>, vector<2000x64xf32>,
    %get3A_15 = arith.constant 0 : index
    %get3A_16 = arith.constant 0 : index
    %get3A_17 = vector.load %arg2[%get3A_15, %get3A_16] : memref<2000x64xbf16, #tpu.memory_space<vmem>>, vector<2000x64xbf16>
    %convert_element_type3A_18 = arith.extf %get3A_17 : vector<2000x64xbf16> to vector<2000x64xf32>
    %mul3A_19 = arith.mulf %convert_element_type3A_18, %convert_element_type3A_18 : vector<2000x64xf32>
    %reduce_sum3A_20 = arith.constant dense<0.000000e+00> : vector<2000xf32>
    %reduce_sum3A_21 = vector.multi_reduction <add>, %mul3A_19, %reduce_sum3A_20 [1] : vector<2000x64xf32> to vector<2000xf32>
    %broadcast_in_dim3A_22 = vector.shape_cast %reduce_sum3A_21 : vector<2000xf32> to vector<2000x1xf32>
    %sqrt3A_23 = math.sqrt %broadcast_in_dim3A_22 : vector<2000x1xf32>
    %max3A_24 = arith.constant 9.99999996E-13 : f32
    %max3A_25 = vector.broadcast %max3A_24 : f32 to vector<2000x1xf32>
    %max3A_26 = arith.maximumf %sqrt3A_23, %max3A_25 : vector<2000x1xf32>
    %div3A_27 = vector.broadcast %max3A_26 : vector<2000x1xf32> to vector<2000x64xf32>
    %div3A_28 = arith.divf %convert_element_type3A_18, %div3A_27 : vector<2000x64xf32>
    %get3A_29 = arith.constant 0 : index
    %get3A_30 = arith.constant 0 : index
    %get3A_31 = vector.load %arg4[%get3A_29, %get3A_30] : memref<2000x64xf32, #tpu.memory_space<vmem>>, vector<2000x64xf32>
    %add3A_32 = arith.addf %div3A_28, %get3A_31 : vector<2000x64xf32>
    %get3A_33 = arith.constant 0 : index
    %get3A_34 = arith.constant 0 : index
    %get3A_35 = vector.load %arg6[%get3A_33, %get3A_34] : memref<2000x64xf32, #tpu.memory_space<vmem>>, vector<2000x64xf32>
    %add3A_36 = arith.addf %add3A_32, %get3A_35 : vector<2000x64xf32>
    %swap3A_37 = arith.constant 0 : index
    %swap3A_38 = arith.constant 0 : index
    %swap3A_39 = vector.load %arg8[%swap3A_37, %swap3A_38] : memref<2000x64xf32, #tpu.memory_space<vmem>>, vector<2000x64xf32>
    tpu.vector_store %arg8[%swap3A_37, %swap3A_38], %add3A_36 {strides = array<i32>} : memref<2000x64xf32, #tpu.memory_space<vmem>>, vector<2000x64xf32>,
    return
  }
  func.func @transform_0(%arg0: i32) -> (i32, i32) {
    %c0_i32 = arith.constant 0 : i32
    %c0_i32_0 = arith.constant 0 : i32
    return %arg0, %c0_i32 : i32, i32
  }
  func.func @transform_1(%arg0: i32) -> (i32, i32) {
    %c0_i32 = arith.constant 0 : i32
    %c0_i32_0 = arith.constant 0 : i32
    return %arg0, %c0_i32 : i32, i32
  }
  func.func @transform_2(%arg0: i32) -> (i32, i32) {
    %c0_i32 = arith.constant 0 : i32
    %c0_i32_0 = arith.constant 0 : i32
    return %arg0, %c0_i32 : i32, i32
  }
  func.func @transform_3(%arg0: i32) -> (i32, i32) {
    %c0_i32 = arith.constant 0 : i32
    %c0_i32_0 = arith.constant 0 : i32
    return %arg0, %c0_i32 : i32, i32
  }
  func.func @transform_4(%arg0: i32) -> (i32, i32) {
    %c0_i32 = arith.constant 0 : i32
    %c0_i32_0 = arith.constant 0 : i32
    return %arg0, %c0_i32 : i32, i32
  }
  func.func @transform_5(%arg0: i32) -> (i32, i32) {
    %c0_i32 = arith.constant 0 : i32
    %c0_i32_0 = arith.constant 0 : i32
    return %arg0, %c0_i32 : i32, i32
  }
  func.func @transform_6(%arg0: i32) -> (i32, i32) {
    %c0_i32 = arith.constant 0 : i32
    %c0_i32_0 = arith.constant 0 : i32
    return %arg0, %c0_i32 : i32, i32
  }
  func.func @transform_7(%arg0: i32) -> (i32, i32) {
    %c0_i32 = arith.constant 0 : i32
    %c0_i32_0 = arith.constant 0 : i32
    return %arg0, %c0_i32 : i32, i32
  }
}

</mosaic_0001>

<sc_bundles>
// kernel: kernel.6.cloned.1.call-start
scs
__scs_entry_jumppad:
0x0: {  	(pc) =	sbr.rel $0x88, $3  }
0x1: {  	(tag) =	ssettag $0x0;
	lr =	simm.s32 $0x1  }
0x2: {  	[smem:$0x3F9E] =	sst lr;
	_ =	strace $0xD0000000  }
0x3: {  	_ = 	snop  }
0x4: {  	_ = 	snop  }
0x5: {  	_ = 	snop  }
0x6: {  	_ = 	snop  }
0x7: {  	_ = 	snop  }
__scs_overlays_trampoline_lowered:
0x8: {  	[smem:$0x3FAD] =	sst s0  }
0x9: {  	[smem:$0x3FAE] =	sst s1  }
0xa: {  	[smem:$0x3FAF] =	sst s2  }
0xb: {  	[smem:$0x3FB0] =	sst s3  }
0xc: {  	[smem:$0x3FB1] =	sst s4  }
0xd: {  	[smem:$0x3FB2] =	sst s5  }
0xe: {  	[smem:$0x3FB3] =	sst s6  }
0xf: {  	[smem:$0x3FB4] =	sst s7  }
0x10: {  	[smem:$0x3FB5] =	sst s8  }
0x11: {  	[smem:$0x3FB6] =	sst s9;
	s0 =	simm.s32 @!p0 $0x0  }
0x12: {  	s1 =	sld [smem:$0x3F9C];
	s0 =	simm.s32 @p0 $0x1  }
0x13: {  	[smem:$0x3FB7] =	sst s0;
	s0 =	simm.s32 @!p1 $0x0  }
0x14: {  	s2 =	sld [smem:$0x3F9B];
	s0 =	simm.s32 @p1 $0x1  }
0x15: {  	[smem:$0x3FB8] =	sst s0;
	s0 =	simm.s32 @!p2 $0x0  }
0x16: {  	s3 =	sld [smem:$0x3FDB];
	s0 =	simm.s32 @p2 $0x1  }
0x17: {  	s4 =	simm.s32 $0x1BF5;
	[smem:$0x3FBA] =	sst s0  }
0x18: {  	s0 =	sld [smem:$0x3F9D];
	_ =	swait.ge [sflag:s4], $0x0  }
0x19: {  	s7 =	sld [smem:$0x3F9E]  }
0x1a: {  	s8 =	sadd.s32 $0xFFFFE003, lr  }
0x1b: {  	s9 =	sadd.s32 $0xFFFFFEF7, lr;
	s5 =	simm.s32 $0xFFFFFFFF;
	p2 =	slt.u32 s8, $0xFFFFF086  }
0x1c: {  	p1 =	slt.u32 s9, $0xF7A;
	s5 =	simm.s32 @!p2 $0x0  }
0x1d: {  	s5 =	simm.s32 @p1 $0x1;
	p0 =	seq.s32 s7, s2  }
0x1e: {  	s7 =	smul.u32 @!p0 $0xF7A, s2;
	p2 =	seq.s32 @!p0 s5, $0x0  }
0x1f: {  	s9 =	smul.u32 $0xF7A, s1;
	s8 =	simm.s32 @!p0 $0x1BF5;
	p2 =	por !p2, p0  }
0x20: {  	[sflag:s8] =	ssyncset.s32 @!p0 $0xFFFFF086;
	s6 =	sadd.s32 @!p0 s3, s7;
	s7 =	simm.s32 @!p0 $0x108  }
0x21: {  	s3 =	sadd.s32 s3, s9;
	s6 =	sadd.s32 @!p0 $0x88, s6;
	s7 =	simm.s32 @p2 $0x1082  }
0x22: {  	[simem:s7], [sflag:s8] =	dma.local @!p0 [hbm:s6], $0xF7A  }
0x23: {  	s9 =	sor.u32 $0xD0000000, s2;
	s6 =	simm.s32 $0x108;
	_ =	swait.ge @!p0 [sflag:s8], $0x0  }
0x24: {  	s3 =	sadd.s32 $0x88, s3;
	s6 =	simm.s32 @!p1 $0x1082;
	[sflag:s4] =	ssyncset.s32 $0xFFFFF086  }
0x25: {  	[simem:s6], [sflag:s4] =	dma.local [hbm:s3], $0xF7A  }
0x26: {  	[smem:$0x3F9E] =	sst s1;
	(tag) =	ssettag s2;
	_ =	strace s9  }
0x27: {  	s1 =	sld [smem:$0x3FAE]  }
0x28: {  	s2 =	sld [smem:$0x3FAF]  }
0x29: {  	s4 =	sld [smem:$0x3FB1]  }
0x2a: {  	p0 =	seq.s32 s5, $0x0;
	s5 =	sld [smem:$0x3FB2]  }
0x2b: {  	s6 =	sld [smem:$0x3FB3]  }
0x2c: {  	s7 =	sld [smem:$0x3FB4]  }
0x2d: {  	s3 =	simm.s32 $0x108;
	s8 =	sld [smem:$0x3FB5]  }
0x2e: {  	s3 =	simm.s32 @!p0 $0x1082;
	s9 =	sld [smem:$0x3FB6]  }
0x2f: {  	lr =	sadd.s32 s0, s3;
	s0 =	sld [smem:$0x3FAD]  }
0x30: {  	s3 =	sld [smem:$0x3FB0]  }
0x31: {  	[smem:$0x3FB9] =	sst s10  }
0x32: {  	s10 =	sld [smem:$0x3FB7];
	_ =	sdelay $0x3  }
0x33: {  	p0 =	seq.s32 s10, $0x1;
	s10 =	sld [smem:$0x3FB9];
	_ =	sdelay $0x3  }
0x34: {  	[smem:$0x3FB9] =	sst s10  }
0x35: {  	s10 =	sld [smem:$0x3FB8];
	_ =	sdelay $0x3  }
0x36: {  	p1 =	seq.s32 s10, $0x1;
	s10 =	sld [smem:$0x3FB9];
	_ =	sdelay $0x3  }
0x37: {  	[smem:$0x3FB9] =	sst s10  }
0x38: {  	s10 =	sld [smem:$0x3FBA]  }
0x39: {  	_ = 	snop;
	(pc) =	sbr.ind lr, $3  }
0x3a: {  	_ = 	snop  }
0x3b: {  	_ = 	snop  }
0x3c: {  	p2 =	seq.s32 s10, $0x1;
	s10 =	sld [smem:$0x3FB9]  }
0x3d: {  	_ =	shalt  }
0x3e: {  	_ =	shalt  }
0x3f: {  	_ =	shalt  }
0x40: {  	_ =	shalt  }
0x41: {  	_ =	shalt  }
0x42: {  	_ =	shalt  }
0x43: {  	_ =	shalt  }
0x44: {  	_ =	shalt  }
0x45: {  	_ =	shalt  }
0x46: {  	_ =	shalt  }
0x47: {  	_ =	shalt  }
0x48: {  	_ =	shalt  }
0x49: {  	_ =	shalt  }
0x4a: {  	_ =	shalt  }
0x4b: {  	_ =	shalt  }
0x4c: {  	_ =	shalt  }
0x4d: {  	_ =	shalt  }
0x4e: {  	_ =	shalt  }
0x4f: {  	_ =	shalt  }
0x50: {  	_ =	shalt  }
0x51: {  	_ =	shalt  }
0x52: {  	_ =	shalt  }
0x53: {  	_ =	shalt  }
0x54: {  	_ =	shalt  }
0x55: {  	_ =	shalt  }
0x56: {  	_ =	shalt  }
0x57: {  	_ =	shalt  }
0x58: {  	_ =	shalt  }
0x59: {  	_ =	shalt  }
0x5a: {  	_ =	shalt  }
0x5b: {  	_ =	shalt  }
0x5c: {  	_ =	shalt  }
0x5d: {  	_ =	shalt  }
0x5e: {  	_ =	shalt  }
0x5f: {  	_ =	shalt  }
0x60: {  	_ =	shalt  }
0x61: {  	_ =	shalt  }
0x62: {  	_ =	shalt  }
0x63: {  	_ =	shalt  }
0x64: {  	_ =	shalt  }
0x65: {  	_ =	shalt  }
0x66: {  	_ =	shalt  }
0x67: {  	_ =	shalt  }
0x68: {  	_ =	shalt  }
0x69: {  	_ =	shalt  }
0x6a: {  	_ =	shalt  }
0x6b: {  	_ =	shalt  }
0x6c: {  	_ =	shalt  }
0x6d: {  	_ =	shalt  }
0x6e: {  	_ =	shalt  }
0x6f: {  	_ =	shalt  }
0x70: {  	_ =	shalt  }
0x71: {  	_ =	shalt  }
0x72: {  	_ =	shalt  }
0x73: {  	_ =	shalt  }
0x74: {  	_ =	shalt  }
0x75: {  	_ =	shalt  }
0x76: {  	_ =	shalt  }
0x77: {  	_ =	shalt  }
0x78: {  	_ =	shalt  }
0x79: {  	_ =	shalt  }
0x7a: {  	_ =	shalt  }
0x7b: {  	_ =	shalt  }
0x7c: {  	_ =	shalt  }
0x7d: {  	_ =	shalt  }
0x7e: {  	_ =	shalt  }
0x7f: {  	_ =	shalt  }
0x80: {  	_ =	shalt  }
0x81: {  	_ =	shalt  }
0x82: {  	_ =	shalt  }
0x83: {  	_ =	shalt  }
0x84: {  	_ =	shalt  }
0x85: {  	_ =	shalt  }
0x86: {  	_ =	shalt  }
0x87: {  	_ =	shalt  }
.Lfunc_end0:
.L_simem_size_0:
called_computation_lowered:
.L_overlay_start_0:
0x88: {  	s2 =	sld [smem:$0x3FD9]  }
0x89: {  	s3 =	sld [smem:$0x3FFE];
	_ =	sdelay $0x1  }
0x8a: {  	s1 =	srdreg.scid  }
0x8b: {  	s0 =	sand.u32 $0x1, s1  }
0x8c: {  	s14 =	sshll.u32 s0, $0xA;
	s2 =	sadd.s32 s3, s2  }
0x8d: {  	s2 =	sadd.s32 s2, s14  }
0x8e: {  	[smem:$0x3FC5] =	sst s2  }
0x8f: {  	_ = 	snop  }
0x90: {  	s2 =	sld [smem:$0x3FD0];
	_ =	sdelay $0x2  }
0x91: {  	s15 =	simm.s32 $0xA;
	s4 =	simm.s32 $0x10  }
0x92: {  	[smem:s4], [sflag:s15] =	dma.local [hbm:s2], $0x1  }
0x93: {  	_ =	swait.eq [sflag:s15], $0x1  }
0x94: {  	[sflag:s15] =	ssyncset.done $0x0  }
0x95: {  	s16 =	sld [smem:$0x10];
	[sflag:s15] =	ssyncadd.s32 $0xFFFFFFFF  }
0x96: {  	s17 =	sld [smem:$0x11];
	(tm) =	ssettm $0x1  }
0x97: {  	s18 =	sld [smem:$0x3FFB];
	_ =	sdelay $0x3  }
0x98: {  	_ =	strace s18  }
0x99: {  	s4 =	sld [smem:$0x3FFC];
	_ =	sdelay $0x3  }
0x9a: {  	_ =	strace s4  }
0x9b: {  	s4 =	sld [smem:$0x3FFD];
	_ =	sdelay $0x3  }
0x9c: {  	_ =	strace s4  }
0x9d: {  	_ =	strace $0x8FFFFFFF  }
0x9e: {  	s19 =	sld [smem:$0x3FDB];
	_ =	sdelay $0x1  }
0x9f: {  	s5 =	simm.s32 $_scs_section_size  }
0xa0: {  	s6 =	simm.s32 $_size__tile_overlayer_lowered;
	s7 =	simm.s32 $_tile_overlayer_lowered  }
0xa1: {  	s22 =	simm.s32 $0x1BFF;
	s21 =	sshll.u32 s7, $0x1;
	s4 =	sadd.s32 s5, s19  }
0xa2: {  	s8 =	simm.s32 $0x0;
	s20 =	sshll.u32 s6, $0x1;
	s6 =	sadd.s32 s21, s4  }
0xa3: {  	[timem:s8], [sflag:s22] =	dma.local [hbm:s6], s20  }
0xa4: {  	_ =	swait.ge [sflag:s22], s20  }
0xa5: {  	s5 =	ssub.s32 $0x0, s20;
	[sflag:s22] =	ssyncset.done $0x0  }
0xa6: {  	[sflag:s22] =	ssyncadd.s32 s5;
	_ =	sdelay $0x1  }
0xa7: {  	s23 =	simm.s32 $0x1B8B  }
0xa8: {  	_ =	swait.ge [sflag:s23], $0x1  }
0xa9: {  	[sflag:s23] =	ssyncset.done $0x0  }
0xaa: {  	s25 =	simm.s32 $0x1B8E;
	s24 =	sld [smem:$0x3FFE];
	[sflag:s23] =	ssyncadd.s32 $0xFFFFFFFF  }
0xab: {  	s26 =	simm.s32 $execute0_lowered;
	[smem:$0x3FD2] =	sst s25  }
0xac: {  	s6 =	sshll.u32 s26, $0x1;
	_ =	strace $0x80000046;
	[dreg:$0x1] =	wrdreg $0xFFFFFFFF  }
0xad: {  	s28 =	simm.s32 $_size_execute0_lowered;
	s4 =	sadd.s32 s4, s6;
	[dreg:$0x0] =	wrdreg $0x0  }
0xae: {  	s6 =	sshll.u32 s28, $0x1;
	[dreg:$0x2] =	wrdreg s4  }
0xaf: {  	[dreg:$0x3] =	wrdreg s6  }
0xb0: {  	[dreg:$0x4] =	wrdreg $0xC0  }
0xb1: {  	_ =	task [dreg:s8], $0x5FFFF  }
0xb2: {  	[dreg:$0x1] =	wrdreg $0xFFFFFFFF  }
0xb3: {  	[dreg:$0x0] =	wrdreg $0x60  }
0xb4: {  	[dreg:$0x2] =	wrdreg s17  }
0xb5: {  	[dreg:$0x3] =	wrdreg s24  }
0xb6: {  	[dreg:$0x4] =	wrdreg s16  }
0xb7: {  	[dreg:$0x5] =	wrdreg $0x0  }
0xb8: {  	[dreg:$0x6] =	wrdreg $0x9  }
0xb9: {  	_ =	task.clear_ibuf [dreg:s8], $0x7FFFF;
	_ =	strace $0x90000046  }
0xba: {  	s29 =	simm.s32 $0x9;
	_ =	strace $0x80000048  }
0xbb: {  	_ =	swait.ge [sflag:s29], $0x1  }
0xbc: {  	[sflag:s29] =	ssyncadd.s32 $0xFFFFFFFF  }
0xbd: {  	_ =	strace $0x90000048  }
0xbe: {  	_ =	sfence  }
0xbf: {  	s30 =	sld [smem:$0x0];
	_ =	sdelay $0x2  }
0xc0: {  	s31 =	sshll.u32 s1, $0xD;
	s1 =	sshrl.u32 s1, $0x2  }
0xc1: {  	s3 =	sand.u32 $0x4000, s31;
	s1 =	sadd.s32 s1, s30  }
0xc2: {  	s0 =	sor.u32 s3, s0;
	s1 =	sshll.u32 s1, $0x11  }
0xc3: {  	s0 =	sor.u32 s1, s0  }
0xc4: {  	s0 =	sadd.s32 $0x8F2B, s0  }
0xc5: {  	[sflag:s0] =	ssyncadd.remote.s32 $0x1  }
0xc6: {  	_ =	sfence.sel $0xFFFF  }
0xc7: {  	[dreg:$0x0] =	wrdreg $0xFFFFFFFF;
	(pc) =	sbr.abs _section_cstart, $3  }
0xc8: {  	[dreg:$0x1] =	wrdreg $0xFFFFFFFF  }
0xc9: {  	_ =	task.clear_ibuf [dreg:s8], $0x2FFFF;
	_ =	strace $0x9FFFFFFF  }
0xca: {  	(tm) =	ssettm $0x7FFFFFFF  }
0xcb: {  	_ =	shalt  }
tec
execute0_lowered:
.L_overlay_start_1:
0x0: {  	(tag) =	ssettag $0x1  }
0x1: {  	s1 =	rddreg [dreg:$0x0]  }
0x2: {  	s14 =	rddreg [dreg:$0x1]  }
0x3: {  	s11 =	rddreg [dreg:$0x2]  }
0x4: {  	s3 =	rddreg [dreg:$0x3];
	s4 =	simm.s32 $0x0;
	s5 =	srdreg.scid  }
0x5: {  	s0 =	stileid.u32;
	s17 =	simm.s32 $0x1D2A8;
	s18 =	simm.s32 $0x4  }
0x6: {  	s19 =	simm.s32 $0x186A8;
	s20 =	simm.s32 $0x18CA8;
	s21 =	simm.s32 $0x3  }
0x7: {  	s22 =	simm.s32 $0x200;
	s24 =	simm.s32 $0x2;
	s25 =	simm.s32 $0x0  }
0x8: {  	[smem:$0x7FF] =	sst s4;
	s23 =	sand.u32 $0x1, s5;
	s12 =	smul.u32 $0x61A80, s0  }
0x9: {  	s5 =	sadd.s32 $0xCB200, s14;
	s6 =	sadd.s32 $0x7200, s14;
	s7 =	sshll.u32 s23, $0x5  }
0xa: {  	s10 =	sadd.s32 $0x69200, s14;
	_ =	strace $0x80000047;
	s7 =	sor.u32 s7, s12  }
0xb: {  	s8 =	ssub.s32 $0x2, s23;
	s13 =	sshrl.u32 s7, $0x4;
	s7 =	smul.u32 $0x3100, s0  }
.Ltmp0:
0xc: {  	v0 =	vmov s23;
	s23 =	simm.s32 $0x1;
	s9 =	sshrl.u32 s8, $0x1;
	(pc) =	sbr.rel .LBB2_1-.Ltmp0, $4  }
0xd: {  	s12 =	sshrl.u32 s12, $0x2;
	s16 =	ssub.s32 s8, s9;
	s8 =	smul.u32 $0xC4, s0  }
0xe: {  	s12 =	sadd.s32 s12, s3;
	s15 =	sadd.s32 s13, s14;
	s11 =	sadd.s32 s11, s13  }
0xf: {  	s13 =	sadd.s32 $0x38200, s14;
	s14 =	sadd.s32 $0x9A200, s14;
	s31 =	sadd.s32 s6, s7  }
0x10: {  	v1 =	vimm.bf16 $0.0e+00;
	s16 =	smax.u32 s16, $0x1;
	s15 =	sadd.s32 $0x12CE00, s15;
	[dreg:$0x5] =	wrdreg s31  }
.LBB2_25:
0x11: {  	[bflag:$0x0] =	sbarrier.arrive $0xFFFF;
	s25 =	sadd.s32 $0x1, s25  }
0x12: {  	[hbm:s15@s18], [sflag:s26] =	dma.strided [spmem:s28@s24], $0x30D4, s23, $0x2   }
0x13: {  	p0 =	sne.s32 s25, s16  }
.Ltmp1:
0x14: {  	_ =	swait.ge [sflag:s18], $0x30D4;
	(pc) =	sbr.rel @!p0 .LBB2_26-.Ltmp1, $3  }
0x15: {  	[sflag:s18] =	ssyncset.done $0x0  }
0x16: {  	[sflag:s18] =	ssyncadd.s32 $0xFFFFCF2C  }
0x17: {  	[bflag:$0x0] =	sbarrier.arrive $0xFFFF;
	_ =	sdelay $0x1  }
.LBB2_1:
0x18: {  	s26 =	simm.s32 $0x0  }
.LBB2_2:
0x19: {  	p0 =	sne.s32 s26, $0x3E40  }
.Ltmp2:
0x1a: {  	_ = 	snop;
	(pc) =	sbr.rel @p0 .LBB2_2-.Ltmp2, $3  }
0x1b: {  	_ =	sdelay $0x1  }
0x1c: {  	s28 =	sshra.s32 s26, $0x2  }
0x1d: {  	s26 =	sadd.s32 $0x40, s26;
	[tilespmem:s28+$0x1D2A8] =	vst v1  }
0x1e: {  	s26 =	sadd.s32 $0x0, s12  }
0x1f: {  	[spmem:s26] =	stream.linear.scatter [tilespmem:s17], [sflag:$0x4], $0xFA0, $0x38;
	[tilespmem:$0x1E248] =	vst v63  }
0x20: {  	s26 =	simm.s32 $0x3E80;
	_ =	swait.ge [sflag:s18], $0xFA0  }
.LBB2_4:
0x21: {  	s28 =	sshra.s32 s26, $0x2;
	[sflag:s18] =	ssyncset.done $0x0;
	p0 =	sne.s32 s26, $0x5DC00  }
.Ltmp3:
0x22: {  	s28 =	sadd.s32 s28, s12;
	[sflag:s18] =	ssyncadd.s32 $0xFFFFF060;
	(pc) =	sbr.rel @p0 .LBB2_4-.Ltmp3, $3  }
0x23: {  	[spmem:s28] =	stream.linear.scatter [tilespmem:s17], [sflag:$0x4], $0xFA0, $0x38;
	[tilespmem:$0x1E248] =	vst v63  }
0x24: {  	s26 =	sadd.s32 $0x3E80, s26;
	_ =	sdelay $0x1  }
0x25: {  	_ =	swait.ge [sflag:s18], $0xFA0  }
0x26: {  	[sflag:s18] =	ssyncset.done $0x0  }
0x27: {  	[sflag:s18] =	ssyncadd.s32 $0xFFFFF060  }
.Ltmp4:
0x28: {  	[bflag:$0x0] =	sbarrier.arrive $0xFFFF;
	(pc) =	sbr.rel .LBB2_6-.Ltmp4, $4  }
0x29: {  	s26 =	simm.s32 $0x0;
	s0 =	rddreg [dreg:$0x5]  }
0x2a: {  	[tilespmem:s19], [sflag:$0x3] =	stream.linear.gather [hbm4b:s0+s26], $0x200, $0x38;
	[tilespmem:$0x1E248] =	vst v63  }
0x2b: {  	s28 =	sadd.s32 s7, s10  }
0x2c: {  	[tilespmem:s20], [sflag:$0x3] =	stream.linear.gather [hbm4b:s28+s26], $0x200, $0x38;
	[tilespmem:$0x1E248] =	vst v63  }
.LBB2_12:
0x2d: {  	s0 =	sadd.s32 $0xFFFFFFFF, s26  }
0x2e: {  	s26 =	sand.u32 $0xFF, s0  }
0x2f: {  	s26 =	smul.u32 $0xAB, s26;
	_ =	sdelay $0x1  }
0x30: {  	s26 =	sshrl.u32 s26, $0x9  }
0x31: {  	s26 =	smul.u32 $0x3, s26;
	_ =	sdelay $0x1  }
0x32: {  	s26 =	ssub.s32 s0, s26  }
0x33: {  	_ =	swait.ge [sflag:s23], $0x2000;
	s0 =	sshll.u32 s0, $0xD;
	s26 =	sand.u32 $0xFF, s26  }
0x34: {  	[sflag:s23] =	ssyncset.done $0x0;
	s0 =	sand.u32 $0x2000, s0;
	s26 =	sshll.u32 s26, $0x9  }
0x35: {  	[sflag:s23] =	ssyncadd.s32 $0xFFFFE000;
	s0 =	sor.u32 $0x192A8, s0;
	s26 =	sadd.s32 $0x18CA8, s26  }
0x36: {  	[spmem:s3] =	stream.indirect.scatter.add.bf16 [tilespmem:s0], [sflag:$0x2], $0x10, s26, s22, $0xb8;
	[tilespmem:$0x1E248] =	vst v63  }
0x37: {  	s26 =	smov.u32 s28  }
.LBB2_13:
0x38: {  	p0 =	slt.u32 s26, $0xC6  }
.Ltmp5:
0x39: {  	_ = 	snop;
	(pc) =	sbr.rel @!p0 .LBB2_14-.Ltmp5, $1  }
0x3a: {  	_ =	sdelay $0x3  }
.LBB2_6:
0x3b: {  	p0 =	slt.u32 s26, $0x2  }
0x3c: {  	p1 =	slt.u32 @!p0 s26, $0xC4  }
0x3d: {  	p1 =	por p0, p1  }
.Ltmp6:
0x3e: {  	_ = 	snop;
	(pc) =	sbr.rel @p1 .LBB2_8-.Ltmp6, $4  }
0x3f: {  	s28 =	simm.s32 @!p0 $0x2  }
0x40: {  	_ =	swait.ge @!p0 [sflag:s28], $0x400  }
0x41: {  	[sflag:s28] =	ssyncset.done @!p0 $0x0  }
0x42: {  	[sflag:s28] =	ssyncadd.s32 @!p0 $0xFFFFFC00  }
0x43: {  	s28 =	sadd.s32 $0x1, s26  }
.LBB2_10:
0x44: {  	s0 =	sand.u32 $0xFF, s26  }
0x45: {  	p0 =	seq.s32 s0, $0x0  }
0x46: {  	p1 =	seq.s32 @!p0 s0, $0xC5  }
0x47: {  	p1 =	por p0, p1  }
.Ltmp7:
0x48: {  	_ = 	snop;
	(pc) =	sbr.rel @!p1 .LBB2_12-.Ltmp7, $1  }
0x49: {  	_ =	sdelay $0x3  }
.Ltmp8:
0x4a: {  	(pc) =	sbr.rel .LBB2_13-.Ltmp8, $3  }
0x4b: {  	_ =	sdelay $0x1  }
0x4c: {  	s28 =	smov.u32 @p0 s28  }
0x4d: {  	s26 =	smov.u32 s28  }
.LBB2_8:
0x4e: {  	s28 =	smul.u32 $0xAB, s26;
	_ =	sdelay $0x1  }
0x4f: {  	s28 =	sshrl.u32 s28, $0x9  }
0x50: {  	_ =	swait.ge [sflag:s21], $0x200;
	s28 =	sand.u32 $0x7F, s28  }
0x51: {  	[sflag:s21] =	ssyncset.done $0x0;
	s28 =	smul.u32 $0x3, s28  }
0x52: {  	[sflag:s21] =	ssyncadd.s32 $0xFFFFFE00  }
0x53: {  	_ =	swait.ge [sflag:s21], $0x200;
	s28 =	ssub.s32 s26, s28  }
0x54: {  	[sflag:s21] =	ssyncset.done $0x0;
	s28 =	sand.u32 $0xFF, s28  }
0x55: {  	[sflag:s21] =	ssyncadd.s32 $0xFFFFFE00;
	s28 =	sshll.u32 s28, $0x9  }
0x56: {  	v2 =	vld [tilespmem:s28+$0x186A8]  }
0x57: {  	v3 =	vld [tilespmem:s28+$0x186B8]  }
0x58: {  	v4 =	vld [tilespmem:s28+$0x186C8]  }
0x59: {  	v5 =	vld [tilespmem:s28+$0x186D8]  }
0x5a: {  	v6 =	vld [tilespmem:s28+$0x186E8]  }
0x5b: {  	v7 =	vld [tilespmem:s28+$0x186F8];
	v2 =	vshll.u32 v2, $0x1  }
0x5c: {  	v8 =	vld [tilespmem:s28+$0x18708];
	v3 =	vshll.u32 v3, $0x1;
	v2 =	vor.u32 v0, v2  }
0x5d: {  	v49 =	vld [tilespmem:s28+$0x18718];
	[tilespmem:s28+$0x186A8] =	vst v2;
	v2 =	vor.u32 v0, v3;
	v3 =	vshll.u32 v4, $0x1  }
0x5e: {  	v50 =	vld [tilespmem:s28+$0x18728];
	[tilespmem:s28+$0x186B8] =	vst v2;
	v2 =	vor.u32 v0, v3;
	v3 =	vshll.u32 v5, $0x1  }
0x5f: {  	v51 =	vld [tilespmem:s28+$0x18738];
	[tilespmem:s28+$0x186C8] =	vst v2;
	v2 =	vor.u32 v0, v3;
	v3 =	vshll.u32 v6, $0x1  }
0x60: {  	v52 =	vld [tilespmem:s28+$0x18748];
	[tilespmem:s28+$0x186D8] =	vst v2;
	v2 =	vor.u32 v0, v3;
	v3 =	vshll.u32 v7, $0x1  }
0x61: {  	v53 =	vld [tilespmem:s28+$0x18758];
	[tilespmem:s28+$0x186E8] =	vst v2;
	v2 =	vor.u32 v0, v3;
	v3 =	vshll.u32 v8, $0x1  }
0x62: {  	v54 =	vld [tilespmem:s28+$0x18768];
	[tilespmem:s28+$0x186F8] =	vst v2;
	v2 =	vor.u32 v0, v3;
	v3 =	vshll.u32 v49, $0x1  }
0x63: {  	v55 =	vld [tilespmem:s28+$0x18778];
	[tilespmem:s28+$0x18708] =	vst v2;
	v2 =	vor.u32 v0, v3;
	v3 =	vshll.u32 v50, $0x1  }
0x64: {  	v56 =	vld [tilespmem:s28+$0x18788];
	[tilespmem:s28+$0x18718] =	vst v2;
	v2 =	vor.u32 v0, v3;
	v3 =	vshll.u32 v51, $0x1  }
0x65: {  	v57 =	vld [tilespmem:s28+$0x18798];
	[tilespmem:s28+$0x18728] =	vst v2;
	v2 =	vor.u32 v0, v3;
	v3 =	vshll.u32 v52, $0x1  }
0x66: {  	v58 =	vld [tilespmem:s28+$0x187A8];
	[tilespmem:s28+$0x18738] =	vst v2;
	v2 =	vor.u32 v0, v3;
	v3 =	vshll.u32 v53, $0x1  }
0x67: {  	v59 =	vld [tilespmem:s28+$0x187B8];
	[tilespmem:s28+$0x18748] =	vst v2;
	v2 =	vor.u32 v0, v3;
	v3 =	vshll.u32 v54, $0x1  }
0x68: {  	v60 =	vld [tilespmem:s28+$0x187C8];
	[tilespmem:s28+$0x18758] =	vst v2;
	v2 =	vor.u32 v0, v3;
	v3 =	vshll.u32 v55, $0x1  }
0x69: {  	v61 =	vld [tilespmem:s28+$0x187D8];
	[tilespmem:s28+$0x18768] =	vst v2;
	v2 =	vor.u32 v0, v3;
	v3 =	vshll.u32 v56, $0x1  }
0x6a: {  	v62 =	vld [tilespmem:s28+$0x187E8];
	[tilespmem:s28+$0x18778] =	vst v2;
	v2 =	vor.u32 v0, v3;
	v3 =	vshll.u32 v57, $0x1  }
0x6b: {  	v63 =	vld [tilespmem:s28+$0x187F8];
	[tilespmem:s28+$0x18788] =	vst v2;
	v2 =	vor.u32 v0, v3;
	v3 =	vshll.u32 v58, $0x1  }
0x6c: {  	[tilespmem:s28+$0x18798] =	vst v2;
	v2 =	vor.u32 v0, v3;
	v3 =	vshll.u32 v59, $0x1  }
0x6d: {  	[tilespmem:s28+$0x187A8] =	vst v2;
	v2 =	vor.u32 v0, v3;
	v3 =	vshll.u32 v60, $0x1  }
0x6e: {  	[tilespmem:s28+$0x187B8] =	vst v2;
	v2 =	vor.u32 v0, v3;
	v3 =	vshll.u32 v61, $0x1  }
0x6f: {  	[tilespmem:s28+$0x187C8] =	vst v2;
	v2 =	vor.u32 v0, v3;
	v3 =	vshll.u32 v62, $0x1  }
0x70: {  	[tilespmem:s28+$0x187D8] =	vst v2;
	v2 =	vor.u32 v0, v3;
	v3 =	vshll.u32 v63, $0x1  }
0x71: {  	[tilespmem:s28+$0x187E8] =	vst v2;
	v2 =	vor.u32 v0, v3  }
0x72: {  	s29 =	sor.u32 $0x18808, s28;
	[tilespmem:s28+$0x187F8] =	vst v2  }
0x73: {  	v2 =	vld [tilespmem:s29+$0x0];
	_ =	sdelay $0x4  }
0x74: {  	v2 =	vshll.u32 v2, $0x1  }
0x75: {  	v2 =	vor.u32 v0, v2  }
0x76: {  	s31 =	sor.u32 $0x18818, s28;
	[tilespmem:s29+$0x0] =	vst v2  }
0x77: {  	v2 =	vld [tilespmem:s31+$0x0];
	_ =	sdelay $0x4  }
0x78: {  	v2 =	vshll.u32 v2, $0x1  }
0x79: {  	v2 =	vor.u32 v0, v2  }
0x7a: {  	s0 =	sor.u32 $0x18828, s28;
	[tilespmem:s31+$0x0] =	vst v2  }
0x7b: {  	v2 =	vld [tilespmem:s0+$0x0];
	_ =	sdelay $0x4  }
0x7c: {  	v2 =	vshll.u32 v2, $0x1  }
0x7d: {  	v2 =	vor.u32 v0, v2  }
0x7e: {  	s2 =	sor.u32 $0x18838, s28;
	[tilespmem:s0+$0x0] =	vst v2  }
0x7f: {  	v2 =	vld [tilespmem:s2+$0x0];
	_ =	sdelay $0x4  }
0x80: {  	v2 =	vshll.u32 v2, $0x1  }
0x81: {  	v2 =	vor.u32 v0, v2  }
0x82: {  	s9 =	sor.u32 $0x18848, s28;
	[tilespmem:s2+$0x0] =	vst v2  }
0x83: {  	v2 =	vld [tilespmem:s9+$0x0];
	_ =	sdelay $0x4  }
0x84: {  	v2 =	vshll.u32 v2, $0x1  }
0x85: {  	v2 =	vor.u32 v0, v2  }
0x86: {  	s30 =	sor.u32 $0x18858, s28;
	[tilespmem:s9+$0x0] =	vst v2  }
0x87: {  	v2 =	vld [tilespmem:s30+$0x0];
	_ =	sdelay $0x4  }
0x88: {  	v2 =	vshll.u32 v2, $0x1  }
0x89: {  	v2 =	vor.u32 v0, v2  }
0x8a: {  	s31 =	sor.u32 $0x18868, s28;
	[tilespmem:s30+$0x0] =	vst v2  }
0x8b: {  	v2 =	vld [tilespmem:s31+$0x0];
	_ =	sdelay $0x4  }
0x8c: {  	v2 =	vshll.u32 v2, $0x1  }
0x8d: {  	v2 =	vor.u32 v0, v2  }
0x8e: {  	s0 =	sor.u32 $0x18878, s28;
	[tilespmem:s31+$0x0] =	vst v2  }
0x8f: {  	v2 =	vld [tilespmem:s0+$0x0];
	_ =	sdelay $0x4  }
0x90: {  	v2 =	vshll.u32 v2, $0x1  }
0x91: {  	v2 =	vor.u32 v0, v2  }
0x92: {  	s2 =	sor.u32 $0x18888, s28;
	[tilespmem:s0+$0x0] =	vst v2  }
0x93: {  	v2 =	vld [tilespmem:s2+$0x0];
	_ =	sdelay $0x4  }
0x94: {  	v2 =	vshll.u32 v2, $0x1  }
0x95: {  	v2 =	vor.u32 v0, v2  }
0x96: {  	s9 =	sor.u32 $0x18898, s28;
	[tilespmem:s2+$0x0] =	vst v2  }
0x97: {  	v2 =	vld [tilespmem:s9+$0x0];
	_ =	sdelay $0x3  }
0x98: {  	p0 =	sgt.u32 s26, $0xC2  }
.Ltmp9:
0x99: {  	s30 =	sshll.u32 s26, $0xD;
	v2 =	vshll.u32 v2, $0x1;
	(pc) =	sbr.rel @p0 .LBB2_12-.Ltmp9, $4  }
0x9a: {  	s30 =	sand.u32 $0x2000, s30;
	v2 =	vor.u32 v0, v2  }
0x9b: {  	s28 =	sadd.s32 $0x186A8, s28;
	s31 =	sor.u32 $0x192A8, s30;
	[tilespmem:s9+$0x0] =	vst v2  }
0x9c: {  	[tilespmem:s31], [sflag:$0x1] =	stream.indirect.gather [hbm4b:s1+s22], $0x10, s28, s22, $0xb8;
	[tilespmem:$0x1E248] =	vst v63  }
0x9d: {  	s28 =	simm.s32 $0xC4  }
0x9e: {  	s28 =	sadd.s32 $0x1, s26  }
0x9f: {  	s29 =	smul.u32 $0xAB, s28;
	_ =	sdelay $0x1  }
0xa0: {  	s29 =	sshrl.u32 s29, $0x9  }
0xa1: {  	s29 =	sand.u32 $0x7F, s29  }
0xa2: {  	s29 =	smul.u32 $0x3, s29;
	_ =	sdelay $0x1  }
0xa3: {  	s29 =	ssub.s32 s28, s29  }
0xa4: {  	s30 =	sadd.s32 s8, s28;
	s29 =	sand.u32 $0xFF, s29  }
.Ltmp10:
0xa5: {  	s30 =	sshll.u32 s30, $0x6;
	s29 =	sshll.u32 s29, $0x9;
	(pc) =	sbr.rel .LBB2_10-.Ltmp10, $4  }
0xa6: {  	s0 =	sadd.s32 s6, s30;
	s31 =	sadd.s32 $0x186A8, s29  }
0xa7: {  	[tilespmem:s31], [sflag:$0x3] =	stream.linear.gather [hbm4b:s0+s4], $0x200, $0x38;
	[tilespmem:$0x1E248] =	vst v63  }
0xa8: {  	s9 =	sadd.s32 $0x18CA8, s29;
	s31 =	sadd.s32 s10, s30  }
0xa9: {  	[tilespmem:s9], [sflag:$0x3] =	stream.linear.gather [hbm4b:s31+s4], $0x200, $0x38;
	[tilespmem:$0x1E248] =	vst v63  }
.LBB2_14:
0xaa: {  	s0 =	stileid.u32  }
0xab: {  	s0 =	sshll.u32 s0, $0x6  }
0xac: {  	[bflag:$0x0] =	sbarrier.arrive $0xFFFF;
	s28 =	sshrl.u32 s12, $0x3;
	s26 =	sor.u32 $0x1C04, s0  }
0xad: {  	[hbm:s11@s18], [sflag:s26] =	dma.strided [spmem:s28@s24], $0x30D4, s23, $0x2   }
0xae: {  	_ =	swait.ge [sflag:s18], $0x30D4  }
0xaf: {  	[sflag:s18] =	ssyncset.done $0x0  }
0xb0: {  	[sflag:s18] =	ssyncadd.s32 $0xFFFFCF2C  }
0xb1: {  	s31 =	sadd.s32 $0x0, s12;
	[bflag:$0x0] =	sbarrier.arrive $0xFFFF  }
0xb2: {  	[spmem:s31] =	stream.linear.scatter [tilespmem:s17], [sflag:$0x4], $0xFA0, $0x38;
	[tilespmem:$0x1E248] =	vst v63  }
0xb3: {  	s29 =	simm.s32 $0x3E80;
	_ =	swait.ge [sflag:s18], $0xFA0  }
.LBB2_15:
0xb4: {  	s0 =	sshra.s32 s29, $0x2;
	[sflag:s18] =	ssyncset.done $0x0;
	p0 =	sne.s32 s29, $0x5DC00  }
.Ltmp11:
0xb5: {  	s0 =	sadd.s32 s0, s12;
	[sflag:s18] =	ssyncadd.s32 $0xFFFFF060;
	(pc) =	sbr.rel @p0 .LBB2_15-.Ltmp11, $3  }
0xb6: {  	[spmem:s0] =	stream.linear.scatter [tilespmem:s17], [sflag:$0x4], $0xFA0, $0x38;
	[tilespmem:$0x1E248] =	vst v63  }
0xb7: {  	s29 =	sadd.s32 $0x3E80, s29;
	_ =	sdelay $0x1  }
0xb8: {  	_ =	swait.ge [sflag:s18], $0xFA0  }
0xb9: {  	[sflag:s18] =	ssyncset.done $0x0  }
.Ltmp12:
0xba: {  	[sflag:s18] =	ssyncadd.s32 $0xFFFFF060;
	(pc) =	sbr.rel .LBB2_17-.Ltmp12, $4  }
0xbb: {  	s0 =	sadd.s32 s7, s13;
	s29 =	simm.s32 $0x0;
	[bflag:$0x0] =	sbarrier.arrive $0xFFFF  }
0xbc: {  	[tilespmem:s19], [sflag:$0x3] =	stream.linear.gather [hbm4b:s0+s29], $0x200, $0x38;
	[tilespmem:$0x1E248] =	vst v63  }
0xbd: {  	s31 =	sadd.s32 s7, s14  }
0xbe: {  	[tilespmem:s20], [sflag:$0x3] =	stream.linear.gather [hbm4b:s31+s29], $0x200, $0x38;
	[tilespmem:$0x1E248] =	vst v63  }
.LBB2_23:
0xbf: {  	s0 =	sadd.s32 $0xFFFFFFFF, s29  }
0xc0: {  	s2 =	sand.u32 $0xFF, s0  }
0xc1: {  	s2 =	smul.u32 $0xAB, s2;
	_ =	sdelay $0x1  }
0xc2: {  	s2 =	sshrl.u32 s2, $0x9  }
0xc3: {  	s2 =	smul.u32 $0x3, s2;
	_ =	sdelay $0x1  }
0xc4: {  	_ =	swait.ge [sflag:s23], $0x2000;
	s2 =	ssub.s32 s0, s2  }
0xc5: {  	s29 =	smov.u32 s30;
	s0 =	sshll.u32 s0, $0xD;
	s2 =	sand.u32 $0xFF, s2  }
0xc6: {  	[sflag:s23] =	ssyncset.done $0x0;
	s0 =	sand.u32 $0x2000, s0;
	s2 =	sshll.u32 s2, $0x9  }
0xc7: {  	[sflag:s23] =	ssyncadd.s32 $0xFFFFE000;
	s0 =	sor.u32 $0x192A8, s0;
	s2 =	sadd.s32 $0x18CA8, s2  }
0xc8: {  	[spmem:s3] =	stream.indirect.scatter.add.bf16 [tilespmem:s0], [sflag:$0x2], $0x10, s2, s22, $0xb8;
	[tilespmem:$0x1E248] =	vst v63  }
.LBB2_24:
0xc9: {  	p0 =	slt.u32 s29, $0xC6  }
.Ltmp13:
0xca: {  	_ = 	snop;
	(pc) =	sbr.rel @!p0 .LBB2_25-.Ltmp13, $1  }
0xcb: {  	_ =	sdelay $0x3  }
.LBB2_17:
0xcc: {  	p0 =	slt.u32 s29, $0x2  }
0xcd: {  	p1 =	slt.u32 @!p0 s29, $0xC4  }
0xce: {  	p1 =	por p0, p1  }
.Ltmp14:
0xcf: {  	_ = 	snop;
	(pc) =	sbr.rel @p1 .LBB2_19-.Ltmp14, $4  }
0xd0: {  	s0 =	simm.s32 @!p0 $0x2  }
0xd1: {  	_ =	swait.ge @!p0 [sflag:s0], $0x400  }
0xd2: {  	[sflag:s0] =	ssyncset.done @!p0 $0x0  }
0xd3: {  	[sflag:s0] =	ssyncadd.s32 @!p0 $0xFFFFFC00  }
0xd4: {  	s30 =	sadd.s32 $0x1, s29  }
.LBB2_21:
0xd5: {  	s0 =	sand.u32 $0xFF, s29  }
0xd6: {  	p0 =	seq.s32 s0, $0x0  }
0xd7: {  	p1 =	seq.s32 @!p0 s0, $0xC5  }
0xd8: {  	p1 =	por p0, p1  }
.Ltmp15:
0xd9: {  	_ = 	snop;
	(pc) =	sbr.rel @!p1 .LBB2_23-.Ltmp15, $1  }
0xda: {  	_ =	sdelay $0x3  }
.Ltmp16:
0xdb: {  	(pc) =	sbr.rel .LBB2_24-.Ltmp16, $3  }
0xdc: {  	_ =	sdelay $0x1  }
0xdd: {  	s30 =	smov.u32 @p0 s30  }
0xde: {  	s29 =	smov.u32 s30  }
.LBB2_19:
0xdf: {  	s0 =	smul.u32 $0xAB, s29;
	_ =	sdelay $0x1  }
0xe0: {  	s0 =	sshrl.u32 s0, $0x9  }
0xe1: {  	_ =	swait.ge [sflag:s21], $0x200;
	s0 =	sand.u32 $0x7F, s0  }
0xe2: {  	[sflag:s21] =	ssyncset.done $0x0;
	s0 =	smul.u32 $0x3, s0  }
0xe3: {  	[sflag:s21] =	ssyncadd.s32 $0xFFFFFE00  }
0xe4: {  	_ =	swait.ge [sflag:s21], $0x200;
	s0 =	ssub.s32 s29, s0  }
0xe5: {  	[sflag:s21] =	ssyncset.done $0x0;
	s0 =	sand.u32 $0xFF, s0  }
0xe6: {  	[sflag:s21] =	ssyncadd.s32 $0xFFFFFE00;
	s30 =	sshll.u32 s0, $0x9  }
0xe7: {  	v2 =	vld [tilespmem:s30+$0x186A8]  }
0xe8: {  	v3 =	vld [tilespmem:s30+$0x186B8]  }
0xe9: {  	v4 =	vld [tilespmem:s30+$0x186C8]  }
0xea: {  	v5 =	vld [tilespmem:s30+$0x186D8]  }
0xeb: {  	v6 =	vld [tilespmem:s30+$0x186E8]  }
0xec: {  	v7 =	vld [tilespmem:s30+$0x186F8];
	v2 =	vshll.u32 v2, $0x1  }
0xed: {  	v8 =	vld [tilespmem:s30+$0x18708];
	v3 =	vshll.u32 v3, $0x1;
	v2 =	vor.u32 v0, v2  }
0xee: {  	v49 =	vld [tilespmem:s30+$0x18718];
	[tilespmem:s30+$0x186A8] =	vst v2;
	v2 =	vor.u32 v0, v3;
	v3 =	vshll.u32 v4, $0x1  }
0xef: {  	v50 =	vld [tilespmem:s30+$0x18728];
	[tilespmem:s30+$0x186B8] =	vst v2;
	v2 =	vor.u32 v0, v3;
	v3 =	vshll.u32 v5, $0x1  }
0xf0: {  	v51 =	vld [tilespmem:s30+$0x18738];
	[tilespmem:s30+$0x186C8] =	vst v2;
	v2 =	vor.u32 v0, v3;
	v3 =	vshll.u32 v6, $0x1  }
0xf1: {  	v52 =	vld [tilespmem:s30+$0x18748];
	[tilespmem:s30+$0x186D8] =	vst v2;
	v2 =	vor.u32 v0, v3;
	v3 =	vshll.u32 v7, $0x1  }
0xf2: {  	v53 =	vld [tilespmem:s30+$0x18758];
	[tilespmem:s30+$0x186E8] =	vst v2;
	v2 =	vor.u32 v0, v3;
	v3 =	vshll.u32 v8, $0x1  }
0xf3: {  	v54 =	vld [tilespmem:s30+$0x18768];
	[tilespmem:s30+$0x186F8] =	vst v2;
	v2 =	vor.u32 v0, v3;
	v3 =	vshll.u32 v49, $0x1  }
0xf4: {  	v55 =	vld [tilespmem:s30+$0x18778];
	[tilespmem:s30+$0x18708] =	vst v2;
	v2 =	vor.u32 v0, v3;
	v3 =	vshll.u32 v50, $0x1  }
0xf5: {  	v56 =	vld [tilespmem:s30+$0x18788];
	[tilespmem:s30+$0x18718] =	vst v2;
	v2 =	vor.u32 v0, v3;
	v3 =	vshll.u32 v51, $0x1  }
0xf6: {  	v57 =	vld [tilespmem:s30+$0x18798];
	[tilespmem:s30+$0x18728] =	vst v2;
	v2 =	vor.u32 v0, v3;
	v3 =	vshll.u32 v52, $0x1  }
0xf7: {  	v58 =	vld [tilespmem:s30+$0x187A8];
	[tilespmem:s30+$0x18738] =	vst v2;
	v2 =	vor.u32 v0, v3;
	v3 =	vshll.u32 v53, $0x1  }
0xf8: {  	v59 =	vld [tilespmem:s30+$0x187B8];
	[tilespmem:s30+$0x18748] =	vst v2;
	v2 =	vor.u32 v0, v3;
	v3 =	vshll.u32 v54, $0x1  }
0xf9: {  	v60 =	vld [tilespmem:s30+$0x187C8];
	[tilespmem:s30+$0x18758] =	vst v2;
	v2 =	vor.u32 v0, v3;
	v3 =	vshll.u32 v55, $0x1  }
0xfa: {  	v61 =	vld [tilespmem:s30+$0x187D8];
	[tilespmem:s30+$0x18768] =	vst v2;
	v2 =	vor.u32 v0, v3;
	v3 =	vshll.u32 v56, $0x1  }
0xfb: {  	v62 =	vld [tilespmem:s30+$0x187E8];
	[tilespmem:s30+$0x18778] =	vst v2;
	v2 =	vor.u32 v0, v3;
	v3 =	vshll.u32 v57, $0x1  }
0xfc: {  	v63 =	vld [tilespmem:s30+$0x187F8];
	[tilespmem:s30+$0x18788] =	vst v2;
	v2 =	vor.u32 v0, v3;
	v3 =	vshll.u32 v58, $0x1  }
0xfd: {  	[tilespmem:s30+$0x18798] =	vst v2;
	v2 =	vor.u32 v0, v3;
	v3 =	vshll.u32 v59, $0x1  }
0xfe: {  	[tilespmem:s30+$0x187A8] =	vst v2;
	v2 =	vor.u32 v0, v3;
	v3 =	vshll.u32 v60, $0x1  }
0xff: {  	[tilespmem:s30+$0x187B8] =	vst v2;
	v2 =	vor.u32 v0, v3;
	v3 =	vshll.u32 v61, $0x1  }
0x100: {  	[tilespmem:s30+$0x187C8] =	vst v2;
	v2 =	vor.u32 v0, v3;
	v3 =	vshll.u32 v62, $0x1  }
0x101: {  	[tilespmem:s30+$0x187D8] =	vst v2;
	v2 =	vor.u32 v0, v3;
	v3 =	vshll.u32 v63, $0x1  }
0x102: {  	[tilespmem:s30+$0x187E8] =	vst v2;
	v2 =	vor.u32 v0, v3  }
0x103: {  	s0 =	sor.u32 $0x18808, s30;
	[tilespmem:s30+$0x187F8] =	vst v2  }
0x104: {  	v2 =	vld [tilespmem:s0+$0x0];
	_ =	sdelay $0x4  }
0x105: {  	v2 =	vshll.u32 v2, $0x1  }
0x106: {  	v2 =	vor.u32 v0, v2  }
0x107: {  	s31 =	sor.u32 $0x18818, s30;
	[tilespmem:s0+$0x0] =	vst v2  }
0x108: {  	v2 =	vld [tilespmem:s31+$0x0];
	_ =	sdelay $0x4  }
0x109: {  	v2 =	vshll.u32 v2, $0x1  }
0x10a: {  	v2 =	vor.u32 v0, v2  }
0x10b: {  	s2 =	sor.u32 $0x18828, s30;
	[tilespmem:s31+$0x0] =	vst v2  }
0x10c: {  	v2 =	vld [tilespmem:s2+$0x0];
	_ =	sdelay $0x4  }
0x10d: {  	v2 =	vshll.u32 v2, $0x1  }
0x10e: {  	v2 =	vor.u32 v0, v2  }
0x10f: {  	s9 =	sor.u32 $0x18838, s30;
	[tilespmem:s2+$0x0] =	vst v2  }
0x110: {  	v2 =	vld [tilespmem:s9+$0x0];
	_ =	sdelay $0x4  }
0x111: {  	v2 =	vshll.u32 v2, $0x1  }
0x112: {  	v2 =	vor.u32 v0, v2  }
0x113: {  	s31 =	sor.u32 $0x18848, s30;
	[tilespmem:s9+$0x0] =	vst v2  }
0x114: {  	v2 =	vld [tilespmem:s31+$0x0];
	_ =	sdelay $0x4  }
0x115: {  	v2 =	vshll.u32 v2, $0x1  }
0x116: {  	v2 =	vor.u32 v0, v2  }
0x117: {  	s2 =	sor.u32 $0x18858, s30;
	[tilespmem:s31+$0x0] =	vst v2  }
0x118: {  	v2 =	vld [tilespmem:s2+$0x0];
	_ =	sdelay $0x4  }
0x119: {  	v2 =	vshll.u32 v2, $0x1  }
0x11a: {  	v2 =	vor.u32 v0, v2  }
0x11b: {  	s9 =	sor.u32 $0x18868, s30;
	[tilespmem:s2+$0x0] =	vst v2  }
0x11c: {  	v2 =	vld [tilespmem:s9+$0x0];
	_ =	sdelay $0x4  }
0x11d: {  	v2 =	vshll.u32 v2, $0x1  }
0x11e: {  	v2 =	vor.u32 v0, v2  }
0x11f: {  	s31 =	sor.u32 $0x18878, s30;
	[tilespmem:s9+$0x0] =	vst v2  }
0x120: {  	v2 =	vld [tilespmem:s31+$0x0];
	_ =	sdelay $0x4  }
0x121: {  	v2 =	vshll.u32 v2, $0x1  }
0x122: {  	v2 =	vor.u32 v0, v2  }
0x123: {  	s2 =	sor.u32 $0x18888, s30;
	[tilespmem:s31+$0x0] =	vst v2  }
0x124: {  	v2 =	vld [tilespmem:s2+$0x0];
	_ =	sdelay $0x4  }
0x125: {  	v2 =	vshll.u32 v2, $0x1  }
0x126: {  	v2 =	vor.u32 v0, v2  }
0x127: {  	s9 =	sor.u32 $0x18898, s30;
	[tilespmem:s2+$0x0] =	vst v2  }
0x128: {  	v2 =	vld [tilespmem:s9+$0x0];
	_ =	sdelay $0x3  }
0x129: {  	p0 =	sgt.u32 s29, $0xC2  }
.Ltmp17:
0x12a: {  	s31 =	sshll.u32 s29, $0xD;
	v2 =	vshll.u32 v2, $0x1;
	(pc) =	sbr.rel @p0 .LBB2_23-.Ltmp17, $4  }
0x12b: {  	s31 =	sand.u32 $0x2000, s31;
	v2 =	vor.u32 v0, v2  }
0x12c: {  	s30 =	sadd.s32 $0x186A8, s30;
	s31 =	sor.u32 $0x192A8, s31;
	[tilespmem:s9+$0x0] =	vst v2  }
0x12d: {  	[tilespmem:s31], [sflag:$0x1] =	stream.indirect.gather [hbm4b:s5+s22], $0x10, s30, s22, $0xb8;
	[tilespmem:$0x1E248] =	vst v63  }
0x12e: {  	s30 =	simm.s32 $0xC4  }
0x12f: {  	s30 =	sadd.s32 $0x1, s29  }
0x130: {  	s0 =	smul.u32 $0xAB, s30;
	_ =	sdelay $0x1  }
0x131: {  	s0 =	sshrl.u32 s0, $0x9  }
0x132: {  	s0 =	sand.u32 $0x7F, s0  }
0x133: {  	s0 =	smul.u32 $0x3, s0;
	_ =	sdelay $0x1  }
0x134: {  	s0 =	ssub.s32 s30, s0  }
0x135: {  	s31 =	sadd.s32 s8, s30;
	s0 =	sand.u32 $0xFF, s0  }
.Ltmp18:
0x136: {  	s31 =	sshll.u32 s31, $0x6;
	s0 =	sshll.u32 s0, $0x9;
	(pc) =	sbr.rel .LBB2_21-.Ltmp18, $4  }
0x137: {  	s9 =	sadd.s32 s13, s31;
	s2 =	sadd.s32 $0x186A8, s0  }
0x138: {  	[tilespmem:s2], [sflag:$0x3] =	stream.linear.gather [hbm4b:s9+s4], $0x200, $0x38;
	[tilespmem:$0x1E248] =	vst v63  }
0x139: {  	s31 =	sadd.s32 s14, s31;
	s0 =	sadd.s32 $0x18CA8, s0  }
0x13a: {  	[tilespmem:s0], [sflag:$0x3] =	stream.linear.gather [hbm4b:s31+s4], $0x200, $0x38;
	[tilespmem:$0x1E248] =	vst v63  }
.LBB2_26:
0x13b: {  	_ =	sfence.sel $0x180000  }
0x13c: {  	[bflag:$0x0] =	sbarrier.arrive $0xFFFF  }
0x13d: {  	_ =	strace $0x90000047  }
0x13e: {  	s0 =	stileid.u32;
	[bflag:$0x2] =	sbarrier.arrive $0xFFFF  }
0x13f: {  	p0 =	sne.s32 s0, $0x0;
	s0 =	rddreg [dreg:$0x4]  }
0x140: {  	s0 =	sadd.s32 @!p0 $0x100000, s0  }
0x141: {  	[sflag:s0] =	ssyncadd.tile.s32 @!p0 $0x1;
	_ =	shalt  }
.Lfunc_end2:
_tile_overlayer_lowered:
.L_overlay_start_2:
0x142: {  	(tag) =	ssettag $0x2  }
0x143: {  	s0 =	rddreg [dreg:$0x0];
	s2 =	stileid.u32  }
0x144: {  	s1 =	rddreg [dreg:$0x1];
	p0 =	sne.s32 s2, $0x0  }
0x145: {  	s3 =	rddreg [dreg:$0x2];
	[bflag:$0x3] =	sbarrier.arrive $0xFFFF;
	s2 =	simm.s32 @!p0 $0x1C04  }
0x146: {  	[timem:s3], [sflag:s2] =	dma.local @!p0 [hbm:s0], s1  }
0x147: {  	s0 =	simm.s32 @!p0 $0x4  }
0x148: {  	_ =	swait.ge @!p0 [sflag:s0], s1  }
0x149: {  	s1 =	ssub.s32 @!p0 $0x0, s1;
	[sflag:s0] =	ssyncset.done @!p0 $0x0  }
0x14a: {  	[sflag:s0] =	ssyncadd.s32 @!p0 s1  }
0x14b: {  	[bflag:$0x3] =	sbarrier.arrive $0xFFFF  }
0x14c: {  	_ =	shalt  }

// kernel: kernel.9.cloned.1.call-start
scs
__scs_entry_jumppad:
0x0: {  	(pc) =	sbr.rel $0x88, $3  }
0x1: {  	(tag) =	ssettag $0x0;
	lr =	simm.s32 $0x1  }
0x2: {  	[smem:$0x3F9E] =	sst lr;
	_ =	strace $0xD0000000  }
0x3: {  	_ = 	snop  }
0x4: {  	_ = 	snop  }
0x5: {  	_ = 	snop  }
0x6: {  	_ = 	snop  }
0x7: {  	_ = 	snop  }
__scs_overlays_trampoline_lowered:
0x8: {  	[smem:$0x3FAD] =	sst s0  }
0x9: {  	[smem:$0x3FAE] =	sst s1  }
0xa: {  	[smem:$0x3FAF] =	sst s2  }
0xb: {  	[smem:$0x3FB0] =	sst s3  }
0xc: {  	[smem:$0x3FB1] =	sst s4  }
0xd: {  	[smem:$0x3FB2] =	sst s5  }
0xe: {  	[smem:$0x3FB3] =	sst s6  }
0xf: {  	[smem:$0x3FB4] =	sst s7  }
0x10: {  	[smem:$0x3FB5] =	sst s8  }
0x11: {  	[smem:$0x3FB6] =	sst s9;
	s0 =	simm.s32 @!p0 $0x0  }
0x12: {  	s1 =	sld [smem:$0x3F9C];
	s0 =	simm.s32 @p0 $0x1  }
0x13: {  	[smem:$0x3FB7] =	sst s0;
	s0 =	simm.s32 @!p1 $0x0  }
0x14: {  	s2 =	sld [smem:$0x3F9B];
	s0 =	simm.s32 @p1 $0x1  }
0x15: {  	[smem:$0x3FB8] =	sst s0;
	s0 =	simm.s32 @!p2 $0x0  }
0x16: {  	s3 =	sld [smem:$0x3FDB];
	s0 =	simm.s32 @p2 $0x1  }
0x17: {  	s4 =	simm.s32 $0x1BF5;
	[smem:$0x3FBA] =	sst s0  }
0x18: {  	s0 =	sld [smem:$0x3F9D];
	_ =	swait.ge [sflag:s4], $0x0  }
0x19: {  	s7 =	sld [smem:$0x3F9E]  }
0x1a: {  	s8 =	sadd.s32 $0xFFFFE003, lr  }
0x1b: {  	s9 =	sadd.s32 $0xFFFFFEF7, lr;
	s5 =	simm.s32 $0xFFFFFFFF;
	p2 =	slt.u32 s8, $0xFFFFF086  }
0x1c: {  	p1 =	slt.u32 s9, $0xF7A;
	s5 =	simm.s32 @!p2 $0x0  }
0x1d: {  	s5 =	simm.s32 @p1 $0x1;
	p0 =	seq.s32 s7, s2  }
0x1e: {  	s7 =	smul.u32 @!p0 $0xF7A, s2;
	p2 =	seq.s32 @!p0 s5, $0x0  }
0x1f: {  	s9 =	smul.u32 $0xF7A, s1;
	s8 =	simm.s32 @!p0 $0x1BF5;
	p2 =	por !p2, p0  }
0x20: {  	[sflag:s8] =	ssyncset.s32 @!p0 $0xFFFFF086;
	s6 =	sadd.s32 @!p0 s3, s7;
	s7 =	simm.s32 @!p0 $0x108  }
0x21: {  	s3 =	sadd.s32 s3, s9;
	s6 =	sadd.s32 @!p0 $0x88, s6;
	s7 =	simm.s32 @p2 $0x1082  }
0x22: {  	[simem:s7], [sflag:s8] =	dma.local @!p0 [hbm:s6], $0xF7A  }
0x23: {  	s9 =	sor.u32 $0xD0000000, s2;
	s6 =	simm.s32 $0x108;
	_ =	swait.ge @!p0 [sflag:s8], $0x0  }
0x24: {  	s3 =	sadd.s32 $0x88, s3;
	s6 =	simm.s32 @!p1 $0x1082;
	[sflag:s4] =	ssyncset.s32 $0xFFFFF086  }
0x25: {  	[simem:s6], [sflag:s4] =	dma.local [hbm:s3], $0xF7A  }
0x26: {  	[smem:$0x3F9E] =	sst s1;
	(tag) =	ssettag s2;
	_ =	strace s9  }
0x27: {  	s1 =	sld [smem:$0x3FAE]  }
0x28: {  	s2 =	sld [smem:$0x3FAF]  }
0x29: {  	s4 =	sld [smem:$0x3FB1]  }
0x2a: {  	p0 =	seq.s32 s5, $0x0;
	s5 =	sld [smem:$0x3FB2]  }
0x2b: {  	s6 =	sld [smem:$0x3FB3]  }
0x2c: {  	s7 =	sld [smem:$0x3FB4]  }
0x2d: {  	s3 =	simm.s32 $0x108;
	s8 =	sld [smem:$0x3FB5]  }
0x2e: {  	s3 =	simm.s32 @!p0 $0x1082;
	s9 =	sld [smem:$0x3FB6]  }
0x2f: {  	lr =	sadd.s32 s0, s3;
	s0 =	sld [smem:$0x3FAD]  }
0x30: {  	s3 =	sld [smem:$0x3FB0]  }
0x31: {  	[smem:$0x3FB9] =	sst s10  }
0x32: {  	s10 =	sld [smem:$0x3FB7];
	_ =	sdelay $0x3  }
0x33: {  	p0 =	seq.s32 s10, $0x1;
	s10 =	sld [smem:$0x3FB9];
	_ =	sdelay $0x3  }
0x34: {  	[smem:$0x3FB9] =	sst s10  }
0x35: {  	s10 =	sld [smem:$0x3FB8];
	_ =	sdelay $0x3  }
0x36: {  	p1 =	seq.s32 s10, $0x1;
	s10 =	sld [smem:$0x3FB9];
	_ =	sdelay $0x3  }
0x37: {  	[smem:$0x3FB9] =	sst s10  }
0x38: {  	s10 =	sld [smem:$0x3FBA]  }
0x39: {  	_ = 	snop;
	(pc) =	sbr.ind lr, $3  }
0x3a: {  	_ = 	snop  }
0x3b: {  	_ = 	snop  }
0x3c: {  	p2 =	seq.s32 s10, $0x1;
	s10 =	sld [smem:$0x3FB9]  }
0x3d: {  	_ =	shalt  }
0x3e: {  	_ =	shalt  }
0x3f: {  	_ =	shalt  }
0x40: {  	_ =	shalt  }
0x41: {  	_ =	shalt  }
0x42: {  	_ =	shalt  }
0x43: {  	_ =	shalt  }
0x44: {  	_ =	shalt  }
0x45: {  	_ =	shalt  }
0x46: {  	_ =	shalt  }
0x47: {  	_ =	shalt  }
0x48: {  	_ =	shalt  }
0x49: {  	_ =	shalt  }
0x4a: {  	_ =	shalt  }
0x4b: {  	_ =	shalt  }
0x4c: {  	_ =	shalt  }
0x4d: {  	_ =	shalt  }
0x4e: {  	_ =	shalt  }
0x4f: {  	_ =	shalt  }
0x50: {  	_ =	shalt  }
0x51: {  	_ =	shalt  }
0x52: {  	_ =	shalt  }
0x53: {  	_ =	shalt  }
0x54: {  	_ =	shalt  }
0x55: {  	_ =	shalt  }
0x56: {  	_ =	shalt  }
0x57: {  	_ =	shalt  }
0x58: {  	_ =	shalt  }
0x59: {  	_ =	shalt  }
0x5a: {  	_ =	shalt  }
0x5b: {  	_ =	shalt  }
0x5c: {  	_ =	shalt  }
0x5d: {  	_ =	shalt  }
0x5e: {  	_ =	shalt  }
0x5f: {  	_ =	shalt  }
0x60: {  	_ =	shalt  }
0x61: {  	_ =	shalt  }
0x62: {  	_ =	shalt  }
0x63: {  	_ =	shalt  }
0x64: {  	_ =	shalt  }
0x65: {  	_ =	shalt  }
0x66: {  	_ =	shalt  }
0x67: {  	_ =	shalt  }
0x68: {  	_ =	shalt  }
0x69: {  	_ =	shalt  }
0x6a: {  	_ =	shalt  }
0x6b: {  	_ =	shalt  }
0x6c: {  	_ =	shalt  }
0x6d: {  	_ =	shalt  }
0x6e: {  	_ =	shalt  }
0x6f: {  	_ =	shalt  }
0x70: {  	_ =	shalt  }
0x71: {  	_ =	shalt  }
0x72: {  	_ =	shalt  }
0x73: {  	_ =	shalt  }
0x74: {  	_ =	shalt  }
0x75: {  	_ =	shalt  }
0x76: {  	_ =	shalt  }
0x77: {  	_ =	shalt  }
0x78: {  	_ =	shalt  }
0x79: {  	_ =	shalt  }
0x7a: {  	_ =	shalt  }
0x7b: {  	_ =	shalt  }
0x7c: {  	_ =	shalt  }
0x7d: {  	_ =	shalt  }
0x7e: {  	_ =	shalt  }
0x7f: {  	_ =	shalt  }
0x80: {  	_ =	shalt  }
0x81: {  	_ =	shalt  }
0x82: {  	_ =	shalt  }
0x83: {  	_ =	shalt  }
0x84: {  	_ =	shalt  }
0x85: {  	_ =	shalt  }
0x86: {  	_ =	shalt  }
0x87: {  	_ =	shalt  }
.Lfunc_end0:
.L_simem_size_0:
called_computation.1_lowered:
.L_overlay_start_0:
0x88: {  	s2 =	sld [smem:$0x3FD9]  }
0x89: {  	s3 =	sld [smem:$0x3FFE];
	_ =	sdelay $0x1  }
0x8a: {  	s1 =	srdreg.scid  }
0x8b: {  	s0 =	sand.u32 $0x1, s1  }
0x8c: {  	s14 =	sshll.u32 s0, $0xA;
	s2 =	sadd.s32 s3, s2  }
0x8d: {  	s2 =	sadd.s32 s2, s14  }
0x8e: {  	[smem:$0x3FC5] =	sst s2  }
0x8f: {  	_ = 	snop  }
0x90: {  	s2 =	sld [smem:$0x3FD0];
	_ =	sdelay $0x2  }
0x91: {  	s15 =	simm.s32 $0xA;
	s4 =	simm.s32 $0x10  }
0x92: {  	[smem:s4], [sflag:s15] =	dma.local [hbm:s2], $0x1  }
0x93: {  	_ =	swait.eq [sflag:s15], $0x1  }
0x94: {  	[sflag:s15] =	ssyncset.done $0x0  }
0x95: {  	s16 =	sld [smem:$0x10];
	[sflag:s15] =	ssyncadd.s32 $0xFFFFFFFF  }
0x96: {  	s17 =	sld [smem:$0x11];
	(tm) =	ssettm $0x1  }
0x97: {  	s18 =	sld [smem:$0x3FFB];
	_ =	sdelay $0x3  }
0x98: {  	_ =	strace s18  }
0x99: {  	s4 =	sld [smem:$0x3FFC];
	_ =	sdelay $0x3  }
0x9a: {  	_ =	strace s4  }
0x9b: {  	s4 =	sld [smem:$0x3FFD];
	_ =	sdelay $0x3  }
0x9c: {  	_ =	strace s4  }
0x9d: {  	_ =	strace $0x8FFFFFFF  }
0x9e: {  	s19 =	sld [smem:$0x3FDB];
	_ =	sdelay $0x1  }
0x9f: {  	s5 =	simm.s32 $_scs_section_size  }
0xa0: {  	s6 =	simm.s32 $_size__tile_overlayer_lowered;
	s7 =	simm.s32 $_tile_overlayer_lowered  }
0xa1: {  	s22 =	simm.s32 $0x1BFF;
	s21 =	sshll.u32 s7, $0x1;
	s4 =	sadd.s32 s5, s19  }
0xa2: {  	s8 =	simm.s32 $0x0;
	s20 =	sshll.u32 s6, $0x1;
	s6 =	sadd.s32 s21, s4  }
0xa3: {  	[timem:s8], [sflag:s22] =	dma.local [hbm:s6], s20  }
0xa4: {  	_ =	swait.ge [sflag:s22], s20  }
0xa5: {  	s5 =	ssub.s32 $0x0, s20;
	[sflag:s22] =	ssyncset.done $0x0  }
0xa6: {  	[sflag:s22] =	ssyncadd.s32 s5;
	_ =	sdelay $0x1  }
0xa7: {  	s23 =	simm.s32 $0x1B8B  }
0xa8: {  	_ =	swait.ge [sflag:s23], $0x1  }
0xa9: {  	[sflag:s23] =	ssyncset.done $0x0  }
0xaa: {  	s25 =	simm.s32 $0x1B8E;
	s24 =	sld [smem:$0x3FFE];
	[sflag:s23] =	ssyncadd.s32 $0xFFFFFFFF  }
0xab: {  	s26 =	simm.s32 $execute0_lowered;
	[smem:$0x3FD2] =	sst s25  }
0xac: {  	s6 =	sshll.u32 s26, $0x1;
	_ =	strace $0x80000049;
	[dreg:$0x1] =	wrdreg $0xFFFFFFFF  }
0xad: {  	s28 =	simm.s32 $_size_execute0_lowered;
	s4 =	sadd.s32 s4, s6;
	[dreg:$0x0] =	wrdreg $0x0  }
0xae: {  	s6 =	sshll.u32 s28, $0x1;
	[dreg:$0x2] =	wrdreg s4  }
0xaf: {  	[dreg:$0x3] =	wrdreg s6  }
0xb0: {  	[dreg:$0x4] =	wrdreg $0xC0  }
0xb1: {  	_ =	task [dreg:s8], $0x5FFFF  }
0xb2: {  	[dreg:$0x1] =	wrdreg $0xFFFFFFFF  }
0xb3: {  	[dreg:$0x0] =	wrdreg $0x60  }
0xb4: {  	[dreg:$0x2] =	wrdreg s16  }
0xb5: {  	[dreg:$0x3] =	wrdreg s17  }
0xb6: {  	[dreg:$0x4] =	wrdreg s24  }
0xb7: {  	[dreg:$0x5] =	wrdreg $0x0  }
0xb8: {  	[dreg:$0x6] =	wrdreg $0x9  }
0xb9: {  	_ =	task.clear_ibuf [dreg:s8], $0x7FFFF;
	_ =	strace $0x90000049  }
0xba: {  	s29 =	simm.s32 $0x9;
	_ =	strace $0x8000004B  }
0xbb: {  	_ =	swait.ge [sflag:s29], $0x1  }
0xbc: {  	[sflag:s29] =	ssyncadd.s32 $0xFFFFFFFF  }
0xbd: {  	_ =	strace $0x9000004B  }
0xbe: {  	_ =	sfence  }
0xbf: {  	s30 =	sld [smem:$0x0];
	_ =	sdelay $0x2  }
0xc0: {  	s31 =	sshll.u32 s1, $0xD;
	s1 =	sshrl.u32 s1, $0x2  }
0xc1: {  	s3 =	sand.u32 $0x4000, s31;
	s1 =	sadd.s32 s1, s30  }
0xc2: {  	s0 =	sor.u32 s3, s0;
	s1 =	sshll.u32 s1, $0x11  }
0xc3: {  	s0 =	sor.u32 s1, s0  }
0xc4: {  	s0 =	sadd.s32 $0x8F2B, s0  }
0xc5: {  	[sflag:s0] =	ssyncadd.remote.s32 $0x1  }
0xc6: {  	_ =	sfence.sel $0xFFFF  }
0xc7: {  	[dreg:$0x0] =	wrdreg $0xFFFFFFFF;
	(pc) =	sbr.abs _section_cstart, $3  }
0xc8: {  	[dreg:$0x1] =	wrdreg $0xFFFFFFFF  }
0xc9: {  	_ =	task.clear_ibuf [dreg:s8], $0x2FFFF;
	_ =	strace $0x9FFFFFFF  }
0xca: {  	(tm) =	ssettm $0x7FFFFFFF  }
0xcb: {  	_ =	shalt  }
tec
execute0_lowered:
.L_overlay_start_1:
0x0: {  	(tag) =	ssettag $0x1  }
0x1: {  	s1 =	rddreg [dreg:$0x0]  }
0x2: {  	s2 =	rddreg [dreg:$0x1]  }
0x3: {  	s14 =	rddreg [dreg:$0x2]  }
0x4: {  	s4 =	rddreg [dreg:$0x3];
	s5 =	simm.s32 $0x0  }
0x5: {  	s6 =	srdreg.scid;
	s0 =	stileid.u32;
	s17 =	simm.s32 $0x1D2A8  }
0x6: {  	s18 =	simm.s32 $0x4;
	s19 =	simm.s32 $0x186A8;
	s20 =	simm.s32 $0x18CA8  }
0x7: {  	s21 =	simm.s32 $0x3;
	s22 =	simm.s32 $0x200;
	s24 =	simm.s32 $0x2  }
0x8: {  	s25 =	simm.s32 $0x0;
	s23 =	sand.u32 $0x1, s6;
	s11 =	smul.u32 $0x61A80, s0  }
0x9: {  	[smem:$0x7FF] =	sst s5;
	s6 =	sadd.s32 $0x7200, s14;
	s7 =	sshll.u32 s23, $0x5  }
0xa: {  	s13 =	sadd.s32 $0x38200, s14;
	_ =	strace $0x8000004A;
	s7 =	sor.u32 s7, s11  }
0xb: {  	s8 =	ssub.s32 $0x2, s23;
	s9 =	sshrl.u32 s7, $0x4;
	s7 =	smul.u32 $0x3100, s0  }
.Ltmp0:
0xc: {  	v0 =	vmov s23;
	s23 =	simm.s32 $0x1;
	s10 =	sshrl.u32 s8, $0x1;
	(pc) =	sbr.rel .LBB2_1-.Ltmp0, $4  }
0xd: {  	s12 =	sshrl.u32 s11, $0x2;
	s16 =	ssub.s32 s8, s10;
	s8 =	smul.u32 $0xC4, s0  }
0xe: {  	s10 =	sadd.s32 $0x69200, s14;
	s12 =	sadd.s32 s12, s4;
	s15 =	sadd.s32 s9, s14  }
0xf: {  	s14 =	sadd.s32 $0x9A200, s14;
	s16 =	smax.u32 s16, $0x1;
	s31 =	sadd.s32 s6, s7  }
0x10: {  	v1 =	vimm.bf16 $0.0e+00;
	s11 =	sadd.s32 $0xCB200, s15;
	s15 =	sadd.s32 $0x12CE00, s15;
	[dreg:$0x5] =	wrdreg s31  }
.LBB2_25:
0x11: {  	[bflag:$0x0] =	sbarrier.arrive $0xFFFF;
	s25 =	sadd.s32 $0x1, s25  }
0x12: {  	[hbm:s15@s18], [sflag:s26] =	dma.strided [spmem:s28@s24], $0x30D4, s23, $0x2   }
0x13: {  	p0 =	sne.s32 s25, s16  }
.Ltmp1:
0x14: {  	_ =	swait.ge [sflag:s18], $0x30D4;
	(pc) =	sbr.rel @!p0 .LBB2_26-.Ltmp1, $3  }
0x15: {  	[sflag:s18] =	ssyncset.done $0x0  }
0x16: {  	[sflag:s18] =	ssyncadd.s32 $0xFFFFCF2C  }
0x17: {  	[bflag:$0x0] =	sbarrier.arrive $0xFFFF;
	_ =	sdelay $0x1  }
.LBB2_1:
0x18: {  	s26 =	simm.s32 $0x0  }
.LBB2_2:
0x19: {  	p0 =	sne.s32 s26, $0x3E40  }
.Ltmp2:
0x1a: {  	_ = 	snop;
	(pc) =	sbr.rel @p0 .LBB2_2-.Ltmp2, $3  }
0x1b: {  	_ =	sdelay $0x1  }
0x1c: {  	s28 =	sshra.s32 s26, $0x2  }
0x1d: {  	s26 =	sadd.s32 $0x40, s26;
	[tilespmem:s28+$0x1D2A8] =	vst v1  }
0x1e: {  	s26 =	sadd.s32 $0x0, s12  }
0x1f: {  	[spmem:s26] =	stream.linear.scatter [tilespmem:s17], [sflag:$0x4], $0xFA0, $0x38;
	[tilespmem:$0x1E248] =	vst v63  }
0x20: {  	s26 =	simm.s32 $0x3E80;
	_ =	swait.ge [sflag:s18], $0xFA0  }
.LBB2_4:
0x21: {  	s28 =	sshra.s32 s26, $0x2;
	[sflag:s18] =	ssyncset.done $0x0;
	p0 =	sne.s32 s26, $0x5DC00  }
.Ltmp3:
0x22: {  	s28 =	sadd.s32 s28, s12;
	[sflag:s18] =	ssyncadd.s32 $0xFFFFF060;
	(pc) =	sbr.rel @p0 .LBB2_4-.Ltmp3, $3  }
0x23: {  	[spmem:s28] =	stream.linear.scatter [tilespmem:s17], [sflag:$0x4], $0xFA0, $0x38;
	[tilespmem:$0x1E248] =	vst v63  }
0x24: {  	s26 =	sadd.s32 $0x3E80, s26;
	_ =	sdelay $0x1  }
0x25: {  	_ =	swait.ge [sflag:s18], $0xFA0  }
0x26: {  	[sflag:s18] =	ssyncset.done $0x0  }
0x27: {  	[sflag:s18] =	ssyncadd.s32 $0xFFFFF060  }
.Ltmp4:
0x28: {  	[bflag:$0x0] =	sbarrier.arrive $0xFFFF;
	(pc) =	sbr.rel .LBB2_6-.Ltmp4, $4  }
0x29: {  	s26 =	simm.s32 $0x0;
	s0 =	rddreg [dreg:$0x5]  }
0x2a: {  	[tilespmem:s19], [sflag:$0x3] =	stream.linear.gather [hbm4b:s0+s26], $0x200, $0x38;
	[tilespmem:$0x1E248] =	vst v63  }
0x2b: {  	s28 =	sadd.s32 s7, s10  }
0x2c: {  	[tilespmem:s20], [sflag:$0x3] =	stream.linear.gather [hbm4b:s28+s26], $0x200, $0x38;
	[tilespmem:$0x1E248] =	vst v63  }
.LBB2_12:
0x2d: {  	s0 =	sadd.s32 $0xFFFFFFFF, s26  }
0x2e: {  	s26 =	sand.u32 $0xFF, s0  }
0x2f: {  	s26 =	smul.u32 $0xAB, s26;
	_ =	sdelay $0x1  }
0x30: {  	s26 =	sshrl.u32 s26, $0x9  }
0x31: {  	s26 =	smul.u32 $0x3, s26;
	_ =	sdelay $0x1  }
0x32: {  	s26 =	ssub.s32 s0, s26  }
0x33: {  	_ =	swait.ge [sflag:s23], $0x2000;
	s0 =	sshll.u32 s0, $0xD;
	s26 =	sand.u32 $0xFF, s26  }
0x34: {  	[sflag:s23] =	ssyncset.done $0x0;
	s0 =	sand.u32 $0x2000, s0;
	s26 =	sshll.u32 s26, $0x9  }
0x35: {  	[sflag:s23] =	ssyncadd.s32 $0xFFFFE000;
	s0 =	sor.u32 $0x192A8, s0;
	s26 =	sadd.s32 $0x18CA8, s26  }
0x36: {  	[spmem:s4] =	stream.indirect.scatter.add.bf16 [tilespmem:s0], [sflag:$0x2], $0x10, s26, s22, $0xb8;
	[tilespmem:$0x1E248] =	vst v63  }
0x37: {  	s26 =	smov.u32 s28  }
.LBB2_13:
0x38: {  	p0 =	slt.u32 s26, $0xC6  }
.Ltmp5:
0x39: {  	_ = 	snop;
	(pc) =	sbr.rel @!p0 .LBB2_14-.Ltmp5, $1  }
0x3a: {  	_ =	sdelay $0x3  }
.LBB2_6:
0x3b: {  	p0 =	slt.u32 s26, $0x2  }
0x3c: {  	p1 =	slt.u32 @!p0 s26, $0xC4  }
0x3d: {  	p1 =	por p0, p1  }
.Ltmp6:
0x3e: {  	_ = 	snop;
	(pc) =	sbr.rel @p1 .LBB2_8-.Ltmp6, $4  }
0x3f: {  	s28 =	simm.s32 @!p0 $0x2  }
0x40: {  	_ =	swait.ge @!p0 [sflag:s28], $0x400  }
0x41: {  	[sflag:s28] =	ssyncset.done @!p0 $0x0  }
0x42: {  	[sflag:s28] =	ssyncadd.s32 @!p0 $0xFFFFFC00  }
0x43: {  	s28 =	sadd.s32 $0x1, s26  }
.LBB2_10:
0x44: {  	s0 =	sand.u32 $0xFF, s26  }
0x45: {  	p0 =	seq.s32 s0, $0x0  }
0x46: {  	p1 =	seq.s32 @!p0 s0, $0xC5  }
0x47: {  	p1 =	por p0, p1  }
.Ltmp7:
0x48: {  	_ = 	snop;
	(pc) =	sbr.rel @!p1 .LBB2_12-.Ltmp7, $1  }
0x49: {  	_ =	sdelay $0x3  }
.Ltmp8:
0x4a: {  	(pc) =	sbr.rel .LBB2_13-.Ltmp8, $3  }
0x4b: {  	_ =	sdelay $0x1  }
0x4c: {  	s28 =	smov.u32 @p0 s28  }
0x4d: {  	s26 =	smov.u32 s28  }
.LBB2_8:
0x4e: {  	s28 =	smul.u32 $0xAB, s26;
	_ =	sdelay $0x1  }
0x4f: {  	s28 =	sshrl.u32 s28, $0x9  }
0x50: {  	_ =	swait.ge [sflag:s21], $0x200;
	s28 =	sand.u32 $0x7F, s28  }
0x51: {  	[sflag:s21] =	ssyncset.done $0x0;
	s28 =	smul.u32 $0x3, s28  }
0x52: {  	[sflag:s21] =	ssyncadd.s32 $0xFFFFFE00  }
0x53: {  	_ =	swait.ge [sflag:s21], $0x200;
	s28 =	ssub.s32 s26, s28  }
0x54: {  	[sflag:s21] =	ssyncset.done $0x0;
	s28 =	sand.u32 $0xFF, s28  }
0x55: {  	[sflag:s21] =	ssyncadd.s32 $0xFFFFFE00;
	s28 =	sshll.u32 s28, $0x9  }
0x56: {  	v2 =	vld [tilespmem:s28+$0x186A8]  }
0x57: {  	v3 =	vld [tilespmem:s28+$0x186B8]  }
0x58: {  	v4 =	vld [tilespmem:s28+$0x186C8]  }
0x59: {  	v5 =	vld [tilespmem:s28+$0x186D8]  }
0x5a: {  	v6 =	vld [tilespmem:s28+$0x186E8]  }
0x5b: {  	v7 =	vld [tilespmem:s28+$0x186F8];
	v2 =	vshll.u32 v2, $0x1  }
0x5c: {  	v8 =	vld [tilespmem:s28+$0x18708];
	v3 =	vshll.u32 v3, $0x1;
	v2 =	vor.u32 v0, v2  }
0x5d: {  	v49 =	vld [tilespmem:s28+$0x18718];
	[tilespmem:s28+$0x186A8] =	vst v2;
	v2 =	vor.u32 v0, v3;
	v3 =	vshll.u32 v4, $0x1  }
0x5e: {  	v50 =	vld [tilespmem:s28+$0x18728];
	[tilespmem:s28+$0x186B8] =	vst v2;
	v2 =	vor.u32 v0, v3;
	v3 =	vshll.u32 v5, $0x1  }
0x5f: {  	v51 =	vld [tilespmem:s28+$0x18738];
	[tilespmem:s28+$0x186C8] =	vst v2;
	v2 =	vor.u32 v0, v3;
	v3 =	vshll.u32 v6, $0x1  }
0x60: {  	v52 =	vld [tilespmem:s28+$0x18748];
	[tilespmem:s28+$0x186D8] =	vst v2;
	v2 =	vor.u32 v0, v3;
	v3 =	vshll.u32 v7, $0x1  }
0x61: {  	v53 =	vld [tilespmem:s28+$0x18758];
	[tilespmem:s28+$0x186E8] =	vst v2;
	v2 =	vor.u32 v0, v3;
	v3 =	vshll.u32 v8, $0x1  }
0x62: {  	v54 =	vld [tilespmem:s28+$0x18768];
	[tilespmem:s28+$0x186F8] =	vst v2;
	v2 =	vor.u32 v0, v3;
	v3 =	vshll.u32 v49, $0x1  }
0x63: {  	v55 =	vld [tilespmem:s28+$0x18778];
	[tilespmem:s28+$0x18708] =	vst v2;
	v2 =	vor.u32 v0, v3;
	v3 =	vshll.u32 v50, $0x1  }
0x64: {  	v56 =	vld [tilespmem:s28+$0x18788];
	[tilespmem:s28+$0x18718] =	vst v2;
	v2 =	vor.u32 v0, v3;
	v3 =	vshll.u32 v51, $0x1  }
0x65: {  	v57 =	vld [tilespmem:s28+$0x18798];
	[tilespmem:s28+$0x18728] =	vst v2;
	v2 =	vor.u32 v0, v3;
	v3 =	vshll.u32 v52, $0x1  }
0x66: {  	v58 =	vld [tilespmem:s28+$0x187A8];
	[tilespmem:s28+$0x18738] =	vst v2;
	v2 =	vor.u32 v0, v3;
	v3 =	vshll.u32 v53, $0x1  }
0x67: {  	v59 =	vld [tilespmem:s28+$0x187B8];
	[tilespmem:s28+$0x18748] =	vst v2;
	v2 =	vor.u32 v0, v3;
	v3 =	vshll.u32 v54, $0x1  }
0x68: {  	v60 =	vld [tilespmem:s28+$0x187C8];
	[tilespmem:s28+$0x18758] =	vst v2;
	v2 =	vor.u32 v0, v3;
	v3 =	vshll.u32 v55, $0x1  }
0x69: {  	v61 =	vld [tilespmem:s28+$0x187D8];
	[tilespmem:s28+$0x18768] =	vst v2;
	v2 =	vor.u32 v0, v3;
	v3 =	vshll.u32 v56, $0x1  }
0x6a: {  	v62 =	vld [tilespmem:s28+$0x187E8];
	[tilespmem:s28+$0x18778] =	vst v2;
	v2 =	vor.u32 v0, v3;
	v3 =	vshll.u32 v57, $0x1  }
0x6b: {  	v63 =	vld [tilespmem:s28+$0x187F8];
	[tilespmem:s28+$0x18788] =	vst v2;
	v2 =	vor.u32 v0, v3;
	v3 =	vshll.u32 v58, $0x1  }
0x6c: {  	[tilespmem:s28+$0x18798] =	vst v2;
	v2 =	vor.u32 v0, v3;
	v3 =	vshll.u32 v59, $0x1  }
0x6d: {  	[tilespmem:s28+$0x187A8] =	vst v2;
	v2 =	vor.u32 v0, v3;
	v3 =	vshll.u32 v60, $0x1  }
0x6e: {  	[tilespmem:s28+$0x187B8] =	vst v2;
	v2 =	vor.u32 v0, v3;
	v3 =	vshll.u32 v61, $0x1  }
0x6f: {  	[tilespmem:s28+$0x187C8] =	vst v2;
	v2 =	vor.u32 v0, v3;
	v3 =	vshll.u32 v62, $0x1  }
0x70: {  	[tilespmem:s28+$0x187D8] =	vst v2;
	v2 =	vor.u32 v0, v3;
	v3 =	vshll.u32 v63, $0x1  }
0x71: {  	[tilespmem:s28+$0x187E8] =	vst v2;
	v2 =	vor.u32 v0, v3  }
0x72: {  	s29 =	sor.u32 $0x18808, s28;
	[tilespmem:s28+$0x187F8] =	vst v2  }
0x73: {  	v2 =	vld [tilespmem:s29+$0x0];
	_ =	sdelay $0x4  }
0x74: {  	v2 =	vshll.u32 v2, $0x1  }
0x75: {  	v2 =	vor.u32 v0, v2  }
0x76: {  	s31 =	sor.u32 $0x18818, s28;
	[tilespmem:s29+$0x0] =	vst v2  }
0x77: {  	v2 =	vld [tilespmem:s31+$0x0];
	_ =	sdelay $0x4  }
0x78: {  	v2 =	vshll.u32 v2, $0x1  }
0x79: {  	v2 =	vor.u32 v0, v2  }
0x7a: {  	s0 =	sor.u32 $0x18828, s28;
	[tilespmem:s31+$0x0] =	vst v2  }
0x7b: {  	v2 =	vld [tilespmem:s0+$0x0];
	_ =	sdelay $0x4  }
0x7c: {  	v2 =	vshll.u32 v2, $0x1  }
0x7d: {  	v2 =	vor.u32 v0, v2  }
0x7e: {  	s3 =	sor.u32 $0x18838, s28;
	[tilespmem:s0+$0x0] =	vst v2  }
0x7f: {  	v2 =	vld [tilespmem:s3+$0x0];
	_ =	sdelay $0x4  }
0x80: {  	v2 =	vshll.u32 v2, $0x1  }
0x81: {  	v2 =	vor.u32 v0, v2  }
0x82: {  	s9 =	sor.u32 $0x18848, s28;
	[tilespmem:s3+$0x0] =	vst v2  }
0x83: {  	v2 =	vld [tilespmem:s9+$0x0];
	_ =	sdelay $0x4  }
0x84: {  	v2 =	vshll.u32 v2, $0x1  }
0x85: {  	v2 =	vor.u32 v0, v2  }
0x86: {  	s30 =	sor.u32 $0x18858, s28;
	[tilespmem:s9+$0x0] =	vst v2  }
0x87: {  	v2 =	vld [tilespmem:s30+$0x0];
	_ =	sdelay $0x4  }
0x88: {  	v2 =	vshll.u32 v2, $0x1  }
0x89: {  	v2 =	vor.u32 v0, v2  }
0x8a: {  	s31 =	sor.u32 $0x18868, s28;
	[tilespmem:s30+$0x0] =	vst v2  }
0x8b: {  	v2 =	vld [tilespmem:s31+$0x0];
	_ =	sdelay $0x4  }
0x8c: {  	v2 =	vshll.u32 v2, $0x1  }
0x8d: {  	v2 =	vor.u32 v0, v2  }
0x8e: {  	s0 =	sor.u32 $0x18878, s28;
	[tilespmem:s31+$0x0] =	vst v2  }
0x8f: {  	v2 =	vld [tilespmem:s0+$0x0];
	_ =	sdelay $0x4  }
0x90: {  	v2 =	vshll.u32 v2, $0x1  }
0x91: {  	v2 =	vor.u32 v0, v2  }
0x92: {  	s3 =	sor.u32 $0x18888, s28;
	[tilespmem:s0+$0x0] =	vst v2  }
0x93: {  	v2 =	vld [tilespmem:s3+$0x0];
	_ =	sdelay $0x4  }
0x94: {  	v2 =	vshll.u32 v2, $0x1  }
0x95: {  	v2 =	vor.u32 v0, v2  }
0x96: {  	s9 =	sor.u32 $0x18898, s28;
	[tilespmem:s3+$0x0] =	vst v2  }
0x97: {  	v2 =	vld [tilespmem:s9+$0x0];
	_ =	sdelay $0x3  }
0x98: {  	p0 =	sgt.u32 s26, $0xC2  }
.Ltmp9:
0x99: {  	s30 =	sshll.u32 s26, $0xD;
	v2 =	vshll.u32 v2, $0x1;
	(pc) =	sbr.rel @p0 .LBB2_12-.Ltmp9, $4  }
0x9a: {  	s30 =	sand.u32 $0x2000, s30;
	v2 =	vor.u32 v0, v2  }
0x9b: {  	s28 =	sadd.s32 $0x186A8, s28;
	s31 =	sor.u32 $0x192A8, s30;
	[tilespmem:s9+$0x0] =	vst v2  }
0x9c: {  	[tilespmem:s31], [sflag:$0x1] =	stream.indirect.gather [hbm4b:s1+s22], $0x10, s28, s22, $0xb8;
	[tilespmem:$0x1E248] =	vst v63  }
0x9d: {  	s28 =	simm.s32 $0xC4  }
0x9e: {  	s28 =	sadd.s32 $0x1, s26  }
0x9f: {  	s29 =	smul.u32 $0xAB, s28;
	_ =	sdelay $0x1  }
0xa0: {  	s29 =	sshrl.u32 s29, $0x9  }
0xa1: {  	s29 =	sand.u32 $0x7F, s29  }
0xa2: {  	s29 =	smul.u32 $0x3, s29;
	_ =	sdelay $0x1  }
0xa3: {  	s29 =	ssub.s32 s28, s29  }
0xa4: {  	s30 =	sadd.s32 s8, s28;
	s29 =	sand.u32 $0xFF, s29  }
.Ltmp10:
0xa5: {  	s30 =	sshll.u32 s30, $0x6;
	s29 =	sshll.u32 s29, $0x9;
	(pc) =	sbr.rel .LBB2_10-.Ltmp10, $4  }
0xa6: {  	s0 =	sadd.s32 s6, s30;
	s31 =	sadd.s32 $0x186A8, s29  }
0xa7: {  	[tilespmem:s31], [sflag:$0x3] =	stream.linear.gather [hbm4b:s0+s5], $0x200, $0x38;
	[tilespmem:$0x1E248] =	vst v63  }
0xa8: {  	s9 =	sadd.s32 $0x18CA8, s29;
	s31 =	sadd.s32 s10, s30  }
0xa9: {  	[tilespmem:s9], [sflag:$0x3] =	stream.linear.gather [hbm4b:s31+s5], $0x200, $0x38;
	[tilespmem:$0x1E248] =	vst v63  }
.LBB2_14:
0xaa: {  	s0 =	stileid.u32  }
0xab: {  	s0 =	sshll.u32 s0, $0x6  }
0xac: {  	[bflag:$0x0] =	sbarrier.arrive $0xFFFF;
	s28 =	sshrl.u32 s12, $0x3;
	s26 =	sor.u32 $0x1C04, s0  }
0xad: {  	[hbm:s11@s18], [sflag:s26] =	dma.strided [spmem:s28@s24], $0x30D4, s23, $0x2   }
0xae: {  	_ =	swait.ge [sflag:s18], $0x30D4  }
0xaf: {  	[sflag:s18] =	ssyncset.done $0x0  }
0xb0: {  	[sflag:s18] =	ssyncadd.s32 $0xFFFFCF2C  }
0xb1: {  	s31 =	sadd.s32 $0x0, s12;
	[bflag:$0x0] =	sbarrier.arrive $0xFFFF  }
0xb2: {  	[spmem:s31] =	stream.linear.scatter [tilespmem:s17], [sflag:$0x4], $0xFA0, $0x38;
	[tilespmem:$0x1E248] =	vst v63  }
0xb3: {  	s29 =	simm.s32 $0x3E80;
	_ =	swait.ge [sflag:s18], $0xFA0  }
.LBB2_15:
0xb4: {  	s0 =	sshra.s32 s29, $0x2;
	[sflag:s18] =	ssyncset.done $0x0;
	p0 =	sne.s32 s29, $0x5DC00  }
.Ltmp11:
0xb5: {  	s0 =	sadd.s32 s0, s12;
	[sflag:s18] =	ssyncadd.s32 $0xFFFFF060;
	(pc) =	sbr.rel @p0 .LBB2_15-.Ltmp11, $3  }
0xb6: {  	[spmem:s0] =	stream.linear.scatter [tilespmem:s17], [sflag:$0x4], $0xFA0, $0x38;
	[tilespmem:$0x1E248] =	vst v63  }
0xb7: {  	s29 =	sadd.s32 $0x3E80, s29;
	_ =	sdelay $0x1  }
0xb8: {  	_ =	swait.ge [sflag:s18], $0xFA0  }
0xb9: {  	[sflag:s18] =	ssyncset.done $0x0  }
.Ltmp12:
0xba: {  	[sflag:s18] =	ssyncadd.s32 $0xFFFFF060;
	(pc) =	sbr.rel .LBB2_17-.Ltmp12, $4  }
0xbb: {  	s0 =	sadd.s32 s7, s13;
	s29 =	simm.s32 $0x0;
	[bflag:$0x0] =	sbarrier.arrive $0xFFFF  }
0xbc: {  	[tilespmem:s19], [sflag:$0x3] =	stream.linear.gather [hbm4b:s0+s29], $0x200, $0x38;
	[tilespmem:$0x1E248] =	vst v63  }
0xbd: {  	s31 =	sadd.s32 s7, s14  }
0xbe: {  	[tilespmem:s20], [sflag:$0x3] =	stream.linear.gather [hbm4b:s31+s29], $0x200, $0x38;
	[tilespmem:$0x1E248] =	vst v63  }
.LBB2_23:
0xbf: {  	s0 =	sadd.s32 $0xFFFFFFFF, s29  }
0xc0: {  	s3 =	sand.u32 $0xFF, s0  }
0xc1: {  	s3 =	smul.u32 $0xAB, s3;
	_ =	sdelay $0x1  }
0xc2: {  	s3 =	sshrl.u32 s3, $0x9  }
0xc3: {  	s3 =	smul.u32 $0x3, s3;
	_ =	sdelay $0x1  }
0xc4: {  	_ =	swait.ge [sflag:s23], $0x2000;
	s3 =	ssub.s32 s0, s3  }
0xc5: {  	s29 =	smov.u32 s30;
	s0 =	sshll.u32 s0, $0xD;
	s3 =	sand.u32 $0xFF, s3  }
0xc6: {  	[sflag:s23] =	ssyncset.done $0x0;
	s0 =	sand.u32 $0x2000, s0;
	s3 =	sshll.u32 s3, $0x9  }
0xc7: {  	[sflag:s23] =	ssyncadd.s32 $0xFFFFE000;
	s0 =	sor.u32 $0x192A8, s0;
	s3 =	sadd.s32 $0x18CA8, s3  }
0xc8: {  	[spmem:s4] =	stream.indirect.scatter.add.bf16 [tilespmem:s0], [sflag:$0x2], $0x10, s3, s22, $0xb8;
	[tilespmem:$0x1E248] =	vst v63  }
.LBB2_24:
0xc9: {  	p0 =	slt.u32 s29, $0xC6  }
.Ltmp13:
0xca: {  	_ = 	snop;
	(pc) =	sbr.rel @!p0 .LBB2_25-.Ltmp13, $1  }
0xcb: {  	_ =	sdelay $0x3  }
.LBB2_17:
0xcc: {  	p0 =	slt.u32 s29, $0x2  }
0xcd: {  	p1 =	slt.u32 @!p0 s29, $0xC4  }
0xce: {  	p1 =	por p0, p1  }
.Ltmp14:
0xcf: {  	_ = 	snop;
	(pc) =	sbr.rel @p1 .LBB2_19-.Ltmp14, $4  }
0xd0: {  	s0 =	simm.s32 @!p0 $0x2  }
0xd1: {  	_ =	swait.ge @!p0 [sflag:s0], $0x400  }
0xd2: {  	[sflag:s0] =	ssyncset.done @!p0 $0x0  }
0xd3: {  	[sflag:s0] =	ssyncadd.s32 @!p0 $0xFFFFFC00  }
0xd4: {  	s30 =	sadd.s32 $0x1, s29  }
.LBB2_21:
0xd5: {  	s0 =	sand.u32 $0xFF, s29  }
0xd6: {  	p0 =	seq.s32 s0, $0x0  }
0xd7: {  	p1 =	seq.s32 @!p0 s0, $0xC5  }
0xd8: {  	p1 =	por p0, p1  }
.Ltmp15:
0xd9: {  	_ = 	snop;
	(pc) =	sbr.rel @!p1 .LBB2_23-.Ltmp15, $1  }
0xda: {  	_ =	sdelay $0x3  }
.Ltmp16:
0xdb: {  	(pc) =	sbr.rel .LBB2_24-.Ltmp16, $3  }
0xdc: {  	_ =	sdelay $0x1  }
0xdd: {  	s30 =	smov.u32 @p0 s30  }
0xde: {  	s29 =	smov.u32 s30  }
.LBB2_19:
0xdf: {  	s0 =	smul.u32 $0xAB, s29;
	_ =	sdelay $0x1  }
0xe0: {  	s0 =	sshrl.u32 s0, $0x9  }
0xe1: {  	_ =	swait.ge [sflag:s21], $0x200;
	s0 =	sand.u32 $0x7F, s0  }
0xe2: {  	[sflag:s21] =	ssyncset.done $0x0;
	s0 =	smul.u32 $0x3, s0  }
0xe3: {  	[sflag:s21] =	ssyncadd.s32 $0xFFFFFE00  }
0xe4: {  	_ =	swait.ge [sflag:s21], $0x200;
	s0 =	ssub.s32 s29, s0  }
0xe5: {  	[sflag:s21] =	ssyncset.done $0x0;
	s0 =	sand.u32 $0xFF, s0  }
0xe6: {  	[sflag:s21] =	ssyncadd.s32 $0xFFFFFE00;
	s30 =	sshll.u32 s0, $0x9  }
0xe7: {  	v2 =	vld [tilespmem:s30+$0x186A8]  }
0xe8: {  	v3 =	vld [tilespmem:s30+$0x186B8]  }
0xe9: {  	v4 =	vld [tilespmem:s30+$0x186C8]  }
0xea: {  	v5 =	vld [tilespmem:s30+$0x186D8]  }
0xeb: {  	v6 =	vld [tilespmem:s30+$0x186E8]  }
0xec: {  	v7 =	vld [tilespmem:s30+$0x186F8];
	v2 =	vshll.u32 v2, $0x1  }
0xed: {  	v8 =	vld [tilespmem:s30+$0x18708];
	v3 =	vshll.u32 v3, $0x1;
	v2 =	vor.u32 v0, v2  }
0xee: {  	v49 =	vld [tilespmem:s30+$0x18718];
	[tilespmem:s30+$0x186A8] =	vst v2;
	v2 =	vor.u32 v0, v3;
	v3 =	vshll.u32 v4, $0x1  }
0xef: {  	v50 =	vld [tilespmem:s30+$0x18728];
	[tilespmem:s30+$0x186B8] =	vst v2;
	v2 =	vor.u32 v0, v3;
	v3 =	vshll.u32 v5, $0x1  }
0xf0: {  	v51 =	vld [tilespmem:s30+$0x18738];
	[tilespmem:s30+$0x186C8] =	vst v2;
	v2 =	vor.u32 v0, v3;
	v3 =	vshll.u32 v6, $0x1  }
0xf1: {  	v52 =	vld [tilespmem:s30+$0x18748];
	[tilespmem:s30+$0x186D8] =	vst v2;
	v2 =	vor.u32 v0, v3;
	v3 =	vshll.u32 v7, $0x1  }
0xf2: {  	v53 =	vld [tilespmem:s30+$0x18758];
	[tilespmem:s30+$0x186E8] =	vst v2;
	v2 =	vor.u32 v0, v3;
	v3 =	vshll.u32 v8, $0x1  }
0xf3: {  	v54 =	vld [tilespmem:s30+$0x18768];
	[tilespmem:s30+$0x186F8] =	vst v2;
	v2 =	vor.u32 v0, v3;
	v3 =	vshll.u32 v49, $0x1  }
0xf4: {  	v55 =	vld [tilespmem:s30+$0x18778];
	[tilespmem:s30+$0x18708] =	vst v2;
	v2 =	vor.u32 v0, v3;
	v3 =	vshll.u32 v50, $0x1  }
0xf5: {  	v56 =	vld [tilespmem:s30+$0x18788];
	[tilespmem:s30+$0x18718] =	vst v2;
	v2 =	vor.u32 v0, v3;
	v3 =	vshll.u32 v51, $0x1  }
0xf6: {  	v57 =	vld [tilespmem:s30+$0x18798];
	[tilespmem:s30+$0x18728] =	vst v2;
	v2 =	vor.u32 v0, v3;
	v3 =	vshll.u32 v52, $0x1  }
0xf7: {  	v58 =	vld [tilespmem:s30+$0x187A8];
	[tilespmem:s30+$0x18738] =	vst v2;
	v2 =	vor.u32 v0, v3;
	v3 =	vshll.u32 v53, $0x1  }
0xf8: {  	v59 =	vld [tilespmem:s30+$0x187B8];
	[tilespmem:s30+$0x18748] =	vst v2;
	v2 =	vor.u32 v0, v3;
	v3 =	vshll.u32 v54, $0x1  }
0xf9: {  	v60 =	vld [tilespmem:s30+$0x187C8];
	[tilespmem:s30+$0x18758] =	vst v2;
	v2 =	vor.u32 v0, v3;
	v3 =	vshll.u32 v55, $0x1  }
0xfa: {  	v61 =	vld [tilespmem:s30+$0x187D8];
	[tilespmem:s30+$0x18768] =	vst v2;
	v2 =	vor.u32 v0, v3;
	v3 =	vshll.u32 v56, $0x1  }
0xfb: {  	v62 =	vld [tilespmem:s30+$0x187E8];
	[tilespmem:s30+$0x18778] =	vst v2;
	v2 =	vor.u32 v0, v3;
	v3 =	vshll.u32 v57, $0x1  }
0xfc: {  	v63 =	vld [tilespmem:s30+$0x187F8];
	[tilespmem:s30+$0x18788] =	vst v2;
	v2 =	vor.u32 v0, v3;
	v3 =	vshll.u32 v58, $0x1  }
0xfd: {  	[tilespmem:s30+$0x18798] =	vst v2;
	v2 =	vor.u32 v0, v3;
	v3 =	vshll.u32 v59, $0x1  }
0xfe: {  	[tilespmem:s30+$0x187A8] =	vst v2;
	v2 =	vor.u32 v0, v3;
	v3 =	vshll.u32 v60, $0x1  }
0xff: {  	[tilespmem:s30+$0x187B8] =	vst v2;
	v2 =	vor.u32 v0, v3;
	v3 =	vshll.u32 v61, $0x1  }
0x100: {  	[tilespmem:s30+$0x187C8] =	vst v2;
	v2 =	vor.u32 v0, v3;
	v3 =	vshll.u32 v62, $0x1  }
0x101: {  	[tilespmem:s30+$0x187D8] =	vst v2;
	v2 =	vor.u32 v0, v3;
	v3 =	vshll.u32 v63, $0x1  }
0x102: {  	[tilespmem:s30+$0x187E8] =	vst v2;
	v2 =	vor.u32 v0, v3  }
0x103: {  	s0 =	sor.u32 $0x18808, s30;
	[tilespmem:s30+$0x187F8] =	vst v2  }
0x104: {  	v2 =	vld [tilespmem:s0+$0x0];
	_ =	sdelay $0x4  }
0x105: {  	v2 =	vshll.u32 v2, $0x1  }
0x106: {  	v2 =	vor.u32 v0, v2  }
0x107: {  	s31 =	sor.u32 $0x18818, s30;
	[tilespmem:s0+$0x0] =	vst v2  }
0x108: {  	v2 =	vld [tilespmem:s31+$0x0];
	_ =	sdelay $0x4  }
0x109: {  	v2 =	vshll.u32 v2, $0x1  }
0x10a: {  	v2 =	vor.u32 v0, v2  }
0x10b: {  	s3 =	sor.u32 $0x18828, s30;
	[tilespmem:s31+$0x0] =	vst v2  }
0x10c: {  	v2 =	vld [tilespmem:s3+$0x0];
	_ =	sdelay $0x4  }
0x10d: {  	v2 =	vshll.u32 v2, $0x1  }
0x10e: {  	v2 =	vor.u32 v0, v2  }
0x10f: {  	s9 =	sor.u32 $0x18838, s30;
	[tilespmem:s3+$0x0] =	vst v2  }
0x110: {  	v2 =	vld [tilespmem:s9+$0x0];
	_ =	sdelay $0x4  }
0x111: {  	v2 =	vshll.u32 v2, $0x1  }
0x112: {  	v2 =	vor.u32 v0, v2  }
0x113: {  	s31 =	sor.u32 $0x18848, s30;
	[tilespmem:s9+$0x0] =	vst v2  }
0x114: {  	v2 =	vld [tilespmem:s31+$0x0];
	_ =	sdelay $0x4  }
0x115: {  	v2 =	vshll.u32 v2, $0x1  }
0x116: {  	v2 =	vor.u32 v0, v2  }
0x117: {  	s3 =	sor.u32 $0x18858, s30;
	[tilespmem:s31+$0x0] =	vst v2  }
0x118: {  	v2 =	vld [tilespmem:s3+$0x0];
	_ =	sdelay $0x4  }
0x119: {  	v2 =	vshll.u32 v2, $0x1  }
0x11a: {  	v2 =	vor.u32 v0, v2  }
0x11b: {  	s9 =	sor.u32 $0x18868, s30;
	[tilespmem:s3+$0x0] =	vst v2  }
0x11c: {  	v2 =	vld [tilespmem:s9+$0x0];
	_ =	sdelay $0x4  }
0x11d: {  	v2 =	vshll.u32 v2, $0x1  }
0x11e: {  	v2 =	vor.u32 v0, v2  }
0x11f: {  	s31 =	sor.u32 $0x18878, s30;
	[tilespmem:s9+$0x0] =	vst v2  }
0x120: {  	v2 =	vld [tilespmem:s31+$0x0];
	_ =	sdelay $0x4  }
0x121: {  	v2 =	vshll.u32 v2, $0x1  }
0x122: {  	v2 =	vor.u32 v0, v2  }
0x123: {  	s3 =	sor.u32 $0x18888, s30;
	[tilespmem:s31+$0x0] =	vst v2  }
0x124: {  	v2 =	vld [tilespmem:s3+$0x0];
	_ =	sdelay $0x4  }
0x125: {  	v2 =	vshll.u32 v2, $0x1  }
0x126: {  	v2 =	vor.u32 v0, v2  }
0x127: {  	s9 =	sor.u32 $0x18898, s30;
	[tilespmem:s3+$0x0] =	vst v2  }
0x128: {  	v2 =	vld [tilespmem:s9+$0x0];
	_ =	sdelay $0x3  }
0x129: {  	p0 =	sgt.u32 s29, $0xC2  }
.Ltmp17:
0x12a: {  	s31 =	sshll.u32 s29, $0xD;
	v2 =	vshll.u32 v2, $0x1;
	(pc) =	sbr.rel @p0 .LBB2_23-.Ltmp17, $4  }
0x12b: {  	s31 =	sand.u32 $0x2000, s31;
	v2 =	vor.u32 v0, v2  }
0x12c: {  	s30 =	sadd.s32 $0x186A8, s30;
	s31 =	sor.u32 $0x192A8, s31;
	[tilespmem:s9+$0x0] =	vst v2  }
0x12d: {  	[tilespmem:s31], [sflag:$0x1] =	stream.indirect.gather [hbm4b:s2+s22], $0x10, s30, s22, $0xb8;
	[tilespmem:$0x1E248] =	vst v63  }
0x12e: {  	s30 =	simm.s32 $0xC4  }
0x12f: {  	s30 =	sadd.s32 $0x1, s29  }
0x130: {  	s0 =	smul.u32 $0xAB, s30;
	_ =	sdelay $0x1  }
0x131: {  	s0 =	sshrl.u32 s0, $0x9  }
0x132: {  	s0 =	sand.u32 $0x7F, s0  }
0x133: {  	s0 =	smul.u32 $0x3, s0;
	_ =	sdelay $0x1  }
0x134: {  	s0 =	ssub.s32 s30, s0  }
0x135: {  	s31 =	sadd.s32 s8, s30;
	s0 =	sand.u32 $0xFF, s0  }
.Ltmp18:
0x136: {  	s31 =	sshll.u32 s31, $0x6;
	s0 =	sshll.u32 s0, $0x9;
	(pc) =	sbr.rel .LBB2_21-.Ltmp18, $4  }
0x137: {  	s9 =	sadd.s32 s13, s31;
	s3 =	sadd.s32 $0x186A8, s0  }
0x138: {  	[tilespmem:s3], [sflag:$0x3] =	stream.linear.gather [hbm4b:s9+s5], $0x200, $0x38;
	[tilespmem:$0x1E248] =	vst v63  }
0x139: {  	s31 =	sadd.s32 s14, s31;
	s0 =	sadd.s32 $0x18CA8, s0  }
0x13a: {  	[tilespmem:s0], [sflag:$0x3] =	stream.linear.gather [hbm4b:s31+s5], $0x200, $0x38;
	[tilespmem:$0x1E248] =	vst v63  }
.LBB2_26:
0x13b: {  	_ =	sfence.sel $0x180000  }
0x13c: {  	[bflag:$0x0] =	sbarrier.arrive $0xFFFF  }
0x13d: {  	_ =	strace $0x9000004A  }
0x13e: {  	s0 =	stileid.u32;
	[bflag:$0x2] =	sbarrier.arrive $0xFFFF  }
0x13f: {  	p0 =	sne.s32 s0, $0x0;
	s0 =	rddreg [dreg:$0x4]  }
0x140: {  	s0 =	sadd.s32 @!p0 $0x100000, s0  }
0x141: {  	[sflag:s0] =	ssyncadd.tile.s32 @!p0 $0x1;
	_ =	shalt  }
.Lfunc_end2:
_tile_overlayer_lowered:
.L_overlay_start_2:
0x142: {  	(tag) =	ssettag $0x2  }
0x143: {  	s0 =	rddreg [dreg:$0x0];
	s2 =	stileid.u32  }
0x144: {  	s1 =	rddreg [dreg:$0x1];
	p0 =	sne.s32 s2, $0x0  }
0x145: {  	s3 =	rddreg [dreg:$0x2];
	[bflag:$0x3] =	sbarrier.arrive $0xFFFF;
	s2 =	simm.s32 @!p0 $0x1C04  }
0x146: {  	[timem:s3], [sflag:s2] =	dma.local @!p0 [hbm:s0], s1  }
0x147: {  	s0 =	simm.s32 @!p0 $0x4  }
0x148: {  	_ =	swait.ge @!p0 [sflag:s0], s1  }
0x149: {  	s1 =	ssub.s32 @!p0 $0x0, s1;
	[sflag:s0] =	ssyncset.done @!p0 $0x0  }
0x14a: {  	[sflag:s0] =	ssyncadd.s32 @!p0 s1  }
0x14b: {  	[bflag:$0x3] =	sbarrier.arrive $0xFFFF  }
0x14c: {  	_ =	shalt  }

</sc_bundles>
